<compile_context>
chip_gen: v7x
topology: tpu7x:2x2x1
jax: 0.10.2.dev20260603
libtpu: 0.0.44.dev20260713+nightly
codegen_flags: <defaults>
</compile_context>

<pallas_src>
import functools

import jax
import jax.numpy as jnp
from jax import lax
from jax.experimental import pallas as pl
from jax.experimental.pallas import tpu as pltpu
from jax.experimental.pallas import tpu_sc as plsc

_N = 10000
_DEG = 32
_D = 128
_L = 16
_NG = _D // _L
_NC = 2
_NS = 16
_NW = _NC * _NS
_NPW = 320
_PN = _NW * _NPW
_C = 4
_EC = _C * _DEG
_CHUNKS = _NPW // _C
_NBUF = 2

_mesh = plsc.VectorSubcoreMesh(core_axis_name="c", subcore_axis_name="s")


@functools.partial(
    pl.kernel,
    out_type=jax.ShapeDtypeStruct((_PN, _D), jnp.float32),
    mesh=_mesh,
    scratch_types=(
        [pltpu.VMEM_SHARED((_PN, _D), jnp.float32)]
        + [pltpu.VMEM((_CHUNKS, _EC), jnp.int32)]
        + [pltpu.VMEM((_EC, _D), jnp.float32) for _ in range(_NBUF)]
        + [pltpu.VMEM((_C, _D), jnp.float32) for _ in range(_NBUF)]
        + [pltpu.SemaphoreType.DMA for _ in range(2 * _NBUF)]
    ),
)
def _aggregate(x_hbm, idx_hbm, out_hbm, x_sp, idx_all, r0, r1,
               a0, a1, g0, g1, o0, o1):
    sid = lax.axis_index("s")
    wid = sid * _NC + lax.axis_index("c")
    node0 = wid * _NPW
    rows = (r0, r1)
    accs = (a0, a1)
    gsems = (g0, g1)
    osems = (o0, o1)

    per_sub = _PN // _EC // _NS
    piece0 = sid * per_sub

    for b in range(min(2, per_sub)):
        pltpu.async_copy(x_hbm.at[pl.ds((piece0 + b) * _EC, _EC)],
                         rows[b], gsems[b])

    for j in range(per_sub):
        b = j % 2
        off = (piece0 + j) * _EC
        pltpu.make_async_copy(x_hbm.at[pl.ds(off, _EC)],
                              rows[b], gsems[b]).wait()
        pltpu.sync_copy(rows[b], x_sp.at[pl.ds(off, _EC)])
        if j + 2 < per_sub:
            pltpu.async_copy(x_hbm.at[pl.ds((piece0 + j + 2) * _EC, _EC)],
                             rows[b], gsems[b])

    pltpu.sync_copy(idx_hbm.at[pl.ds(wid * _CHUNKS, _CHUNKS)], idx_all)

    plsc.subcore_barrier()

    for b in range(_NBUF):
        pltpu.async_copy(x_sp.at[idx_all.at[b]], rows[b], gsems[b])

    def accumulate(rb, ab):
        def node_body(n, carry):
            for g in range(_NG):
                sl = pl.ds(g * _L, _L)
                acc = rb[n * _DEG, sl]
                for r in range(1, _DEG):
                    acc = acc + rb[n * _DEG + r, sl]
                ab[n, sl] = acc
            return carry
        lax.fori_loop(0, _C, node_body, 0)

    def step(k0, carry):
        for b in range(_NBUF):
            k = k0 * _NBUF + b
            rb, ab, gs, os = rows[b], accs[b], gsems[b], osems[b]
            base = node0 + k * _C
            pltpu.make_async_copy(x_sp.at[idx_all.at[k]], rb, gs).wait()

            @pl.when(k0 > 0)
            def _wait_prev_out():
                pltpu.make_async_copy(ab, out_hbm.at[pl.ds(base, _C)], os).wait()

            accumulate(rb, ab)
            pltpu.async_copy(ab, out_hbm.at[pl.ds(base, _C)], os)

            @pl.when(k + _NBUF < _CHUNKS)
            def _prefetch():
                pltpu.async_copy(x_sp.at[idx_all.at[k + _NBUF]], rows[b], gsems[b])
        return carry

    lax.fori_loop(0, _CHUNKS // _NBUF, step, 0)

    for b in range(_NBUF):
        pltpu.make_async_copy(accs[b], out_hbm.at[pl.ds(node0, _C)], osems[b]).wait()


def _mm_body(x_ref, w_ref, o_ref):
    o_ref[...] = jnp.dot(x_ref[...], w_ref[...], preferred_element_type=jnp.float32)


_BM = 1024


def _matmul(xp, w):
    return pl.pallas_call(
        _mm_body,
        grid=(_PN // _BM,),
        in_specs=[
            pl.BlockSpec((_BM, _D), lambda i: (i, 0)),
            pl.BlockSpec((_D, _D), lambda i: (0, 0)),
        ],
        out_specs=pl.BlockSpec((_BM, _D), lambda i: (i, 0)),
        out_shape=jax.ShapeDtypeStruct((_PN, _D), jnp.float32),
    )(xp, w)


def kernel(X, weights, row_pointers, column_index, blockPartition, edgeToColumn,
           edgeToRow, hybrid_type, row_nzr, col_nzr, output):
    e = column_index.shape[0]
    idx_pad = jnp.concatenate(
        [column_index, jnp.zeros((_PN * _DEG - e,), jnp.int32)])
    idx2d = idx_pad.reshape(_PN * _DEG // _EC, _EC)
    x_pad = jnp.concatenate(
        [X, jnp.zeros((_PN - _N, _D), jnp.float32)])
    xp = _aggregate(x_pad, idx2d)
    y = _matmul(xp, weights)
    return y[:_N]

# --- scband reference (transcript-rebuilt; emitter-appended) ---
"""Pipeline reference for scband-ginconv-42838003810827 (READ-ONLY COPY).

The authoritative reference and input builder live on the scoring server;
editing this copy changes nothing except your own understanding.
"""

import jax, jax.numpy as jnp
import numpy as np

N = 10000
DEG = 32
E = N * DEG
D_IN = 128
D_OUT = 128
NUM_ROW_WINDOWS = (N + 15) // 16


def setup_inputs(seed: int = 0) -> dict:
    key = jax.random.key(seed)
    k1, k2, k3, k4, k5, k6 = jax.random.split(key, 6)
    X = jax.random.normal(k1, (N, D_IN), dtype=jnp.float32)
    weights = jax.random.normal(k2, (D_IN, D_OUT), dtype=jnp.float32) * 0.05
    # CSR structure: regular-degree graph for simplicity; faithful CSR semantics.
    row_pointers = (jnp.arange(N + 1, dtype=jnp.int32) * DEG)
    column_index = jax.random.randint(k3, (E,), 0, N, dtype=jnp.int32)
    # TC-GNN / HyGNN metadata (layout hints only; do not affect the math)
    blockPartition = jax.random.randint(k4, (NUM_ROW_WINDOWS,), 1, 8, dtype=jnp.int32)
    edgeToColumn = jax.random.randint(k5, (E,), 0, 16, dtype=jnp.int32)
    edgeToRow = jnp.repeat(jnp.arange(N, dtype=jnp.int32), DEG)
    hybrid_type = jax.random.randint(k6, (NUM_ROW_WINDOWS,), 0, 2, dtype=jnp.int32)
    row_nzr = jnp.arange(N + 1, dtype=jnp.int32)
    col_nzr = jax.random.randint(jax.random.fold_in(key, 7), (E,), 0, N, dtype=jnp.int32)
    output = jnp.zeros((N, D_OUT), dtype=jnp.float32)
    return {
        "X": X,
        "weights": weights,
        "row_pointers": row_pointers,
        "column_index": column_index,
        "blockPartition": blockPartition,
        "edgeToColumn": edgeToColumn,
        "edgeToRow": edgeToRow,
        "hybrid_type": hybrid_type,
        "row_nzr": row_nzr,
        "col_nzr": col_nzr,
        "output": output,
    }


def reference(X, weights, row_pointers, column_index, blockPartition, edgeToColumn,
              edgeToRow, hybrid_type, row_nzr, col_nzr, output):
    # GINConv (fixed==0, fused path): X_prime = SpMM(A_csr, X); X_prime_new = X_prime @ W
    # A is binary adjacency in CSR (sum aggregation over neighbors).
    n = row_pointers.shape[0] - 1
    degrees = row_pointers[1:] - row_pointers[:-1]
    dst = jnp.repeat(jnp.arange(n, dtype=jnp.int32), degrees,
                     total_repeat_length=column_index.shape[0])
    gathered = jnp.take(X, column_index, axis=0)
    X_prime = jax.ops.segment_sum(gathered, dst, num_segments=n)
    X_prime_new = X_prime @ weights
    return X_prime_new

if __name__ == "__main__":
    import jax
    _d = setup_inputs()
    print(jax.jit(kernel)(*tuple(_d.values())))

</pallas_src>

<mosaic_0001>
#map = affine_map<(d0, d1) -> (0, 0)>
module attributes {stable_mosaic.version = 14 : i64} {
  func.func @_aggregate(%arg0: i32, %arg1: i32, %arg2: memref<10240x128xf32, #tpu.memory_space<hbm>>, %arg3: memref<2560x128xi32, #tpu.memory_space<hbm>>, %arg4: memref<10240x128xf32, #tpu.memory_space<hbm>>, %arg5: memref<10240x128xf32, #tpu.memory_space<vmem_shared>>, %arg6: memref<80x128xi32, #tpu.memory_space<vmem>>, %arg7: memref<128x128xf32, #tpu.memory_space<vmem>>, %arg8: memref<128x128xf32, #tpu.memory_space<vmem>>, %arg9: memref<4x128xf32, #tpu.memory_space<vmem>>, %arg10: memref<4x128xf32, #tpu.memory_space<vmem>>, %arg11: memref<!tpu.dma_semaphore, #tpu.memory_space<semaphore_mem>>, %arg12: memref<!tpu.dma_semaphore, #tpu.memory_space<semaphore_mem>>, %arg13: memref<!tpu.dma_semaphore, #tpu.memory_space<semaphore_mem>>, %arg14: memref<!tpu.dma_semaphore, #tpu.memory_space<semaphore_mem>>) attributes {dimension_semantics = [#tpu.dimension_semantics<core_parallel>, #tpu.dimension_semantics<subcore_parallel>], iteration_bounds = array<i64: 2, 16>, scalar_prefetch = 0 : i64, scratch_operands = 10 : i64, tpu.core_type = #tpu.core_type<sc_vector_subcore>, window_params = [{transform_indices = #map}, {transform_indices = #map}, {transform_indices = #map}]} {
    %mul3A = arith.constant 2 : i32
    %mul3A_0 = arith.muli %arg1, %mul3A : i32
    %add3A = arith.addi %mul3A_0, %arg0 : i32
    %mul3A_1 = arith.constant 320 : i32
    %mul3A_2 = arith.muli %add3A, %mul3A_1 : i32
    %mul3A_3 = arith.constant 5 : i32
    %mul3A_4 = arith.muli %arg1, %mul3A_3 : i32
    %add3A_5 = arith.constant 0 : i32
    %add3A_6 = arith.addi %mul3A_4, %add3A_5 : i32
    %mul3A_7 = arith.constant 128 : i32
    %mul3A_8 = arith.muli %add3A_6, %mul3A_7 : i32
    %dma_start3A = arith.constant 0 : i32
    %dma_start3A_9 = tpu.memref_slice %arg2[%mul3A_8, %dma_start3A] : memref<10240x128xf32, #tpu.memory_space<hbm>> -> memref<128x128xf32, #tpu.memory_space<hbm>>
    %dma_start3A_10 = arith.constant 0 : i32
    %dma_start3A_11 = tpu.memref_slice %arg2[%mul3A_8, %dma_start3A_10] : memref<10240x128xf32, #tpu.memory_space<hbm>> -> memref<128x128xf32, #tpu.memory_space<hbm>>
    tpu.enqueue_dma source(%dma_start3A_11 : memref<128x128xf32, #tpu.memory_space<hbm>>) target(%arg7 : memref<128x128xf32, #tpu.memory_space<vmem>>) target_semaphore(%arg11 : memref<!tpu.dma_semaphore, #tpu.memory_space<semaphore_mem>>)
    %add3A_12 = arith.constant 1 : i32
    %add3A_13 = arith.addi %mul3A_4, %add3A_12 : i32
    %mul3A_14 = arith.constant 128 : i32
    %mul3A_15 = arith.muli %add3A_13, %mul3A_14 : i32
    %dma_start3A_16 = arith.constant 0 : i32
    %dma_start3A_17 = tpu.memref_slice %arg2[%mul3A_15, %dma_start3A_16] : memref<10240x128xf32, #tpu.memory_space<hbm>> -> memref<128x128xf32, #tpu.memory_space<hbm>>
    %dma_start3A_18 = arith.constant 0 : i32
    %dma_start3A_19 = tpu.memref_slice %arg2[%mul3A_15, %dma_start3A_18] : memref<10240x128xf32, #tpu.memory_space<hbm>> -> memref<128x128xf32, #tpu.memory_space<hbm>>
    tpu.enqueue_dma source(%dma_start3A_19 : memref<128x128xf32, #tpu.memory_space<hbm>>) target(%arg8 : memref<128x128xf32, #tpu.memory_space<vmem>>) target_semaphore(%arg12 : memref<!tpu.dma_semaphore, #tpu.memory_space<semaphore_mem>>)
    %add3A_20 = arith.constant 0 : i32
    %add3A_21 = arith.addi %mul3A_4, %add3A_20 : i32
    %mul3A_22 = arith.constant 128 : i32
    %mul3A_23 = arith.muli %add3A_21, %mul3A_22 : i32
    %dma_wait3A = arith.constant 0 : i32
    %dma_wait3A_24 = tpu.memref_slice %arg2[%mul3A_23, %dma_wait3A] : memref<10240x128xf32, #tpu.memory_space<hbm>> -> memref<128x128xf32, #tpu.memory_space<hbm>>
    %dma_wait3A_25 = arith.constant 0 : i32
    %dma_wait3A_26 = tpu.memref_slice %arg2[%mul3A_23, %dma_wait3A_25] : memref<10240x128xf32, #tpu.memory_space<hbm>> -> memref<128x128xf32, #tpu.memory_space<hbm>>
    tpu.wait_dma2 semaphore(%arg11 : memref<!tpu.dma_semaphore, #tpu.memory_space<semaphore_mem>>) src(%dma_wait3A_26 : memref<128x128xf32, #tpu.memory_space<hbm>>) dst(%arg7 : memref<128x128xf32, #tpu.memory_space<vmem>>)
    "tpu.region"() ({
      %run_scoped3A = tpu.sem_alloc : memref<!tpu.dma_semaphore, #tpu.memory_space<semaphore_mem>>
      %dma_start3A_118 = arith.constant 0 : i32
      %dma_start3A_119 = tpu.memref_slice %arg5[%mul3A_23, %dma_start3A_118] : memref<10240x128xf32, #tpu.memory_space<vmem_shared>> -> memref<128x128xf32, #tpu.memory_space<vmem_shared>>
      %dma_start3A_120 = arith.constant 0 : i32
      %dma_start3A_121 = tpu.memref_slice %arg5[%mul3A_23, %dma_start3A_120] : memref<10240x128xf32, #tpu.memory_space<vmem_shared>> -> memref<128x128xf32, #tpu.memory_space<vmem_shared>>
      tpu.enqueue_dma source(%arg7 : memref<128x128xf32, #tpu.memory_space<vmem>>) target(%dma_start3A_121 : memref<128x128xf32, #tpu.memory_space<vmem_shared>>) target_semaphore(%run_scoped3A : memref<!tpu.dma_semaphore, #tpu.memory_space<semaphore_mem>>)
      %dma_wait3A_122 = arith.constant 0 : i32
      %dma_wait3A_123 = tpu.memref_slice %arg5[%mul3A_23, %dma_wait3A_122] : memref<10240x128xf32, #tpu.memory_space<vmem_shared>> -> memref<128x128xf32, #tpu.memory_space<vmem_shared>>
      %dma_wait3A_124 = arith.constant 0 : i32
      %dma_wait3A_125 = tpu.memref_slice %arg5[%mul3A_23, %dma_wait3A_124] : memref<10240x128xf32, #tpu.memory_space<vmem_shared>> -> memref<128x128xf32, #tpu.memory_space<vmem_shared>>
      tpu.wait_dma2 semaphore(%run_scoped3A : memref<!tpu.dma_semaphore, #tpu.memory_space<semaphore_mem>>) src(%arg7 : memref<128x128xf32, #tpu.memory_space<vmem>>) dst(%dma_wait3A_125 : memref<128x128xf32, #tpu.memory_space<vmem_shared>>)
      tpu.yield
    }) : () -> ()
    %add3A_27 = arith.constant 0 : i32
    %add3A_28 = arith.addi %mul3A_4, %add3A_27 : i32
    %add3A_29 = arith.constant 2 : i32
    %add3A_30 = arith.addi %add3A_28, %add3A_29 : i32
    %mul3A_31 = arith.constant 128 : i32
    %mul3A_32 = arith.muli %add3A_30, %mul3A_31 : i32
    %dma_start3A_33 = arith.constant 0 : i32
    %dma_start3A_34 = tpu.memref_slice %arg2[%mul3A_32, %dma_start3A_33] : memref<10240x128xf32, #tpu.memory_space<hbm>> -> memref<128x128xf32, #tpu.memory_space<hbm>>
    %dma_start3A_35 = arith.constant 0 : i32
    %dma_start3A_36 = tpu.memref_slice %arg2[%mul3A_32, %dma_start3A_35] : memref<10240x128xf32, #tpu.memory_space<hbm>> -> memref<128x128xf32, #tpu.memory_space<hbm>>
    tpu.enqueue_dma source(%dma_start3A_36 : memref<128x128xf32, #tpu.memory_space<hbm>>) target(%arg7 : memref<128x128xf32, #tpu.memory_space<vmem>>) target_semaphore(%arg11 : memref<!tpu.dma_semaphore, #tpu.memory_space<semaphore_mem>>)
    %add3A_37 = arith.constant 1 : i32
    %add3A_38 = arith.addi %mul3A_4, %add3A_37 : i32
    %mul3A_39 = arith.constant 128 : i32
    %mul3A_40 = arith.muli %add3A_38, %mul3A_39 : i32
    %dma_wait3A_41 = arith.constant 0 : i32
    %dma_wait3A_42 = tpu.memref_slice %arg2[%mul3A_40, %dma_wait3A_41] : memref<10240x128xf32, #tpu.memory_space<hbm>> -> memref<128x128xf32, #tpu.memory_space<hbm>>
    %dma_wait3A_43 = arith.constant 0 : i32
    %dma_wait3A_44 = tpu.memref_slice %arg2[%mul3A_40, %dma_wait3A_43] : memref<10240x128xf32, #tpu.memory_space<hbm>> -> memref<128x128xf32, #tpu.memory_space<hbm>>
    tpu.wait_dma2 semaphore(%arg12 : memref<!tpu.dma_semaphore, #tpu.memory_space<semaphore_mem>>) src(%dma_wait3A_44 : memref<128x128xf32, #tpu.memory_space<hbm>>) dst(%arg8 : memref<128x128xf32, #tpu.memory_space<vmem>>)
    "tpu.region"() ({
      %run_scoped3A = tpu.sem_alloc : memref<!tpu.dma_semaphore, #tpu.memory_space<semaphore_mem>>
      %dma_start3A_118 = arith.constant 0 : i32
      %dma_start3A_119 = tpu.memref_slice %arg5[%mul3A_40, %dma_start3A_118] : memref<10240x128xf32, #tpu.memory_space<vmem_shared>> -> memref<128x128xf32, #tpu.memory_space<vmem_shared>>
      %dma_start3A_120 = arith.constant 0 : i32
      %dma_start3A_121 = tpu.memref_slice %arg5[%mul3A_40, %dma_start3A_120] : memref<10240x128xf32, #tpu.memory_space<vmem_shared>> -> memref<128x128xf32, #tpu.memory_space<vmem_shared>>
      tpu.enqueue_dma source(%arg8 : memref<128x128xf32, #tpu.memory_space<vmem>>) target(%dma_start3A_121 : memref<128x128xf32, #tpu.memory_space<vmem_shared>>) target_semaphore(%run_scoped3A : memref<!tpu.dma_semaphore, #tpu.memory_space<semaphore_mem>>)
      %dma_wait3A_122 = arith.constant 0 : i32
      %dma_wait3A_123 = tpu.memref_slice %arg5[%mul3A_40, %dma_wait3A_122] : memref<10240x128xf32, #tpu.memory_space<vmem_shared>> -> memref<128x128xf32, #tpu.memory_space<vmem_shared>>
      %dma_wait3A_124 = arith.constant 0 : i32
      %dma_wait3A_125 = tpu.memref_slice %arg5[%mul3A_40, %dma_wait3A_124] : memref<10240x128xf32, #tpu.memory_space<vmem_shared>> -> memref<128x128xf32, #tpu.memory_space<vmem_shared>>
      tpu.wait_dma2 semaphore(%run_scoped3A : memref<!tpu.dma_semaphore, #tpu.memory_space<semaphore_mem>>) src(%arg8 : memref<128x128xf32, #tpu.memory_space<vmem>>) dst(%dma_wait3A_125 : memref<128x128xf32, #tpu.memory_space<vmem_shared>>)
      tpu.yield
    }) : () -> ()
    %add3A_45 = arith.constant 1 : i32
    %add3A_46 = arith.addi %mul3A_4, %add3A_45 : i32
    %add3A_47 = arith.constant 2 : i32
    %add3A_48 = arith.addi %add3A_46, %add3A_47 : i32
    %mul3A_49 = arith.constant 128 : i32
    %mul3A_50 = arith.muli %add3A_48, %mul3A_49 : i32
    %dma_start3A_51 = arith.constant 0 : i32
    %dma_start3A_52 = tpu.memref_slice %arg2[%mul3A_50, %dma_start3A_51] : memref<10240x128xf32, #tpu.memory_space<hbm>> -> memref<128x128xf32, #tpu.memory_space<hbm>>
    %dma_start3A_53 = arith.constant 0 : i32
    %dma_start3A_54 = tpu.memref_slice %arg2[%mul3A_50, %dma_start3A_53] : memref<10240x128xf32, #tpu.memory_space<hbm>> -> memref<128x128xf32, #tpu.memory_space<hbm>>
    tpu.enqueue_dma source(%dma_start3A_54 : memref<128x128xf32, #tpu.memory_space<hbm>>) target(%arg8 : memref<128x128xf32, #tpu.memory_space<vmem>>) target_semaphore(%arg12 : memref<!tpu.dma_semaphore, #tpu.memory_space<semaphore_mem>>)
    %add3A_55 = arith.constant 2 : i32
    %add3A_56 = arith.addi %mul3A_4, %add3A_55 : i32
    %mul3A_57 = arith.constant 128 : i32
    %mul3A_58 = arith.muli %add3A_56, %mul3A_57 : i32
    %dma_wait3A_59 = arith.constant 0 : i32
    %dma_wait3A_60 = tpu.memref_slice %arg2[%mul3A_58, %dma_wait3A_59] : memref<10240x128xf32, #tpu.memory_space<hbm>> -> memref<128x128xf32, #tpu.memory_space<hbm>>
    %dma_wait3A_61 = arith.constant 0 : i32
    %dma_wait3A_62 = tpu.memref_slice %arg2[%mul3A_58, %dma_wait3A_61] : memref<10240x128xf32, #tpu.memory_space<hbm>> -> memref<128x128xf32, #tpu.memory_space<hbm>>
    tpu.wait_dma2 semaphore(%arg11 : memref<!tpu.dma_semaphore, #tpu.memory_space<semaphore_mem>>) src(%dma_wait3A_62 : memref<128x128xf32, #tpu.memory_space<hbm>>) dst(%arg7 : memref<128x128xf32, #tpu.memory_space<vmem>>)
    "tpu.region"() ({
      %run_scoped3A = tpu.sem_alloc : memref<!tpu.dma_semaphore, #tpu.memory_space<semaphore_mem>>
      %dma_start3A_118 = arith.constant 0 : i32
      %dma_start3A_119 = tpu.memref_slice %arg5[%mul3A_58, %dma_start3A_118] : memref<10240x128xf32, #tpu.memory_space<vmem_shared>> -> memref<128x128xf32, #tpu.memory_space<vmem_shared>>
      %dma_start3A_120 = arith.constant 0 : i32
      %dma_start3A_121 = tpu.memref_slice %arg5[%mul3A_58, %dma_start3A_120] : memref<10240x128xf32, #tpu.memory_space<vmem_shared>> -> memref<128x128xf32, #tpu.memory_space<vmem_shared>>
      tpu.enqueue_dma source(%arg7 : memref<128x128xf32, #tpu.memory_space<vmem>>) target(%dma_start3A_121 : memref<128x128xf32, #tpu.memory_space<vmem_shared>>) target_semaphore(%run_scoped3A : memref<!tpu.dma_semaphore, #tpu.memory_space<semaphore_mem>>)
      %dma_wait3A_122 = arith.constant 0 : i32
      %dma_wait3A_123 = tpu.memref_slice %arg5[%mul3A_58, %dma_wait3A_122] : memref<10240x128xf32, #tpu.memory_space<vmem_shared>> -> memref<128x128xf32, #tpu.memory_space<vmem_shared>>
      %dma_wait3A_124 = arith.constant 0 : i32
      %dma_wait3A_125 = tpu.memref_slice %arg5[%mul3A_58, %dma_wait3A_124] : memref<10240x128xf32, #tpu.memory_space<vmem_shared>> -> memref<128x128xf32, #tpu.memory_space<vmem_shared>>
      tpu.wait_dma2 semaphore(%run_scoped3A : memref<!tpu.dma_semaphore, #tpu.memory_space<semaphore_mem>>) src(%arg7 : memref<128x128xf32, #tpu.memory_space<vmem>>) dst(%dma_wait3A_125 : memref<128x128xf32, #tpu.memory_space<vmem_shared>>)
      tpu.yield
    }) : () -> ()
    %add3A_63 = arith.constant 2 : i32
    %add3A_64 = arith.addi %mul3A_4, %add3A_63 : i32
    %add3A_65 = arith.constant 2 : i32
    %add3A_66 = arith.addi %add3A_64, %add3A_65 : i32
    %mul3A_67 = arith.constant 128 : i32
    %mul3A_68 = arith.muli %add3A_66, %mul3A_67 : i32
    %dma_start3A_69 = arith.constant 0 : i32
    %dma_start3A_70 = tpu.memref_slice %arg2[%mul3A_68, %dma_start3A_69] : memref<10240x128xf32, #tpu.memory_space<hbm>> -> memref<128x128xf32, #tpu.memory_space<hbm>>
    %dma_start3A_71 = arith.constant 0 : i32
    %dma_start3A_72 = tpu.memref_slice %arg2[%mul3A_68, %dma_start3A_71] : memref<10240x128xf32, #tpu.memory_space<hbm>> -> memref<128x128xf32, #tpu.memory_space<hbm>>
    tpu.enqueue_dma source(%dma_start3A_72 : memref<128x128xf32, #tpu.memory_space<hbm>>) target(%arg7 : memref<128x128xf32, #tpu.memory_space<vmem>>) target_semaphore(%arg11 : memref<!tpu.dma_semaphore, #tpu.memory_space<semaphore_mem>>)
    %add3A_73 = arith.constant 3 : i32
    %add3A_74 = arith.addi %mul3A_4, %add3A_73 : i32
    %mul3A_75 = arith.constant 128 : i32
    %mul3A_76 = arith.muli %add3A_74, %mul3A_75 : i32
    %dma_wait3A_77 = arith.constant 0 : i32
    %dma_wait3A_78 = tpu.memref_slice %arg2[%mul3A_76, %dma_wait3A_77] : memref<10240x128xf32, #tpu.memory_space<hbm>> -> memref<128x128xf32, #tpu.memory_space<hbm>>
    %dma_wait3A_79 = arith.constant 0 : i32
    %dma_wait3A_80 = tpu.memref_slice %arg2[%mul3A_76, %dma_wait3A_79] : memref<10240x128xf32, #tpu.memory_space<hbm>> -> memref<128x128xf32, #tpu.memory_space<hbm>>
    tpu.wait_dma2 semaphore(%arg12 : memref<!tpu.dma_semaphore, #tpu.memory_space<semaphore_mem>>) src(%dma_wait3A_80 : memref<128x128xf32, #tpu.memory_space<hbm>>) dst(%arg8 : memref<128x128xf32, #tpu.memory_space<vmem>>)
    "tpu.region"() ({
      %run_scoped3A = tpu.sem_alloc : memref<!tpu.dma_semaphore, #tpu.memory_space<semaphore_mem>>
      %dma_start3A_118 = arith.constant 0 : i32
      %dma_start3A_119 = tpu.memref_slice %arg5[%mul3A_76, %dma_start3A_118] : memref<10240x128xf32, #tpu.memory_space<vmem_shared>> -> memref<128x128xf32, #tpu.memory_space<vmem_shared>>
      %dma_start3A_120 = arith.constant 0 : i32
      %dma_start3A_121 = tpu.memref_slice %arg5[%mul3A_76, %dma_start3A_120] : memref<10240x128xf32, #tpu.memory_space<vmem_shared>> -> memref<128x128xf32, #tpu.memory_space<vmem_shared>>
      tpu.enqueue_dma source(%arg8 : memref<128x128xf32, #tpu.memory_space<vmem>>) target(%dma_start3A_121 : memref<128x128xf32, #tpu.memory_space<vmem_shared>>) target_semaphore(%run_scoped3A : memref<!tpu.dma_semaphore, #tpu.memory_space<semaphore_mem>>)
      %dma_wait3A_122 = arith.constant 0 : i32
      %dma_wait3A_123 = tpu.memref_slice %arg5[%mul3A_76, %dma_wait3A_122] : memref<10240x128xf32, #tpu.memory_space<vmem_shared>> -> memref<128x128xf32, #tpu.memory_space<vmem_shared>>
      %dma_wait3A_124 = arith.constant 0 : i32
      %dma_wait3A_125 = tpu.memref_slice %arg5[%mul3A_76, %dma_wait3A_124] : memref<10240x128xf32, #tpu.memory_space<vmem_shared>> -> memref<128x128xf32, #tpu.memory_space<vmem_shared>>
      tpu.wait_dma2 semaphore(%run_scoped3A : memref<!tpu.dma_semaphore, #tpu.memory_space<semaphore_mem>>) src(%arg8 : memref<128x128xf32, #tpu.memory_space<vmem>>) dst(%dma_wait3A_125 : memref<128x128xf32, #tpu.memory_space<vmem_shared>>)
      tpu.yield
    }) : () -> ()
    %add3A_81 = arith.constant 4 : i32
    %add3A_82 = arith.addi %mul3A_4, %add3A_81 : i32
    %mul3A_83 = arith.constant 128 : i32
    %mul3A_84 = arith.muli %add3A_82, %mul3A_83 : i32
    %dma_wait3A_85 = arith.constant 0 : i32
    %dma_wait3A_86 = tpu.memref_slice %arg2[%mul3A_84, %dma_wait3A_85] : memref<10240x128xf32, #tpu.memory_space<hbm>> -> memref<128x128xf32, #tpu.memory_space<hbm>>
    %dma_wait3A_87 = arith.constant 0 : i32
    %dma_wait3A_88 = tpu.memref_slice %arg2[%mul3A_84, %dma_wait3A_87] : memref<10240x128xf32, #tpu.memory_space<hbm>> -> memref<128x128xf32, #tpu.memory_space<hbm>>
    tpu.wait_dma2 semaphore(%arg11 : memref<!tpu.dma_semaphore, #tpu.memory_space<semaphore_mem>>) src(%dma_wait3A_88 : memref<128x128xf32, #tpu.memory_space<hbm>>) dst(%arg7 : memref<128x128xf32, #tpu.memory_space<vmem>>)
    "tpu.region"() ({
      %run_scoped3A = tpu.sem_alloc : memref<!tpu.dma_semaphore, #tpu.memory_space<semaphore_mem>>
      %dma_start3A_118 = arith.constant 0 : i32
      %dma_start3A_119 = tpu.memref_slice %arg5[%mul3A_84, %dma_start3A_118] : memref<10240x128xf32, #tpu.memory_space<vmem_shared>> -> memref<128x128xf32, #tpu.memory_space<vmem_shared>>
      %dma_start3A_120 = arith.constant 0 : i32
      %dma_start3A_121 = tpu.memref_slice %arg5[%mul3A_84, %dma_start3A_120] : memref<10240x128xf32, #tpu.memory_space<vmem_shared>> -> memref<128x128xf32, #tpu.memory_space<vmem_shared>>
      tpu.enqueue_dma source(%arg7 : memref<128x128xf32, #tpu.memory_space<vmem>>) target(%dma_start3A_121 : memref<128x128xf32, #tpu.memory_space<vmem_shared>>) target_semaphore(%run_scoped3A : memref<!tpu.dma_semaphore, #tpu.memory_space<semaphore_mem>>)
      %dma_wait3A_122 = arith.constant 0 : i32
      %dma_wait3A_123 = tpu.memref_slice %arg5[%mul3A_84, %dma_wait3A_122] : memref<10240x128xf32, #tpu.memory_space<vmem_shared>> -> memref<128x128xf32, #tpu.memory_space<vmem_shared>>
      %dma_wait3A_124 = arith.constant 0 : i32
      %dma_wait3A_125 = tpu.memref_slice %arg5[%mul3A_84, %dma_wait3A_124] : memref<10240x128xf32, #tpu.memory_space<vmem_shared>> -> memref<128x128xf32, #tpu.memory_space<vmem_shared>>
      tpu.wait_dma2 semaphore(%run_scoped3A : memref<!tpu.dma_semaphore, #tpu.memory_space<semaphore_mem>>) src(%arg7 : memref<128x128xf32, #tpu.memory_space<vmem>>) dst(%dma_wait3A_125 : memref<128x128xf32, #tpu.memory_space<vmem_shared>>)
      tpu.yield
    }) : () -> ()
    %mul3A_89 = arith.constant 80 : i32
    %mul3A_90 = arith.muli %add3A, %mul3A_89 : i32
    "tpu.region"() ({
      %run_scoped3A = tpu.sem_alloc : memref<!tpu.dma_semaphore, #tpu.memory_space<semaphore_mem>>
      %dma_start3A_118 = arith.constant 0 : i32
      %dma_start3A_119 = tpu.memref_slice %arg3[%mul3A_90, %dma_start3A_118] : memref<2560x128xi32, #tpu.memory_space<hbm>> -> memref<80x128xi32, #tpu.memory_space<hbm>>
      %dma_start3A_120 = arith.constant 0 : i32
      %dma_start3A_121 = tpu.memref_slice %arg3[%mul3A_90, %dma_start3A_120] : memref<2560x128xi32, #tpu.memory_space<hbm>> -> memref<80x128xi32, #tpu.memory_space<hbm>>
      tpu.enqueue_dma source(%dma_start3A_121 : memref<80x128xi32, #tpu.memory_space<hbm>>) target(%arg6 : memref<80x128xi32, #tpu.memory_space<vmem>>) target_semaphore(%run_scoped3A : memref<!tpu.dma_semaphore, #tpu.memory_space<semaphore_mem>>)
      %dma_wait3A_122 = arith.constant 0 : i32
      %dma_wait3A_123 = tpu.memref_slice %arg3[%mul3A_90, %dma_wait3A_122] : memref<2560x128xi32, #tpu.memory_space<hbm>> -> memref<80x128xi32, #tpu.memory_space<hbm>>
      %dma_wait3A_124 = arith.constant 0 : i32
      %dma_wait3A_125 = tpu.memref_slice %arg3[%mul3A_90, %dma_wait3A_124] : memref<2560x128xi32, #tpu.memory_space<hbm>> -> memref<80x128xi32, #tpu.memory_space<hbm>>
      tpu.wait_dma2 semaphore(%run_scoped3A : memref<!tpu.dma_semaphore, #tpu.memory_space<semaphore_mem>>) src(%dma_wait3A_125 : memref<80x128xi32, #tpu.memory_space<hbm>>) dst(%arg6 : memref<80x128xi32, #tpu.memory_space<vmem>>)
      tpu.yield
    }) : () -> ()
    %barrier3A = arith.constant 0 : index
    tpu.barrier barrier_id(%barrier3A)
    %dma_start3A_91 = arith.constant 0 : i32
    %dma_start3A_92 = arith.constant 0 : i32
    %dma_start3A_93 = tpu.memref_slice %arg6[%dma_start3A_91, %dma_start3A_92] : memref<80x128xi32, #tpu.memory_space<vmem>> -> memref<1x128xi32, #tpu.memory_space<vmem>>
    %dma_start3A_94 = tpu.memref_squeeze %dma_start3A_93 : memref<1x128xi32, #tpu.memory_space<vmem>> -> memref<128xi32, #tpu.memory_space<vmem>>
    %dma_start3A_95 = arith.constant 0 : i32
    %dma_start3A_96 = arith.constant 0 : i32
    %dma_start3A_97 = tpu.memref_slice %arg5[%dma_start3A_95, %dma_start3A_96] : memref<10240x128xf32, #tpu.memory_space<vmem_shared>> -> memref<10240x128xf32, #tpu.memory_space<vmem_shared>>
    tpu.enqueue_indirect_dma source(%dma_start3A_97 : memref<10240x128xf32, #tpu.memory_space<vmem_shared>>) target(%arg7 : memref<128x128xf32, #tpu.memory_space<vmem>>) offsets(%dma_start3A_94 : memref<128xi32, #tpu.memory_space<vmem>>) semaphore(%arg11 : memref<!tpu.dma_semaphore, #tpu.memory_space<semaphore_mem>>)
    %dma_start3A_98 = arith.constant 1 : i32
    %dma_start3A_99 = arith.constant 0 : i32
    %dma_start3A_100 = tpu.memref_slice %arg6[%dma_start3A_98, %dma_start3A_99] : memref<80x128xi32, #tpu.memory_space<vmem>> -> memref<1x128xi32, #tpu.memory_space<vmem>>
    %dma_start3A_101 = tpu.memref_squeeze %dma_start3A_100 : memref<1x128xi32, #tpu.memory_space<vmem>> -> memref<128xi32, #tpu.memory_space<vmem>>
    %dma_start3A_102 = arith.constant 0 : i32
    %dma_start3A_103 = arith.constant 0 : i32
    %dma_start3A_104 = tpu.memref_slice %arg5[%dma_start3A_102, %dma_start3A_103] : memref<10240x128xf32, #tpu.memory_space<vmem_shared>> -> memref<10240x128xf32, #tpu.memory_space<vmem_shared>>
    tpu.enqueue_indirect_dma source(%dma_start3A_104 : memref<10240x128xf32, #tpu.memory_space<vmem_shared>>) target(%arg8 : memref<128x128xf32, #tpu.memory_space<vmem>>) offsets(%dma_start3A_101 : memref<128xi32, #tpu.memory_space<vmem>>) semaphore(%arg12 : memref<!tpu.dma_semaphore, #tpu.memory_space<semaphore_mem>>)
    %scan3A = arith.constant 0 : i32
    %scan3A_105 = arith.constant 0 : i32
    %scan3A_106 = arith.constant 40 : i32
    %scan3A_107 = arith.addi %scan3A_105, %scan3A_106 : i32
    %scan3A_108 = arith.constant 1 : i32
    scf.for %scan3A_118 = %scan3A_105 to %scan3A_107 step %scan3A_108  : i32 {
      %mul3A_119 = arith.constant 2 : i32
      %mul3A_120 = arith.muli %scan3A_118, %mul3A_119 : i32
      %add3A_121 = arith.constant 0 : i32
      %add3A_122 = arith.addi %mul3A_120, %add3A_121 : i32
      %mul3A_123 = arith.constant 4 : i32
      %mul3A_124 = arith.muli %add3A_122, %mul3A_123 : i32
      %add3A_125 = arith.addi %mul3A_2, %mul3A_124 : i32
      %dma_wait3A_126 = arith.constant 0 : i32
      %dma_wait3A_127 = tpu.memref_slice %arg6[%add3A_122, %dma_wait3A_126] : memref<80x128xi32, #tpu.memory_space<vmem>> -> memref<1x128xi32, #tpu.memory_space<vmem>>
      %dma_wait3A_128 = tpu.memref_squeeze %dma_wait3A_127 : memref<1x128xi32, #tpu.memory_space<vmem>> -> memref<128xi32, #tpu.memory_space<vmem>>
      %dma_wait3A_129 = arith.constant 0 : i32
      %dma_wait3A_130 = arith.constant 0 : i32
      %dma_wait3A_131 = tpu.memref_slice %arg5[%dma_wait3A_129, %dma_wait3A_130] : memref<10240x128xf32, #tpu.memory_space<vmem_shared>> -> memref<10240x128xf32, #tpu.memory_space<vmem_shared>>
      tpu.wait_indirect_dma semaphore(%arg11 : memref<!tpu.dma_semaphore, #tpu.memory_space<semaphore_mem>>) src(%dma_wait3A_131 : memref<10240x128xf32, #tpu.memory_space<vmem_shared>>) dst(%arg7 : memref<128x128xf32, #tpu.memory_space<vmem>>)
      %gt3A = arith.constant 0 : i32
      %gt3A_132 = arith.cmpi sgt, %scan3A_118, %gt3A : i32
      %convert_element_type3A = arith.extui %gt3A_132 : i1 to i32
      %cond3A = arith.constant 0 : i32
      %cond3A_133 = arith.cmpi ne, %convert_element_type3A, %cond3A : i32
      scf.if %cond3A_133 {
        %dma_wait3A_185 = arith.constant 0 : i32
        %dma_wait3A_186 = tpu.memref_slice %arg4[%add3A_125, %dma_wait3A_185] : memref<10240x128xf32, #tpu.memory_space<hbm>> -> memref<4x128xf32, #tpu.memory_space<hbm>>
        %dma_wait3A_187 = arith.constant 0 : i32
        %dma_wait3A_188 = tpu.memref_slice %arg4[%add3A_125, %dma_wait3A_187] : memref<10240x128xf32, #tpu.memory_space<hbm>> -> memref<4x128xf32, #tpu.memory_space<hbm>>
        tpu.wait_dma2 semaphore(%arg13 : memref<!tpu.dma_semaphore, #tpu.memory_space<semaphore_mem>>) src(%arg9 : memref<4x128xf32, #tpu.memory_space<vmem>>) dst(%dma_wait3A_188 : memref<4x128xf32, #tpu.memory_space<hbm>>)
      } else {
      }
      %scan3A_134 = arith.constant 0 : i32
      %scan3A_135 = arith.constant 0 : i32
      %scan3A_136 = arith.constant 4 : i32
      %scan3A_137 = arith.addi %scan3A_135, %scan3A_136 : i32
      %scan3A_138 = arith.constant 1 : i32
      scf.for %scan3A_185 = %scan3A_135 to %scan3A_137 step %scan3A_138  : i32 {
        %mul3A_186 = arith.constant 32 : i32
        %mul3A_187 = arith.muli %scan3A_185, %mul3A_186 : i32
        %get3A = arith.index_cast %mul3A_187 : i32 to index
        %get3A_188 = arith.constant 0 : index
        %get3A_189 = tpu.vector_load %arg7[%get3A, %get3A_188] {strides = array<i32>} : memref<128x128xf32, #tpu.memory_space<vmem>>, vector<1x16xf32>,
        %get3A_190 = vector.shape_cast %get3A_189 : vector<1x16xf32> to vector<16xf32>
        %mul3A_191 = arith.constant 32 : i32
        %mul3A_192 = arith.muli %scan3A_185, %mul3A_191 : i32
        %add3A_193 = arith.constant 1 : i32
        %add3A_194 = arith.addi %mul3A_192, %add3A_193 : i32
        %get3A_195 = arith.index_cast %add3A_194 : i32 to index
        %get3A_196 = arith.constant 0 : index
        %get3A_197 = tpu.vector_load %arg7[%get3A_195, %get3A_196] {strides = array<i32>} : memref<128x128xf32, #tpu.memory_space<vmem>>, vector<1x16xf32>,
        %get3A_198 = vector.shape_cast %get3A_197 : vector<1x16xf32> to vector<16xf32>
        %add3A_199 = arith.addf %get3A_190, %get3A_198 : vector<16xf32>
        %mul3A_200 = arith.constant 32 : i32
        %mul3A_201 = arith.muli %scan3A_185, %mul3A_200 : i32
        %add3A_202 = arith.constant 2 : i32
        %add3A_203 = arith.addi %mul3A_201, %add3A_202 : i32
        %get3A_204 = arith.index_cast %add3A_203 : i32 to index
        %get3A_205 = arith.constant 0 : index
        %get3A_206 = tpu.vector_load %arg7[%get3A_204, %get3A_205] {strides = array<i32>} : memref<128x128xf32, #tpu.memory_space<vmem>>, vector<1x16xf32>,
        %get3A_207 = vector.shape_cast %get3A_206 : vector<1x16xf32> to vector<16xf32>
        %add3A_208 = arith.addf %add3A_199, %get3A_207 : vector<16xf32>
        %mul3A_209 = arith.constant 32 : i32
        %mul3A_210 = arith.muli %scan3A_185, %mul3A_209 : i32
        %add3A_211 = arith.constant 3 : i32
        %add3A_212 = arith.addi %mul3A_210, %add3A_211 : i32
        %get3A_213 = arith.index_cast %add3A_212 : i32 to index
        %get3A_214 = arith.constant 0 : index
        %get3A_215 = tpu.vector_load %arg7[%get3A_213, %get3A_214] {strides = array<i32>} : memref<128x128xf32, #tpu.memory_space<vmem>>, vector<1x16xf32>,
        %get3A_216 = vector.shape_cast %get3A_215 : vector<1x16xf32> to vector<16xf32>
        %add3A_217 = arith.addf %add3A_208, %get3A_216 : vector<16xf32>
        %mul3A_218 = arith.constant 32 : i32
        %mul3A_219 = arith.muli %scan3A_185, %mul3A_218 : i32
        %add3A_220 = arith.constant 4 : i32
        %add3A_221 = arith.addi %mul3A_219, %add3A_220 : i32
        %get3A_222 = arith.index_cast %add3A_221 : i32 to index
        %get3A_223 = arith.constant 0 : index
        %get3A_224 = tpu.vector_load %arg7[%get3A_222, %get3A_223] {strides = array<i32>} : memref<128x128xf32, #tpu.memory_space<vmem>>, vector<1x16xf32>,
        %get3A_225 = vector.shape_cast %get3A_224 : vector<1x16xf32> to vector<16xf32>
        %add3A_226 = arith.addf %add3A_217, %get3A_225 : vector<16xf32>
        %mul3A_227 = arith.constant 32 : i32
        %mul3A_228 = arith.muli %scan3A_185, %mul3A_227 : i32
        %add3A_229 = arith.constant 5 : i32
        %add3A_230 = arith.addi %mul3A_228, %add3A_229 : i32
        %get3A_231 = arith.index_cast %add3A_230 : i32 to index
        %get3A_232 = arith.constant 0 : index
        %get3A_233 = tpu.vector_load %arg7[%get3A_231, %get3A_232] {strides = array<i32>} : memref<128x128xf32, #tpu.memory_space<vmem>>, vector<1x16xf32>,
        %get3A_234 = vector.shape_cast %get3A_233 : vector<1x16xf32> to vector<16xf32>
        %add3A_235 = arith.addf %add3A_226, %get3A_234 : vector<16xf32>
        %mul3A_236 = arith.constant 32 : i32
        %mul3A_237 = arith.muli %scan3A_185, %mul3A_236 : i32
        %add3A_238 = arith.constant 6 : i32
        %add3A_239 = arith.addi %mul3A_237, %add3A_238 : i32
        %get3A_240 = arith.index_cast %add3A_239 : i32 to index
        %get3A_241 = arith.constant 0 : index
        %get3A_242 = tpu.vector_load %arg7[%get3A_240, %get3A_241] {strides = array<i32>} : memref<128x128xf32, #tpu.memory_space<vmem>>, vector<1x16xf32>,
        %get3A_243 = vector.shape_cast %get3A_242 : vector<1x16xf32> to vector<16xf32>
        %add3A_244 = arith.addf %add3A_235, %get3A_243 : vector<16xf32>
        %mul3A_245 = arith.constant 32 : i32
        %mul3A_246 = arith.muli %scan3A_185, %mul3A_245 : i32
        %add3A_247 = arith.constant 7 : i32
        %add3A_248 = arith.addi %mul3A_246, %add3A_247 : i32
        %get3A_249 = arith.index_cast %add3A_248 : i32 to index
        %get3A_250 = arith.constant 0 : index
        %get3A_251 = tpu.vector_load %arg7[%get3A_249, %get3A_250] {strides = array<i32>} : memref<128x128xf32, #tpu.memory_space<vmem>>, vector<1x16xf32>,
        %get3A_252 = vector.shape_cast %get3A_251 : vector<1x16xf32> to vector<16xf32>
        %add3A_253 = arith.addf %add3A_244, %get3A_252 : vector<16xf32>
        %mul3A_254 = arith.constant 32 : i32
        %mul3A_255 = arith.muli %scan3A_185, %mul3A_254 : i32
        %add3A_256 = arith.constant 8 : i32
        %add3A_257 = arith.addi %mul3A_255, %add3A_256 : i32
        %get3A_258 = arith.index_cast %add3A_257 : i32 to index
        %get3A_259 = arith.constant 0 : index
        %get3A_260 = tpu.vector_load %arg7[%get3A_258, %get3A_259] {strides = array<i32>} : memref<128x128xf32, #tpu.memory_space<vmem>>, vector<1x16xf32>,
        %get3A_261 = vector.shape_cast %get3A_260 : vector<1x16xf32> to vector<16xf32>
        %add3A_262 = arith.addf %add3A_253, %get3A_261 : vector<16xf32>
        %mul3A_263 = arith.constant 32 : i32
        %mul3A_264 = arith.muli %scan3A_185, %mul3A_263 : i32
        %add3A_265 = arith.constant 9 : i32
        %add3A_266 = arith.addi %mul3A_264, %add3A_265 : i32
        %get3A_267 = arith.index_cast %add3A_266 : i32 to index
        %get3A_268 = arith.constant 0 : index
        %get3A_269 = tpu.vector_load %arg7[%get3A_267, %get3A_268] {strides = array<i32>} : memref<128x128xf32, #tpu.memory_space<vmem>>, vector<1x16xf32>,
        %get3A_270 = vector.shape_cast %get3A_269 : vector<1x16xf32> to vector<16xf32>
        %add3A_271 = arith.addf %add3A_262, %get3A_270 : vector<16xf32>
        %mul3A_272 = arith.constant 32 : i32
        %mul3A_273 = arith.muli %scan3A_185, %mul3A_272 : i32
        %add3A_274 = arith.constant 10 : i32
        %add3A_275 = arith.addi %mul3A_273, %add3A_274 : i32
        %get3A_276 = arith.index_cast %add3A_275 : i32 to index
        %get3A_277 = arith.constant 0 : index
        %get3A_278 = tpu.vector_load %arg7[%get3A_276, %get3A_277] {strides = array<i32>} : memref<128x128xf32, #tpu.memory_space<vmem>>, vector<1x16xf32>,
        %get3A_279 = vector.shape_cast %get3A_278 : vector<1x16xf32> to vector<16xf32>
        %add3A_280 = arith.addf %add3A_271, %get3A_279 : vector<16xf32>
        %mul3A_281 = arith.constant 32 : i32
        %mul3A_282 = arith.muli %scan3A_185, %mul3A_281 : i32
        %add3A_283 = arith.constant 11 : i32
        %add3A_284 = arith.addi %mul3A_282, %add3A_283 : i32
        %get3A_285 = arith.index_cast %add3A_284 : i32 to index
        %get3A_286 = arith.constant 0 : index
        %get3A_287 = tpu.vector_load %arg7[%get3A_285, %get3A_286] {strides = array<i32>} : memref<128x128xf32, #tpu.memory_space<vmem>>, vector<1x16xf32>,
        %get3A_288 = vector.shape_cast %get3A_287 : vector<1x16xf32> to vector<16xf32>
        %add3A_289 = arith.addf %add3A_280, %get3A_288 : vector<16xf32>
        %mul3A_290 = arith.constant 32 : i32
        %mul3A_291 = arith.muli %scan3A_185, %mul3A_290 : i32
        %add3A_292 = arith.constant 12 : i32
        %add3A_293 = arith.addi %mul3A_291, %add3A_292 : i32
        %get3A_294 = arith.index_cast %add3A_293 : i32 to index
        %get3A_295 = arith.constant 0 : index
        %get3A_296 = tpu.vector_load %arg7[%get3A_294, %get3A_295] {strides = array<i32>} : memref<128x128xf32, #tpu.memory_space<vmem>>, vector<1x16xf32>,
        %get3A_297 = vector.shape_cast %get3A_296 : vector<1x16xf32> to vector<16xf32>
        %add3A_298 = arith.addf %add3A_289, %get3A_297 : vector<16xf32>
        %mul3A_299 = arith.constant 32 : i32
        %mul3A_300 = arith.muli %scan3A_185, %mul3A_299 : i32
        %add3A_301 = arith.constant 13 : i32
        %add3A_302 = arith.addi %mul3A_300, %add3A_301 : i32
        %get3A_303 = arith.index_cast %add3A_302 : i32 to index
        %get3A_304 = arith.constant 0 : index
        %get3A_305 = tpu.vector_load %arg7[%get3A_303, %get3A_304] {strides = array<i32>} : memref<128x128xf32, #tpu.memory_space<vmem>>, vector<1x16xf32>,
        %get3A_306 = vector.shape_cast %get3A_305 : vector<1x16xf32> to vector<16xf32>
        %add3A_307 = arith.addf %add3A_298, %get3A_306 : vector<16xf32>
        %mul3A_308 = arith.constant 32 : i32
        %mul3A_309 = arith.muli %scan3A_185, %mul3A_308 : i32
        %add3A_310 = arith.constant 14 : i32
        %add3A_311 = arith.addi %mul3A_309, %add3A_310 : i32
        %get3A_312 = arith.index_cast %add3A_311 : i32 to index
        %get3A_313 = arith.constant 0 : index
        %get3A_314 = tpu.vector_load %arg7[%get3A_312, %get3A_313] {strides = array<i32>} : memref<128x128xf32, #tpu.memory_space<vmem>>, vector<1x16xf32>,
        %get3A_315 = vector.shape_cast %get3A_314 : vector<1x16xf32> to vector<16xf32>
        %add3A_316 = arith.addf %add3A_307, %get3A_315 : vector<16xf32>
        %mul3A_317 = arith.constant 32 : i32
        %mul3A_318 = arith.muli %scan3A_185, %mul3A_317 : i32
        %add3A_319 = arith.constant 15 : i32
        %add3A_320 = arith.addi %mul3A_318, %add3A_319 : i32
        %get3A_321 = arith.index_cast %add3A_320 : i32 to index
        %get3A_322 = arith.constant 0 : index
        %get3A_323 = tpu.vector_load %arg7[%get3A_321, %get3A_322] {strides = array<i32>} : memref<128x128xf32, #tpu.memory_space<vmem>>, vector<1x16xf32>,
        %get3A_324 = vector.shape_cast %get3A_323 : vector<1x16xf32> to vector<16xf32>
        %add3A_325 = arith.addf %add3A_316, %get3A_324 : vector<16xf32>
        %mul3A_326 = arith.constant 32 : i32
        %mul3A_327 = arith.muli %scan3A_185, %mul3A_326 : i32
        %add3A_328 = arith.constant 16 : i32
        %add3A_329 = arith.addi %mul3A_327, %add3A_328 : i32
        %get3A_330 = arith.index_cast %add3A_329 : i32 to index
        %get3A_331 = arith.constant 0 : index
        %get3A_332 = tpu.vector_load %arg7[%get3A_330, %get3A_331] {strides = array<i32>} : memref<128x128xf32, #tpu.memory_space<vmem>>, vector<1x16xf32>,
        %get3A_333 = vector.shape_cast %get3A_332 : vector<1x16xf32> to vector<16xf32>
        %add3A_334 = arith.addf %add3A_325, %get3A_333 : vector<16xf32>
        %mul3A_335 = arith.constant 32 : i32
        %mul3A_336 = arith.muli %scan3A_185, %mul3A_335 : i32
        %add3A_337 = arith.constant 17 : i32
        %add3A_338 = arith.addi %mul3A_336, %add3A_337 : i32
        %get3A_339 = arith.index_cast %add3A_338 : i32 to index
        %get3A_340 = arith.constant 0 : index
        %get3A_341 = tpu.vector_load %arg7[%get3A_339, %get3A_340] {strides = array<i32>} : memref<128x128xf32, #tpu.memory_space<vmem>>, vector<1x16xf32>,
        %get3A_342 = vector.shape_cast %get3A_341 : vector<1x16xf32> to vector<16xf32>
        %add3A_343 = arith.addf %add3A_334, %get3A_342 : vector<16xf32>
        %mul3A_344 = arith.constant 32 : i32
        %mul3A_345 = arith.muli %scan3A_185, %mul3A_344 : i32
        %add3A_346 = arith.constant 18 : i32
        %add3A_347 = arith.addi %mul3A_345, %add3A_346 : i32
        %get3A_348 = arith.index_cast %add3A_347 : i32 to index
        %get3A_349 = arith.constant 0 : index
        %get3A_350 = tpu.vector_load %arg7[%get3A_348, %get3A_349] {strides = array<i32>} : memref<128x128xf32, #tpu.memory_space<vmem>>, vector<1x16xf32>,
        %get3A_351 = vector.shape_cast %get3A_350 : vector<1x16xf32> to vector<16xf32>
        %add3A_352 = arith.addf %add3A_343, %get3A_351 : vector<16xf32>
        %mul3A_353 = arith.constant 32 : i32
        %mul3A_354 = arith.muli %scan3A_185, %mul3A_353 : i32
        %add3A_355 = arith.constant 19 : i32
        %add3A_356 = arith.addi %mul3A_354, %add3A_355 : i32
        %get3A_357 = arith.index_cast %add3A_356 : i32 to index
        %get3A_358 = arith.constant 0 : index
        %get3A_359 = tpu.vector_load %arg7[%get3A_357, %get3A_358] {strides = array<i32>} : memref<128x128xf32, #tpu.memory_space<vmem>>, vector<1x16xf32>,
        %get3A_360 = vector.shape_cast %get3A_359 : vector<1x16xf32> to vector<16xf32>
        %add3A_361 = arith.addf %add3A_352, %get3A_360 : vector<16xf32>
        %mul3A_362 = arith.constant 32 : i32
        %mul3A_363 = arith.muli %scan3A_185, %mul3A_362 : i32
        %add3A_364 = arith.constant 20 : i32
        %add3A_365 = arith.addi %mul3A_363, %add3A_364 : i32
        %get3A_366 = arith.index_cast %add3A_365 : i32 to index
        %get3A_367 = arith.constant 0 : index
        %get3A_368 = tpu.vector_load %arg7[%get3A_366, %get3A_367] {strides = array<i32>} : memref<128x128xf32, #tpu.memory_space<vmem>>, vector<1x16xf32>,
        %get3A_369 = vector.shape_cast %get3A_368 : vector<1x16xf32> to vector<16xf32>
        %add3A_370 = arith.addf %add3A_361, %get3A_369 : vector<16xf32>
        %mul3A_371 = arith.constant 32 : i32
        %mul3A_372 = arith.muli %scan3A_185, %mul3A_371 : i32
        %add3A_373 = arith.constant 21 : i32
        %add3A_374 = arith.addi %mul3A_372, %add3A_373 : i32
        %get3A_375 = arith.index_cast %add3A_374 : i32 to index
        %get3A_376 = arith.constant 0 : index
        %get3A_377 = tpu.vector_load %arg7[%get3A_375, %get3A_376] {strides = array<i32>} : memref<128x128xf32, #tpu.memory_space<vmem>>, vector<1x16xf32>,
        %get3A_378 = vector.shape_cast %get3A_377 : vector<1x16xf32> to vector<16xf32>
        %add3A_379 = arith.addf %add3A_370, %get3A_378 : vector<16xf32>
        %mul3A_380 = arith.constant 32 : i32
        %mul3A_381 = arith.muli %scan3A_185, %mul3A_380 : i32
        %add3A_382 = arith.constant 22 : i32
        %add3A_383 = arith.addi %mul3A_381, %add3A_382 : i32
        %get3A_384 = arith.index_cast %add3A_383 : i32 to index
        %get3A_385 = arith.constant 0 : index
        %get3A_386 = tpu.vector_load %arg7[%get3A_384, %get3A_385] {strides = array<i32>} : memref<128x128xf32, #tpu.memory_space<vmem>>, vector<1x16xf32>,
        %get3A_387 = vector.shape_cast %get3A_386 : vector<1x16xf32> to vector<16xf32>
        %add3A_388 = arith.addf %add3A_379, %get3A_387 : vector<16xf32>
        %mul3A_389 = arith.constant 32 : i32
        %mul3A_390 = arith.muli %scan3A_185, %mul3A_389 : i32
        %add3A_391 = arith.constant 23 : i32
        %add3A_392 = arith.addi %mul3A_390, %add3A_391 : i32
        %get3A_393 = arith.index_cast %add3A_392 : i32 to index
        %get3A_394 = arith.constant 0 : index
        %get3A_395 = tpu.vector_load %arg7[%get3A_393, %get3A_394] {strides = array<i32>} : memref<128x128xf32, #tpu.memory_space<vmem>>, vector<1x16xf32>,
        %get3A_396 = vector.shape_cast %get3A_395 : vector<1x16xf32> to vector<16xf32>
        %add3A_397 = arith.addf %add3A_388, %get3A_396 : vector<16xf32>
        %mul3A_398 = arith.constant 32 : i32
        %mul3A_399 = arith.muli %scan3A_185, %mul3A_398 : i32
        %add3A_400 = arith.constant 24 : i32
        %add3A_401 = arith.addi %mul3A_399, %add3A_400 : i32
        %get3A_402 = arith.index_cast %add3A_401 : i32 to index
        %get3A_403 = arith.constant 0 : index
        %get3A_404 = tpu.vector_load %arg7[%get3A_402, %get3A_403] {strides = array<i32>} : memref<128x128xf32, #tpu.memory_space<vmem>>, vector<1x16xf32>,
        %get3A_405 = vector.shape_cast %get3A_404 : vector<1x16xf32> to vector<16xf32>
        %add3A_406 = arith.addf %add3A_397, %get3A_405 : vector<16xf32>
        %mul3A_407 = arith.constant 32 : i32
        %mul3A_408 = arith.muli %scan3A_185, %mul3A_407 : i32
        %add3A_409 = arith.constant 25 : i32
        %add3A_410 = arith.addi %mul3A_408, %add3A_409 : i32
        %get3A_411 = arith.index_cast %add3A_410 : i32 to index
        %get3A_412 = arith.constant 0 : index
        %get3A_413 = tpu.vector_load %arg7[%get3A_411, %get3A_412] {strides = array<i32>} : memref<128x128xf32, #tpu.memory_space<vmem>>, vector<1x16xf32>,
        %get3A_414 = vector.shape_cast %get3A_413 : vector<1x16xf32> to vector<16xf32>
        %add3A_415 = arith.addf %add3A_406, %get3A_414 : vector<16xf32>
        %mul3A_416 = arith.constant 32 : i32
        %mul3A_417 = arith.muli %scan3A_185, %mul3A_416 : i32
        %add3A_418 = arith.constant 26 : i32
        %add3A_419 = arith.addi %mul3A_417, %add3A_418 : i32
        %get3A_420 = arith.index_cast %add3A_419 : i32 to index
        %get3A_421 = arith.constant 0 : index
        %get3A_422 = tpu.vector_load %arg7[%get3A_420, %get3A_421] {strides = array<i32>} : memref<128x128xf32, #tpu.memory_space<vmem>>, vector<1x16xf32>,
        %get3A_423 = vector.shape_cast %get3A_422 : vector<1x16xf32> to vector<16xf32>
        %add3A_424 = arith.addf %add3A_415, %get3A_423 : vector<16xf32>
        %mul3A_425 = arith.constant 32 : i32
        %mul3A_426 = arith.muli %scan3A_185, %mul3A_425 : i32
        %add3A_427 = arith.constant 27 : i32
        %add3A_428 = arith.addi %mul3A_426, %add3A_427 : i32
        %get3A_429 = arith.index_cast %add3A_428 : i32 to index
        %get3A_430 = arith.constant 0 : index
        %get3A_431 = tpu.vector_load %arg7[%get3A_429, %get3A_430] {strides = array<i32>} : memref<128x128xf32, #tpu.memory_space<vmem>>, vector<1x16xf32>,
        %get3A_432 = vector.shape_cast %get3A_431 : vector<1x16xf32> to vector<16xf32>
        %add3A_433 = arith.addf %add3A_424, %get3A_432 : vector<16xf32>
        %mul3A_434 = arith.constant 32 : i32
        %mul3A_435 = arith.muli %scan3A_185, %mul3A_434 : i32
        %add3A_436 = arith.constant 28 : i32
        %add3A_437 = arith.addi %mul3A_435, %add3A_436 : i32
        %get3A_438 = arith.index_cast %add3A_437 : i32 to index
        %get3A_439 = arith.constant 0 : index
        %get3A_440 = tpu.vector_load %arg7[%get3A_438, %get3A_439] {strides = array<i32>} : memref<128x128xf32, #tpu.memory_space<vmem>>, vector<1x16xf32>,
        %get3A_441 = vector.shape_cast %get3A_440 : vector<1x16xf32> to vector<16xf32>
        %add3A_442 = arith.addf %add3A_433, %get3A_441 : vector<16xf32>
        %mul3A_443 = arith.constant 32 : i32
        %mul3A_444 = arith.muli %scan3A_185, %mul3A_443 : i32
        %add3A_445 = arith.constant 29 : i32
        %add3A_446 = arith.addi %mul3A_444, %add3A_445 : i32
        %get3A_447 = arith.index_cast %add3A_446 : i32 to index
        %get3A_448 = arith.constant 0 : index
        %get3A_449 = tpu.vector_load %arg7[%get3A_447, %get3A_448] {strides = array<i32>} : memref<128x128xf32, #tpu.memory_space<vmem>>, vector<1x16xf32>,
        %get3A_450 = vector.shape_cast %get3A_449 : vector<1x16xf32> to vector<16xf32>
        %add3A_451 = arith.addf %add3A_442, %get3A_450 : vector<16xf32>
        %mul3A_452 = arith.constant 32 : i32
        %mul3A_453 = arith.muli %scan3A_185, %mul3A_452 : i32
        %add3A_454 = arith.constant 30 : i32
        %add3A_455 = arith.addi %mul3A_453, %add3A_454 : i32
        %get3A_456 = arith.index_cast %add3A_455 : i32 to index
        %get3A_457 = arith.constant 0 : index
        %get3A_458 = tpu.vector_load %arg7[%get3A_456, %get3A_457] {strides = array<i32>} : memref<128x128xf32, #tpu.memory_space<vmem>>, vector<1x16xf32>,
        %get3A_459 = vector.shape_cast %get3A_458 : vector<1x16xf32> to vector<16xf32>
        %add3A_460 = arith.addf %add3A_451, %get3A_459 : vector<16xf32>
        %mul3A_461 = arith.constant 32 : i32
        %mul3A_462 = arith.muli %scan3A_185, %mul3A_461 : i32
        %add3A_463 = arith.constant 31 : i32
        %add3A_464 = arith.addi %mul3A_462, %add3A_463 : i32
        %get3A_465 = arith.index_cast %add3A_464 : i32 to index
        %get3A_466 = arith.constant 0 : index
        %get3A_467 = tpu.vector_load %arg7[%get3A_465, %get3A_466] {strides = array<i32>} : memref<128x128xf32, #tpu.memory_space<vmem>>, vector<1x16xf32>,
        %get3A_468 = vector.shape_cast %get3A_467 : vector<1x16xf32> to vector<16xf32>
        %add3A_469 = arith.addf %add3A_460, %get3A_468 : vector<16xf32>
        %swap3A = arith.index_cast %scan3A_185 : i32 to index
        %swap3A_470 = arith.constant 0 : index
        %swap3A_471 = tpu.vector_load %arg9[%swap3A, %swap3A_470] {strides = array<i32>} : memref<4x128xf32, #tpu.memory_space<vmem>>, vector<1x16xf32>,
        %swap3A_472 = vector.shape_cast %swap3A_471 : vector<1x16xf32> to vector<16xf32>
        %swap3A_473 = vector.shape_cast %add3A_469 : vector<16xf32> to vector<1x16xf32>
        tpu.vector_store %arg9[%swap3A, %swap3A_470], %swap3A_473 {strides = array<i32>} : memref<4x128xf32, #tpu.memory_space<vmem>>, vector<1x16xf32>,
        %mul3A_474 = arith.constant 32 : i32
        %mul3A_475 = arith.muli %scan3A_185, %mul3A_474 : i32
        %get3A_476 = arith.index_cast %mul3A_475 : i32 to index
        %get3A_477 = arith.constant 16 : index
        %get3A_478 = tpu.vector_load %arg7[%get3A_476, %get3A_477] {strides = array<i32>} : memref<128x128xf32, #tpu.memory_space<vmem>>, vector<1x16xf32>,
        %get3A_479 = vector.shape_cast %get3A_478 : vector<1x16xf32> to vector<16xf32>
        %mul3A_480 = arith.constant 32 : i32
        %mul3A_481 = arith.muli %scan3A_185, %mul3A_480 : i32
        %add3A_482 = arith.constant 1 : i32
        %add3A_483 = arith.addi %mul3A_481, %add3A_482 : i32
        %get3A_484 = arith.index_cast %add3A_483 : i32 to index
        %get3A_485 = arith.constant 16 : index
        %get3A_486 = tpu.vector_load %arg7[%get3A_484, %get3A_485] {strides = array<i32>} : memref<128x128xf32, #tpu.memory_space<vmem>>, vector<1x16xf32>,
        %get3A_487 = vector.shape_cast %get3A_486 : vector<1x16xf32> to vector<16xf32>
        %add3A_488 = arith.addf %get3A_479, %get3A_487 : vector<16xf32>
        %mul3A_489 = arith.constant 32 : i32
        %mul3A_490 = arith.muli %scan3A_185, %mul3A_489 : i32
        %add3A_491 = arith.constant 2 : i32
        %add3A_492 = arith.addi %mul3A_490, %add3A_491 : i32
        %get3A_493 = arith.index_cast %add3A_492 : i32 to index
        %get3A_494 = arith.constant 16 : index
        %get3A_495 = tpu.vector_load %arg7[%get3A_493, %get3A_494] {strides = array<i32>} : memref<128x128xf32, #tpu.memory_space<vmem>>, vector<1x16xf32>,
        %get3A_496 = vector.shape_cast %get3A_495 : vector<1x16xf32> to vector<16xf32>
        %add3A_497 = arith.addf %add3A_488, %get3A_496 : vector<16xf32>
        %mul3A_498 = arith.constant 32 : i32
        %mul3A_499 = arith.muli %scan3A_185, %mul3A_498 : i32
        %add3A_500 = arith.constant 3 : i32
        %add3A_501 = arith.addi %mul3A_499, %add3A_500 : i32
        %get3A_502 = arith.index_cast %add3A_501 : i32 to index
        %get3A_503 = arith.constant 16 : index
        %get3A_504 = tpu.vector_load %arg7[%get3A_502, %get3A_503] {strides = array<i32>} : memref<128x128xf32, #tpu.memory_space<vmem>>, vector<1x16xf32>,
        %get3A_505 = vector.shape_cast %get3A_504 : vector<1x16xf32> to vector<16xf32>
        %add3A_506 = arith.addf %add3A_497, %get3A_505 : vector<16xf32>
        %mul3A_507 = arith.constant 32 : i32
        %mul3A_508 = arith.muli %scan3A_185, %mul3A_507 : i32
        %add3A_509 = arith.constant 4 : i32
        %add3A_510 = arith.addi %mul3A_508, %add3A_509 : i32
        %get3A_511 = arith.index_cast %add3A_510 : i32 to index
        %get3A_512 = arith.constant 16 : index
        %get3A_513 = tpu.vector_load %arg7[%get3A_511, %get3A_512] {strides = array<i32>} : memref<128x128xf32, #tpu.memory_space<vmem>>, vector<1x16xf32>,
        %get3A_514 = vector.shape_cast %get3A_513 : vector<1x16xf32> to vector<16xf32>
        %add3A_515 = arith.addf %add3A_506, %get3A_514 : vector<16xf32>
        %mul3A_516 = arith.constant 32 : i32
        %mul3A_517 = arith.muli %scan3A_185, %mul3A_516 : i32
        %add3A_518 = arith.constant 5 : i32
        %add3A_519 = arith.addi %mul3A_517, %add3A_518 : i32
        %get3A_520 = arith.index_cast %add3A_519 : i32 to index
        %get3A_521 = arith.constant 16 : index
        %get3A_522 = tpu.vector_load %arg7[%get3A_520, %get3A_521] {strides = array<i32>} : memref<128x128xf32, #tpu.memory_space<vmem>>, vector<1x16xf32>,
        %get3A_523 = vector.shape_cast %get3A_522 : vector<1x16xf32> to vector<16xf32>
        %add3A_524 = arith.addf %add3A_515, %get3A_523 : vector<16xf32>
        %mul3A_525 = arith.constant 32 : i32
        %mul3A_526 = arith.muli %scan3A_185, %mul3A_525 : i32
        %add3A_527 = arith.constant 6 : i32
        %add3A_528 = arith.addi %mul3A_526, %add3A_527 : i32
        %get3A_529 = arith.index_cast %add3A_528 : i32 to index
        %get3A_530 = arith.constant 16 : index
        %get3A_531 = tpu.vector_load %arg7[%get3A_529, %get3A_530] {strides = array<i32>} : memref<128x128xf32, #tpu.memory_space<vmem>>, vector<1x16xf32>,
        %get3A_532 = vector.shape_cast %get3A_531 : vector<1x16xf32> to vector<16xf32>
        %add3A_533 = arith.addf %add3A_524, %get3A_532 : vector<16xf32>
        %mul3A_534 = arith.constant 32 : i32
        %mul3A_535 = arith.muli %scan3A_185, %mul3A_534 : i32
        %add3A_536 = arith.constant 7 : i32
        %add3A_537 = arith.addi %mul3A_535, %add3A_536 : i32
        %get3A_538 = arith.index_cast %add3A_537 : i32 to index
        %get3A_539 = arith.constant 16 : index
        %get3A_540 = tpu.vector_load %arg7[%get3A_538, %get3A_539] {strides = array<i32>} : memref<128x128xf32, #tpu.memory_space<vmem>>, vector<1x16xf32>,
        %get3A_541 = vector.shape_cast %get3A_540 : vector<1x16xf32> to vector<16xf32>
        %add3A_542 = arith.addf %add3A_533, %get3A_541 : vector<16xf32>
        %mul3A_543 = arith.constant 32 : i32
        %mul3A_544 = arith.muli %scan3A_185, %mul3A_543 : i32
        %add3A_545 = arith.constant 8 : i32
        %add3A_546 = arith.addi %mul3A_544, %add3A_545 : i32
        %get3A_547 = arith.index_cast %add3A_546 : i32 to index
        %get3A_548 = arith.constant 16 : index
        %get3A_549 = tpu.vector_load %arg7[%get3A_547, %get3A_548] {strides = array<i32>} : memref<128x128xf32, #tpu.memory_space<vmem>>, vector<1x16xf32>,
        %get3A_550 = vector.shape_cast %get3A_549 : vector<1x16xf32> to vector<16xf32>
        %add3A_551 = arith.addf %add3A_542, %get3A_550 : vector<16xf32>
        %mul3A_552 = arith.constant 32 : i32
        %mul3A_553 = arith.muli %scan3A_185, %mul3A_552 : i32
        %add3A_554 = arith.constant 9 : i32
        %add3A_555 = arith.addi %mul3A_553, %add3A_554 : i32
        %get3A_556 = arith.index_cast %add3A_555 : i32 to index
        %get3A_557 = arith.constant 16 : index
        %get3A_558 = tpu.vector_load %arg7[%get3A_556, %get3A_557] {strides = array<i32>} : memref<128x128xf32, #tpu.memory_space<vmem>>, vector<1x16xf32>,
        %get3A_559 = vector.shape_cast %get3A_558 : vector<1x16xf32> to vector<16xf32>
        %add3A_560 = arith.addf %add3A_551, %get3A_559 : vector<16xf32>
        %mul3A_561 = arith.constant 32 : i32
        %mul3A_562 = arith.muli %scan3A_185, %mul3A_561 : i32
        %add3A_563 = arith.constant 10 : i32
        %add3A_564 = arith.addi %mul3A_562, %add3A_563 : i32
        %get3A_565 = arith.index_cast %add3A_564 : i32 to index
        %get3A_566 = arith.constant 16 : index
        %get3A_567 = tpu.vector_load %arg7[%get3A_565, %get3A_566] {strides = array<i32>} : memref<128x128xf32, #tpu.memory_space<vmem>>, vector<1x16xf32>,
        %get3A_568 = vector.shape_cast %get3A_567 : vector<1x16xf32> to vector<16xf32>
        %add3A_569 = arith.addf %add3A_560, %get3A_568 : vector<16xf32>
        %mul3A_570 = arith.constant 32 : i32
        %mul3A_571 = arith.muli %scan3A_185, %mul3A_570 : i32
        %add3A_572 = arith.constant 11 : i32
        %add3A_573 = arith.addi %mul3A_571, %add3A_572 : i32
        %get3A_574 = arith.index_cast %add3A_573 : i32 to index
        %get3A_575 = arith.constant 16 : index
        %get3A_576 = tpu.vector_load %arg7[%get3A_574, %get3A_575] {strides = array<i32>} : memref<128x128xf32, #tpu.memory_space<vmem>>, vector<1x16xf32>,
        %get3A_577 = vector.shape_cast %get3A_576 : vector<1x16xf32> to vector<16xf32>
        %add3A_578 = arith.addf %add3A_569, %get3A_577 : vector<16xf32>
        %mul3A_579 = arith.constant 32 : i32
        %mul3A_580 = arith.muli %scan3A_185, %mul3A_579 : i32
        %add3A_581 = arith.constant 12 : i32
        %add3A_582 = arith.addi %mul3A_580, %add3A_581 : i32
        %get3A_583 = arith.index_cast %add3A_582 : i32 to index
        %get3A_584 = arith.constant 16 : index
        %get3A_585 = tpu.vector_load %arg7[%get3A_583, %get3A_584] {strides = array<i32>} : memref<128x128xf32, #tpu.memory_space<vmem>>, vector<1x16xf32>,
        %get3A_586 = vector.shape_cast %get3A_585 : vector<1x16xf32> to vector<16xf32>
        %add3A_587 = arith.addf %add3A_578, %get3A_586 : vector<16xf32>
        %mul3A_588 = arith.constant 32 : i32
        %mul3A_589 = arith.muli %scan3A_185, %mul3A_588 : i32
        %add3A_590 = arith.constant 13 : i32
        %add3A_591 = arith.addi %mul3A_589, %add3A_590 : i32
        %get3A_592 = arith.index_cast %add3A_591 : i32 to index
        %get3A_593 = arith.constant 16 : index
        %get3A_594 = tpu.vector_load %arg7[%get3A_592, %get3A_593] {strides = array<i32>} : memref<128x128xf32, #tpu.memory_space<vmem>>, vector<1x16xf32>,
        %get3A_595 = vector.shape_cast %get3A_594 : vector<1x16xf32> to vector<16xf32>
        %add3A_596 = arith.addf %add3A_587, %get3A_595 : vector<16xf32>
        %mul3A_597 = arith.constant 32 : i32
        %mul3A_598 = arith.muli %scan3A_185, %mul3A_597 : i32
        %add3A_599 = arith.constant 14 : i32
        %add3A_600 = arith.addi %mul3A_598, %add3A_599 : i32
        %get3A_601 = arith.index_cast %add3A_600 : i32 to index
        %get3A_602 = arith.constant 16 : index
        %get3A_603 = tpu.vector_load %arg7[%get3A_601, %get3A_602] {strides = array<i32>} : memref<128x128xf32, #tpu.memory_space<vmem>>, vector<1x16xf32>,
        %get3A_604 = vector.shape_cast %get3A_603 : vector<1x16xf32> to vector<16xf32>
        %add3A_605 = arith.addf %add3A_596, %get3A_604 : vector<16xf32>
        %mul3A_606 = arith.constant 32 : i32
        %mul3A_607 = arith.muli %scan3A_185, %mul3A_606 : i32
        %add3A_608 = arith.constant 15 : i32
        %add3A_609 = arith.addi %mul3A_607, %add3A_608 : i32
        %get3A_610 = arith.index_cast %add3A_609 : i32 to index
        %get3A_611 = arith.constant 16 : index
        %get3A_612 = tpu.vector_load %arg7[%get3A_610, %get3A_611] {strides = array<i32>} : memref<128x128xf32, #tpu.memory_space<vmem>>, vector<1x16xf32>,
        %get3A_613 = vector.shape_cast %get3A_612 : vector<1x16xf32> to vector<16xf32>
        %add3A_614 = arith.addf %add3A_605, %get3A_613 : vector<16xf32>
        %mul3A_615 = arith.constant 32 : i32
        %mul3A_616 = arith.muli %scan3A_185, %mul3A_615 : i32
        %add3A_617 = arith.constant 16 : i32
        %add3A_618 = arith.addi %mul3A_616, %add3A_617 : i32
        %get3A_619 = arith.index_cast %add3A_618 : i32 to index
        %get3A_620 = arith.constant 16 : index
        %get3A_621 = tpu.vector_load %arg7[%get3A_619, %get3A_620] {strides = array<i32>} : memref<128x128xf32, #tpu.memory_space<vmem>>, vector<1x16xf32>,
        %get3A_622 = vector.shape_cast %get3A_621 : vector<1x16xf32> to vector<16xf32>
        %add3A_623 = arith.addf %add3A_614, %get3A_622 : vector<16xf32>
        %mul3A_624 = arith.constant 32 : i32
        %mul3A_625 = arith.muli %scan3A_185, %mul3A_624 : i32
        %add3A_626 = arith.constant 17 : i32
        %add3A_627 = arith.addi %mul3A_625, %add3A_626 : i32
        %get3A_628 = arith.index_cast %add3A_627 : i32 to index
        %get3A_629 = arith.constant 16 : index
        %get3A_630 = tpu.vector_load %arg7[%get3A_628, %get3A_629] {strides = array<i32>} : memref<128x128xf32, #tpu.memory_space<vmem>>, vector<1x16xf32>,
        %get3A_631 = vector.shape_cast %get3A_630 : vector<1x16xf32> to vector<16xf32>
        %add3A_632 = arith.addf %add3A_623, %get3A_631 : vector<16xf32>
        %mul3A_633 = arith.constant 32 : i32
        %mul3A_634 = arith.muli %scan3A_185, %mul3A_633 : i32
        %add3A_635 = arith.constant 18 : i32
        %add3A_636 = arith.addi %mul3A_634, %add3A_635 : i32
        %get3A_637 = arith.index_cast %add3A_636 : i32 to index
        %get3A_638 = arith.constant 16 : index
        %get3A_639 = tpu.vector_load %arg7[%get3A_637, %get3A_638] {strides = array<i32>} : memref<128x128xf32, #tpu.memory_space<vmem>>, vector<1x16xf32>,
        %get3A_640 = vector.shape_cast %get3A_639 : vector<1x16xf32> to vector<16xf32>
        %add3A_641 = arith.addf %add3A_632, %get3A_640 : vector<16xf32>
        %mul3A_642 = arith.constant 32 : i32
        %mul3A_643 = arith.muli %scan3A_185, %mul3A_642 : i32
        %add3A_644 = arith.constant 19 : i32
        %add3A_645 = arith.addi %mul3A_643, %add3A_644 : i32
        %get3A_646 = arith.index_cast %add3A_645 : i32 to index
        %get3A_647 = arith.constant 16 : index
        %get3A_648 = tpu.vector_load %arg7[%get3A_646, %get3A_647] {strides = array<i32>} : memref<128x128xf32, #tpu.memory_space<vmem>>, vector<1x16xf32>,
        %get3A_649 = vector.shape_cast %get3A_648 : vector<1x16xf32> to vector<16xf32>
        %add3A_650 = arith.addf %add3A_641, %get3A_649 : vector<16xf32>
        %mul3A_651 = arith.constant 32 : i32
        %mul3A_652 = arith.muli %scan3A_185, %mul3A_651 : i32
        %add3A_653 = arith.constant 20 : i32
        %add3A_654 = arith.addi %mul3A_652, %add3A_653 : i32
        %get3A_655 = arith.index_cast %add3A_654 : i32 to index
        %get3A_656 = arith.constant 16 : index
        %get3A_657 = tpu.vector_load %arg7[%get3A_655, %get3A_656] {strides = array<i32>} : memref<128x128xf32, #tpu.memory_space<vmem>>, vector<1x16xf32>,
        %get3A_658 = vector.shape_cast %get3A_657 : vector<1x16xf32> to vector<16xf32>
        %add3A_659 = arith.addf %add3A_650, %get3A_658 : vector<16xf32>
        %mul3A_660 = arith.constant 32 : i32
        %mul3A_661 = arith.muli %scan3A_185, %mul3A_660 : i32
        %add3A_662 = arith.constant 21 : i32
        %add3A_663 = arith.addi %mul3A_661, %add3A_662 : i32
        %get3A_664 = arith.index_cast %add3A_663 : i32 to index
        %get3A_665 = arith.constant 16 : index
        %get3A_666 = tpu.vector_load %arg7[%get3A_664, %get3A_665] {strides = array<i32>} : memref<128x128xf32, #tpu.memory_space<vmem>>, vector<1x16xf32>,
        %get3A_667 = vector.shape_cast %get3A_666 : vector<1x16xf32> to vector<16xf32>
        %add3A_668 = arith.addf %add3A_659, %get3A_667 : vector<16xf32>
        %mul3A_669 = arith.constant 32 : i32
        %mul3A_670 = arith.muli %scan3A_185, %mul3A_669 : i32
        %add3A_671 = arith.constant 22 : i32
        %add3A_672 = arith.addi %mul3A_670, %add3A_671 : i32
        %get3A_673 = arith.index_cast %add3A_672 : i32 to index
        %get3A_674 = arith.constant 16 : index
        %get3A_675 = tpu.vector_load %arg7[%get3A_673, %get3A_674] {strides = array<i32>} : memref<128x128xf32, #tpu.memory_space<vmem>>, vector<1x16xf32>,
        %get3A_676 = vector.shape_cast %get3A_675 : vector<1x16xf32> to vector<16xf32>
        %add3A_677 = arith.addf %add3A_668, %get3A_676 : vector<16xf32>
        %mul3A_678 = arith.constant 32 : i32
        %mul3A_679 = arith.muli %scan3A_185, %mul3A_678 : i32
        %add3A_680 = arith.constant 23 : i32
        %add3A_681 = arith.addi %mul3A_679, %add3A_680 : i32
        %get3A_682 = arith.index_cast %add3A_681 : i32 to index
        %get3A_683 = arith.constant 16 : index
        %get3A_684 = tpu.vector_load %arg7[%get3A_682, %get3A_683] {strides = array<i32>} : memref<128x128xf32, #tpu.memory_space<vmem>>, vector<1x16xf32>,
        %get3A_685 = vector.shape_cast %get3A_684 : vector<1x16xf32> to vector<16xf32>
        %add3A_686 = arith.addf %add3A_677, %get3A_685 : vector<16xf32>
        %mul3A_687 = arith.constant 32 : i32
        %mul3A_688 = arith.muli %scan3A_185, %mul3A_687 : i32
        %add3A_689 = arith.constant 24 : i32
        %add3A_690 = arith.addi %mul3A_688, %add3A_689 : i32
        %get3A_691 = arith.index_cast %add3A_690 : i32 to index
        %get3A_692 = arith.constant 16 : index
        %get3A_693 = tpu.vector_load %arg7[%get3A_691, %get3A_692] {strides = array<i32>} : memref<128x128xf32, #tpu.memory_space<vmem>>, vector<1x16xf32>,
        %get3A_694 = vector.shape_cast %get3A_693 : vector<1x16xf32> to vector<16xf32>
        %add3A_695 = arith.addf %add3A_686, %get3A_694 : vector<16xf32>
        %mul3A_696 = arith.constant 32 : i32
        %mul3A_697 = arith.muli %scan3A_185, %mul3A_696 : i32
        %add3A_698 = arith.constant 25 : i32
        %add3A_699 = arith.addi %mul3A_697, %add3A_698 : i32
        %get3A_700 = arith.index_cast %add3A_699 : i32 to index
        %get3A_701 = arith.constant 16 : index
        %get3A_702 = tpu.vector_load %arg7[%get3A_700, %get3A_701] {strides = array<i32>} : memref<128x128xf32, #tpu.memory_space<vmem>>, vector<1x16xf32>,
        %get3A_703 = vector.shape_cast %get3A_702 : vector<1x16xf32> to vector<16xf32>
        %add3A_704 = arith.addf %add3A_695, %get3A_703 : vector<16xf32>
        %mul3A_705 = arith.constant 32 : i32
        %mul3A_706 = arith.muli %scan3A_185, %mul3A_705 : i32
        %add3A_707 = arith.constant 26 : i32
        %add3A_708 = arith.addi %mul3A_706, %add3A_707 : i32
        %get3A_709 = arith.index_cast %add3A_708 : i32 to index
        %get3A_710 = arith.constant 16 : index
        %get3A_711 = tpu.vector_load %arg7[%get3A_709, %get3A_710] {strides = array<i32>} : memref<128x128xf32, #tpu.memory_space<vmem>>, vector<1x16xf32>,
        %get3A_712 = vector.shape_cast %get3A_711 : vector<1x16xf32> to vector<16xf32>
        %add3A_713 = arith.addf %add3A_704, %get3A_712 : vector<16xf32>
        %mul3A_714 = arith.constant 32 : i32
        %mul3A_715 = arith.muli %scan3A_185, %mul3A_714 : i32
        %add3A_716 = arith.constant 27 : i32
        %add3A_717 = arith.addi %mul3A_715, %add3A_716 : i32
        %get3A_718 = arith.index_cast %add3A_717 : i32 to index
        %get3A_719 = arith.constant 16 : index
        %get3A_720 = tpu.vector_load %arg7[%get3A_718, %get3A_719] {strides = array<i32>} : memref<128x128xf32, #tpu.memory_space<vmem>>, vector<1x16xf32>,
        %get3A_721 = vector.shape_cast %get3A_720 : vector<1x16xf32> to vector<16xf32>
        %add3A_722 = arith.addf %add3A_713, %get3A_721 : vector<16xf32>
        %mul3A_723 = arith.constant 32 : i32
        %mul3A_724 = arith.muli %scan3A_185, %mul3A_723 : i32
        %add3A_725 = arith.constant 28 : i32
        %add3A_726 = arith.addi %mul3A_724, %add3A_725 : i32
        %get3A_727 = arith.index_cast %add3A_726 : i32 to index
        %get3A_728 = arith.constant 16 : index
        %get3A_729 = tpu.vector_load %arg7[%get3A_727, %get3A_728] {strides = array<i32>} : memref<128x128xf32, #tpu.memory_space<vmem>>, vector<1x16xf32>,
        %get3A_730 = vector.shape_cast %get3A_729 : vector<1x16xf32> to vector<16xf32>
        %add3A_731 = arith.addf %add3A_722, %get3A_730 : vector<16xf32>
        %mul3A_732 = arith.constant 32 : i32
        %mul3A_733 = arith.muli %scan3A_185, %mul3A_732 : i32
        %add3A_734 = arith.constant 29 : i32
        %add3A_735 = arith.addi %mul3A_733, %add3A_734 : i32
        %get3A_736 = arith.index_cast %add3A_735 : i32 to index
        %get3A_737 = arith.constant 16 : index
        %get3A_738 = tpu.vector_load %arg7[%get3A_736, %get3A_737] {strides = array<i32>} : memref<128x128xf32, #tpu.memory_space<vmem>>, vector<1x16xf32>,
        %get3A_739 = vector.shape_cast %get3A_738 : vector<1x16xf32> to vector<16xf32>
        %add3A_740 = arith.addf %add3A_731, %get3A_739 : vector<16xf32>
        %mul3A_741 = arith.constant 32 : i32
        %mul3A_742 = arith.muli %scan3A_185, %mul3A_741 : i32
        %add3A_743 = arith.constant 30 : i32
        %add3A_744 = arith.addi %mul3A_742, %add3A_743 : i32
        %get3A_745 = arith.index_cast %add3A_744 : i32 to index
        %get3A_746 = arith.constant 16 : index
        %get3A_747 = tpu.vector_load %arg7[%get3A_745, %get3A_746] {strides = array<i32>} : memref<128x128xf32, #tpu.memory_space<vmem>>, vector<1x16xf32>,
        %get3A_748 = vector.shape_cast %get3A_747 : vector<1x16xf32> to vector<16xf32>
        %add3A_749 = arith.addf %add3A_740, %get3A_748 : vector<16xf32>
        %mul3A_750 = arith.constant 32 : i32
        %mul3A_751 = arith.muli %scan3A_185, %mul3A_750 : i32
        %add3A_752 = arith.constant 31 : i32
        %add3A_753 = arith.addi %mul3A_751, %add3A_752 : i32
        %get3A_754 = arith.index_cast %add3A_753 : i32 to index
        %get3A_755 = arith.constant 16 : index
        %get3A_756 = tpu.vector_load %arg7[%get3A_754, %get3A_755] {strides = array<i32>} : memref<128x128xf32, #tpu.memory_space<vmem>>, vector<1x16xf32>,
        %get3A_757 = vector.shape_cast %get3A_756 : vector<1x16xf32> to vector<16xf32>
        %add3A_758 = arith.addf %add3A_749, %get3A_757 : vector<16xf32>
        %swap3A_759 = arith.index_cast %scan3A_185 : i32 to index
        %swap3A_760 = arith.constant 16 : index
        %swap3A_761 = tpu.vector_load %arg9[%swap3A_759, %swap3A_760] {strides = array<i32>} : memref<4x128xf32, #tpu.memory_space<vmem>>, vector<1x16xf32>,
        %swap3A_762 = vector.shape_cast %swap3A_761 : vector<1x16xf32> to vector<16xf32>
        %swap3A_763 = vector.shape_cast %add3A_758 : vector<16xf32> to vector<1x16xf32>
        tpu.vector_store %arg9[%swap3A_759, %swap3A_760], %swap3A_763 {strides = array<i32>} : memref<4x128xf32, #tpu.memory_space<vmem>>, vector<1x16xf32>,
        %mul3A_764 = arith.constant 32 : i32
        %mul3A_765 = arith.muli %scan3A_185, %mul3A_764 : i32
        %get3A_766 = arith.index_cast %mul3A_765 : i32 to index
        %get3A_767 = arith.constant 32 : index
        %get3A_768 = tpu.vector_load %arg7[%get3A_766, %get3A_767] {strides = array<i32>} : memref<128x128xf32, #tpu.memory_space<vmem>>, vector<1x16xf32>,
        %get3A_769 = vector.shape_cast %get3A_768 : vector<1x16xf32> to vector<16xf32>
        %mul3A_770 = arith.constant 32 : i32
        %mul3A_771 = arith.muli %scan3A_185, %mul3A_770 : i32
        %add3A_772 = arith.constant 1 : i32
        %add3A_773 = arith.addi %mul3A_771, %add3A_772 : i32
        %get3A_774 = arith.index_cast %add3A_773 : i32 to index
        %get3A_775 = arith.constant 32 : index
        %get3A_776 = tpu.vector_load %arg7[%get3A_774, %get3A_775] {strides = array<i32>} : memref<128x128xf32, #tpu.memory_space<vmem>>, vector<1x16xf32>,
        %get3A_777 = vector.shape_cast %get3A_776 : vector<1x16xf32> to vector<16xf32>
        %add3A_778 = arith.addf %get3A_769, %get3A_777 : vector<16xf32>
        %mul3A_779 = arith.constant 32 : i32
        %mul3A_780 = arith.muli %scan3A_185, %mul3A_779 : i32
        %add3A_781 = arith.constant 2 : i32
        %add3A_782 = arith.addi %mul3A_780, %add3A_781 : i32
        %get3A_783 = arith.index_cast %add3A_782 : i32 to index
        %get3A_784 = arith.constant 32 : index
        %get3A_785 = tpu.vector_load %arg7[%get3A_783, %get3A_784] {strides = array<i32>} : memref<128x128xf32, #tpu.memory_space<vmem>>, vector<1x16xf32>,
        %get3A_786 = vector.shape_cast %get3A_785 : vector<1x16xf32> to vector<16xf32>
        %add3A_787 = arith.addf %add3A_778, %get3A_786 : vector<16xf32>
        %mul3A_788 = arith.constant 32 : i32
        %mul3A_789 = arith.muli %scan3A_185, %mul3A_788 : i32
        %add3A_790 = arith.constant 3 : i32
        %add3A_791 = arith.addi %mul3A_789, %add3A_790 : i32
        %get3A_792 = arith.index_cast %add3A_791 : i32 to index
        %get3A_793 = arith.constant 32 : index
        %get3A_794 = tpu.vector_load %arg7[%get3A_792, %get3A_793] {strides = array<i32>} : memref<128x128xf32, #tpu.memory_space<vmem>>, vector<1x16xf32>,
        %get3A_795 = vector.shape_cast %get3A_794 : vector<1x16xf32> to vector<16xf32>
        %add3A_796 = arith.addf %add3A_787, %get3A_795 : vector<16xf32>
        %mul3A_797 = arith.constant 32 : i32
        %mul3A_798 = arith.muli %scan3A_185, %mul3A_797 : i32
        %add3A_799 = arith.constant 4 : i32
        %add3A_800 = arith.addi %mul3A_798, %add3A_799 : i32
        %get3A_801 = arith.index_cast %add3A_800 : i32 to index
        %get3A_802 = arith.constant 32 : index
        %get3A_803 = tpu.vector_load %arg7[%get3A_801, %get3A_802] {strides = array<i32>} : memref<128x128xf32, #tpu.memory_space<vmem>>, vector<1x16xf32>,
        %get3A_804 = vector.shape_cast %get3A_803 : vector<1x16xf32> to vector<16xf32>
        %add3A_805 = arith.addf %add3A_796, %get3A_804 : vector<16xf32>
        %mul3A_806 = arith.constant 32 : i32
        %mul3A_807 = arith.muli %scan3A_185, %mul3A_806 : i32
        %add3A_808 = arith.constant 5 : i32
        %add3A_809 = arith.addi %mul3A_807, %add3A_808 : i32
        %get3A_810 = arith.index_cast %add3A_809 : i32 to index
        %get3A_811 = arith.constant 32 : index
        %get3A_812 = tpu.vector_load %arg7[%get3A_810, %get3A_811] {strides = array<i32>} : memref<128x128xf32, #tpu.memory_space<vmem>>, vector<1x16xf32>,
        %get3A_813 = vector.shape_cast %get3A_812 : vector<1x16xf32> to vector<16xf32>
        %add3A_814 = arith.addf %add3A_805, %get3A_813 : vector<16xf32>
        %mul3A_815 = arith.constant 32 : i32
        %mul3A_816 = arith.muli %scan3A_185, %mul3A_815 : i32
        %add3A_817 = arith.constant 6 : i32
        %add3A_818 = arith.addi %mul3A_816, %add3A_817 : i32
        %get3A_819 = arith.index_cast %add3A_818 : i32 to index
        %get3A_820 = arith.constant 32 : index
        %get3A_821 = tpu.vector_load %arg7[%get3A_819, %get3A_820] {strides = array<i32>} : memref<128x128xf32, #tpu.memory_space<vmem>>, vector<1x16xf32>,
        %get3A_822 = vector.shape_cast %get3A_821 : vector<1x16xf32> to vector<16xf32>
        %add3A_823 = arith.addf %add3A_814, %get3A_822 : vector<16xf32>
        %mul3A_824 = arith.constant 32 : i32
        %mul3A_825 = arith.muli %scan3A_185, %mul3A_824 : i32
        %add3A_826 = arith.constant 7 : i32
        %add3A_827 = arith.addi %mul3A_825, %add3A_826 : i32
        %get3A_828 = arith.index_cast %add3A_827 : i32 to index
        %get3A_829 = arith.constant 32 : index
        %get3A_830 = tpu.vector_load %arg7[%get3A_828, %get3A_829] {strides = array<i32>} : memref<128x128xf32, #tpu.memory_space<vmem>>, vector<1x16xf32>,
        %get3A_831 = vector.shape_cast %get3A_830 : vector<1x16xf32> to vector<16xf32>
        %add3A_832 = arith.addf %add3A_823, %get3A_831 : vector<16xf32>
        %mul3A_833 = arith.constant 32 : i32
        %mul3A_834 = arith.muli %scan3A_185, %mul3A_833 : i32
        %add3A_835 = arith.constant 8 : i32
        %add3A_836 = arith.addi %mul3A_834, %add3A_835 : i32
        %get3A_837 = arith.index_cast %add3A_836 : i32 to index
        %get3A_838 = arith.constant 32 : index
        %get3A_839 = tpu.vector_load %arg7[%get3A_837, %get3A_838] {strides = array<i32>} : memref<128x128xf32, #tpu.memory_space<vmem>>, vector<1x16xf32>,
        %get3A_840 = vector.shape_cast %get3A_839 : vector<1x16xf32> to vector<16xf32>
        %add3A_841 = arith.addf %add3A_832, %get3A_840 : vector<16xf32>
        %mul3A_842 = arith.constant 32 : i32
        %mul3A_843 = arith.muli %scan3A_185, %mul3A_842 : i32
        %add3A_844 = arith.constant 9 : i32
        %add3A_845 = arith.addi %mul3A_843, %add3A_844 : i32
        %get3A_846 = arith.index_cast %add3A_845 : i32 to index
        %get3A_847 = arith.constant 32 : index
        %get3A_848 = tpu.vector_load %arg7[%get3A_846, %get3A_847] {strides = array<i32>} : memref<128x128xf32, #tpu.memory_space<vmem>>, vector<1x16xf32>,
        %get3A_849 = vector.shape_cast %get3A_848 : vector<1x16xf32> to vector<16xf32>
        %add3A_850 = arith.addf %add3A_841, %get3A_849 : vector<16xf32>
        %mul3A_851 = arith.constant 32 : i32
        %mul3A_852 = arith.muli %scan3A_185, %mul3A_851 : i32
        %add3A_853 = arith.constant 10 : i32
        %add3A_854 = arith.addi %mul3A_852, %add3A_853 : i32
        %get3A_855 = arith.index_cast %add3A_854 : i32 to index
        %get3A_856 = arith.constant 32 : index
        %get3A_857 = tpu.vector_load %arg7[%get3A_855, %get3A_856] {strides = array<i32>} : memref<128x128xf32, #tpu.memory_space<vmem>>, vector<1x16xf32>,
        %get3A_858 = vector.shape_cast %get3A_857 : vector<1x16xf32> to vector<16xf32>
        %add3A_859 = arith.addf %add3A_850, %get3A_858 : vector<16xf32>
        %mul3A_860 = arith.constant 32 : i32
        %mul3A_861 = arith.muli %scan3A_185, %mul3A_860 : i32
        %add3A_862 = arith.constant 11 : i32
        %add3A_863 = arith.addi %mul3A_861, %add3A_862 : i32
        %get3A_864 = arith.index_cast %add3A_863 : i32 to index
        %get3A_865 = arith.constant 32 : index
        %get3A_866 = tpu.vector_load %arg7[%get3A_864, %get3A_865] {strides = array<i32>} : memref<128x128xf32, #tpu.memory_space<vmem>>, vector<1x16xf32>,
        %get3A_867 = vector.shape_cast %get3A_866 : vector<1x16xf32> to vector<16xf32>
        %add3A_868 = arith.addf %add3A_859, %get3A_867 : vector<16xf32>
        %mul3A_869 = arith.constant 32 : i32
        %mul3A_870 = arith.muli %scan3A_185, %mul3A_869 : i32
        %add3A_871 = arith.constant 12 : i32
        %add3A_872 = arith.addi %mul3A_870, %add3A_871 : i32
        %get3A_873 = arith.index_cast %add3A_872 : i32 to index
        %get3A_874 = arith.constant 32 : index
        %get3A_875 = tpu.vector_load %arg7[%get3A_873, %get3A_874] {strides = array<i32>} : memref<128x128xf32, #tpu.memory_space<vmem>>, vector<1x16xf32>,
        %get3A_876 = vector.shape_cast %get3A_875 : vector<1x16xf32> to vector<16xf32>
        %add3A_877 = arith.addf %add3A_868, %get3A_876 : vector<16xf32>
        %mul3A_878 = arith.constant 32 : i32
        %mul3A_879 = arith.muli %scan3A_185, %mul3A_878 : i32
        %add3A_880 = arith.constant 13 : i32
        %add3A_881 = arith.addi %mul3A_879, %add3A_880 : i32
        %get3A_882 = arith.index_cast %add3A_881 : i32 to index
        %get3A_883 = arith.constant 32 : index
        %get3A_884 = tpu.vector_load %arg7[%get3A_882, %get3A_883] {strides = array<i32>} : memref<128x128xf32, #tpu.memory_space<vmem>>, vector<1x16xf32>,
        %get3A_885 = vector.shape_cast %get3A_884 : vector<1x16xf32> to vector<16xf32>
        %add3A_886 = arith.addf %add3A_877, %get3A_885 : vector<16xf32>
        %mul3A_887 = arith.constant 32 : i32
        %mul3A_888 = arith.muli %scan3A_185, %mul3A_887 : i32
        %add3A_889 = arith.constant 14 : i32
        %add3A_890 = arith.addi %mul3A_888, %add3A_889 : i32
        %get3A_891 = arith.index_cast %add3A_890 : i32 to index
        %get3A_892 = arith.constant 32 : index
        %get3A_893 = tpu.vector_load %arg7[%get3A_891, %get3A_892] {strides = array<i32>} : memref<128x128xf32, #tpu.memory_space<vmem>>, vector<1x16xf32>,
        %get3A_894 = vector.shape_cast %get3A_893 : vector<1x16xf32> to vector<16xf32>
        %add3A_895 = arith.addf %add3A_886, %get3A_894 : vector<16xf32>
        %mul3A_896 = arith.constant 32 : i32
        %mul3A_897 = arith.muli %scan3A_185, %mul3A_896 : i32
        %add3A_898 = arith.constant 15 : i32
        %add3A_899 = arith.addi %mul3A_897, %add3A_898 : i32
        %get3A_900 = arith.index_cast %add3A_899 : i32 to index
        %get3A_901 = arith.constant 32 : index
        %get3A_902 = tpu.vector_load %arg7[%get3A_900, %get3A_901] {strides = array<i32>} : memref<128x128xf32, #tpu.memory_space<vmem>>, vector<1x16xf32>,
        %get3A_903 = vector.shape_cast %get3A_902 : vector<1x16xf32> to vector<16xf32>
        %add3A_904 = arith.addf %add3A_895, %get3A_903 : vector<16xf32>
        %mul3A_905 = arith.constant 32 : i32
        %mul3A_906 = arith.muli %scan3A_185, %mul3A_905 : i32
        %add3A_907 = arith.constant 16 : i32
        %add3A_908 = arith.addi %mul3A_906, %add3A_907 : i32
        %get3A_909 = arith.index_cast %add3A_908 : i32 to index
        %get3A_910 = arith.constant 32 : index
        %get3A_911 = tpu.vector_load %arg7[%get3A_909, %get3A_910] {strides = array<i32>} : memref<128x128xf32, #tpu.memory_space<vmem>>, vector<1x16xf32>,
        %get3A_912 = vector.shape_cast %get3A_911 : vector<1x16xf32> to vector<16xf32>
        %add3A_913 = arith.addf %add3A_904, %get3A_912 : vector<16xf32>
        %mul3A_914 = arith.constant 32 : i32
        %mul3A_915 = arith.muli %scan3A_185, %mul3A_914 : i32
        %add3A_916 = arith.constant 17 : i32
        %add3A_917 = arith.addi %mul3A_915, %add3A_916 : i32
        %get3A_918 = arith.index_cast %add3A_917 : i32 to index
        %get3A_919 = arith.constant 32 : index
        %get3A_920 = tpu.vector_load %arg7[%get3A_918, %get3A_919] {strides = array<i32>} : memref<128x128xf32, #tpu.memory_space<vmem>>, vector<1x16xf32>,
        %get3A_921 = vector.shape_cast %get3A_920 : vector<1x16xf32> to vector<16xf32>
        %add3A_922 = arith.addf %add3A_913, %get3A_921 : vector<16xf32>
        %mul3A_923 = arith.constant 32 : i32
        %mul3A_924 = arith.muli %scan3A_185, %mul3A_923 : i32
        %add3A_925 = arith.constant 18 : i32
        %add3A_926 = arith.addi %mul3A_924, %add3A_925 : i32
        %get3A_927 = arith.index_cast %add3A_926 : i32 to index
        %get3A_928 = arith.constant 32 : index
        %get3A_929 = tpu.vector_load %arg7[%get3A_927, %get3A_928] {strides = array<i32>} : memref<128x128xf32, #tpu.memory_space<vmem>>, vector<1x16xf32>,
        %get3A_930 = vector.shape_cast %get3A_929 : vector<1x16xf32> to vector<16xf32>
        %add3A_931 = arith.addf %add3A_922, %get3A_930 : vector<16xf32>
        %mul3A_932 = arith.constant 32 : i32
        %mul3A_933 = arith.muli %scan3A_185, %mul3A_932 : i32
        %add3A_934 = arith.constant 19 : i32
        %add3A_935 = arith.addi %mul3A_933, %add3A_934 : i32
        %get3A_936 = arith.index_cast %add3A_935 : i32 to index
        %get3A_937 = arith.constant 32 : index
        %get3A_938 = tpu.vector_load %arg7[%get3A_936, %get3A_937] {strides = array<i32>} : memref<128x128xf32, #tpu.memory_space<vmem>>, vector<1x16xf32>,
        %get3A_939 = vector.shape_cast %get3A_938 : vector<1x16xf32> to vector<16xf32>
        %add3A_940 = arith.addf %add3A_931, %get3A_939 : vector<16xf32>
        %mul3A_941 = arith.constant 32 : i32
        %mul3A_942 = arith.muli %scan3A_185, %mul3A_941 : i32
        %add3A_943 = arith.constant 20 : i32
        %add3A_944 = arith.addi %mul3A_942, %add3A_943 : i32
        %get3A_945 = arith.index_cast %add3A_944 : i32 to index
        %get3A_946 = arith.constant 32 : index
        %get3A_947 = tpu.vector_load %arg7[%get3A_945, %get3A_946] {strides = array<i32>} : memref<128x128xf32, #tpu.memory_space<vmem>>, vector<1x16xf32>,
        %get3A_948 = vector.shape_cast %get3A_947 : vector<1x16xf32> to vector<16xf32>
        %add3A_949 = arith.addf %add3A_940, %get3A_948 : vector<16xf32>
        %mul3A_950 = arith.constant 32 : i32
        %mul3A_951 = arith.muli %scan3A_185, %mul3A_950 : i32
        %add3A_952 = arith.constant 21 : i32
        %add3A_953 = arith.addi %mul3A_951, %add3A_952 : i32
        %get3A_954 = arith.index_cast %add3A_953 : i32 to index
        %get3A_955 = arith.constant 32 : index
        %get3A_956 = tpu.vector_load %arg7[%get3A_954, %get3A_955] {strides = array<i32>} : memref<128x128xf32, #tpu.memory_space<vmem>>, vector<1x16xf32>,
        %get3A_957 = vector.shape_cast %get3A_956 : vector<1x16xf32> to vector<16xf32>
        %add3A_958 = arith.addf %add3A_949, %get3A_957 : vector<16xf32>
        %mul3A_959 = arith.constant 32 : i32
        %mul3A_960 = arith.muli %scan3A_185, %mul3A_959 : i32
        %add3A_961 = arith.constant 22 : i32
        %add3A_962 = arith.addi %mul3A_960, %add3A_961 : i32
        %get3A_963 = arith.index_cast %add3A_962 : i32 to index
        %get3A_964 = arith.constant 32 : index
        %get3A_965 = tpu.vector_load %arg7[%get3A_963, %get3A_964] {strides = array<i32>} : memref<128x128xf32, #tpu.memory_space<vmem>>, vector<1x16xf32>,
        %get3A_966 = vector.shape_cast %get3A_965 : vector<1x16xf32> to vector<16xf32>
        %add3A_967 = arith.addf %add3A_958, %get3A_966 : vector<16xf32>
        %mul3A_968 = arith.constant 32 : i32
        %mul3A_969 = arith.muli %scan3A_185, %mul3A_968 : i32
        %add3A_970 = arith.constant 23 : i32
        %add3A_971 = arith.addi %mul3A_969, %add3A_970 : i32
        %get3A_972 = arith.index_cast %add3A_971 : i32 to index
        %get3A_973 = arith.constant 32 : index
        %get3A_974 = tpu.vector_load %arg7[%get3A_972, %get3A_973] {strides = array<i32>} : memref<128x128xf32, #tpu.memory_space<vmem>>, vector<1x16xf32>,
        %get3A_975 = vector.shape_cast %get3A_974 : vector<1x16xf32> to vector<16xf32>
        %add3A_976 = arith.addf %add3A_967, %get3A_975 : vector<16xf32>
        %mul3A_977 = arith.constant 32 : i32
        %mul3A_978 = arith.muli %scan3A_185, %mul3A_977 : i32
        %add3A_979 = arith.constant 24 : i32
        %add3A_980 = arith.addi %mul3A_978, %add3A_979 : i32
        %get3A_981 = arith.index_cast %add3A_980 : i32 to index
        %get3A_982 = arith.constant 32 : index
        %get3A_983 = tpu.vector_load %arg7[%get3A_981, %get3A_982] {strides = array<i32>} : memref<128x128xf32, #tpu.memory_space<vmem>>, vector<1x16xf32>,
        %get3A_984 = vector.shape_cast %get3A_983 : vector<1x16xf32> to vector<16xf32>
        %add3A_985 = arith.addf %add3A_976, %get3A_984 : vector<16xf32>
        %mul3A_986 = arith.constant 32 : i32
        %mul3A_987 = arith.muli %scan3A_185, %mul3A_986 : i32
        %add3A_988 = arith.constant 25 : i32
        %add3A_989 = arith.addi %mul3A_987, %add3A_988 : i32
        %get3A_990 = arith.index_cast %add3A_989 : i32 to index
        %get3A_991 = arith.constant 32 : index
        %get3A_992 = tpu.vector_load %arg7[%get3A_990, %get3A_991] {strides = array<i32>} : memref<128x128xf32, #tpu.memory_space<vmem>>, vector<1x16xf32>,
        %get3A_993 = vector.shape_cast %get3A_992 : vector<1x16xf32> to vector<16xf32>
        %add3A_994 = arith.addf %add3A_985, %get3A_993 : vector<16xf32>
        %mul3A_995 = arith.constant 32 : i32
        %mul3A_996 = arith.muli %scan3A_185, %mul3A_995 : i32
        %add3A_997 = arith.constant 26 : i32
        %add3A_998 = arith.addi %mul3A_996, %add3A_997 : i32
        %get3A_999 = arith.index_cast %add3A_998 : i32 to index
        %get3A_1000 = arith.constant 32 : index
        %get3A_1001 = tpu.vector_load %arg7[%get3A_999, %get3A_1000] {strides = array<i32>} : memref<128x128xf32, #tpu.memory_space<vmem>>, vector<1x16xf32>,
        %get3A_1002 = vector.shape_cast %get3A_1001 : vector<1x16xf32> to vector<16xf32>
        %add3A_1003 = arith.addf %add3A_994, %get3A_1002 : vector<16xf32>
        %mul3A_1004 = arith.constant 32 : i32
        %mul3A_1005 = arith.muli %scan3A_185, %mul3A_1004 : i32
        %add3A_1006 = arith.constant 27 : i32
        %add3A_1007 = arith.addi %mul3A_1005, %add3A_1006 : i32
        %get3A_1008 = arith.index_cast %add3A_1007 : i32 to index
        %get3A_1009 = arith.constant 32 : index
        %get3A_1010 = tpu.vector_load %arg7[%get3A_1008, %get3A_1009] {strides = array<i32>} : memref<128x128xf32, #tpu.memory_space<vmem>>, vector<1x16xf32>,
        %get3A_1011 = vector.shape_cast %get3A_1010 : vector<1x16xf32> to vector<16xf32>
        %add3A_1012 = arith.addf %add3A_1003, %get3A_1011 : vector<16xf32>
        %mul3A_1013 = arith.constant 32 : i32
        %mul3A_1014 = arith.muli %scan3A_185, %mul3A_1013 : i32
        %add3A_1015 = arith.constant 28 : i32
        %add3A_1016 = arith.addi %mul3A_1014, %add3A_1015 : i32
        %get3A_1017 = arith.index_cast %add3A_1016 : i32 to index
        %get3A_1018 = arith.constant 32 : index
        %get3A_1019 = tpu.vector_load %arg7[%get3A_1017, %get3A_1018] {strides = array<i32>} : memref<128x128xf32, #tpu.memory_space<vmem>>, vector<1x16xf32>,
        %get3A_1020 = vector.shape_cast %get3A_1019 : vector<1x16xf32> to vector<16xf32>
        %add3A_1021 = arith.addf %add3A_1012, %get3A_1020 : vector<16xf32>
        %mul3A_1022 = arith.constant 32 : i32
        %mul3A_1023 = arith.muli %scan3A_185, %mul3A_1022 : i32
        %add3A_1024 = arith.constant 29 : i32
        %add3A_1025 = arith.addi %mul3A_1023, %add3A_1024 : i32
        %get3A_1026 = arith.index_cast %add3A_1025 : i32 to index
        %get3A_1027 = arith.constant 32 : index
        %get3A_1028 = tpu.vector_load %arg7[%get3A_1026, %get3A_1027] {strides = array<i32>} : memref<128x128xf32, #tpu.memory_space<vmem>>, vector<1x16xf32>,
        %get3A_1029 = vector.shape_cast %get3A_1028 : vector<1x16xf32> to vector<16xf32>
        %add3A_1030 = arith.addf %add3A_1021, %get3A_1029 : vector<16xf32>
        %mul3A_1031 = arith.constant 32 : i32
        %mul3A_1032 = arith.muli %scan3A_185, %mul3A_1031 : i32
        %add3A_1033 = arith.constant 30 : i32
        %add3A_1034 = arith.addi %mul3A_1032, %add3A_1033 : i32
        %get3A_1035 = arith.index_cast %add3A_1034 : i32 to index
        %get3A_1036 = arith.constant 32 : index
        %get3A_1037 = tpu.vector_load %arg7[%get3A_1035, %get3A_1036] {strides = array<i32>} : memref<128x128xf32, #tpu.memory_space<vmem>>, vector<1x16xf32>,
        %get3A_1038 = vector.shape_cast %get3A_1037 : vector<1x16xf32> to vector<16xf32>
        %add3A_1039 = arith.addf %add3A_1030, %get3A_1038 : vector<16xf32>
        %mul3A_1040 = arith.constant 32 : i32
        %mul3A_1041 = arith.muli %scan3A_185, %mul3A_1040 : i32
        %add3A_1042 = arith.constant 31 : i32
        %add3A_1043 = arith.addi %mul3A_1041, %add3A_1042 : i32
        %get3A_1044 = arith.index_cast %add3A_1043 : i32 to index
        %get3A_1045 = arith.constant 32 : index
        %get3A_1046 = tpu.vector_load %arg7[%get3A_1044, %get3A_1045] {strides = array<i32>} : memref<128x128xf32, #tpu.memory_space<vmem>>, vector<1x16xf32>,
        %get3A_1047 = vector.shape_cast %get3A_1046 : vector<1x16xf32> to vector<16xf32>
        %add3A_1048 = arith.addf %add3A_1039, %get3A_1047 : vector<16xf32>
        %swap3A_1049 = arith.index_cast %scan3A_185 : i32 to index
        %swap3A_1050 = arith.constant 32 : index
        %swap3A_1051 = tpu.vector_load %arg9[%swap3A_1049, %swap3A_1050] {strides = array<i32>} : memref<4x128xf32, #tpu.memory_space<vmem>>, vector<1x16xf32>,
        %swap3A_1052 = vector.shape_cast %swap3A_1051 : vector<1x16xf32> to vector<16xf32>
        %swap3A_1053 = vector.shape_cast %add3A_1048 : vector<16xf32> to vector<1x16xf32>
        tpu.vector_store %arg9[%swap3A_1049, %swap3A_1050], %swap3A_1053 {strides = array<i32>} : memref<4x128xf32, #tpu.memory_space<vmem>>, vector<1x16xf32>,
        %mul3A_1054 = arith.constant 32 : i32
        %mul3A_1055 = arith.muli %scan3A_185, %mul3A_1054 : i32
        %get3A_1056 = arith.index_cast %mul3A_1055 : i32 to index
        %get3A_1057 = arith.constant 48 : index
        %get3A_1058 = tpu.vector_load %arg7[%get3A_1056, %get3A_1057] {strides = array<i32>} : memref<128x128xf32, #tpu.memory_space<vmem>>, vector<1x16xf32>,
        %get3A_1059 = vector.shape_cast %get3A_1058 : vector<1x16xf32> to vector<16xf32>
        %mul3A_1060 = arith.constant 32 : i32
        %mul3A_1061 = arith.muli %scan3A_185, %mul3A_1060 : i32
        %add3A_1062 = arith.constant 1 : i32
        %add3A_1063 = arith.addi %mul3A_1061, %add3A_1062 : i32
        %get3A_1064 = arith.index_cast %add3A_1063 : i32 to index
        %get3A_1065 = arith.constant 48 : index
        %get3A_1066 = tpu.vector_load %arg7[%get3A_1064, %get3A_1065] {strides = array<i32>} : memref<128x128xf32, #tpu.memory_space<vmem>>, vector<1x16xf32>,
        %get3A_1067 = vector.shape_cast %get3A_1066 : vector<1x16xf32> to vector<16xf32>
        %add3A_1068 = arith.addf %get3A_1059, %get3A_1067 : vector<16xf32>
        %mul3A_1069 = arith.constant 32 : i32
        %mul3A_1070 = arith.muli %scan3A_185, %mul3A_1069 : i32
        %add3A_1071 = arith.constant 2 : i32
        %add3A_1072 = arith.addi %mul3A_1070, %add3A_1071 : i32
        %get3A_1073 = arith.index_cast %add3A_1072 : i32 to index
        %get3A_1074 = arith.constant 48 : index
        %get3A_1075 = tpu.vector_load %arg7[%get3A_1073, %get3A_1074] {strides = array<i32>} : memref<128x128xf32, #tpu.memory_space<vmem>>, vector<1x16xf32>,
        %get3A_1076 = vector.shape_cast %get3A_1075 : vector<1x16xf32> to vector<16xf32>
        %add3A_1077 = arith.addf %add3A_1068, %get3A_1076 : vector<16xf32>
        %mul3A_1078 = arith.constant 32 : i32
        %mul3A_1079 = arith.muli %scan3A_185, %mul3A_1078 : i32
        %add3A_1080 = arith.constant 3 : i32
        %add3A_1081 = arith.addi %mul3A_1079, %add3A_1080 : i32
        %get3A_1082 = arith.index_cast %add3A_1081 : i32 to index
        %get3A_1083 = arith.constant 48 : index
        %get3A_1084 = tpu.vector_load %arg7[%get3A_1082, %get3A_1083] {strides = array<i32>} : memref<128x128xf32, #tpu.memory_space<vmem>>, vector<1x16xf32>,
        %get3A_1085 = vector.shape_cast %get3A_1084 : vector<1x16xf32> to vector<16xf32>
        %add3A_1086 = arith.addf %add3A_1077, %get3A_1085 : vector<16xf32>
        %mul3A_1087 = arith.constant 32 : i32
        %mul3A_1088 = arith.muli %scan3A_185, %mul3A_1087 : i32
        %add3A_1089 = arith.constant 4 : i32
        %add3A_1090 = arith.addi %mul3A_1088, %add3A_1089 : i32
        %get3A_1091 = arith.index_cast %add3A_1090 : i32 to index
        %get3A_1092 = arith.constant 48 : index
        %get3A_1093 = tpu.vector_load %arg7[%get3A_1091, %get3A_1092] {strides = array<i32>} : memref<128x128xf32, #tpu.memory_space<vmem>>, vector<1x16xf32>,
        %get3A_1094 = vector.shape_cast %get3A_1093 : vector<1x16xf32> to vector<16xf32>
        %add3A_1095 = arith.addf %add3A_1086, %get3A_1094 : vector<16xf32>
        %mul3A_1096 = arith.constant 32 : i32
        %mul3A_1097 = arith.muli %scan3A_185, %mul3A_1096 : i32
        %add3A_1098 = arith.constant 5 : i32
        %add3A_1099 = arith.addi %mul3A_1097, %add3A_1098 : i32
        %get3A_1100 = arith.index_cast %add3A_1099 : i32 to index
        %get3A_1101 = arith.constant 48 : index
        %get3A_1102 = tpu.vector_load %arg7[%get3A_1100, %get3A_1101] {strides = array<i32>} : memref<128x128xf32, #tpu.memory_space<vmem>>, vector<1x16xf32>,
        %get3A_1103 = vector.shape_cast %get3A_1102 : vector<1x16xf32> to vector<16xf32>
        %add3A_1104 = arith.addf %add3A_1095, %get3A_1103 : vector<16xf32>
        %mul3A_1105 = arith.constant 32 : i32
        %mul3A_1106 = arith.muli %scan3A_185, %mul3A_1105 : i32
        %add3A_1107 = arith.constant 6 : i32
        %add3A_1108 = arith.addi %mul3A_1106, %add3A_1107 : i32
        %get3A_1109 = arith.index_cast %add3A_1108 : i32 to index
        %get3A_1110 = arith.constant 48 : index
        %get3A_1111 = tpu.vector_load %arg7[%get3A_1109, %get3A_1110] {strides = array<i32>} : memref<128x128xf32, #tpu.memory_space<vmem>>, vector<1x16xf32>,
        %get3A_1112 = vector.shape_cast %get3A_1111 : vector<1x16xf32> to vector<16xf32>
        %add3A_1113 = arith.addf %add3A_1104, %get3A_1112 : vector<16xf32>
        %mul3A_1114 = arith.constant 32 : i32
        %mul3A_1115 = arith.muli %scan3A_185, %mul3A_1114 : i32
        %add3A_1116 = arith.constant 7 : i32
        %add3A_1117 = arith.addi %mul3A_1115, %add3A_1116 : i32
        %get3A_1118 = arith.index_cast %add3A_1117 : i32 to index
        %get3A_1119 = arith.constant 48 : index
        %get3A_1120 = tpu.vector_load %arg7[%get3A_1118, %get3A_1119] {strides = array<i32>} : memref<128x128xf32, #tpu.memory_space<vmem>>, vector<1x16xf32>,
        %get3A_1121 = vector.shape_cast %get3A_1120 : vector<1x16xf32> to vector<16xf32>
        %add3A_1122 = arith.addf %add3A_1113, %get3A_1121 : vector<16xf32>
        %mul3A_1123 = arith.constant 32 : i32
        %mul3A_1124 = arith.muli %scan3A_185, %mul3A_1123 : i32
        %add3A_1125 = arith.constant 8 : i32
        %add3A_1126 = arith.addi %mul3A_1124, %add3A_1125 : i32
        %get3A_1127 = arith.index_cast %add3A_1126 : i32 to index
        %get3A_1128 = arith.constant 48 : index
        %get3A_1129 = tpu.vector_load %arg7[%get3A_1127, %get3A_1128] {strides = array<i32>} : memref<128x128xf32, #tpu.memory_space<vmem>>, vector<1x16xf32>,
        %get3A_1130 = vector.shape_cast %get3A_1129 : vector<1x16xf32> to vector<16xf32>
        %add3A_1131 = arith.addf %add3A_1122, %get3A_1130 : vector<16xf32>
        %mul3A_1132 = arith.constant 32 : i32
        %mul3A_1133 = arith.muli %scan3A_185, %mul3A_1132 : i32
        %add3A_1134 = arith.constant 9 : i32
        %add3A_1135 = arith.addi %mul3A_1133, %add3A_1134 : i32
        %get3A_1136 = arith.index_cast %add3A_1135 : i32 to index
        %get3A_1137 = arith.constant 48 : index
        %get3A_1138 = tpu.vector_load %arg7[%get3A_1136, %get3A_1137] {strides = array<i32>} : memref<128x128xf32, #tpu.memory_space<vmem>>, vector<1x16xf32>,
        %get3A_1139 = vector.shape_cast %get3A_1138 : vector<1x16xf32> to vector<16xf32>
        %add3A_1140 = arith.addf %add3A_1131, %get3A_1139 : vector<16xf32>
        %mul3A_1141 = arith.constant 32 : i32
        %mul3A_1142 = arith.muli %scan3A_185, %mul3A_1141 : i32
        %add3A_1143 = arith.constant 10 : i32
        %add3A_1144 = arith.addi %mul3A_1142, %add3A_1143 : i32
        %get3A_1145 = arith.index_cast %add3A_1144 : i32 to index
        %get3A_1146 = arith.constant 48 : index
        %get3A_1147 = tpu.vector_load %arg7[%get3A_1145, %get3A_1146] {strides = array<i32>} : memref<128x128xf32, #tpu.memory_space<vmem>>, vector<1x16xf32>,
        %get3A_1148 = vector.shape_cast %get3A_1147 : vector<1x16xf32> to vector<16xf32>
        %add3A_1149 = arith.addf %add3A_1140, %get3A_1148 : vector<16xf32>
        %mul3A_1150 = arith.constant 32 : i32
        %mul3A_1151 = arith.muli %scan3A_185, %mul3A_1150 : i32
        %add3A_1152 = arith.constant 11 : i32
        %add3A_1153 = arith.addi %mul3A_1151, %add3A_1152 : i32
        %get3A_1154 = arith.index_cast %add3A_1153 : i32 to index
        %get3A_1155 = arith.constant 48 : index
        %get3A_1156 = tpu.vector_load %arg7[%get3A_1154, %get3A_1155] {strides = array<i32>} : memref<128x128xf32, #tpu.memory_space<vmem>>, vector<1x16xf32>,
        %get3A_1157 = vector.shape_cast %get3A_1156 : vector<1x16xf32> to vector<16xf32>
        %add3A_1158 = arith.addf %add3A_1149, %get3A_1157 : vector<16xf32>
        %mul3A_1159 = arith.constant 32 : i32
        %mul3A_1160 = arith.muli %scan3A_185, %mul3A_1159 : i32
        %add3A_1161 = arith.constant 12 : i32
        %add3A_1162 = arith.addi %mul3A_1160, %add3A_1161 : i32
        %get3A_1163 = arith.index_cast %add3A_1162 : i32 to index
        %get3A_1164 = arith.constant 48 : index
        %get3A_1165 = tpu.vector_load %arg7[%get3A_1163, %get3A_1164] {strides = array<i32>} : memref<128x128xf32, #tpu.memory_space<vmem>>, vector<1x16xf32>,
        %get3A_1166 = vector.shape_cast %get3A_1165 : vector<1x16xf32> to vector<16xf32>
        %add3A_1167 = arith.addf %add3A_1158, %get3A_1166 : vector<16xf32>
        %mul3A_1168 = arith.constant 32 : i32
        %mul3A_1169 = arith.muli %scan3A_185, %mul3A_1168 : i32
        %add3A_1170 = arith.constant 13 : i32
        %add3A_1171 = arith.addi %mul3A_1169, %add3A_1170 : i32
        %get3A_1172 = arith.index_cast %add3A_1171 : i32 to index
        %get3A_1173 = arith.constant 48 : index
        %get3A_1174 = tpu.vector_load %arg7[%get3A_1172, %get3A_1173] {strides = array<i32>} : memref<128x128xf32, #tpu.memory_space<vmem>>, vector<1x16xf32>,
        %get3A_1175 = vector.shape_cast %get3A_1174 : vector<1x16xf32> to vector<16xf32>
        %add3A_1176 = arith.addf %add3A_1167, %get3A_1175 : vector<16xf32>
        %mul3A_1177 = arith.constant 32 : i32
        %mul3A_1178 = arith.muli %scan3A_185, %mul3A_1177 : i32
        %add3A_1179 = arith.constant 14 : i32
        %add3A_1180 = arith.addi %mul3A_1178, %add3A_1179 : i32
        %get3A_1181 = arith.index_cast %add3A_1180 : i32 to index
        %get3A_1182 = arith.constant 48 : index
        %get3A_1183 = tpu.vector_load %arg7[%get3A_1181, %get3A_1182] {strides = array<i32>} : memref<128x128xf32, #tpu.memory_space<vmem>>, vector<1x16xf32>,
        %get3A_1184 = vector.shape_cast %get3A_1183 : vector<1x16xf32> to vector<16xf32>
        %add3A_1185 = arith.addf %add3A_1176, %get3A_1184 : vector<16xf32>
        %mul3A_1186 = arith.constant 32 : i32
        %mul3A_1187 = arith.muli %scan3A_185, %mul3A_1186 : i32
        %add3A_1188 = arith.constant 15 : i32
        %add3A_1189 = arith.addi %mul3A_1187, %add3A_1188 : i32
        %get3A_1190 = arith.index_cast %add3A_1189 : i32 to index
        %get3A_1191 = arith.constant 48 : index
        %get3A_1192 = tpu.vector_load %arg7[%get3A_1190, %get3A_1191] {strides = array<i32>} : memref<128x128xf32, #tpu.memory_space<vmem>>, vector<1x16xf32>,
        %get3A_1193 = vector.shape_cast %get3A_1192 : vector<1x16xf32> to vector<16xf32>
        %add3A_1194 = arith.addf %add3A_1185, %get3A_1193 : vector<16xf32>
        %mul3A_1195 = arith.constant 32 : i32
        %mul3A_1196 = arith.muli %scan3A_185, %mul3A_1195 : i32
        %add3A_1197 = arith.constant 16 : i32
        %add3A_1198 = arith.addi %mul3A_1196, %add3A_1197 : i32
        %get3A_1199 = arith.index_cast %add3A_1198 : i32 to index
        %get3A_1200 = arith.constant 48 : index
        %get3A_1201 = tpu.vector_load %arg7[%get3A_1199, %get3A_1200] {strides = array<i32>} : memref<128x128xf32, #tpu.memory_space<vmem>>, vector<1x16xf32>,
        %get3A_1202 = vector.shape_cast %get3A_1201 : vector<1x16xf32> to vector<16xf32>
        %add3A_1203 = arith.addf %add3A_1194, %get3A_1202 : vector<16xf32>
        %mul3A_1204 = arith.constant 32 : i32
        %mul3A_1205 = arith.muli %scan3A_185, %mul3A_1204 : i32
        %add3A_1206 = arith.constant 17 : i32
        %add3A_1207 = arith.addi %mul3A_1205, %add3A_1206 : i32
        %get3A_1208 = arith.index_cast %add3A_1207 : i32 to index
        %get3A_1209 = arith.constant 48 : index
        %get3A_1210 = tpu.vector_load %arg7[%get3A_1208, %get3A_1209] {strides = array<i32>} : memref<128x128xf32, #tpu.memory_space<vmem>>, vector<1x16xf32>,
        %get3A_1211 = vector.shape_cast %get3A_1210 : vector<1x16xf32> to vector<16xf32>
        %add3A_1212 = arith.addf %add3A_1203, %get3A_1211 : vector<16xf32>
        %mul3A_1213 = arith.constant 32 : i32
        %mul3A_1214 = arith.muli %scan3A_185, %mul3A_1213 : i32
        %add3A_1215 = arith.constant 18 : i32
        %add3A_1216 = arith.addi %mul3A_1214, %add3A_1215 : i32
        %get3A_1217 = arith.index_cast %add3A_1216 : i32 to index
        %get3A_1218 = arith.constant 48 : index
        %get3A_1219 = tpu.vector_load %arg7[%get3A_1217, %get3A_1218] {strides = array<i32>} : memref<128x128xf32, #tpu.memory_space<vmem>>, vector<1x16xf32>,
        %get3A_1220 = vector.shape_cast %get3A_1219 : vector<1x16xf32> to vector<16xf32>
        %add3A_1221 = arith.addf %add3A_1212, %get3A_1220 : vector<16xf32>
        %mul3A_1222 = arith.constant 32 : i32
        %mul3A_1223 = arith.muli %scan3A_185, %mul3A_1222 : i32
        %add3A_1224 = arith.constant 19 : i32
        %add3A_1225 = arith.addi %mul3A_1223, %add3A_1224 : i32
        %get3A_1226 = arith.index_cast %add3A_1225 : i32 to index
        %get3A_1227 = arith.constant 48 : index
        %get3A_1228 = tpu.vector_load %arg7[%get3A_1226, %get3A_1227] {strides = array<i32>} : memref<128x128xf32, #tpu.memory_space<vmem>>, vector<1x16xf32>,
        %get3A_1229 = vector.shape_cast %get3A_1228 : vector<1x16xf32> to vector<16xf32>
        %add3A_1230 = arith.addf %add3A_1221, %get3A_1229 : vector<16xf32>
        %mul3A_1231 = arith.constant 32 : i32
        %mul3A_1232 = arith.muli %scan3A_185, %mul3A_1231 : i32
        %add3A_1233 = arith.constant 20 : i32
        %add3A_1234 = arith.addi %mul3A_1232, %add3A_1233 : i32
        %get3A_1235 = arith.index_cast %add3A_1234 : i32 to index
        %get3A_1236 = arith.constant 48 : index
        %get3A_1237 = tpu.vector_load %arg7[%get3A_1235, %get3A_1236] {strides = array<i32>} : memref<128x128xf32, #tpu.memory_space<vmem>>, vector<1x16xf32>,
        %get3A_1238 = vector.shape_cast %get3A_1237 : vector<1x16xf32> to vector<16xf32>
        %add3A_1239 = arith.addf %add3A_1230, %get3A_1238 : vector<16xf32>
        %mul3A_1240 = arith.constant 32 : i32
        %mul3A_1241 = arith.muli %scan3A_185, %mul3A_1240 : i32
        %add3A_1242 = arith.constant 21 : i32
        %add3A_1243 = arith.addi %mul3A_1241, %add3A_1242 : i32
        %get3A_1244 = arith.index_cast %add3A_1243 : i32 to index
        %get3A_1245 = arith.constant 48 : index
        %get3A_1246 = tpu.vector_load %arg7[%get3A_1244, %get3A_1245] {strides = array<i32>} : memref<128x128xf32, #tpu.memory_space<vmem>>, vector<1x16xf32>,
        %get3A_1247 = vector.shape_cast %get3A_1246 : vector<1x16xf32> to vector<16xf32>
        %add3A_1248 = arith.addf %add3A_1239, %get3A_1247 : vector<16xf32>
        %mul3A_1249 = arith.constant 32 : i32
        %mul3A_1250 = arith.muli %scan3A_185, %mul3A_1249 : i32
        %add3A_1251 = arith.constant 22 : i32
        %add3A_1252 = arith.addi %mul3A_1250, %add3A_1251 : i32
        %get3A_1253 = arith.index_cast %add3A_1252 : i32 to index
        %get3A_1254 = arith.constant 48 : index
        %get3A_1255 = tpu.vector_load %arg7[%get3A_1253, %get3A_1254] {strides = array<i32>} : memref<128x128xf32, #tpu.memory_space<vmem>>, vector<1x16xf32>,
        %get3A_1256 = vector.shape_cast %get3A_1255 : vector<1x16xf32> to vector<16xf32>
        %add3A_1257 = arith.addf %add3A_1248, %get3A_1256 : vector<16xf32>
        %mul3A_1258 = arith.constant 32 : i32
        %mul3A_1259 = arith.muli %scan3A_185, %mul3A_1258 : i32
        %add3A_1260 = arith.constant 23 : i32
        %add3A_1261 = arith.addi %mul3A_1259, %add3A_1260 : i32
        %get3A_1262 = arith.index_cast %add3A_1261 : i32 to index
        %get3A_1263 = arith.constant 48 : index
        %get3A_1264 = tpu.vector_load %arg7[%get3A_1262, %get3A_1263] {strides = array<i32>} : memref<128x128xf32, #tpu.memory_space<vmem>>, vector<1x16xf32>,
        %get3A_1265 = vector.shape_cast %get3A_1264 : vector<1x16xf32> to vector<16xf32>
        %add3A_1266 = arith.addf %add3A_1257, %get3A_1265 : vector<16xf32>
        %mul3A_1267 = arith.constant 32 : i32
        %mul3A_1268 = arith.muli %scan3A_185, %mul3A_1267 : i32
        %add3A_1269 = arith.constant 24 : i32
        %add3A_1270 = arith.addi %mul3A_1268, %add3A_1269 : i32
        %get3A_1271 = arith.index_cast %add3A_1270 : i32 to index
        %get3A_1272 = arith.constant 48 : index
        %get3A_1273 = tpu.vector_load %arg7[%get3A_1271, %get3A_1272] {strides = array<i32>} : memref<128x128xf32, #tpu.memory_space<vmem>>, vector<1x16xf32>,
        %get3A_1274 = vector.shape_cast %get3A_1273 : vector<1x16xf32> to vector<16xf32>
        %add3A_1275 = arith.addf %add3A_1266, %get3A_1274 : vector<16xf32>
        %mul3A_1276 = arith.constant 32 : i32
        %mul3A_1277 = arith.muli %scan3A_185, %mul3A_1276 : i32
        %add3A_1278 = arith.constant 25 : i32
        %add3A_1279 = arith.addi %mul3A_1277, %add3A_1278 : i32
        %get3A_1280 = arith.index_cast %add3A_1279 : i32 to index
        %get3A_1281 = arith.constant 48 : index
        %get3A_1282 = tpu.vector_load %arg7[%get3A_1280, %get3A_1281] {strides = array<i32>} : memref<128x128xf32, #tpu.memory_space<vmem>>, vector<1x16xf32>,
        %get3A_1283 = vector.shape_cast %get3A_1282 : vector<1x16xf32> to vector<16xf32>
        %add3A_1284 = arith.addf %add3A_1275, %get3A_1283 : vector<16xf32>
        %mul3A_1285 = arith.constant 32 : i32
        %mul3A_1286 = arith.muli %scan3A_185, %mul3A_1285 : i32
        %add3A_1287 = arith.constant 26 : i32
        %add3A_1288 = arith.addi %mul3A_1286, %add3A_1287 : i32
        %get3A_1289 = arith.index_cast %add3A_1288 : i32 to index
        %get3A_1290 = arith.constant 48 : index
        %get3A_1291 = tpu.vector_load %arg7[%get3A_1289, %get3A_1290] {strides = array<i32>} : memref<128x128xf32, #tpu.memory_space<vmem>>, vector<1x16xf32>,
        %get3A_1292 = vector.shape_cast %get3A_1291 : vector<1x16xf32> to vector<16xf32>
        %add3A_1293 = arith.addf %add3A_1284, %get3A_1292 : vector<16xf32>
        %mul3A_1294 = arith.constant 32 : i32
        %mul3A_1295 = arith.muli %scan3A_185, %mul3A_1294 : i32
        %add3A_1296 = arith.constant 27 : i32
        %add3A_1297 = arith.addi %mul3A_1295, %add3A_1296 : i32
        %get3A_1298 = arith.index_cast %add3A_1297 : i32 to index
        %get3A_1299 = arith.constant 48 : index
        %get3A_1300 = tpu.vector_load %arg7[%get3A_1298, %get3A_1299] {strides = array<i32>} : memref<128x128xf32, #tpu.memory_space<vmem>>, vector<1x16xf32>,
        %get3A_1301 = vector.shape_cast %get3A_1300 : vector<1x16xf32> to vector<16xf32>
        %add3A_1302 = arith.addf %add3A_1293, %get3A_1301 : vector<16xf32>
        %mul3A_1303 = arith.constant 32 : i32
        %mul3A_1304 = arith.muli %scan3A_185, %mul3A_1303 : i32
        %add3A_1305 = arith.constant 28 : i32
        %add3A_1306 = arith.addi %mul3A_1304, %add3A_1305 : i32
        %get3A_1307 = arith.index_cast %add3A_1306 : i32 to index
        %get3A_1308 = arith.constant 48 : index
        %get3A_1309 = tpu.vector_load %arg7[%get3A_1307, %get3A_1308] {strides = array<i32>} : memref<128x128xf32, #tpu.memory_space<vmem>>, vector<1x16xf32>,
        %get3A_1310 = vector.shape_cast %get3A_1309 : vector<1x16xf32> to vector<16xf32>
        %add3A_1311 = arith.addf %add3A_1302, %get3A_1310 : vector<16xf32>
        %mul3A_1312 = arith.constant 32 : i32
        %mul3A_1313 = arith.muli %scan3A_185, %mul3A_1312 : i32
        %add3A_1314 = arith.constant 29 : i32
        %add3A_1315 = arith.addi %mul3A_1313, %add3A_1314 : i32
        %get3A_1316 = arith.index_cast %add3A_1315 : i32 to index
        %get3A_1317 = arith.constant 48 : index
        %get3A_1318 = tpu.vector_load %arg7[%get3A_1316, %get3A_1317] {strides = array<i32>} : memref<128x128xf32, #tpu.memory_space<vmem>>, vector<1x16xf32>,
        %get3A_1319 = vector.shape_cast %get3A_1318 : vector<1x16xf32> to vector<16xf32>
        %add3A_1320 = arith.addf %add3A_1311, %get3A_1319 : vector<16xf32>
        %mul3A_1321 = arith.constant 32 : i32
        %mul3A_1322 = arith.muli %scan3A_185, %mul3A_1321 : i32
        %add3A_1323 = arith.constant 30 : i32
        %add3A_1324 = arith.addi %mul3A_1322, %add3A_1323 : i32
        %get3A_1325 = arith.index_cast %add3A_1324 : i32 to index
        %get3A_1326 = arith.constant 48 : index
        %get3A_1327 = tpu.vector_load %arg7[%get3A_1325, %get3A_1326] {strides = array<i32>} : memref<128x128xf32, #tpu.memory_space<vmem>>, vector<1x16xf32>,
        %get3A_1328 = vector.shape_cast %get3A_1327 : vector<1x16xf32> to vector<16xf32>
        %add3A_1329 = arith.addf %add3A_1320, %get3A_1328 : vector<16xf32>
        %mul3A_1330 = arith.constant 32 : i32
        %mul3A_1331 = arith.muli %scan3A_185, %mul3A_1330 : i32
        %add3A_1332 = arith.constant 31 : i32
        %add3A_1333 = arith.addi %mul3A_1331, %add3A_1332 : i32
        %get3A_1334 = arith.index_cast %add3A_1333 : i32 to index
        %get3A_1335 = arith.constant 48 : index
        %get3A_1336 = tpu.vector_load %arg7[%get3A_1334, %get3A_1335] {strides = array<i32>} : memref<128x128xf32, #tpu.memory_space<vmem>>, vector<1x16xf32>,
        %get3A_1337 = vector.shape_cast %get3A_1336 : vector<1x16xf32> to vector<16xf32>
        %add3A_1338 = arith.addf %add3A_1329, %get3A_1337 : vector<16xf32>
        %swap3A_1339 = arith.index_cast %scan3A_185 : i32 to index
        %swap3A_1340 = arith.constant 48 : index
        %swap3A_1341 = tpu.vector_load %arg9[%swap3A_1339, %swap3A_1340] {strides = array<i32>} : memref<4x128xf32, #tpu.memory_space<vmem>>, vector<1x16xf32>,
        %swap3A_1342 = vector.shape_cast %swap3A_1341 : vector<1x16xf32> to vector<16xf32>
        %swap3A_1343 = vector.shape_cast %add3A_1338 : vector<16xf32> to vector<1x16xf32>
        tpu.vector_store %arg9[%swap3A_1339, %swap3A_1340], %swap3A_1343 {strides = array<i32>} : memref<4x128xf32, #tpu.memory_space<vmem>>, vector<1x16xf32>,
        %mul3A_1344 = arith.constant 32 : i32
        %mul3A_1345 = arith.muli %scan3A_185, %mul3A_1344 : i32
        %get3A_1346 = arith.index_cast %mul3A_1345 : i32 to index
        %get3A_1347 = arith.constant 64 : index
        %get3A_1348 = tpu.vector_load %arg7[%get3A_1346, %get3A_1347] {strides = array<i32>} : memref<128x128xf32, #tpu.memory_space<vmem>>, vector<1x16xf32>,
        %get3A_1349 = vector.shape_cast %get3A_1348 : vector<1x16xf32> to vector<16xf32>
        %mul3A_1350 = arith.constant 32 : i32
        %mul3A_1351 = arith.muli %scan3A_185, %mul3A_1350 : i32
        %add3A_1352 = arith.constant 1 : i32
        %add3A_1353 = arith.addi %mul3A_1351, %add3A_1352 : i32
        %get3A_1354 = arith.index_cast %add3A_1353 : i32 to index
        %get3A_1355 = arith.constant 64 : index
        %get3A_1356 = tpu.vector_load %arg7[%get3A_1354, %get3A_1355] {strides = array<i32>} : memref<128x128xf32, #tpu.memory_space<vmem>>, vector<1x16xf32>,
        %get3A_1357 = vector.shape_cast %get3A_1356 : vector<1x16xf32> to vector<16xf32>
        %add3A_1358 = arith.addf %get3A_1349, %get3A_1357 : vector<16xf32>
        %mul3A_1359 = arith.constant 32 : i32
        %mul3A_1360 = arith.muli %scan3A_185, %mul3A_1359 : i32
        %add3A_1361 = arith.constant 2 : i32
        %add3A_1362 = arith.addi %mul3A_1360, %add3A_1361 : i32
        %get3A_1363 = arith.index_cast %add3A_1362 : i32 to index
        %get3A_1364 = arith.constant 64 : index
        %get3A_1365 = tpu.vector_load %arg7[%get3A_1363, %get3A_1364] {strides = array<i32>} : memref<128x128xf32, #tpu.memory_space<vmem>>, vector<1x16xf32>,
        %get3A_1366 = vector.shape_cast %get3A_1365 : vector<1x16xf32> to vector<16xf32>
        %add3A_1367 = arith.addf %add3A_1358, %get3A_1366 : vector<16xf32>
        %mul3A_1368 = arith.constant 32 : i32
        %mul3A_1369 = arith.muli %scan3A_185, %mul3A_1368 : i32
        %add3A_1370 = arith.constant 3 : i32
        %add3A_1371 = arith.addi %mul3A_1369, %add3A_1370 : i32
        %get3A_1372 = arith.index_cast %add3A_1371 : i32 to index
        %get3A_1373 = arith.constant 64 : index
        %get3A_1374 = tpu.vector_load %arg7[%get3A_1372, %get3A_1373] {strides = array<i32>} : memref<128x128xf32, #tpu.memory_space<vmem>>, vector<1x16xf32>,
        %get3A_1375 = vector.shape_cast %get3A_1374 : vector<1x16xf32> to vector<16xf32>
        %add3A_1376 = arith.addf %add3A_1367, %get3A_1375 : vector<16xf32>
        %mul3A_1377 = arith.constant 32 : i32
        %mul3A_1378 = arith.muli %scan3A_185, %mul3A_1377 : i32
        %add3A_1379 = arith.constant 4 : i32
        %add3A_1380 = arith.addi %mul3A_1378, %add3A_1379 : i32
        %get3A_1381 = arith.index_cast %add3A_1380 : i32 to index
        %get3A_1382 = arith.constant 64 : index
        %get3A_1383 = tpu.vector_load %arg7[%get3A_1381, %get3A_1382] {strides = array<i32>} : memref<128x128xf32, #tpu.memory_space<vmem>>, vector<1x16xf32>,
        %get3A_1384 = vector.shape_cast %get3A_1383 : vector<1x16xf32> to vector<16xf32>
        %add3A_1385 = arith.addf %add3A_1376, %get3A_1384 : vector<16xf32>
        %mul3A_1386 = arith.constant 32 : i32
        %mul3A_1387 = arith.muli %scan3A_185, %mul3A_1386 : i32
        %add3A_1388 = arith.constant 5 : i32
        %add3A_1389 = arith.addi %mul3A_1387, %add3A_1388 : i32
        %get3A_1390 = arith.index_cast %add3A_1389 : i32 to index
        %get3A_1391 = arith.constant 64 : index
        %get3A_1392 = tpu.vector_load %arg7[%get3A_1390, %get3A_1391] {strides = array<i32>} : memref<128x128xf32, #tpu.memory_space<vmem>>, vector<1x16xf32>,
        %get3A_1393 = vector.shape_cast %get3A_1392 : vector<1x16xf32> to vector<16xf32>
        %add3A_1394 = arith.addf %add3A_1385, %get3A_1393 : vector<16xf32>
        %mul3A_1395 = arith.constant 32 : i32
        %mul3A_1396 = arith.muli %scan3A_185, %mul3A_1395 : i32
        %add3A_1397 = arith.constant 6 : i32
        %add3A_1398 = arith.addi %mul3A_1396, %add3A_1397 : i32
        %get3A_1399 = arith.index_cast %add3A_1398 : i32 to index
        %get3A_1400 = arith.constant 64 : index
        %get3A_1401 = tpu.vector_load %arg7[%get3A_1399, %get3A_1400] {strides = array<i32>} : memref<128x128xf32, #tpu.memory_space<vmem>>, vector<1x16xf32>,
        %get3A_1402 = vector.shape_cast %get3A_1401 : vector<1x16xf32> to vector<16xf32>
        %add3A_1403 = arith.addf %add3A_1394, %get3A_1402 : vector<16xf32>
        %mul3A_1404 = arith.constant 32 : i32
        %mul3A_1405 = arith.muli %scan3A_185, %mul3A_1404 : i32
        %add3A_1406 = arith.constant 7 : i32
        %add3A_1407 = arith.addi %mul3A_1405, %add3A_1406 : i32
        %get3A_1408 = arith.index_cast %add3A_1407 : i32 to index
        %get3A_1409 = arith.constant 64 : index
        %get3A_1410 = tpu.vector_load %arg7[%get3A_1408, %get3A_1409] {strides = array<i32>} : memref<128x128xf32, #tpu.memory_space<vmem>>, vector<1x16xf32>,
        %get3A_1411 = vector.shape_cast %get3A_1410 : vector<1x16xf32> to vector<16xf32>
        %add3A_1412 = arith.addf %add3A_1403, %get3A_1411 : vector<16xf32>
        %mul3A_1413 = arith.constant 32 : i32
        %mul3A_1414 = arith.muli %scan3A_185, %mul3A_1413 : i32
        %add3A_1415 = arith.constant 8 : i32
        %add3A_1416 = arith.addi %mul3A_1414, %add3A_1415 : i32
        %get3A_1417 = arith.index_cast %add3A_1416 : i32 to index
        %get3A_1418 = arith.constant 64 : index
        %get3A_1419 = tpu.vector_load %arg7[%get3A_1417, %get3A_1418] {strides = array<i32>} : memref<128x128xf32, #tpu.memory_space<vmem>>, vector<1x16xf32>,
        %get3A_1420 = vector.shape_cast %get3A_1419 : vector<1x16xf32> to vector<16xf32>
        %add3A_1421 = arith.addf %add3A_1412, %get3A_1420 : vector<16xf32>
        %mul3A_1422 = arith.constant 32 : i32
        %mul3A_1423 = arith.muli %scan3A_185, %mul3A_1422 : i32
        %add3A_1424 = arith.constant 9 : i32
        %add3A_1425 = arith.addi %mul3A_1423, %add3A_1424 : i32
        %get3A_1426 = arith.index_cast %add3A_1425 : i32 to index
        %get3A_1427 = arith.constant 64 : index
        %get3A_1428 = tpu.vector_load %arg7[%get3A_1426, %get3A_1427] {strides = array<i32>} : memref<128x128xf32, #tpu.memory_space<vmem>>, vector<1x16xf32>,
        %get3A_1429 = vector.shape_cast %get3A_1428 : vector<1x16xf32> to vector<16xf32>
        %add3A_1430 = arith.addf %add3A_1421, %get3A_1429 : vector<16xf32>
        %mul3A_1431 = arith.constant 32 : i32
        %mul3A_1432 = arith.muli %scan3A_185, %mul3A_1431 : i32
        %add3A_1433 = arith.constant 10 : i32
        %add3A_1434 = arith.addi %mul3A_1432, %add3A_1433 : i32
        %get3A_1435 = arith.index_cast %add3A_1434 : i32 to index
        %get3A_1436 = arith.constant 64 : index
        %get3A_1437 = tpu.vector_load %arg7[%get3A_1435, %get3A_1436] {strides = array<i32>} : memref<128x128xf32, #tpu.memory_space<vmem>>, vector<1x16xf32>,
        %get3A_1438 = vector.shape_cast %get3A_1437 : vector<1x16xf32> to vector<16xf32>
        %add3A_1439 = arith.addf %add3A_1430, %get3A_1438 : vector<16xf32>
        %mul3A_1440 = arith.constant 32 : i32
        %mul3A_1441 = arith.muli %scan3A_185, %mul3A_1440 : i32
        %add3A_1442 = arith.constant 11 : i32
        %add3A_1443 = arith.addi %mul3A_1441, %add3A_1442 : i32
        %get3A_1444 = arith.index_cast %add3A_1443 : i32 to index
        %get3A_1445 = arith.constant 64 : index
        %get3A_1446 = tpu.vector_load %arg7[%get3A_1444, %get3A_1445] {strides = array<i32>} : memref<128x128xf32, #tpu.memory_space<vmem>>, vector<1x16xf32>,
        %get3A_1447 = vector.shape_cast %get3A_1446 : vector<1x16xf32> to vector<16xf32>
        %add3A_1448 = arith.addf %add3A_1439, %get3A_1447 : vector<16xf32>
        %mul3A_1449 = arith.constant 32 : i32
        %mul3A_1450 = arith.muli %scan3A_185, %mul3A_1449 : i32
        %add3A_1451 = arith.constant 12 : i32
        %add3A_1452 = arith.addi %mul3A_1450, %add3A_1451 : i32
        %get3A_1453 = arith.index_cast %add3A_1452 : i32 to index
        %get3A_1454 = arith.constant 64 : index
        %get3A_1455 = tpu.vector_load %arg7[%get3A_1453, %get3A_1454] {strides = array<i32>} : memref<128x128xf32, #tpu.memory_space<vmem>>, vector<1x16xf32>,
        %get3A_1456 = vector.shape_cast %get3A_1455 : vector<1x16xf32> to vector<16xf32>
        %add3A_1457 = arith.addf %add3A_1448, %get3A_1456 : vector<16xf32>
        %mul3A_1458 = arith.constant 32 : i32
        %mul3A_1459 = arith.muli %scan3A_185, %mul3A_1458 : i32
        %add3A_1460 = arith.constant 13 : i32
        %add3A_1461 = arith.addi %mul3A_1459, %add3A_1460 : i32
        %get3A_1462 = arith.index_cast %add3A_1461 : i32 to index
        %get3A_1463 = arith.constant 64 : index
        %get3A_1464 = tpu.vector_load %arg7[%get3A_1462, %get3A_1463] {strides = array<i32>} : memref<128x128xf32, #tpu.memory_space<vmem>>, vector<1x16xf32>,
        %get3A_1465 = vector.shape_cast %get3A_1464 : vector<1x16xf32> to vector<16xf32>
        %add3A_1466 = arith.addf %add3A_1457, %get3A_1465 : vector<16xf32>
        %mul3A_1467 = arith.constant 32 : i32
        %mul3A_1468 = arith.muli %scan3A_185, %mul3A_1467 : i32
        %add3A_1469 = arith.constant 14 : i32
        %add3A_1470 = arith.addi %mul3A_1468, %add3A_1469 : i32
        %get3A_1471 = arith.index_cast %add3A_1470 : i32 to index
        %get3A_1472 = arith.constant 64 : index
        %get3A_1473 = tpu.vector_load %arg7[%get3A_1471, %get3A_1472] {strides = array<i32>} : memref<128x128xf32, #tpu.memory_space<vmem>>, vector<1x16xf32>,
        %get3A_1474 = vector.shape_cast %get3A_1473 : vector<1x16xf32> to vector<16xf32>
        %add3A_1475 = arith.addf %add3A_1466, %get3A_1474 : vector<16xf32>
        %mul3A_1476 = arith.constant 32 : i32
        %mul3A_1477 = arith.muli %scan3A_185, %mul3A_1476 : i32
        %add3A_1478 = arith.constant 15 : i32
        %add3A_1479 = arith.addi %mul3A_1477, %add3A_1478 : i32
        %get3A_1480 = arith.index_cast %add3A_1479 : i32 to index
        %get3A_1481 = arith.constant 64 : index
        %get3A_1482 = tpu.vector_load %arg7[%get3A_1480, %get3A_1481] {strides = array<i32>} : memref<128x128xf32, #tpu.memory_space<vmem>>, vector<1x16xf32>,
        %get3A_1483 = vector.shape_cast %get3A_1482 : vector<1x16xf32> to vector<16xf32>
        %add3A_1484 = arith.addf %add3A_1475, %get3A_1483 : vector<16xf32>
        %mul3A_1485 = arith.constant 32 : i32
        %mul3A_1486 = arith.muli %scan3A_185, %mul3A_1485 : i32
        %add3A_1487 = arith.constant 16 : i32
        %add3A_1488 = arith.addi %mul3A_1486, %add3A_1487 : i32
        %get3A_1489 = arith.index_cast %add3A_1488 : i32 to index
        %get3A_1490 = arith.constant 64 : index
        %get3A_1491 = tpu.vector_load %arg7[%get3A_1489, %get3A_1490] {strides = array<i32>} : memref<128x128xf32, #tpu.memory_space<vmem>>, vector<1x16xf32>,
        %get3A_1492 = vector.shape_cast %get3A_1491 : vector<1x16xf32> to vector<16xf32>
        %add3A_1493 = arith.addf %add3A_1484, %get3A_1492 : vector<16xf32>
        %mul3A_1494 = arith.constant 32 : i32
        %mul3A_1495 = arith.muli %scan3A_185, %mul3A_1494 : i32
        %add3A_1496 = arith.constant 17 : i32
        %add3A_1497 = arith.addi %mul3A_1495, %add3A_1496 : i32
        %get3A_1498 = arith.index_cast %add3A_1497 : i32 to index
        %get3A_1499 = arith.constant 64 : index
        %get3A_1500 = tpu.vector_load %arg7[%get3A_1498, %get3A_1499] {strides = array<i32>} : memref<128x128xf32, #tpu.memory_space<vmem>>, vector<1x16xf32>,
        %get3A_1501 = vector.shape_cast %get3A_1500 : vector<1x16xf32> to vector<16xf32>
        %add3A_1502 = arith.addf %add3A_1493, %get3A_1501 : vector<16xf32>
        %mul3A_1503 = arith.constant 32 : i32
        %mul3A_1504 = arith.muli %scan3A_185, %mul3A_1503 : i32
        %add3A_1505 = arith.constant 18 : i32
        %add3A_1506 = arith.addi %mul3A_1504, %add3A_1505 : i32
        %get3A_1507 = arith.index_cast %add3A_1506 : i32 to index
        %get3A_1508 = arith.constant 64 : index
        %get3A_1509 = tpu.vector_load %arg7[%get3A_1507, %get3A_1508] {strides = array<i32>} : memref<128x128xf32, #tpu.memory_space<vmem>>, vector<1x16xf32>,
        %get3A_1510 = vector.shape_cast %get3A_1509 : vector<1x16xf32> to vector<16xf32>
        %add3A_1511 = arith.addf %add3A_1502, %get3A_1510 : vector<16xf32>
        %mul3A_1512 = arith.constant 32 : i32
        %mul3A_1513 = arith.muli %scan3A_185, %mul3A_1512 : i32
        %add3A_1514 = arith.constant 19 : i32
        %add3A_1515 = arith.addi %mul3A_1513, %add3A_1514 : i32
        %get3A_1516 = arith.index_cast %add3A_1515 : i32 to index
        %get3A_1517 = arith.constant 64 : index
        %get3A_1518 = tpu.vector_load %arg7[%get3A_1516, %get3A_1517] {strides = array<i32>} : memref<128x128xf32, #tpu.memory_space<vmem>>, vector<1x16xf32>,
        %get3A_1519 = vector.shape_cast %get3A_1518 : vector<1x16xf32> to vector<16xf32>
        %add3A_1520 = arith.addf %add3A_1511, %get3A_1519 : vector<16xf32>
        %mul3A_1521 = arith.constant 32 : i32
        %mul3A_1522 = arith.muli %scan3A_185, %mul3A_1521 : i32
        %add3A_1523 = arith.constant 20 : i32
        %add3A_1524 = arith.addi %mul3A_1522, %add3A_1523 : i32
        %get3A_1525 = arith.index_cast %add3A_1524 : i32 to index
        %get3A_1526 = arith.constant 64 : index
        %get3A_1527 = tpu.vector_load %arg7[%get3A_1525, %get3A_1526] {strides = array<i32>} : memref<128x128xf32, #tpu.memory_space<vmem>>, vector<1x16xf32>,
        %get3A_1528 = vector.shape_cast %get3A_1527 : vector<1x16xf32> to vector<16xf32>
        %add3A_1529 = arith.addf %add3A_1520, %get3A_1528 : vector<16xf32>
        %mul3A_1530 = arith.constant 32 : i32
        %mul3A_1531 = arith.muli %scan3A_185, %mul3A_1530 : i32
        %add3A_1532 = arith.constant 21 : i32
        %add3A_1533 = arith.addi %mul3A_1531, %add3A_1532 : i32
        %get3A_1534 = arith.index_cast %add3A_1533 : i32 to index
        %get3A_1535 = arith.constant 64 : index
        %get3A_1536 = tpu.vector_load %arg7[%get3A_1534, %get3A_1535] {strides = array<i32>} : memref<128x128xf32, #tpu.memory_space<vmem>>, vector<1x16xf32>,
        %get3A_1537 = vector.shape_cast %get3A_1536 : vector<1x16xf32> to vector<16xf32>
        %add3A_1538 = arith.addf %add3A_1529, %get3A_1537 : vector<16xf32>
        %mul3A_1539 = arith.constant 32 : i32
        %mul3A_1540 = arith.muli %scan3A_185, %mul3A_1539 : i32
        %add3A_1541 = arith.constant 22 : i32
        %add3A_1542 = arith.addi %mul3A_1540, %add3A_1541 : i32
        %get3A_1543 = arith.index_cast %add3A_1542 : i32 to index
        %get3A_1544 = arith.constant 64 : index
        %get3A_1545 = tpu.vector_load %arg7[%get3A_1543, %get3A_1544] {strides = array<i32>} : memref<128x128xf32, #tpu.memory_space<vmem>>, vector<1x16xf32>,
        %get3A_1546 = vector.shape_cast %get3A_1545 : vector<1x16xf32> to vector<16xf32>
        %add3A_1547 = arith.addf %add3A_1538, %get3A_1546 : vector<16xf32>
        %mul3A_1548 = arith.constant 32 : i32
        %mul3A_1549 = arith.muli %scan3A_185, %mul3A_1548 : i32
        %add3A_1550 = arith.constant 23 : i32
        %add3A_1551 = arith.addi %mul3A_1549, %add3A_1550 : i32
        %get3A_1552 = arith.index_cast %add3A_1551 : i32 to index
        %get3A_1553 = arith.constant 64 : index
        %get3A_1554 = tpu.vector_load %arg7[%get3A_1552, %get3A_1553] {strides = array<i32>} : memref<128x128xf32, #tpu.memory_space<vmem>>, vector<1x16xf32>,
        %get3A_1555 = vector.shape_cast %get3A_1554 : vector<1x16xf32> to vector<16xf32>
        %add3A_1556 = arith.addf %add3A_1547, %get3A_1555 : vector<16xf32>
        %mul3A_1557 = arith.constant 32 : i32
        %mul3A_1558 = arith.muli %scan3A_185, %mul3A_1557 : i32
        %add3A_1559 = arith.constant 24 : i32
        %add3A_1560 = arith.addi %mul3A_1558, %add3A_1559 : i32
        %get3A_1561 = arith.index_cast %add3A_1560 : i32 to index
        %get3A_1562 = arith.constant 64 : index
        %get3A_1563 = tpu.vector_load %arg7[%get3A_1561, %get3A_1562] {strides = array<i32>} : memref<128x128xf32, #tpu.memory_space<vmem>>, vector<1x16xf32>,
        %get3A_1564 = vector.shape_cast %get3A_1563 : vector<1x16xf32> to vector<16xf32>
        %add3A_1565 = arith.addf %add3A_1556, %get3A_1564 : vector<16xf32>
        %mul3A_1566 = arith.constant 32 : i32
        %mul3A_1567 = arith.muli %scan3A_185, %mul3A_1566 : i32
        %add3A_1568 = arith.constant 25 : i32
        %add3A_1569 = arith.addi %mul3A_1567, %add3A_1568 : i32
        %get3A_1570 = arith.index_cast %add3A_1569 : i32 to index
        %get3A_1571 = arith.constant 64 : index
        %get3A_1572 = tpu.vector_load %arg7[%get3A_1570, %get3A_1571] {strides = array<i32>} : memref<128x128xf32, #tpu.memory_space<vmem>>, vector<1x16xf32>,
        %get3A_1573 = vector.shape_cast %get3A_1572 : vector<1x16xf32> to vector<16xf32>
        %add3A_1574 = arith.addf %add3A_1565, %get3A_1573 : vector<16xf32>
        %mul3A_1575 = arith.constant 32 : i32
        %mul3A_1576 = arith.muli %scan3A_185, %mul3A_1575 : i32
        %add3A_1577 = arith.constant 26 : i32
        %add3A_1578 = arith.addi %mul3A_1576, %add3A_1577 : i32
        %get3A_1579 = arith.index_cast %add3A_1578 : i32 to index
        %get3A_1580 = arith.constant 64 : index
        %get3A_1581 = tpu.vector_load %arg7[%get3A_1579, %get3A_1580] {strides = array<i32>} : memref<128x128xf32, #tpu.memory_space<vmem>>, vector<1x16xf32>,
        %get3A_1582 = vector.shape_cast %get3A_1581 : vector<1x16xf32> to vector<16xf32>
        %add3A_1583 = arith.addf %add3A_1574, %get3A_1582 : vector<16xf32>
        %mul3A_1584 = arith.constant 32 : i32
        %mul3A_1585 = arith.muli %scan3A_185, %mul3A_1584 : i32
        %add3A_1586 = arith.constant 27 : i32
        %add3A_1587 = arith.addi %mul3A_1585, %add3A_1586 : i32
        %get3A_1588 = arith.index_cast %add3A_1587 : i32 to index
        %get3A_1589 = arith.constant 64 : index
        %get3A_1590 = tpu.vector_load %arg7[%get3A_1588, %get3A_1589] {strides = array<i32>} : memref<128x128xf32, #tpu.memory_space<vmem>>, vector<1x16xf32>,
        %get3A_1591 = vector.shape_cast %get3A_1590 : vector<1x16xf32> to vector<16xf32>
        %add3A_1592 = arith.addf %add3A_1583, %get3A_1591 : vector<16xf32>
        %mul3A_1593 = arith.constant 32 : i32
        %mul3A_1594 = arith.muli %scan3A_185, %mul3A_1593 : i32
        %add3A_1595 = arith.constant 28 : i32
        %add3A_1596 = arith.addi %mul3A_1594, %add3A_1595 : i32
        %get3A_1597 = arith.index_cast %add3A_1596 : i32 to index
        %get3A_1598 = arith.constant 64 : index
        %get3A_1599 = tpu.vector_load %arg7[%get3A_1597, %get3A_1598] {strides = array<i32>} : memref<128x128xf32, #tpu.memory_space<vmem>>, vector<1x16xf32>,
        %get3A_1600 = vector.shape_cast %get3A_1599 : vector<1x16xf32> to vector<16xf32>
        %add3A_1601 = arith.addf %add3A_1592, %get3A_1600 : vector<16xf32>
        %mul3A_1602 = arith.constant 32 : i32
        %mul3A_1603 = arith.muli %scan3A_185, %mul3A_1602 : i32
        %add3A_1604 = arith.constant 29 : i32
        %add3A_1605 = arith.addi %mul3A_1603, %add3A_1604 : i32
        %get3A_1606 = arith.index_cast %add3A_1605 : i32 to index
        %get3A_1607 = arith.constant 64 : index
        %get3A_1608 = tpu.vector_load %arg7[%get3A_1606, %get3A_1607] {strides = array<i32>} : memref<128x128xf32, #tpu.memory_space<vmem>>, vector<1x16xf32>,
        %get3A_1609 = vector.shape_cast %get3A_1608 : vector<1x16xf32> to vector<16xf32>
        %add3A_1610 = arith.addf %add3A_1601, %get3A_1609 : vector<16xf32>
        %mul3A_1611 = arith.constant 32 : i32
        %mul3A_1612 = arith.muli %scan3A_185, %mul3A_1611 : i32
        %add3A_1613 = arith.constant 30 : i32
        %add3A_1614 = arith.addi %mul3A_1612, %add3A_1613 : i32
        %get3A_1615 = arith.index_cast %add3A_1614 : i32 to index
        %get3A_1616 = arith.constant 64 : index
        %get3A_1617 = tpu.vector_load %arg7[%get3A_1615, %get3A_1616] {strides = array<i32>} : memref<128x128xf32, #tpu.memory_space<vmem>>, vector<1x16xf32>,
        %get3A_1618 = vector.shape_cast %get3A_1617 : vector<1x16xf32> to vector<16xf32>
        %add3A_1619 = arith.addf %add3A_1610, %get3A_1618 : vector<16xf32>
        %mul3A_1620 = arith.constant 32 : i32
        %mul3A_1621 = arith.muli %scan3A_185, %mul3A_1620 : i32
        %add3A_1622 = arith.constant 31 : i32
        %add3A_1623 = arith.addi %mul3A_1621, %add3A_1622 : i32
        %get3A_1624 = arith.index_cast %add3A_1623 : i32 to index
        %get3A_1625 = arith.constant 64 : index
        %get3A_1626 = tpu.vector_load %arg7[%get3A_1624, %get3A_1625] {strides = array<i32>} : memref<128x128xf32, #tpu.memory_space<vmem>>, vector<1x16xf32>,
        %get3A_1627 = vector.shape_cast %get3A_1626 : vector<1x16xf32> to vector<16xf32>
        %add3A_1628 = arith.addf %add3A_1619, %get3A_1627 : vector<16xf32>
        %swap3A_1629 = arith.index_cast %scan3A_185 : i32 to index
        %swap3A_1630 = arith.constant 64 : index
        %swap3A_1631 = tpu.vector_load %arg9[%swap3A_1629, %swap3A_1630] {strides = array<i32>} : memref<4x128xf32, #tpu.memory_space<vmem>>, vector<1x16xf32>,
        %swap3A_1632 = vector.shape_cast %swap3A_1631 : vector<1x16xf32> to vector<16xf32>
        %swap3A_1633 = vector.shape_cast %add3A_1628 : vector<16xf32> to vector<1x16xf32>
        tpu.vector_store %arg9[%swap3A_1629, %swap3A_1630], %swap3A_1633 {strides = array<i32>} : memref<4x128xf32, #tpu.memory_space<vmem>>, vector<1x16xf32>,
        %mul3A_1634 = arith.constant 32 : i32
        %mul3A_1635 = arith.muli %scan3A_185, %mul3A_1634 : i32
        %get3A_1636 = arith.index_cast %mul3A_1635 : i32 to index
        %get3A_1637 = arith.constant 80 : index
        %get3A_1638 = tpu.vector_load %arg7[%get3A_1636, %get3A_1637] {strides = array<i32>} : memref<128x128xf32, #tpu.memory_space<vmem>>, vector<1x16xf32>,
        %get3A_1639 = vector.shape_cast %get3A_1638 : vector<1x16xf32> to vector<16xf32>
        %mul3A_1640 = arith.constant 32 : i32
        %mul3A_1641 = arith.muli %scan3A_185, %mul3A_1640 : i32
        %add3A_1642 = arith.constant 1 : i32
        %add3A_1643 = arith.addi %mul3A_1641, %add3A_1642 : i32
        %get3A_1644 = arith.index_cast %add3A_1643 : i32 to index
        %get3A_1645 = arith.constant 80 : index
        %get3A_1646 = tpu.vector_load %arg7[%get3A_1644, %get3A_1645] {strides = array<i32>} : memref<128x128xf32, #tpu.memory_space<vmem>>, vector<1x16xf32>,
        %get3A_1647 = vector.shape_cast %get3A_1646 : vector<1x16xf32> to vector<16xf32>
        %add3A_1648 = arith.addf %get3A_1639, %get3A_1647 : vector<16xf32>
        %mul3A_1649 = arith.constant 32 : i32
        %mul3A_1650 = arith.muli %scan3A_185, %mul3A_1649 : i32
        %add3A_1651 = arith.constant 2 : i32
        %add3A_1652 = arith.addi %mul3A_1650, %add3A_1651 : i32
        %get3A_1653 = arith.index_cast %add3A_1652 : i32 to index
        %get3A_1654 = arith.constant 80 : index
        %get3A_1655 = tpu.vector_load %arg7[%get3A_1653, %get3A_1654] {strides = array<i32>} : memref<128x128xf32, #tpu.memory_space<vmem>>, vector<1x16xf32>,
        %get3A_1656 = vector.shape_cast %get3A_1655 : vector<1x16xf32> to vector<16xf32>
        %add3A_1657 = arith.addf %add3A_1648, %get3A_1656 : vector<16xf32>
        %mul3A_1658 = arith.constant 32 : i32
        %mul3A_1659 = arith.muli %scan3A_185, %mul3A_1658 : i32
        %add3A_1660 = arith.constant 3 : i32
        %add3A_1661 = arith.addi %mul3A_1659, %add3A_1660 : i32
        %get3A_1662 = arith.index_cast %add3A_1661 : i32 to index
        %get3A_1663 = arith.constant 80 : index
        %get3A_1664 = tpu.vector_load %arg7[%get3A_1662, %get3A_1663] {strides = array<i32>} : memref<128x128xf32, #tpu.memory_space<vmem>>, vector<1x16xf32>,
        %get3A_1665 = vector.shape_cast %get3A_1664 : vector<1x16xf32> to vector<16xf32>
        %add3A_1666 = arith.addf %add3A_1657, %get3A_1665 : vector<16xf32>
        %mul3A_1667 = arith.constant 32 : i32
        %mul3A_1668 = arith.muli %scan3A_185, %mul3A_1667 : i32
        %add3A_1669 = arith.constant 4 : i32
        %add3A_1670 = arith.addi %mul3A_1668, %add3A_1669 : i32
        %get3A_1671 = arith.index_cast %add3A_1670 : i32 to index
        %get3A_1672 = arith.constant 80 : index
        %get3A_1673 = tpu.vector_load %arg7[%get3A_1671, %get3A_1672] {strides = array<i32>} : memref<128x128xf32, #tpu.memory_space<vmem>>, vector<1x16xf32>,
        %get3A_1674 = vector.shape_cast %get3A_1673 : vector<1x16xf32> to vector<16xf32>
        %add3A_1675 = arith.addf %add3A_1666, %get3A_1674 : vector<16xf32>
        %mul3A_1676 = arith.constant 32 : i32
        %mul3A_1677 = arith.muli %scan3A_185, %mul3A_1676 : i32
        %add3A_1678 = arith.constant 5 : i32
        %add3A_1679 = arith.addi %mul3A_1677, %add3A_1678 : i32
        %get3A_1680 = arith.index_cast %add3A_1679 : i32 to index
        %get3A_1681 = arith.constant 80 : index
        %get3A_1682 = tpu.vector_load %arg7[%get3A_1680, %get3A_1681] {strides = array<i32>} : memref<128x128xf32, #tpu.memory_space<vmem>>, vector<1x16xf32>,
        %get3A_1683 = vector.shape_cast %get3A_1682 : vector<1x16xf32> to vector<16xf32>
        %add3A_1684 = arith.addf %add3A_1675, %get3A_1683 : vector<16xf32>
        %mul3A_1685 = arith.constant 32 : i32
        %mul3A_1686 = arith.muli %scan3A_185, %mul3A_1685 : i32
        %add3A_1687 = arith.constant 6 : i32
        %add3A_1688 = arith.addi %mul3A_1686, %add3A_1687 : i32
        %get3A_1689 = arith.index_cast %add3A_1688 : i32 to index
        %get3A_1690 = arith.constant 80 : index
        %get3A_1691 = tpu.vector_load %arg7[%get3A_1689, %get3A_1690] {strides = array<i32>} : memref<128x128xf32, #tpu.memory_space<vmem>>, vector<1x16xf32>,
        %get3A_1692 = vector.shape_cast %get3A_1691 : vector<1x16xf32> to vector<16xf32>
        %add3A_1693 = arith.addf %add3A_1684, %get3A_1692 : vector<16xf32>
        %mul3A_1694 = arith.constant 32 : i32
        %mul3A_1695 = arith.muli %scan3A_185, %mul3A_1694 : i32
        %add3A_1696 = arith.constant 7 : i32
        %add3A_1697 = arith.addi %mul3A_1695, %add3A_1696 : i32
        %get3A_1698 = arith.index_cast %add3A_1697 : i32 to index
        %get3A_1699 = arith.constant 80 : index
        %get3A_1700 = tpu.vector_load %arg7[%get3A_1698, %get3A_1699] {strides = array<i32>} : memref<128x128xf32, #tpu.memory_space<vmem>>, vector<1x16xf32>,
        %get3A_1701 = vector.shape_cast %get3A_1700 : vector<1x16xf32> to vector<16xf32>
        %add3A_1702 = arith.addf %add3A_1693, %get3A_1701 : vector<16xf32>
        %mul3A_1703 = arith.constant 32 : i32
        %mul3A_1704 = arith.muli %scan3A_185, %mul3A_1703 : i32
        %add3A_1705 = arith.constant 8 : i32
        %add3A_1706 = arith.addi %mul3A_1704, %add3A_1705 : i32
        %get3A_1707 = arith.index_cast %add3A_1706 : i32 to index
        %get3A_1708 = arith.constant 80 : index
        %get3A_1709 = tpu.vector_load %arg7[%get3A_1707, %get3A_1708] {strides = array<i32>} : memref<128x128xf32, #tpu.memory_space<vmem>>, vector<1x16xf32>,
        %get3A_1710 = vector.shape_cast %get3A_1709 : vector<1x16xf32> to vector<16xf32>
        %add3A_1711 = arith.addf %add3A_1702, %get3A_1710 : vector<16xf32>
        %mul3A_1712 = arith.constant 32 : i32
        %mul3A_1713 = arith.muli %scan3A_185, %mul3A_1712 : i32
        %add3A_1714 = arith.constant 9 : i32
        %add3A_1715 = arith.addi %mul3A_1713, %add3A_1714 : i32
        %get3A_1716 = arith.index_cast %add3A_1715 : i32 to index
        %get3A_1717 = arith.constant 80 : index
        %get3A_1718 = tpu.vector_load %arg7[%get3A_1716, %get3A_1717] {strides = array<i32>} : memref<128x128xf32, #tpu.memory_space<vmem>>, vector<1x16xf32>,
        %get3A_1719 = vector.shape_cast %get3A_1718 : vector<1x16xf32> to vector<16xf32>
        %add3A_1720 = arith.addf %add3A_1711, %get3A_1719 : vector<16xf32>
        %mul3A_1721 = arith.constant 32 : i32
        %mul3A_1722 = arith.muli %scan3A_185, %mul3A_1721 : i32
        %add3A_1723 = arith.constant 10 : i32
        %add3A_1724 = arith.addi %mul3A_1722, %add3A_1723 : i32
        %get3A_1725 = arith.index_cast %add3A_1724 : i32 to index
        %get3A_1726 = arith.constant 80 : index
        %get3A_1727 = tpu.vector_load %arg7[%get3A_1725, %get3A_1726] {strides = array<i32>} : memref<128x128xf32, #tpu.memory_space<vmem>>, vector<1x16xf32>,
        %get3A_1728 = vector.shape_cast %get3A_1727 : vector<1x16xf32> to vector<16xf32>
        %add3A_1729 = arith.addf %add3A_1720, %get3A_1728 : vector<16xf32>
        %mul3A_1730 = arith.constant 32 : i32
        %mul3A_1731 = arith.muli %scan3A_185, %mul3A_1730 : i32
        %add3A_1732 = arith.constant 11 : i32
        %add3A_1733 = arith.addi %mul3A_1731, %add3A_1732 : i32
        %get3A_1734 = arith.index_cast %add3A_1733 : i32 to index
        %get3A_1735 = arith.constant 80 : index
        %get3A_1736 = tpu.vector_load %arg7[%get3A_1734, %get3A_1735] {strides = array<i32>} : memref<128x128xf32, #tpu.memory_space<vmem>>, vector<1x16xf32>,
        %get3A_1737 = vector.shape_cast %get3A_1736 : vector<1x16xf32> to vector<16xf32>
        %add3A_1738 = arith.addf %add3A_1729, %get3A_1737 : vector<16xf32>
        %mul3A_1739 = arith.constant 32 : i32
        %mul3A_1740 = arith.muli %scan3A_185, %mul3A_1739 : i32
        %add3A_1741 = arith.constant 12 : i32
        %add3A_1742 = arith.addi %mul3A_1740, %add3A_1741 : i32
        %get3A_1743 = arith.index_cast %add3A_1742 : i32 to index
        %get3A_1744 = arith.constant 80 : index
        %get3A_1745 = tpu.vector_load %arg7[%get3A_1743, %get3A_1744] {strides = array<i32>} : memref<128x128xf32, #tpu.memory_space<vmem>>, vector<1x16xf32>,
        %get3A_1746 = vector.shape_cast %get3A_1745 : vector<1x16xf32> to vector<16xf32>
        %add3A_1747 = arith.addf %add3A_1738, %get3A_1746 : vector<16xf32>
        %mul3A_1748 = arith.constant 32 : i32
        %mul3A_1749 = arith.muli %scan3A_185, %mul3A_1748 : i32
        %add3A_1750 = arith.constant 13 : i32
        %add3A_1751 = arith.addi %mul3A_1749, %add3A_1750 : i32
        %get3A_1752 = arith.index_cast %add3A_1751 : i32 to index
        %get3A_1753 = arith.constant 80 : index
        %get3A_1754 = tpu.vector_load %arg7[%get3A_1752, %get3A_1753] {strides = array<i32>} : memref<128x128xf32, #tpu.memory_space<vmem>>, vector<1x16xf32>,
        %get3A_1755 = vector.shape_cast %get3A_1754 : vector<1x16xf32> to vector<16xf32>
        %add3A_1756 = arith.addf %add3A_1747, %get3A_1755 : vector<16xf32>
        %mul3A_1757 = arith.constant 32 : i32
        %mul3A_1758 = arith.muli %scan3A_185, %mul3A_1757 : i32
        %add3A_1759 = arith.constant 14 : i32
        %add3A_1760 = arith.addi %mul3A_1758, %add3A_1759 : i32
        %get3A_1761 = arith.index_cast %add3A_1760 : i32 to index
        %get3A_1762 = arith.constant 80 : index
        %get3A_1763 = tpu.vector_load %arg7[%get3A_1761, %get3A_1762] {strides = array<i32>} : memref<128x128xf32, #tpu.memory_space<vmem>>, vector<1x16xf32>,
        %get3A_1764 = vector.shape_cast %get3A_1763 : vector<1x16xf32> to vector<16xf32>
        %add3A_1765 = arith.addf %add3A_1756, %get3A_1764 : vector<16xf32>
        %mul3A_1766 = arith.constant 32 : i32
        %mul3A_1767 = arith.muli %scan3A_185, %mul3A_1766 : i32
        %add3A_1768 = arith.constant 15 : i32
        %add3A_1769 = arith.addi %mul3A_1767, %add3A_1768 : i32
        %get3A_1770 = arith.index_cast %add3A_1769 : i32 to index
        %get3A_1771 = arith.constant 80 : index
        %get3A_1772 = tpu.vector_load %arg7[%get3A_1770, %get3A_1771] {strides = array<i32>} : memref<128x128xf32, #tpu.memory_space<vmem>>, vector<1x16xf32>,
        %get3A_1773 = vector.shape_cast %get3A_1772 : vector<1x16xf32> to vector<16xf32>
        %add3A_1774 = arith.addf %add3A_1765, %get3A_1773 : vector<16xf32>
        %mul3A_1775 = arith.constant 32 : i32
        %mul3A_1776 = arith.muli %scan3A_185, %mul3A_1775 : i32
        %add3A_1777 = arith.constant 16 : i32
        %add3A_1778 = arith.addi %mul3A_1776, %add3A_1777 : i32
        %get3A_1779 = arith.index_cast %add3A_1778 : i32 to index
        %get3A_1780 = arith.constant 80 : index
        %get3A_1781 = tpu.vector_load %arg7[%get3A_1779, %get3A_1780] {strides = array<i32>} : memref<128x128xf32, #tpu.memory_space<vmem>>, vector<1x16xf32>,
        %get3A_1782 = vector.shape_cast %get3A_1781 : vector<1x16xf32> to vector<16xf32>
        %add3A_1783 = arith.addf %add3A_1774, %get3A_1782 : vector<16xf32>
        %mul3A_1784 = arith.constant 32 : i32
        %mul3A_1785 = arith.muli %scan3A_185, %mul3A_1784 : i32
        %add3A_1786 = arith.constant 17 : i32
        %add3A_1787 = arith.addi %mul3A_1785, %add3A_1786 : i32
        %get3A_1788 = arith.index_cast %add3A_1787 : i32 to index
        %get3A_1789 = arith.constant 80 : index
        %get3A_1790 = tpu.vector_load %arg7[%get3A_1788, %get3A_1789] {strides = array<i32>} : memref<128x128xf32, #tpu.memory_space<vmem>>, vector<1x16xf32>,
        %get3A_1791 = vector.shape_cast %get3A_1790 : vector<1x16xf32> to vector<16xf32>
        %add3A_1792 = arith.addf %add3A_1783, %get3A_1791 : vector<16xf32>
        %mul3A_1793 = arith.constant 32 : i32
        %mul3A_1794 = arith.muli %scan3A_185, %mul3A_1793 : i32
        %add3A_1795 = arith.constant 18 : i32
        %add3A_1796 = arith.addi %mul3A_1794, %add3A_1795 : i32
        %get3A_1797 = arith.index_cast %add3A_1796 : i32 to index
        %get3A_1798 = arith.constant 80 : index
        %get3A_1799 = tpu.vector_load %arg7[%get3A_1797, %get3A_1798] {strides = array<i32>} : memref<128x128xf32, #tpu.memory_space<vmem>>, vector<1x16xf32>,
        %get3A_1800 = vector.shape_cast %get3A_1799 : vector<1x16xf32> to vector<16xf32>
        %add3A_1801 = arith.addf %add3A_1792, %get3A_1800 : vector<16xf32>
        %mul3A_1802 = arith.constant 32 : i32
        %mul3A_1803 = arith.muli %scan3A_185, %mul3A_1802 : i32
        %add3A_1804 = arith.constant 19 : i32
        %add3A_1805 = arith.addi %mul3A_1803, %add3A_1804 : i32
        %get3A_1806 = arith.index_cast %add3A_1805 : i32 to index
        %get3A_1807 = arith.constant 80 : index
        %get3A_1808 = tpu.vector_load %arg7[%get3A_1806, %get3A_1807] {strides = array<i32>} : memref<128x128xf32, #tpu.memory_space<vmem>>, vector<1x16xf32>,
        %get3A_1809 = vector.shape_cast %get3A_1808 : vector<1x16xf32> to vector<16xf32>
        %add3A_1810 = arith.addf %add3A_1801, %get3A_1809 : vector<16xf32>
        %mul3A_1811 = arith.constant 32 : i32
        %mul3A_1812 = arith.muli %scan3A_185, %mul3A_1811 : i32
        %add3A_1813 = arith.constant 20 : i32
        %add3A_1814 = arith.addi %mul3A_1812, %add3A_1813 : i32
        %get3A_1815 = arith.index_cast %add3A_1814 : i32 to index
        %get3A_1816 = arith.constant 80 : index
        %get3A_1817 = tpu.vector_load %arg7[%get3A_1815, %get3A_1816] {strides = array<i32>} : memref<128x128xf32, #tpu.memory_space<vmem>>, vector<1x16xf32>,
        %get3A_1818 = vector.shape_cast %get3A_1817 : vector<1x16xf32> to vector<16xf32>
        %add3A_1819 = arith.addf %add3A_1810, %get3A_1818 : vector<16xf32>
        %mul3A_1820 = arith.constant 32 : i32
        %mul3A_1821 = arith.muli %scan3A_185, %mul3A_1820 : i32
        %add3A_1822 = arith.constant 21 : i32
        %add3A_1823 = arith.addi %mul3A_1821, %add3A_1822 : i32
        %get3A_1824 = arith.index_cast %add3A_1823 : i32 to index
        %get3A_1825 = arith.constant 80 : index
        %get3A_1826 = tpu.vector_load %arg7[%get3A_1824, %get3A_1825] {strides = array<i32>} : memref<128x128xf32, #tpu.memory_space<vmem>>, vector<1x16xf32>,
        %get3A_1827 = vector.shape_cast %get3A_1826 : vector<1x16xf32> to vector<16xf32>
        %add3A_1828 = arith.addf %add3A_1819, %get3A_1827 : vector<16xf32>
        %mul3A_1829 = arith.constant 32 : i32
        %mul3A_1830 = arith.muli %scan3A_185, %mul3A_1829 : i32
        %add3A_1831 = arith.constant 22 : i32
        %add3A_1832 = arith.addi %mul3A_1830, %add3A_1831 : i32
        %get3A_1833 = arith.index_cast %add3A_1832 : i32 to index
        %get3A_1834 = arith.constant 80 : index
        %get3A_1835 = tpu.vector_load %arg7[%get3A_1833, %get3A_1834] {strides = array<i32>} : memref<128x128xf32, #tpu.memory_space<vmem>>, vector<1x16xf32>,
        %get3A_1836 = vector.shape_cast %get3A_1835 : vector<1x16xf32> to vector<16xf32>
        %add3A_1837 = arith.addf %add3A_1828, %get3A_1836 : vector<16xf32>
        %mul3A_1838 = arith.constant 32 : i32
        %mul3A_1839 = arith.muli %scan3A_185, %mul3A_1838 : i32
        %add3A_1840 = arith.constant 23 : i32
        %add3A_1841 = arith.addi %mul3A_1839, %add3A_1840 : i32
        %get3A_1842 = arith.index_cast %add3A_1841 : i32 to index
        %get3A_1843 = arith.constant 80 : index
        %get3A_1844 = tpu.vector_load %arg7[%get3A_1842, %get3A_1843] {strides = array<i32>} : memref<128x128xf32, #tpu.memory_space<vmem>>, vector<1x16xf32>,
        %get3A_1845 = vector.shape_cast %get3A_1844 : vector<1x16xf32> to vector<16xf32>
        %add3A_1846 = arith.addf %add3A_1837, %get3A_1845 : vector<16xf32>
        %mul3A_1847 = arith.constant 32 : i32
        %mul3A_1848 = arith.muli %scan3A_185, %mul3A_1847 : i32
        %add3A_1849 = arith.constant 24 : i32
        %add3A_1850 = arith.addi %mul3A_1848, %add3A_1849 : i32
        %get3A_1851 = arith.index_cast %add3A_1850 : i32 to index
        %get3A_1852 = arith.constant 80 : index
        %get3A_1853 = tpu.vector_load %arg7[%get3A_1851, %get3A_1852] {strides = array<i32>} : memref<128x128xf32, #tpu.memory_space<vmem>>, vector<1x16xf32>,
        %get3A_1854 = vector.shape_cast %get3A_1853 : vector<1x16xf32> to vector<16xf32>
        %add3A_1855 = arith.addf %add3A_1846, %get3A_1854 : vector<16xf32>
        %mul3A_1856 = arith.constant 32 : i32
        %mul3A_1857 = arith.muli %scan3A_185, %mul3A_1856 : i32
        %add3A_1858 = arith.constant 25 : i32
        %add3A_1859 = arith.addi %mul3A_1857, %add3A_1858 : i32
        %get3A_1860 = arith.index_cast %add3A_1859 : i32 to index
        %get3A_1861 = arith.constant 80 : index
        %get3A_1862 = tpu.vector_load %arg7[%get3A_1860, %get3A_1861] {strides = array<i32>} : memref<128x128xf32, #tpu.memory_space<vmem>>, vector<1x16xf32>,
        %get3A_1863 = vector.shape_cast %get3A_1862 : vector<1x16xf32> to vector<16xf32>
        %add3A_1864 = arith.addf %add3A_1855, %get3A_1863 : vector<16xf32>
        %mul3A_1865 = arith.constant 32 : i32
        %mul3A_1866 = arith.muli %scan3A_185, %mul3A_1865 : i32
        %add3A_1867 = arith.constant 26 : i32
        %add3A_1868 = arith.addi %mul3A_1866, %add3A_1867 : i32
        %get3A_1869 = arith.index_cast %add3A_1868 : i32 to index
        %get3A_1870 = arith.constant 80 : index
        %get3A_1871 = tpu.vector_load %arg7[%get3A_1869, %get3A_1870] {strides = array<i32>} : memref<128x128xf32, #tpu.memory_space<vmem>>, vector<1x16xf32>,
        %get3A_1872 = vector.shape_cast %get3A_1871 : vector<1x16xf32> to vector<16xf32>
        %add3A_1873 = arith.addf %add3A_1864, %get3A_1872 : vector<16xf32>
        %mul3A_1874 = arith.constant 32 : i32
        %mul3A_1875 = arith.muli %scan3A_185, %mul3A_1874 : i32
        %add3A_1876 = arith.constant 27 : i32
        %add3A_1877 = arith.addi %mul3A_1875, %add3A_1876 : i32
        %get3A_1878 = arith.index_cast %add3A_1877 : i32 to index
        %get3A_1879 = arith.constant 80 : index
        %get3A_1880 = tpu.vector_load %arg7[%get3A_1878, %get3A_1879] {strides = array<i32>} : memref<128x128xf32, #tpu.memory_space<vmem>>, vector<1x16xf32>,
        %get3A_1881 = vector.shape_cast %get3A_1880 : vector<1x16xf32> to vector<16xf32>
        %add3A_1882 = arith.addf %add3A_1873, %get3A_1881 : vector<16xf32>
        %mul3A_1883 = arith.constant 32 : i32
        %mul3A_1884 = arith.muli %scan3A_185, %mul3A_1883 : i32
        %add3A_1885 = arith.constant 28 : i32
        %add3A_1886 = arith.addi %mul3A_1884, %add3A_1885 : i32
        %get3A_1887 = arith.index_cast %add3A_1886 : i32 to index
        %get3A_1888 = arith.constant 80 : index
        %get3A_1889 = tpu.vector_load %arg7[%get3A_1887, %get3A_1888] {strides = array<i32>} : memref<128x128xf32, #tpu.memory_space<vmem>>, vector<1x16xf32>,
        %get3A_1890 = vector.shape_cast %get3A_1889 : vector<1x16xf32> to vector<16xf32>
        %add3A_1891 = arith.addf %add3A_1882, %get3A_1890 : vector<16xf32>
        %mul3A_1892 = arith.constant 32 : i32
        %mul3A_1893 = arith.muli %scan3A_185, %mul3A_1892 : i32
        %add3A_1894 = arith.constant 29 : i32
        %add3A_1895 = arith.addi %mul3A_1893, %add3A_1894 : i32
        %get3A_1896 = arith.index_cast %add3A_1895 : i32 to index
        %get3A_1897 = arith.constant 80 : index
        %get3A_1898 = tpu.vector_load %arg7[%get3A_1896, %get3A_1897] {strides = array<i32>} : memref<128x128xf32, #tpu.memory_space<vmem>>, vector<1x16xf32>,
        %get3A_1899 = vector.shape_cast %get3A_1898 : vector<1x16xf32> to vector<16xf32>
        %add3A_1900 = arith.addf %add3A_1891, %get3A_1899 : vector<16xf32>
        %mul3A_1901 = arith.constant 32 : i32
        %mul3A_1902 = arith.muli %scan3A_185, %mul3A_1901 : i32
        %add3A_1903 = arith.constant 30 : i32
        %add3A_1904 = arith.addi %mul3A_1902, %add3A_1903 : i32
        %get3A_1905 = arith.index_cast %add3A_1904 : i32 to index
        %get3A_1906 = arith.constant 80 : index
        %get3A_1907 = tpu.vector_load %arg7[%get3A_1905, %get3A_1906] {strides = array<i32>} : memref<128x128xf32, #tpu.memory_space<vmem>>, vector<1x16xf32>,
        %get3A_1908 = vector.shape_cast %get3A_1907 : vector<1x16xf32> to vector<16xf32>
        %add3A_1909 = arith.addf %add3A_1900, %get3A_1908 : vector<16xf32>
        %mul3A_1910 = arith.constant 32 : i32
        %mul3A_1911 = arith.muli %scan3A_185, %mul3A_1910 : i32
        %add3A_1912 = arith.constant 31 : i32
        %add3A_1913 = arith.addi %mul3A_1911, %add3A_1912 : i32
        %get3A_1914 = arith.index_cast %add3A_1913 : i32 to index
        %get3A_1915 = arith.constant 80 : index
        %get3A_1916 = tpu.vector_load %arg7[%get3A_1914, %get3A_1915] {strides = array<i32>} : memref<128x128xf32, #tpu.memory_space<vmem>>, vector<1x16xf32>,
        %get3A_1917 = vector.shape_cast %get3A_1916 : vector<1x16xf32> to vector<16xf32>
        %add3A_1918 = arith.addf %add3A_1909, %get3A_1917 : vector<16xf32>
        %swap3A_1919 = arith.index_cast %scan3A_185 : i32 to index
        %swap3A_1920 = arith.constant 80 : index
        %swap3A_1921 = tpu.vector_load %arg9[%swap3A_1919, %swap3A_1920] {strides = array<i32>} : memref<4x128xf32, #tpu.memory_space<vmem>>, vector<1x16xf32>,
        %swap3A_1922 = vector.shape_cast %swap3A_1921 : vector<1x16xf32> to vector<16xf32>
        %swap3A_1923 = vector.shape_cast %add3A_1918 : vector<16xf32> to vector<1x16xf32>
        tpu.vector_store %arg9[%swap3A_1919, %swap3A_1920], %swap3A_1923 {strides = array<i32>} : memref<4x128xf32, #tpu.memory_space<vmem>>, vector<1x16xf32>,
        %mul3A_1924 = arith.constant 32 : i32
        %mul3A_1925 = arith.muli %scan3A_185, %mul3A_1924 : i32
        %get3A_1926 = arith.index_cast %mul3A_1925 : i32 to index
        %get3A_1927 = arith.constant 96 : index
        %get3A_1928 = tpu.vector_load %arg7[%get3A_1926, %get3A_1927] {strides = array<i32>} : memref<128x128xf32, #tpu.memory_space<vmem>>, vector<1x16xf32>,
        %get3A_1929 = vector.shape_cast %get3A_1928 : vector<1x16xf32> to vector<16xf32>
        %mul3A_1930 = arith.constant 32 : i32
        %mul3A_1931 = arith.muli %scan3A_185, %mul3A_1930 : i32
        %add3A_1932 = arith.constant 1 : i32
        %add3A_1933 = arith.addi %mul3A_1931, %add3A_1932 : i32
        %get3A_1934 = arith.index_cast %add3A_1933 : i32 to index
        %get3A_1935 = arith.constant 96 : index
        %get3A_1936 = tpu.vector_load %arg7[%get3A_1934, %get3A_1935] {strides = array<i32>} : memref<128x128xf32, #tpu.memory_space<vmem>>, vector<1x16xf32>,
        %get3A_1937 = vector.shape_cast %get3A_1936 : vector<1x16xf32> to vector<16xf32>
        %add3A_1938 = arith.addf %get3A_1929, %get3A_1937 : vector<16xf32>
        %mul3A_1939 = arith.constant 32 : i32
        %mul3A_1940 = arith.muli %scan3A_185, %mul3A_1939 : i32
        %add3A_1941 = arith.constant 2 : i32
        %add3A_1942 = arith.addi %mul3A_1940, %add3A_1941 : i32
        %get3A_1943 = arith.index_cast %add3A_1942 : i32 to index
        %get3A_1944 = arith.constant 96 : index
        %get3A_1945 = tpu.vector_load %arg7[%get3A_1943, %get3A_1944] {strides = array<i32>} : memref<128x128xf32, #tpu.memory_space<vmem>>, vector<1x16xf32>,
        %get3A_1946 = vector.shape_cast %get3A_1945 : vector<1x16xf32> to vector<16xf32>
        %add3A_1947 = arith.addf %add3A_1938, %get3A_1946 : vector<16xf32>
        %mul3A_1948 = arith.constant 32 : i32
        %mul3A_1949 = arith.muli %scan3A_185, %mul3A_1948 : i32
        %add3A_1950 = arith.constant 3 : i32
        %add3A_1951 = arith.addi %mul3A_1949, %add3A_1950 : i32
        %get3A_1952 = arith.index_cast %add3A_1951 : i32 to index
        %get3A_1953 = arith.constant 96 : index
        %get3A_1954 = tpu.vector_load %arg7[%get3A_1952, %get3A_1953] {strides = array<i32>} : memref<128x128xf32, #tpu.memory_space<vmem>>, vector<1x16xf32>,
        %get3A_1955 = vector.shape_cast %get3A_1954 : vector<1x16xf32> to vector<16xf32>
        %add3A_1956 = arith.addf %add3A_1947, %get3A_1955 : vector<16xf32>
        %mul3A_1957 = arith.constant 32 : i32
        %mul3A_1958 = arith.muli %scan3A_185, %mul3A_1957 : i32
        %add3A_1959 = arith.constant 4 : i32
        %add3A_1960 = arith.addi %mul3A_1958, %add3A_1959 : i32
        %get3A_1961 = arith.index_cast %add3A_1960 : i32 to index
        %get3A_1962 = arith.constant 96 : index
        %get3A_1963 = tpu.vector_load %arg7[%get3A_1961, %get3A_1962] {strides = array<i32>} : memref<128x128xf32, #tpu.memory_space<vmem>>, vector<1x16xf32>,
        %get3A_1964 = vector.shape_cast %get3A_1963 : vector<1x16xf32> to vector<16xf32>
        %add3A_1965 = arith.addf %add3A_1956, %get3A_1964 : vector<16xf32>
        %mul3A_1966 = arith.constant 32 : i32
        %mul3A_1967 = arith.muli %scan3A_185, %mul3A_1966 : i32
        %add3A_1968 = arith.constant 5 : i32
        %add3A_1969 = arith.addi %mul3A_1967, %add3A_1968 : i32
        %get3A_1970 = arith.index_cast %add3A_1969 : i32 to index
        %get3A_1971 = arith.constant 96 : index
        %get3A_1972 = tpu.vector_load %arg7[%get3A_1970, %get3A_1971] {strides = array<i32>} : memref<128x128xf32, #tpu.memory_space<vmem>>, vector<1x16xf32>,
        %get3A_1973 = vector.shape_cast %get3A_1972 : vector<1x16xf32> to vector<16xf32>
        %add3A_1974 = arith.addf %add3A_1965, %get3A_1973 : vector<16xf32>
        %mul3A_1975 = arith.constant 32 : i32
        %mul3A_1976 = arith.muli %scan3A_185, %mul3A_1975 : i32
        %add3A_1977 = arith.constant 6 : i32
        %add3A_1978 = arith.addi %mul3A_1976, %add3A_1977 : i32
        %get3A_1979 = arith.index_cast %add3A_1978 : i32 to index
        %get3A_1980 = arith.constant 96 : index
        %get3A_1981 = tpu.vector_load %arg7[%get3A_1979, %get3A_1980] {strides = array<i32>} : memref<128x128xf32, #tpu.memory_space<vmem>>, vector<1x16xf32>,
        %get3A_1982 = vector.shape_cast %get3A_1981 : vector<1x16xf32> to vector<16xf32>
        %add3A_1983 = arith.addf %add3A_1974, %get3A_1982 : vector<16xf32>
        %mul3A_1984 = arith.constant 32 : i32
        %mul3A_1985 = arith.muli %scan3A_185, %mul3A_1984 : i32
        %add3A_1986 = arith.constant 7 : i32
        %add3A_1987 = arith.addi %mul3A_1985, %add3A_1986 : i32
        %get3A_1988 = arith.index_cast %add3A_1987 : i32 to index
        %get3A_1989 = arith.constant 96 : index
        %get3A_1990 = tpu.vector_load %arg7[%get3A_1988, %get3A_1989] {strides = array<i32>} : memref<128x128xf32, #tpu.memory_space<vmem>>, vector<1x16xf32>,
        %get3A_1991 = vector.shape_cast %get3A_1990 : vector<1x16xf32> to vector<16xf32>
        %add3A_1992 = arith.addf %add3A_1983, %get3A_1991 : vector<16xf32>
        %mul3A_1993 = arith.constant 32 : i32
        %mul3A_1994 = arith.muli %scan3A_185, %mul3A_1993 : i32
        %add3A_1995 = arith.constant 8 : i32
        %add3A_1996 = arith.addi %mul3A_1994, %add3A_1995 : i32
        %get3A_1997 = arith.index_cast %add3A_1996 : i32 to index
        %get3A_1998 = arith.constant 96 : index
        %get3A_1999 = tpu.vector_load %arg7[%get3A_1997, %get3A_1998] {strides = array<i32>} : memref<128x128xf32, #tpu.memory_space<vmem>>, vector<1x16xf32>,
        %get3A_2000 = vector.shape_cast %get3A_1999 : vector<1x16xf32> to vector<16xf32>
        %add3A_2001 = arith.addf %add3A_1992, %get3A_2000 : vector<16xf32>
        %mul3A_2002 = arith.constant 32 : i32
        %mul3A_2003 = arith.muli %scan3A_185, %mul3A_2002 : i32
        %add3A_2004 = arith.constant 9 : i32
        %add3A_2005 = arith.addi %mul3A_2003, %add3A_2004 : i32
        %get3A_2006 = arith.index_cast %add3A_2005 : i32 to index
        %get3A_2007 = arith.constant 96 : index
        %get3A_2008 = tpu.vector_load %arg7[%get3A_2006, %get3A_2007] {strides = array<i32>} : memref<128x128xf32, #tpu.memory_space<vmem>>, vector<1x16xf32>,
        %get3A_2009 = vector.shape_cast %get3A_2008 : vector<1x16xf32> to vector<16xf32>
        %add3A_2010 = arith.addf %add3A_2001, %get3A_2009 : vector<16xf32>
        %mul3A_2011 = arith.constant 32 : i32
        %mul3A_2012 = arith.muli %scan3A_185, %mul3A_2011 : i32
        %add3A_2013 = arith.constant 10 : i32
        %add3A_2014 = arith.addi %mul3A_2012, %add3A_2013 : i32
        %get3A_2015 = arith.index_cast %add3A_2014 : i32 to index
        %get3A_2016 = arith.constant 96 : index
        %get3A_2017 = tpu.vector_load %arg7[%get3A_2015, %get3A_2016] {strides = array<i32>} : memref<128x128xf32, #tpu.memory_space<vmem>>, vector<1x16xf32>,
        %get3A_2018 = vector.shape_cast %get3A_2017 : vector<1x16xf32> to vector<16xf32>
        %add3A_2019 = arith.addf %add3A_2010, %get3A_2018 : vector<16xf32>
        %mul3A_2020 = arith.constant 32 : i32
        %mul3A_2021 = arith.muli %scan3A_185, %mul3A_2020 : i32
        %add3A_2022 = arith.constant 11 : i32
        %add3A_2023 = arith.addi %mul3A_2021, %add3A_2022 : i32
        %get3A_2024 = arith.index_cast %add3A_2023 : i32 to index
        %get3A_2025 = arith.constant 96 : index
        %get3A_2026 = tpu.vector_load %arg7[%get3A_2024, %get3A_2025] {strides = array<i32>} : memref<128x128xf32, #tpu.memory_space<vmem>>, vector<1x16xf32>,
        %get3A_2027 = vector.shape_cast %get3A_2026 : vector<1x16xf32> to vector<16xf32>
        %add3A_2028 = arith.addf %add3A_2019, %get3A_2027 : vector<16xf32>
        %mul3A_2029 = arith.constant 32 : i32
        %mul3A_2030 = arith.muli %scan3A_185, %mul3A_2029 : i32
        %add3A_2031 = arith.constant 12 : i32
        %add3A_2032 = arith.addi %mul3A_2030, %add3A_2031 : i32
        %get3A_2033 = arith.index_cast %add3A_2032 : i32 to index
        %get3A_2034 = arith.constant 96 : index
        %get3A_2035 = tpu.vector_load %arg7[%get3A_2033, %get3A_2034] {strides = array<i32>} : memref<128x128xf32, #tpu.memory_space<vmem>>, vector<1x16xf32>,
        %get3A_2036 = vector.shape_cast %get3A_2035 : vector<1x16xf32> to vector<16xf32>
        %add3A_2037 = arith.addf %add3A_2028, %get3A_2036 : vector<16xf32>
        %mul3A_2038 = arith.constant 32 : i32
        %mul3A_2039 = arith.muli %scan3A_185, %mul3A_2038 : i32
        %add3A_2040 = arith.constant 13 : i32
        %add3A_2041 = arith.addi %mul3A_2039, %add3A_2040 : i32
        %get3A_2042 = arith.index_cast %add3A_2041 : i32 to index
        %get3A_2043 = arith.constant 96 : index
        %get3A_2044 = tpu.vector_load %arg7[%get3A_2042, %get3A_2043] {strides = array<i32>} : memref<128x128xf32, #tpu.memory_space<vmem>>, vector<1x16xf32>,
        %get3A_2045 = vector.shape_cast %get3A_2044 : vector<1x16xf32> to vector<16xf32>
        %add3A_2046 = arith.addf %add3A_2037, %get3A_2045 : vector<16xf32>
        %mul3A_2047 = arith.constant 32 : i32
        %mul3A_2048 = arith.muli %scan3A_185, %mul3A_2047 : i32
        %add3A_2049 = arith.constant 14 : i32
        %add3A_2050 = arith.addi %mul3A_2048, %add3A_2049 : i32
        %get3A_2051 = arith.index_cast %add3A_2050 : i32 to index
        %get3A_2052 = arith.constant 96 : index
        %get3A_2053 = tpu.vector_load %arg7[%get3A_2051, %get3A_2052] {strides = array<i32>} : memref<128x128xf32, #tpu.memory_space<vmem>>, vector<1x16xf32>,
        %get3A_2054 = vector.shape_cast %get3A_2053 : vector<1x16xf32> to vector<16xf32>
        %add3A_2055 = arith.addf %add3A_2046, %get3A_2054 : vector<16xf32>
        %mul3A_2056 = arith.constant 32 : i32
        %mul3A_2057 = arith.muli %scan3A_185, %mul3A_2056 : i32
        %add3A_2058 = arith.constant 15 : i32
        %add3A_2059 = arith.addi %mul3A_2057, %add3A_2058 : i32
        %get3A_2060 = arith.index_cast %add3A_2059 : i32 to index
        %get3A_2061 = arith.constant 96 : index
        %get3A_2062 = tpu.vector_load %arg7[%get3A_2060, %get3A_2061] {strides = array<i32>} : memref<128x128xf32, #tpu.memory_space<vmem>>, vector<1x16xf32>,
        %get3A_2063 = vector.shape_cast %get3A_2062 : vector<1x16xf32> to vector<16xf32>
        %add3A_2064 = arith.addf %add3A_2055, %get3A_2063 : vector<16xf32>
        %mul3A_2065 = arith.constant 32 : i32
        %mul3A_2066 = arith.muli %scan3A_185, %mul3A_2065 : i32
        %add3A_2067 = arith.constant 16 : i32
        %add3A_2068 = arith.addi %mul3A_2066, %add3A_2067 : i32
        %get3A_2069 = arith.index_cast %add3A_2068 : i32 to index
        %get3A_2070 = arith.constant 96 : index
        %get3A_2071 = tpu.vector_load %arg7[%get3A_2069, %get3A_2070] {strides = array<i32>} : memref<128x128xf32, #tpu.memory_space<vmem>>, vector<1x16xf32>,
        %get3A_2072 = vector.shape_cast %get3A_2071 : vector<1x16xf32> to vector<16xf32>
        %add3A_2073 = arith.addf %add3A_2064, %get3A_2072 : vector<16xf32>
        %mul3A_2074 = arith.constant 32 : i32
        %mul3A_2075 = arith.muli %scan3A_185, %mul3A_2074 : i32
        %add3A_2076 = arith.constant 17 : i32
        %add3A_2077 = arith.addi %mul3A_2075, %add3A_2076 : i32
        %get3A_2078 = arith.index_cast %add3A_2077 : i32 to index
        %get3A_2079 = arith.constant 96 : index
        %get3A_2080 = tpu.vector_load %arg7[%get3A_2078, %get3A_2079] {strides = array<i32>} : memref<128x128xf32, #tpu.memory_space<vmem>>, vector<1x16xf32>,
        %get3A_2081 = vector.shape_cast %get3A_2080 : vector<1x16xf32> to vector<16xf32>
        %add3A_2082 = arith.addf %add3A_2073, %get3A_2081 : vector<16xf32>
        %mul3A_2083 = arith.constant 32 : i32
        %mul3A_2084 = arith.muli %scan3A_185, %mul3A_2083 : i32
        %add3A_2085 = arith.constant 18 : i32
        %add3A_2086 = arith.addi %mul3A_2084, %add3A_2085 : i32
        %get3A_2087 = arith.index_cast %add3A_2086 : i32 to index
        %get3A_2088 = arith.constant 96 : index
        %get3A_2089 = tpu.vector_load %arg7[%get3A_2087, %get3A_2088] {strides = array<i32>} : memref<128x128xf32, #tpu.memory_space<vmem>>, vector<1x16xf32>,
        %get3A_2090 = vector.shape_cast %get3A_2089 : vector<1x16xf32> to vector<16xf32>
        %add3A_2091 = arith.addf %add3A_2082, %get3A_2090 : vector<16xf32>
        %mul3A_2092 = arith.constant 32 : i32
        %mul3A_2093 = arith.muli %scan3A_185, %mul3A_2092 : i32
        %add3A_2094 = arith.constant 19 : i32
        %add3A_2095 = arith.addi %mul3A_2093, %add3A_2094 : i32
        %get3A_2096 = arith.index_cast %add3A_2095 : i32 to index
        %get3A_2097 = arith.constant 96 : index
        %get3A_2098 = tpu.vector_load %arg7[%get3A_2096, %get3A_2097] {strides = array<i32>} : memref<128x128xf32, #tpu.memory_space<vmem>>, vector<1x16xf32>,
        %get3A_2099 = vector.shape_cast %get3A_2098 : vector<1x16xf32> to vector<16xf32>
        %add3A_2100 = arith.addf %add3A_2091, %get3A_2099 : vector<16xf32>
        %mul3A_2101 = arith.constant 32 : i32
        %mul3A_2102 = arith.muli %scan3A_185, %mul3A_2101 : i32
        %add3A_2103 = arith.constant 20 : i32
        %add3A_2104 = arith.addi %mul3A_2102, %add3A_2103 : i32
        %get3A_2105 = arith.index_cast %add3A_2104 : i32 to index
        %get3A_2106 = arith.constant 96 : index
        %get3A_2107 = tpu.vector_load %arg7[%get3A_2105, %get3A_2106] {strides = array<i32>} : memref<128x128xf32, #tpu.memory_space<vmem>>, vector<1x16xf32>,
        %get3A_2108 = vector.shape_cast %get3A_2107 : vector<1x16xf32> to vector<16xf32>
        %add3A_2109 = arith.addf %add3A_2100, %get3A_2108 : vector<16xf32>
        %mul3A_2110 = arith.constant 32 : i32
        %mul3A_2111 = arith.muli %scan3A_185, %mul3A_2110 : i32
        %add3A_2112 = arith.constant 21 : i32
        %add3A_2113 = arith.addi %mul3A_2111, %add3A_2112 : i32
        %get3A_2114 = arith.index_cast %add3A_2113 : i32 to index
        %get3A_2115 = arith.constant 96 : index
        %get3A_2116 = tpu.vector_load %arg7[%get3A_2114, %get3A_2115] {strides = array<i32>} : memref<128x128xf32, #tpu.memory_space<vmem>>, vector<1x16xf32>,
        %get3A_2117 = vector.shape_cast %get3A_2116 : vector<1x16xf32> to vector<16xf32>
        %add3A_2118 = arith.addf %add3A_2109, %get3A_2117 : vector<16xf32>
        %mul3A_2119 = arith.constant 32 : i32
        %mul3A_2120 = arith.muli %scan3A_185, %mul3A_2119 : i32
        %add3A_2121 = arith.constant 22 : i32
        %add3A_2122 = arith.addi %mul3A_2120, %add3A_2121 : i32
        %get3A_2123 = arith.index_cast %add3A_2122 : i32 to index
        %get3A_2124 = arith.constant 96 : index
        %get3A_2125 = tpu.vector_load %arg7[%get3A_2123, %get3A_2124] {strides = array<i32>} : memref<128x128xf32, #tpu.memory_space<vmem>>, vector<1x16xf32>,
        %get3A_2126 = vector.shape_cast %get3A_2125 : vector<1x16xf32> to vector<16xf32>
        %add3A_2127 = arith.addf %add3A_2118, %get3A_2126 : vector<16xf32>
        %mul3A_2128 = arith.constant 32 : i32
        %mul3A_2129 = arith.muli %scan3A_185, %mul3A_2128 : i32
        %add3A_2130 = arith.constant 23 : i32
        %add3A_2131 = arith.addi %mul3A_2129, %add3A_2130 : i32
        %get3A_2132 = arith.index_cast %add3A_2131 : i32 to index
        %get3A_2133 = arith.constant 96 : index
        %get3A_2134 = tpu.vector_load %arg7[%get3A_2132, %get3A_2133] {strides = array<i32>} : memref<128x128xf32, #tpu.memory_space<vmem>>, vector<1x16xf32>,
        %get3A_2135 = vector.shape_cast %get3A_2134 : vector<1x16xf32> to vector<16xf32>
        %add3A_2136 = arith.addf %add3A_2127, %get3A_2135 : vector<16xf32>
        %mul3A_2137 = arith.constant 32 : i32
        %mul3A_2138 = arith.muli %scan3A_185, %mul3A_2137 : i32
        %add3A_2139 = arith.constant 24 : i32
        %add3A_2140 = arith.addi %mul3A_2138, %add3A_2139 : i32
        %get3A_2141 = arith.index_cast %add3A_2140 : i32 to index
        %get3A_2142 = arith.constant 96 : index
        %get3A_2143 = tpu.vector_load %arg7[%get3A_2141, %get3A_2142] {strides = array<i32>} : memref<128x128xf32, #tpu.memory_space<vmem>>, vector<1x16xf32>,
        %get3A_2144 = vector.shape_cast %get3A_2143 : vector<1x16xf32> to vector<16xf32>
        %add3A_2145 = arith.addf %add3A_2136, %get3A_2144 : vector<16xf32>
        %mul3A_2146 = arith.constant 32 : i32
        %mul3A_2147 = arith.muli %scan3A_185, %mul3A_2146 : i32
        %add3A_2148 = arith.constant 25 : i32
        %add3A_2149 = arith.addi %mul3A_2147, %add3A_2148 : i32
        %get3A_2150 = arith.index_cast %add3A_2149 : i32 to index
        %get3A_2151 = arith.constant 96 : index
        %get3A_2152 = tpu.vector_load %arg7[%get3A_2150, %get3A_2151] {strides = array<i32>} : memref<128x128xf32, #tpu.memory_space<vmem>>, vector<1x16xf32>,
        %get3A_2153 = vector.shape_cast %get3A_2152 : vector<1x16xf32> to vector<16xf32>
        %add3A_2154 = arith.addf %add3A_2145, %get3A_2153 : vector<16xf32>
        %mul3A_2155 = arith.constant 32 : i32
        %mul3A_2156 = arith.muli %scan3A_185, %mul3A_2155 : i32
        %add3A_2157 = arith.constant 26 : i32
        %add3A_2158 = arith.addi %mul3A_2156, %add3A_2157 : i32
        %get3A_2159 = arith.index_cast %add3A_2158 : i32 to index
        %get3A_2160 = arith.constant 96 : index
        %get3A_2161 = tpu.vector_load %arg7[%get3A_2159, %get3A_2160] {strides = array<i32>} : memref<128x128xf32, #tpu.memory_space<vmem>>, vector<1x16xf32>,
        %get3A_2162 = vector.shape_cast %get3A_2161 : vector<1x16xf32> to vector<16xf32>
        %add3A_2163 = arith.addf %add3A_2154, %get3A_2162 : vector<16xf32>
        %mul3A_2164 = arith.constant 32 : i32
        %mul3A_2165 = arith.muli %scan3A_185, %mul3A_2164 : i32
        %add3A_2166 = arith.constant 27 : i32
        %add3A_2167 = arith.addi %mul3A_2165, %add3A_2166 : i32
        %get3A_2168 = arith.index_cast %add3A_2167 : i32 to index
        %get3A_2169 = arith.constant 96 : index
        %get3A_2170 = tpu.vector_load %arg7[%get3A_2168, %get3A_2169] {strides = array<i32>} : memref<128x128xf32, #tpu.memory_space<vmem>>, vector<1x16xf32>,
        %get3A_2171 = vector.shape_cast %get3A_2170 : vector<1x16xf32> to vector<16xf32>
        %add3A_2172 = arith.addf %add3A_2163, %get3A_2171 : vector<16xf32>
        %mul3A_2173 = arith.constant 32 : i32
        %mul3A_2174 = arith.muli %scan3A_185, %mul3A_2173 : i32
        %add3A_2175 = arith.constant 28 : i32
        %add3A_2176 = arith.addi %mul3A_2174, %add3A_2175 : i32
        %get3A_2177 = arith.index_cast %add3A_2176 : i32 to index
        %get3A_2178 = arith.constant 96 : index
        %get3A_2179 = tpu.vector_load %arg7[%get3A_2177, %get3A_2178] {strides = array<i32>} : memref<128x128xf32, #tpu.memory_space<vmem>>, vector<1x16xf32>,
        %get3A_2180 = vector.shape_cast %get3A_2179 : vector<1x16xf32> to vector<16xf32>
        %add3A_2181 = arith.addf %add3A_2172, %get3A_2180 : vector<16xf32>
        %mul3A_2182 = arith.constant 32 : i32
        %mul3A_2183 = arith.muli %scan3A_185, %mul3A_2182 : i32
        %add3A_2184 = arith.constant 29 : i32
        %add3A_2185 = arith.addi %mul3A_2183, %add3A_2184 : i32
        %get3A_2186 = arith.index_cast %add3A_2185 : i32 to index
        %get3A_2187 = arith.constant 96 : index
        %get3A_2188 = tpu.vector_load %arg7[%get3A_2186, %get3A_2187] {strides = array<i32>} : memref<128x128xf32, #tpu.memory_space<vmem>>, vector<1x16xf32>,
        %get3A_2189 = vector.shape_cast %get3A_2188 : vector<1x16xf32> to vector<16xf32>
        %add3A_2190 = arith.addf %add3A_2181, %get3A_2189 : vector<16xf32>
        %mul3A_2191 = arith.constant 32 : i32
        %mul3A_2192 = arith.muli %scan3A_185, %mul3A_2191 : i32
        %add3A_2193 = arith.constant 30 : i32
        %add3A_2194 = arith.addi %mul3A_2192, %add3A_2193 : i32
        %get3A_2195 = arith.index_cast %add3A_2194 : i32 to index
        %get3A_2196 = arith.constant 96 : index
        %get3A_2197 = tpu.vector_load %arg7[%get3A_2195, %get3A_2196] {strides = array<i32>} : memref<128x128xf32, #tpu.memory_space<vmem>>, vector<1x16xf32>,
        %get3A_2198 = vector.shape_cast %get3A_2197 : vector<1x16xf32> to vector<16xf32>
        %add3A_2199 = arith.addf %add3A_2190, %get3A_2198 : vector<16xf32>
        %mul3A_2200 = arith.constant 32 : i32
        %mul3A_2201 = arith.muli %scan3A_185, %mul3A_2200 : i32
        %add3A_2202 = arith.constant 31 : i32
        %add3A_2203 = arith.addi %mul3A_2201, %add3A_2202 : i32
        %get3A_2204 = arith.index_cast %add3A_2203 : i32 to index
        %get3A_2205 = arith.constant 96 : index
        %get3A_2206 = tpu.vector_load %arg7[%get3A_2204, %get3A_2205] {strides = array<i32>} : memref<128x128xf32, #tpu.memory_space<vmem>>, vector<1x16xf32>,
        %get3A_2207 = vector.shape_cast %get3A_2206 : vector<1x16xf32> to vector<16xf32>
        %add3A_2208 = arith.addf %add3A_2199, %get3A_2207 : vector<16xf32>
        %swap3A_2209 = arith.index_cast %scan3A_185 : i32 to index
        %swap3A_2210 = arith.constant 96 : index
        %swap3A_2211 = tpu.vector_load %arg9[%swap3A_2209, %swap3A_2210] {strides = array<i32>} : memref<4x128xf32, #tpu.memory_space<vmem>>, vector<1x16xf32>,
        %swap3A_2212 = vector.shape_cast %swap3A_2211 : vector<1x16xf32> to vector<16xf32>
        %swap3A_2213 = vector.shape_cast %add3A_2208 : vector<16xf32> to vector<1x16xf32>
        tpu.vector_store %arg9[%swap3A_2209, %swap3A_2210], %swap3A_2213 {strides = array<i32>} : memref<4x128xf32, #tpu.memory_space<vmem>>, vector<1x16xf32>,
        %mul3A_2214 = arith.constant 32 : i32
        %mul3A_2215 = arith.muli %scan3A_185, %mul3A_2214 : i32
        %get3A_2216 = arith.index_cast %mul3A_2215 : i32 to index
        %get3A_2217 = arith.constant 112 : index
        %get3A_2218 = tpu.vector_load %arg7[%get3A_2216, %get3A_2217] {strides = array<i32>} : memref<128x128xf32, #tpu.memory_space<vmem>>, vector<1x16xf32>,
        %get3A_2219 = vector.shape_cast %get3A_2218 : vector<1x16xf32> to vector<16xf32>
        %mul3A_2220 = arith.constant 32 : i32
        %mul3A_2221 = arith.muli %scan3A_185, %mul3A_2220 : i32
        %add3A_2222 = arith.constant 1 : i32
        %add3A_2223 = arith.addi %mul3A_2221, %add3A_2222 : i32
        %get3A_2224 = arith.index_cast %add3A_2223 : i32 to index
        %get3A_2225 = arith.constant 112 : index
        %get3A_2226 = tpu.vector_load %arg7[%get3A_2224, %get3A_2225] {strides = array<i32>} : memref<128x128xf32, #tpu.memory_space<vmem>>, vector<1x16xf32>,
        %get3A_2227 = vector.shape_cast %get3A_2226 : vector<1x16xf32> to vector<16xf32>
        %add3A_2228 = arith.addf %get3A_2219, %get3A_2227 : vector<16xf32>
        %mul3A_2229 = arith.constant 32 : i32
        %mul3A_2230 = arith.muli %scan3A_185, %mul3A_2229 : i32
        %add3A_2231 = arith.constant 2 : i32
        %add3A_2232 = arith.addi %mul3A_2230, %add3A_2231 : i32
        %get3A_2233 = arith.index_cast %add3A_2232 : i32 to index
        %get3A_2234 = arith.constant 112 : index
        %get3A_2235 = tpu.vector_load %arg7[%get3A_2233, %get3A_2234] {strides = array<i32>} : memref<128x128xf32, #tpu.memory_space<vmem>>, vector<1x16xf32>,
        %get3A_2236 = vector.shape_cast %get3A_2235 : vector<1x16xf32> to vector<16xf32>
        %add3A_2237 = arith.addf %add3A_2228, %get3A_2236 : vector<16xf32>
        %mul3A_2238 = arith.constant 32 : i32
        %mul3A_2239 = arith.muli %scan3A_185, %mul3A_2238 : i32
        %add3A_2240 = arith.constant 3 : i32
        %add3A_2241 = arith.addi %mul3A_2239, %add3A_2240 : i32
        %get3A_2242 = arith.index_cast %add3A_2241 : i32 to index
        %get3A_2243 = arith.constant 112 : index
        %get3A_2244 = tpu.vector_load %arg7[%get3A_2242, %get3A_2243] {strides = array<i32>} : memref<128x128xf32, #tpu.memory_space<vmem>>, vector<1x16xf32>,
        %get3A_2245 = vector.shape_cast %get3A_2244 : vector<1x16xf32> to vector<16xf32>
        %add3A_2246 = arith.addf %add3A_2237, %get3A_2245 : vector<16xf32>
        %mul3A_2247 = arith.constant 32 : i32
        %mul3A_2248 = arith.muli %scan3A_185, %mul3A_2247 : i32
        %add3A_2249 = arith.constant 4 : i32
        %add3A_2250 = arith.addi %mul3A_2248, %add3A_2249 : i32
        %get3A_2251 = arith.index_cast %add3A_2250 : i32 to index
        %get3A_2252 = arith.constant 112 : index
        %get3A_2253 = tpu.vector_load %arg7[%get3A_2251, %get3A_2252] {strides = array<i32>} : memref<128x128xf32, #tpu.memory_space<vmem>>, vector<1x16xf32>,
        %get3A_2254 = vector.shape_cast %get3A_2253 : vector<1x16xf32> to vector<16xf32>
        %add3A_2255 = arith.addf %add3A_2246, %get3A_2254 : vector<16xf32>
        %mul3A_2256 = arith.constant 32 : i32
        %mul3A_2257 = arith.muli %scan3A_185, %mul3A_2256 : i32
        %add3A_2258 = arith.constant 5 : i32
        %add3A_2259 = arith.addi %mul3A_2257, %add3A_2258 : i32
        %get3A_2260 = arith.index_cast %add3A_2259 : i32 to index
        %get3A_2261 = arith.constant 112 : index
        %get3A_2262 = tpu.vector_load %arg7[%get3A_2260, %get3A_2261] {strides = array<i32>} : memref<128x128xf32, #tpu.memory_space<vmem>>, vector<1x16xf32>,
        %get3A_2263 = vector.shape_cast %get3A_2262 : vector<1x16xf32> to vector<16xf32>
        %add3A_2264 = arith.addf %add3A_2255, %get3A_2263 : vector<16xf32>
        %mul3A_2265 = arith.constant 32 : i32
        %mul3A_2266 = arith.muli %scan3A_185, %mul3A_2265 : i32
        %add3A_2267 = arith.constant 6 : i32
        %add3A_2268 = arith.addi %mul3A_2266, %add3A_2267 : i32
        %get3A_2269 = arith.index_cast %add3A_2268 : i32 to index
        %get3A_2270 = arith.constant 112 : index
        %get3A_2271 = tpu.vector_load %arg7[%get3A_2269, %get3A_2270] {strides = array<i32>} : memref<128x128xf32, #tpu.memory_space<vmem>>, vector<1x16xf32>,
        %get3A_2272 = vector.shape_cast %get3A_2271 : vector<1x16xf32> to vector<16xf32>
        %add3A_2273 = arith.addf %add3A_2264, %get3A_2272 : vector<16xf32>
        %mul3A_2274 = arith.constant 32 : i32
        %mul3A_2275 = arith.muli %scan3A_185, %mul3A_2274 : i32
        %add3A_2276 = arith.constant 7 : i32
        %add3A_2277 = arith.addi %mul3A_2275, %add3A_2276 : i32
        %get3A_2278 = arith.index_cast %add3A_2277 : i32 to index
        %get3A_2279 = arith.constant 112 : index
        %get3A_2280 = tpu.vector_load %arg7[%get3A_2278, %get3A_2279] {strides = array<i32>} : memref<128x128xf32, #tpu.memory_space<vmem>>, vector<1x16xf32>,
        %get3A_2281 = vector.shape_cast %get3A_2280 : vector<1x16xf32> to vector<16xf32>
        %add3A_2282 = arith.addf %add3A_2273, %get3A_2281 : vector<16xf32>
        %mul3A_2283 = arith.constant 32 : i32
        %mul3A_2284 = arith.muli %scan3A_185, %mul3A_2283 : i32
        %add3A_2285 = arith.constant 8 : i32
        %add3A_2286 = arith.addi %mul3A_2284, %add3A_2285 : i32
        %get3A_2287 = arith.index_cast %add3A_2286 : i32 to index
        %get3A_2288 = arith.constant 112 : index
        %get3A_2289 = tpu.vector_load %arg7[%get3A_2287, %get3A_2288] {strides = array<i32>} : memref<128x128xf32, #tpu.memory_space<vmem>>, vector<1x16xf32>,
        %get3A_2290 = vector.shape_cast %get3A_2289 : vector<1x16xf32> to vector<16xf32>
        %add3A_2291 = arith.addf %add3A_2282, %get3A_2290 : vector<16xf32>
        %mul3A_2292 = arith.constant 32 : i32
        %mul3A_2293 = arith.muli %scan3A_185, %mul3A_2292 : i32
        %add3A_2294 = arith.constant 9 : i32
        %add3A_2295 = arith.addi %mul3A_2293, %add3A_2294 : i32
        %get3A_2296 = arith.index_cast %add3A_2295 : i32 to index
        %get3A_2297 = arith.constant 112 : index
        %get3A_2298 = tpu.vector_load %arg7[%get3A_2296, %get3A_2297] {strides = array<i32>} : memref<128x128xf32, #tpu.memory_space<vmem>>, vector<1x16xf32>,
        %get3A_2299 = vector.shape_cast %get3A_2298 : vector<1x16xf32> to vector<16xf32>
        %add3A_2300 = arith.addf %add3A_2291, %get3A_2299 : vector<16xf32>
        %mul3A_2301 = arith.constant 32 : i32
        %mul3A_2302 = arith.muli %scan3A_185, %mul3A_2301 : i32
        %add3A_2303 = arith.constant 10 : i32
        %add3A_2304 = arith.addi %mul3A_2302, %add3A_2303 : i32
        %get3A_2305 = arith.index_cast %add3A_2304 : i32 to index
        %get3A_2306 = arith.constant 112 : index
        %get3A_2307 = tpu.vector_load %arg7[%get3A_2305, %get3A_2306] {strides = array<i32>} : memref<128x128xf32, #tpu.memory_space<vmem>>, vector<1x16xf32>,
        %get3A_2308 = vector.shape_cast %get3A_2307 : vector<1x16xf32> to vector<16xf32>
        %add3A_2309 = arith.addf %add3A_2300, %get3A_2308 : vector<16xf32>
        %mul3A_2310 = arith.constant 32 : i32
        %mul3A_2311 = arith.muli %scan3A_185, %mul3A_2310 : i32
        %add3A_2312 = arith.constant 11 : i32
        %add3A_2313 = arith.addi %mul3A_2311, %add3A_2312 : i32
        %get3A_2314 = arith.index_cast %add3A_2313 : i32 to index
        %get3A_2315 = arith.constant 112 : index
        %get3A_2316 = tpu.vector_load %arg7[%get3A_2314, %get3A_2315] {strides = array<i32>} : memref<128x128xf32, #tpu.memory_space<vmem>>, vector<1x16xf32>,
        %get3A_2317 = vector.shape_cast %get3A_2316 : vector<1x16xf32> to vector<16xf32>
        %add3A_2318 = arith.addf %add3A_2309, %get3A_2317 : vector<16xf32>
        %mul3A_2319 = arith.constant 32 : i32
        %mul3A_2320 = arith.muli %scan3A_185, %mul3A_2319 : i32
        %add3A_2321 = arith.constant 12 : i32
        %add3A_2322 = arith.addi %mul3A_2320, %add3A_2321 : i32
        %get3A_2323 = arith.index_cast %add3A_2322 : i32 to index
        %get3A_2324 = arith.constant 112 : index
        %get3A_2325 = tpu.vector_load %arg7[%get3A_2323, %get3A_2324] {strides = array<i32>} : memref<128x128xf32, #tpu.memory_space<vmem>>, vector<1x16xf32>,
        %get3A_2326 = vector.shape_cast %get3A_2325 : vector<1x16xf32> to vector<16xf32>
        %add3A_2327 = arith.addf %add3A_2318, %get3A_2326 : vector<16xf32>
        %mul3A_2328 = arith.constant 32 : i32
        %mul3A_2329 = arith.muli %scan3A_185, %mul3A_2328 : i32
        %add3A_2330 = arith.constant 13 : i32
        %add3A_2331 = arith.addi %mul3A_2329, %add3A_2330 : i32
        %get3A_2332 = arith.index_cast %add3A_2331 : i32 to index
        %get3A_2333 = arith.constant 112 : index
        %get3A_2334 = tpu.vector_load %arg7[%get3A_2332, %get3A_2333] {strides = array<i32>} : memref<128x128xf32, #tpu.memory_space<vmem>>, vector<1x16xf32>,
        %get3A_2335 = vector.shape_cast %get3A_2334 : vector<1x16xf32> to vector<16xf32>
        %add3A_2336 = arith.addf %add3A_2327, %get3A_2335 : vector<16xf32>
        %mul3A_2337 = arith.constant 32 : i32
        %mul3A_2338 = arith.muli %scan3A_185, %mul3A_2337 : i32
        %add3A_2339 = arith.constant 14 : i32
        %add3A_2340 = arith.addi %mul3A_2338, %add3A_2339 : i32
        %get3A_2341 = arith.index_cast %add3A_2340 : i32 to index
        %get3A_2342 = arith.constant 112 : index
        %get3A_2343 = tpu.vector_load %arg7[%get3A_2341, %get3A_2342] {strides = array<i32>} : memref<128x128xf32, #tpu.memory_space<vmem>>, vector<1x16xf32>,
        %get3A_2344 = vector.shape_cast %get3A_2343 : vector<1x16xf32> to vector<16xf32>
        %add3A_2345 = arith.addf %add3A_2336, %get3A_2344 : vector<16xf32>
        %mul3A_2346 = arith.constant 32 : i32
        %mul3A_2347 = arith.muli %scan3A_185, %mul3A_2346 : i32
        %add3A_2348 = arith.constant 15 : i32
        %add3A_2349 = arith.addi %mul3A_2347, %add3A_2348 : i32
        %get3A_2350 = arith.index_cast %add3A_2349 : i32 to index
        %get3A_2351 = arith.constant 112 : index
        %get3A_2352 = tpu.vector_load %arg7[%get3A_2350, %get3A_2351] {strides = array<i32>} : memref<128x128xf32, #tpu.memory_space<vmem>>, vector<1x16xf32>,
        %get3A_2353 = vector.shape_cast %get3A_2352 : vector<1x16xf32> to vector<16xf32>
        %add3A_2354 = arith.addf %add3A_2345, %get3A_2353 : vector<16xf32>
        %mul3A_2355 = arith.constant 32 : i32
        %mul3A_2356 = arith.muli %scan3A_185, %mul3A_2355 : i32
        %add3A_2357 = arith.constant 16 : i32
        %add3A_2358 = arith.addi %mul3A_2356, %add3A_2357 : i32
        %get3A_2359 = arith.index_cast %add3A_2358 : i32 to index
        %get3A_2360 = arith.constant 112 : index
        %get3A_2361 = tpu.vector_load %arg7[%get3A_2359, %get3A_2360] {strides = array<i32>} : memref<128x128xf32, #tpu.memory_space<vmem>>, vector<1x16xf32>,
        %get3A_2362 = vector.shape_cast %get3A_2361 : vector<1x16xf32> to vector<16xf32>
        %add3A_2363 = arith.addf %add3A_2354, %get3A_2362 : vector<16xf32>
        %mul3A_2364 = arith.constant 32 : i32
        %mul3A_2365 = arith.muli %scan3A_185, %mul3A_2364 : i32
        %add3A_2366 = arith.constant 17 : i32
        %add3A_2367 = arith.addi %mul3A_2365, %add3A_2366 : i32
        %get3A_2368 = arith.index_cast %add3A_2367 : i32 to index
        %get3A_2369 = arith.constant 112 : index
        %get3A_2370 = tpu.vector_load %arg7[%get3A_2368, %get3A_2369] {strides = array<i32>} : memref<128x128xf32, #tpu.memory_space<vmem>>, vector<1x16xf32>,
        %get3A_2371 = vector.shape_cast %get3A_2370 : vector<1x16xf32> to vector<16xf32>
        %add3A_2372 = arith.addf %add3A_2363, %get3A_2371 : vector<16xf32>
        %mul3A_2373 = arith.constant 32 : i32
        %mul3A_2374 = arith.muli %scan3A_185, %mul3A_2373 : i32
        %add3A_2375 = arith.constant 18 : i32
        %add3A_2376 = arith.addi %mul3A_2374, %add3A_2375 : i32
        %get3A_2377 = arith.index_cast %add3A_2376 : i32 to index
        %get3A_2378 = arith.constant 112 : index
        %get3A_2379 = tpu.vector_load %arg7[%get3A_2377, %get3A_2378] {strides = array<i32>} : memref<128x128xf32, #tpu.memory_space<vmem>>, vector<1x16xf32>,
        %get3A_2380 = vector.shape_cast %get3A_2379 : vector<1x16xf32> to vector<16xf32>
        %add3A_2381 = arith.addf %add3A_2372, %get3A_2380 : vector<16xf32>
        %mul3A_2382 = arith.constant 32 : i32
        %mul3A_2383 = arith.muli %scan3A_185, %mul3A_2382 : i32
        %add3A_2384 = arith.constant 19 : i32
        %add3A_2385 = arith.addi %mul3A_2383, %add3A_2384 : i32
        %get3A_2386 = arith.index_cast %add3A_2385 : i32 to index
        %get3A_2387 = arith.constant 112 : index
        %get3A_2388 = tpu.vector_load %arg7[%get3A_2386, %get3A_2387] {strides = array<i32>} : memref<128x128xf32, #tpu.memory_space<vmem>>, vector<1x16xf32>,
        %get3A_2389 = vector.shape_cast %get3A_2388 : vector<1x16xf32> to vector<16xf32>
        %add3A_2390 = arith.addf %add3A_2381, %get3A_2389 : vector<16xf32>
        %mul3A_2391 = arith.constant 32 : i32
        %mul3A_2392 = arith.muli %scan3A_185, %mul3A_2391 : i32
        %add3A_2393 = arith.constant 20 : i32
        %add3A_2394 = arith.addi %mul3A_2392, %add3A_2393 : i32
        %get3A_2395 = arith.index_cast %add3A_2394 : i32 to index
        %get3A_2396 = arith.constant 112 : index
        %get3A_2397 = tpu.vector_load %arg7[%get3A_2395, %get3A_2396] {strides = array<i32>} : memref<128x128xf32, #tpu.memory_space<vmem>>, vector<1x16xf32>,
        %get3A_2398 = vector.shape_cast %get3A_2397 : vector<1x16xf32> to vector<16xf32>
        %add3A_2399 = arith.addf %add3A_2390, %get3A_2398 : vector<16xf32>
        %mul3A_2400 = arith.constant 32 : i32
        %mul3A_2401 = arith.muli %scan3A_185, %mul3A_2400 : i32
        %add3A_2402 = arith.constant 21 : i32
        %add3A_2403 = arith.addi %mul3A_2401, %add3A_2402 : i32
        %get3A_2404 = arith.index_cast %add3A_2403 : i32 to index
        %get3A_2405 = arith.constant 112 : index
        %get3A_2406 = tpu.vector_load %arg7[%get3A_2404, %get3A_2405] {strides = array<i32>} : memref<128x128xf32, #tpu.memory_space<vmem>>, vector<1x16xf32>,
        %get3A_2407 = vector.shape_cast %get3A_2406 : vector<1x16xf32> to vector<16xf32>
        %add3A_2408 = arith.addf %add3A_2399, %get3A_2407 : vector<16xf32>
        %mul3A_2409 = arith.constant 32 : i32
        %mul3A_2410 = arith.muli %scan3A_185, %mul3A_2409 : i32
        %add3A_2411 = arith.constant 22 : i32
        %add3A_2412 = arith.addi %mul3A_2410, %add3A_2411 : i32
        %get3A_2413 = arith.index_cast %add3A_2412 : i32 to index
        %get3A_2414 = arith.constant 112 : index
        %get3A_2415 = tpu.vector_load %arg7[%get3A_2413, %get3A_2414] {strides = array<i32>} : memref<128x128xf32, #tpu.memory_space<vmem>>, vector<1x16xf32>,
        %get3A_2416 = vector.shape_cast %get3A_2415 : vector<1x16xf32> to vector<16xf32>
        %add3A_2417 = arith.addf %add3A_2408, %get3A_2416 : vector<16xf32>
        %mul3A_2418 = arith.constant 32 : i32
        %mul3A_2419 = arith.muli %scan3A_185, %mul3A_2418 : i32
        %add3A_2420 = arith.constant 23 : i32
        %add3A_2421 = arith.addi %mul3A_2419, %add3A_2420 : i32
        %get3A_2422 = arith.index_cast %add3A_2421 : i32 to index
        %get3A_2423 = arith.constant 112 : index
        %get3A_2424 = tpu.vector_load %arg7[%get3A_2422, %get3A_2423] {strides = array<i32>} : memref<128x128xf32, #tpu.memory_space<vmem>>, vector<1x16xf32>,
        %get3A_2425 = vector.shape_cast %get3A_2424 : vector<1x16xf32> to vector<16xf32>
        %add3A_2426 = arith.addf %add3A_2417, %get3A_2425 : vector<16xf32>
        %mul3A_2427 = arith.constant 32 : i32
        %mul3A_2428 = arith.muli %scan3A_185, %mul3A_2427 : i32
        %add3A_2429 = arith.constant 24 : i32
        %add3A_2430 = arith.addi %mul3A_2428, %add3A_2429 : i32
        %get3A_2431 = arith.index_cast %add3A_2430 : i32 to index
        %get3A_2432 = arith.constant 112 : index
        %get3A_2433 = tpu.vector_load %arg7[%get3A_2431, %get3A_2432] {strides = array<i32>} : memref<128x128xf32, #tpu.memory_space<vmem>>, vector<1x16xf32>,
        %get3A_2434 = vector.shape_cast %get3A_2433 : vector<1x16xf32> to vector<16xf32>
        %add3A_2435 = arith.addf %add3A_2426, %get3A_2434 : vector<16xf32>
        %mul3A_2436 = arith.constant 32 : i32
        %mul3A_2437 = arith.muli %scan3A_185, %mul3A_2436 : i32
        %add3A_2438 = arith.constant 25 : i32
        %add3A_2439 = arith.addi %mul3A_2437, %add3A_2438 : i32
        %get3A_2440 = arith.index_cast %add3A_2439 : i32 to index
        %get3A_2441 = arith.constant 112 : index
        %get3A_2442 = tpu.vector_load %arg7[%get3A_2440, %get3A_2441] {strides = array<i32>} : memref<128x128xf32, #tpu.memory_space<vmem>>, vector<1x16xf32>,
        %get3A_2443 = vector.shape_cast %get3A_2442 : vector<1x16xf32> to vector<16xf32>
        %add3A_2444 = arith.addf %add3A_2435, %get3A_2443 : vector<16xf32>
        %mul3A_2445 = arith.constant 32 : i32
        %mul3A_2446 = arith.muli %scan3A_185, %mul3A_2445 : i32
        %add3A_2447 = arith.constant 26 : i32
        %add3A_2448 = arith.addi %mul3A_2446, %add3A_2447 : i32
        %get3A_2449 = arith.index_cast %add3A_2448 : i32 to index
        %get3A_2450 = arith.constant 112 : index
        %get3A_2451 = tpu.vector_load %arg7[%get3A_2449, %get3A_2450] {strides = array<i32>} : memref<128x128xf32, #tpu.memory_space<vmem>>, vector<1x16xf32>,
        %get3A_2452 = vector.shape_cast %get3A_2451 : vector<1x16xf32> to vector<16xf32>
        %add3A_2453 = arith.addf %add3A_2444, %get3A_2452 : vector<16xf32>
        %mul3A_2454 = arith.constant 32 : i32
        %mul3A_2455 = arith.muli %scan3A_185, %mul3A_2454 : i32
        %add3A_2456 = arith.constant 27 : i32
        %add3A_2457 = arith.addi %mul3A_2455, %add3A_2456 : i32
        %get3A_2458 = arith.index_cast %add3A_2457 : i32 to index
        %get3A_2459 = arith.constant 112 : index
        %get3A_2460 = tpu.vector_load %arg7[%get3A_2458, %get3A_2459] {strides = array<i32>} : memref<128x128xf32, #tpu.memory_space<vmem>>, vector<1x16xf32>,
        %get3A_2461 = vector.shape_cast %get3A_2460 : vector<1x16xf32> to vector<16xf32>
        %add3A_2462 = arith.addf %add3A_2453, %get3A_2461 : vector<16xf32>
        %mul3A_2463 = arith.constant 32 : i32
        %mul3A_2464 = arith.muli %scan3A_185, %mul3A_2463 : i32
        %add3A_2465 = arith.constant 28 : i32
        %add3A_2466 = arith.addi %mul3A_2464, %add3A_2465 : i32
        %get3A_2467 = arith.index_cast %add3A_2466 : i32 to index
        %get3A_2468 = arith.constant 112 : index
        %get3A_2469 = tpu.vector_load %arg7[%get3A_2467, %get3A_2468] {strides = array<i32>} : memref<128x128xf32, #tpu.memory_space<vmem>>, vector<1x16xf32>,
        %get3A_2470 = vector.shape_cast %get3A_2469 : vector<1x16xf32> to vector<16xf32>
        %add3A_2471 = arith.addf %add3A_2462, %get3A_2470 : vector<16xf32>
        %mul3A_2472 = arith.constant 32 : i32
        %mul3A_2473 = arith.muli %scan3A_185, %mul3A_2472 : i32
        %add3A_2474 = arith.constant 29 : i32
        %add3A_2475 = arith.addi %mul3A_2473, %add3A_2474 : i32
        %get3A_2476 = arith.index_cast %add3A_2475 : i32 to index
        %get3A_2477 = arith.constant 112 : index
        %get3A_2478 = tpu.vector_load %arg7[%get3A_2476, %get3A_2477] {strides = array<i32>} : memref<128x128xf32, #tpu.memory_space<vmem>>, vector<1x16xf32>,
        %get3A_2479 = vector.shape_cast %get3A_2478 : vector<1x16xf32> to vector<16xf32>
        %add3A_2480 = arith.addf %add3A_2471, %get3A_2479 : vector<16xf32>
        %mul3A_2481 = arith.constant 32 : i32
        %mul3A_2482 = arith.muli %scan3A_185, %mul3A_2481 : i32
        %add3A_2483 = arith.constant 30 : i32
        %add3A_2484 = arith.addi %mul3A_2482, %add3A_2483 : i32
        %get3A_2485 = arith.index_cast %add3A_2484 : i32 to index
        %get3A_2486 = arith.constant 112 : index
        %get3A_2487 = tpu.vector_load %arg7[%get3A_2485, %get3A_2486] {strides = array<i32>} : memref<128x128xf32, #tpu.memory_space<vmem>>, vector<1x16xf32>,
        %get3A_2488 = vector.shape_cast %get3A_2487 : vector<1x16xf32> to vector<16xf32>
        %add3A_2489 = arith.addf %add3A_2480, %get3A_2488 : vector<16xf32>
        %mul3A_2490 = arith.constant 32 : i32
        %mul3A_2491 = arith.muli %scan3A_185, %mul3A_2490 : i32
        %add3A_2492 = arith.constant 31 : i32
        %add3A_2493 = arith.addi %mul3A_2491, %add3A_2492 : i32
        %get3A_2494 = arith.index_cast %add3A_2493 : i32 to index
        %get3A_2495 = arith.constant 112 : index
        %get3A_2496 = tpu.vector_load %arg7[%get3A_2494, %get3A_2495] {strides = array<i32>} : memref<128x128xf32, #tpu.memory_space<vmem>>, vector<1x16xf32>,
        %get3A_2497 = vector.shape_cast %get3A_2496 : vector<1x16xf32> to vector<16xf32>
        %add3A_2498 = arith.addf %add3A_2489, %get3A_2497 : vector<16xf32>
        %swap3A_2499 = arith.index_cast %scan3A_185 : i32 to index
        %swap3A_2500 = arith.constant 112 : index
        %swap3A_2501 = tpu.vector_load %arg9[%swap3A_2499, %swap3A_2500] {strides = array<i32>} : memref<4x128xf32, #tpu.memory_space<vmem>>, vector<1x16xf32>,
        %swap3A_2502 = vector.shape_cast %swap3A_2501 : vector<1x16xf32> to vector<16xf32>
        %swap3A_2503 = vector.shape_cast %add3A_2498 : vector<16xf32> to vector<1x16xf32>
        tpu.vector_store %arg9[%swap3A_2499, %swap3A_2500], %swap3A_2503 {strides = array<i32>} : memref<4x128xf32, #tpu.memory_space<vmem>>, vector<1x16xf32>,
      }
      %scan3A_139 = arith.constant 4 : i32
      %dma_start3A_140 = arith.constant 0 : i32
      %dma_start3A_141 = tpu.memref_slice %arg4[%add3A_125, %dma_start3A_140] : memref<10240x128xf32, #tpu.memory_space<hbm>> -> memref<4x128xf32, #tpu.memory_space<hbm>>
      %dma_start3A_142 = arith.constant 0 : i32
      %dma_start3A_143 = tpu.memref_slice %arg4[%add3A_125, %dma_start3A_142] : memref<10240x128xf32, #tpu.memory_space<hbm>> -> memref<4x128xf32, #tpu.memory_space<hbm>>
      tpu.enqueue_dma source(%arg9 : memref<4x128xf32, #tpu.memory_space<vmem>>) target(%dma_start3A_143 : memref<4x128xf32, #tpu.memory_space<hbm>>) target_semaphore(%arg13 : memref<!tpu.dma_semaphore, #tpu.memory_space<semaphore_mem>>)
      %add3A_144 = arith.constant 2 : i32
      %add3A_145 = arith.addi %add3A_122, %add3A_144 : i32
      %lt3A = arith.constant 80 : i32
      %lt3A_146 = arith.cmpi slt, %add3A_145, %lt3A : i32
      %convert_element_type3A_147 = arith.extui %lt3A_146 : i1 to i32
      %cond3A_148 = arith.constant 0 : i32
      %cond3A_149 = arith.cmpi ne, %convert_element_type3A_147, %cond3A_148 : i32
      scf.if %cond3A_149 {
        %add3A_185 = arith.constant 2 : i32
        %add3A_186 = arith.addi %add3A_122, %add3A_185 : i32
        %dma_start3A_187 = arith.constant 0 : i32
        %dma_start3A_188 = tpu.memref_slice %arg6[%add3A_186, %dma_start3A_187] : memref<80x128xi32, #tpu.memory_space<vmem>> -> memref<1x128xi32, #tpu.memory_space<vmem>>
        %dma_start3A_189 = tpu.memref_squeeze %dma_start3A_188 : memref<1x128xi32, #tpu.memory_space<vmem>> -> memref<128xi32, #tpu.memory_space<vmem>>
        %dma_start3A_190 = arith.constant 0 : i32
        %dma_start3A_191 = arith.constant 0 : i32
        %dma_start3A_192 = tpu.memref_slice %arg5[%dma_start3A_190, %dma_start3A_191] : memref<10240x128xf32, #tpu.memory_space<vmem_shared>> -> memref<10240x128xf32, #tpu.memory_space<vmem_shared>>
        tpu.enqueue_indirect_dma source(%dma_start3A_192 : memref<10240x128xf32, #tpu.memory_space<vmem_shared>>) target(%arg7 : memref<128x128xf32, #tpu.memory_space<vmem>>) offsets(%dma_start3A_189 : memref<128xi32, #tpu.memory_space<vmem>>) semaphore(%arg11 : memref<!tpu.dma_semaphore, #tpu.memory_space<semaphore_mem>>)
      } else {
      }
      %mul3A_150 = arith.constant 2 : i32
      %mul3A_151 = arith.muli %scan3A_118, %mul3A_150 : i32
      %add3A_152 = arith.constant 1 : i32
      %add3A_153 = arith.addi %mul3A_151, %add3A_152 : i32
      %mul3A_154 = arith.constant 4 : i32
      %mul3A_155 = arith.muli %add3A_153, %mul3A_154 : i32
      %add3A_156 = arith.addi %mul3A_2, %mul3A_155 : i32
      %dma_wait3A_157 = arith.constant 0 : i32
      %dma_wait3A_158 = tpu.memref_slice %arg6[%add3A_153, %dma_wait3A_157] : memref<80x128xi32, #tpu.memory_space<vmem>> -> memref<1x128xi32, #tpu.memory_space<vmem>>
      %dma_wait3A_159 = tpu.memref_squeeze %dma_wait3A_158 : memref<1x128xi32, #tpu.memory_space<vmem>> -> memref<128xi32, #tpu.memory_space<vmem>>
      %dma_wait3A_160 = arith.constant 0 : i32
      %dma_wait3A_161 = arith.constant 0 : i32
      %dma_wait3A_162 = tpu.memref_slice %arg5[%dma_wait3A_160, %dma_wait3A_161] : memref<10240x128xf32, #tpu.memory_space<vmem_shared>> -> memref<10240x128xf32, #tpu.memory_space<vmem_shared>>
      tpu.wait_indirect_dma semaphore(%arg12 : memref<!tpu.dma_semaphore, #tpu.memory_space<semaphore_mem>>) src(%dma_wait3A_162 : memref<10240x128xf32, #tpu.memory_space<vmem_shared>>) dst(%arg8 : memref<128x128xf32, #tpu.memory_space<vmem>>)
      %gt3A_163 = arith.constant 0 : i32
      %gt3A_164 = arith.cmpi sgt, %scan3A_118, %gt3A_163 : i32
      %convert_element_type3A_165 = arith.extui %gt3A_164 : i1 to i32
      %cond3A_166 = arith.constant 0 : i32
      %cond3A_167 = arith.cmpi ne, %convert_element_type3A_165, %cond3A_166 : i32
      scf.if %cond3A_167 {
        %dma_wait3A_185 = arith.constant 0 : i32
        %dma_wait3A_186 = tpu.memref_slice %arg4[%add3A_156, %dma_wait3A_185] : memref<10240x128xf32, #tpu.memory_space<hbm>> -> memref<4x128xf32, #tpu.memory_space<hbm>>
        %dma_wait3A_187 = arith.constant 0 : i32
        %dma_wait3A_188 = tpu.memref_slice %arg4[%add3A_156, %dma_wait3A_187] : memref<10240x128xf32, #tpu.memory_space<hbm>> -> memref<4x128xf32, #tpu.memory_space<hbm>>
        tpu.wait_dma2 semaphore(%arg14 : memref<!tpu.dma_semaphore, #tpu.memory_space<semaphore_mem>>) src(%arg10 : memref<4x128xf32, #tpu.memory_space<vmem>>) dst(%dma_wait3A_188 : memref<4x128xf32, #tpu.memory_space<hbm>>)
      } else {
      }
      %scan3A_168 = arith.constant 0 : i32
      %scan3A_169 = arith.constant 0 : i32
      %scan3A_170 = arith.constant 4 : i32
      %scan3A_171 = arith.addi %scan3A_169, %scan3A_170 : i32
      %scan3A_172 = arith.constant 1 : i32
      scf.for %scan3A_185 = %scan3A_169 to %scan3A_171 step %scan3A_172  : i32 {
        %mul3A_186 = arith.constant 32 : i32
        %mul3A_187 = arith.muli %scan3A_185, %mul3A_186 : i32
        %get3A = arith.index_cast %mul3A_187 : i32 to index
        %get3A_188 = arith.constant 0 : index
        %get3A_189 = tpu.vector_load %arg8[%get3A, %get3A_188] {strides = array<i32>} : memref<128x128xf32, #tpu.memory_space<vmem>>, vector<1x16xf32>,
        %get3A_190 = vector.shape_cast %get3A_189 : vector<1x16xf32> to vector<16xf32>
        %mul3A_191 = arith.constant 32 : i32
        %mul3A_192 = arith.muli %scan3A_185, %mul3A_191 : i32
        %add3A_193 = arith.constant 1 : i32
        %add3A_194 = arith.addi %mul3A_192, %add3A_193 : i32
        %get3A_195 = arith.index_cast %add3A_194 : i32 to index
        %get3A_196 = arith.constant 0 : index
        %get3A_197 = tpu.vector_load %arg8[%get3A_195, %get3A_196] {strides = array<i32>} : memref<128x128xf32, #tpu.memory_space<vmem>>, vector<1x16xf32>,
        %get3A_198 = vector.shape_cast %get3A_197 : vector<1x16xf32> to vector<16xf32>
        %add3A_199 = arith.addf %get3A_190, %get3A_198 : vector<16xf32>
        %mul3A_200 = arith.constant 32 : i32
        %mul3A_201 = arith.muli %scan3A_185, %mul3A_200 : i32
        %add3A_202 = arith.constant 2 : i32
        %add3A_203 = arith.addi %mul3A_201, %add3A_202 : i32
        %get3A_204 = arith.index_cast %add3A_203 : i32 to index
        %get3A_205 = arith.constant 0 : index
        %get3A_206 = tpu.vector_load %arg8[%get3A_204, %get3A_205] {strides = array<i32>} : memref<128x128xf32, #tpu.memory_space<vmem>>, vector<1x16xf32>,
        %get3A_207 = vector.shape_cast %get3A_206 : vector<1x16xf32> to vector<16xf32>
        %add3A_208 = arith.addf %add3A_199, %get3A_207 : vector<16xf32>
        %mul3A_209 = arith.constant 32 : i32
        %mul3A_210 = arith.muli %scan3A_185, %mul3A_209 : i32
        %add3A_211 = arith.constant 3 : i32
        %add3A_212 = arith.addi %mul3A_210, %add3A_211 : i32
        %get3A_213 = arith.index_cast %add3A_212 : i32 to index
        %get3A_214 = arith.constant 0 : index
        %get3A_215 = tpu.vector_load %arg8[%get3A_213, %get3A_214] {strides = array<i32>} : memref<128x128xf32, #tpu.memory_space<vmem>>, vector<1x16xf32>,
        %get3A_216 = vector.shape_cast %get3A_215 : vector<1x16xf32> to vector<16xf32>
        %add3A_217 = arith.addf %add3A_208, %get3A_216 : vector<16xf32>
        %mul3A_218 = arith.constant 32 : i32
        %mul3A_219 = arith.muli %scan3A_185, %mul3A_218 : i32
        %add3A_220 = arith.constant 4 : i32
        %add3A_221 = arith.addi %mul3A_219, %add3A_220 : i32
        %get3A_222 = arith.index_cast %add3A_221 : i32 to index
        %get3A_223 = arith.constant 0 : index
        %get3A_224 = tpu.vector_load %arg8[%get3A_222, %get3A_223] {strides = array<i32>} : memref<128x128xf32, #tpu.memory_space<vmem>>, vector<1x16xf32>,
        %get3A_225 = vector.shape_cast %get3A_224 : vector<1x16xf32> to vector<16xf32>
        %add3A_226 = arith.addf %add3A_217, %get3A_225 : vector<16xf32>
        %mul3A_227 = arith.constant 32 : i32
        %mul3A_228 = arith.muli %scan3A_185, %mul3A_227 : i32
        %add3A_229 = arith.constant 5 : i32
        %add3A_230 = arith.addi %mul3A_228, %add3A_229 : i32
        %get3A_231 = arith.index_cast %add3A_230 : i32 to index
        %get3A_232 = arith.constant 0 : index
        %get3A_233 = tpu.vector_load %arg8[%get3A_231, %get3A_232] {strides = array<i32>} : memref<128x128xf32, #tpu.memory_space<vmem>>, vector<1x16xf32>,
        %get3A_234 = vector.shape_cast %get3A_233 : vector<1x16xf32> to vector<16xf32>
        %add3A_235 = arith.addf %add3A_226, %get3A_234 : vector<16xf32>
        %mul3A_236 = arith.constant 32 : i32
        %mul3A_237 = arith.muli %scan3A_185, %mul3A_236 : i32
        %add3A_238 = arith.constant 6 : i32
        %add3A_239 = arith.addi %mul3A_237, %add3A_238 : i32
        %get3A_240 = arith.index_cast %add3A_239 : i32 to index
        %get3A_241 = arith.constant 0 : index
        %get3A_242 = tpu.vector_load %arg8[%get3A_240, %get3A_241] {strides = array<i32>} : memref<128x128xf32, #tpu.memory_space<vmem>>, vector<1x16xf32>,
        %get3A_243 = vector.shape_cast %get3A_242 : vector<1x16xf32> to vector<16xf32>
        %add3A_244 = arith.addf %add3A_235, %get3A_243 : vector<16xf32>
        %mul3A_245 = arith.constant 32 : i32
        %mul3A_246 = arith.muli %scan3A_185, %mul3A_245 : i32
        %add3A_247 = arith.constant 7 : i32
        %add3A_248 = arith.addi %mul3A_246, %add3A_247 : i32
        %get3A_249 = arith.index_cast %add3A_248 : i32 to index
        %get3A_250 = arith.constant 0 : index
        %get3A_251 = tpu.vector_load %arg8[%get3A_249, %get3A_250] {strides = array<i32>} : memref<128x128xf32, #tpu.memory_space<vmem>>, vector<1x16xf32>,
        %get3A_252 = vector.shape_cast %get3A_251 : vector<1x16xf32> to vector<16xf32>
        %add3A_253 = arith.addf %add3A_244, %get3A_252 : vector<16xf32>
        %mul3A_254 = arith.constant 32 : i32
        %mul3A_255 = arith.muli %scan3A_185, %mul3A_254 : i32
        %add3A_256 = arith.constant 8 : i32
        %add3A_257 = arith.addi %mul3A_255, %add3A_256 : i32
        %get3A_258 = arith.index_cast %add3A_257 : i32 to index
        %get3A_259 = arith.constant 0 : index
        %get3A_260 = tpu.vector_load %arg8[%get3A_258, %get3A_259] {strides = array<i32>} : memref<128x128xf32, #tpu.memory_space<vmem>>, vector<1x16xf32>,
        %get3A_261 = vector.shape_cast %get3A_260 : vector<1x16xf32> to vector<16xf32>
        %add3A_262 = arith.addf %add3A_253, %get3A_261 : vector<16xf32>
        %mul3A_263 = arith.constant 32 : i32
        %mul3A_264 = arith.muli %scan3A_185, %mul3A_263 : i32
        %add3A_265 = arith.constant 9 : i32
        %add3A_266 = arith.addi %mul3A_264, %add3A_265 : i32
        %get3A_267 = arith.index_cast %add3A_266 : i32 to index
        %get3A_268 = arith.constant 0 : index
        %get3A_269 = tpu.vector_load %arg8[%get3A_267, %get3A_268] {strides = array<i32>} : memref<128x128xf32, #tpu.memory_space<vmem>>, vector<1x16xf32>,
        %get3A_270 = vector.shape_cast %get3A_269 : vector<1x16xf32> to vector<16xf32>
        %add3A_271 = arith.addf %add3A_262, %get3A_270 : vector<16xf32>
        %mul3A_272 = arith.constant 32 : i32
        %mul3A_273 = arith.muli %scan3A_185, %mul3A_272 : i32
        %add3A_274 = arith.constant 10 : i32
        %add3A_275 = arith.addi %mul3A_273, %add3A_274 : i32
        %get3A_276 = arith.index_cast %add3A_275 : i32 to index
        %get3A_277 = arith.constant 0 : index
        %get3A_278 = tpu.vector_load %arg8[%get3A_276, %get3A_277] {strides = array<i32>} : memref<128x128xf32, #tpu.memory_space<vmem>>, vector<1x16xf32>,
        %get3A_279 = vector.shape_cast %get3A_278 : vector<1x16xf32> to vector<16xf32>
        %add3A_280 = arith.addf %add3A_271, %get3A_279 : vector<16xf32>
        %mul3A_281 = arith.constant 32 : i32
        %mul3A_282 = arith.muli %scan3A_185, %mul3A_281 : i32
        %add3A_283 = arith.constant 11 : i32
        %add3A_284 = arith.addi %mul3A_282, %add3A_283 : i32
        %get3A_285 = arith.index_cast %add3A_284 : i32 to index
        %get3A_286 = arith.constant 0 : index
        %get3A_287 = tpu.vector_load %arg8[%get3A_285, %get3A_286] {strides = array<i32>} : memref<128x128xf32, #tpu.memory_space<vmem>>, vector<1x16xf32>,
        %get3A_288 = vector.shape_cast %get3A_287 : vector<1x16xf32> to vector<16xf32>
        %add3A_289 = arith.addf %add3A_280, %get3A_288 : vector<16xf32>
        %mul3A_290 = arith.constant 32 : i32
        %mul3A_291 = arith.muli %scan3A_185, %mul3A_290 : i32
        %add3A_292 = arith.constant 12 : i32
        %add3A_293 = arith.addi %mul3A_291, %add3A_292 : i32
        %get3A_294 = arith.index_cast %add3A_293 : i32 to index
        %get3A_295 = arith.constant 0 : index
        %get3A_296 = tpu.vector_load %arg8[%get3A_294, %get3A_295] {strides = array<i32>} : memref<128x128xf32, #tpu.memory_space<vmem>>, vector<1x16xf32>,
        %get3A_297 = vector.shape_cast %get3A_296 : vector<1x16xf32> to vector<16xf32>
        %add3A_298 = arith.addf %add3A_289, %get3A_297 : vector<16xf32>
        %mul3A_299 = arith.constant 32 : i32
        %mul3A_300 = arith.muli %scan3A_185, %mul3A_299 : i32
        %add3A_301 = arith.constant 13 : i32
        %add3A_302 = arith.addi %mul3A_300, %add3A_301 : i32
        %get3A_303 = arith.index_cast %add3A_302 : i32 to index
        %get3A_304 = arith.constant 0 : index
        %get3A_305 = tpu.vector_load %arg8[%get3A_303, %get3A_304] {strides = array<i32>} : memref<128x128xf32, #tpu.memory_space<vmem>>, vector<1x16xf32>,
        %get3A_306 = vector.shape_cast %get3A_305 : vector<1x16xf32> to vector<16xf32>
        %add3A_307 = arith.addf %add3A_298, %get3A_306 : vector<16xf32>
        %mul3A_308 = arith.constant 32 : i32
        %mul3A_309 = arith.muli %scan3A_185, %mul3A_308 : i32
        %add3A_310 = arith.constant 14 : i32
        %add3A_311 = arith.addi %mul3A_309, %add3A_310 : i32
        %get3A_312 = arith.index_cast %add3A_311 : i32 to index
        %get3A_313 = arith.constant 0 : index
        %get3A_314 = tpu.vector_load %arg8[%get3A_312, %get3A_313] {strides = array<i32>} : memref<128x128xf32, #tpu.memory_space<vmem>>, vector<1x16xf32>,
        %get3A_315 = vector.shape_cast %get3A_314 : vector<1x16xf32> to vector<16xf32>
        %add3A_316 = arith.addf %add3A_307, %get3A_315 : vector<16xf32>
        %mul3A_317 = arith.constant 32 : i32
        %mul3A_318 = arith.muli %scan3A_185, %mul3A_317 : i32
        %add3A_319 = arith.constant 15 : i32
        %add3A_320 = arith.addi %mul3A_318, %add3A_319 : i32
        %get3A_321 = arith.index_cast %add3A_320 : i32 to index
        %get3A_322 = arith.constant 0 : index
        %get3A_323 = tpu.vector_load %arg8[%get3A_321, %get3A_322] {strides = array<i32>} : memref<128x128xf32, #tpu.memory_space<vmem>>, vector<1x16xf32>,
        %get3A_324 = vector.shape_cast %get3A_323 : vector<1x16xf32> to vector<16xf32>
        %add3A_325 = arith.addf %add3A_316, %get3A_324 : vector<16xf32>
        %mul3A_326 = arith.constant 32 : i32
        %mul3A_327 = arith.muli %scan3A_185, %mul3A_326 : i32
        %add3A_328 = arith.constant 16 : i32
        %add3A_329 = arith.addi %mul3A_327, %add3A_328 : i32
        %get3A_330 = arith.index_cast %add3A_329 : i32 to index
        %get3A_331 = arith.constant 0 : index
        %get3A_332 = tpu.vector_load %arg8[%get3A_330, %get3A_331] {strides = array<i32>} : memref<128x128xf32, #tpu.memory_space<vmem>>, vector<1x16xf32>,
        %get3A_333 = vector.shape_cast %get3A_332 : vector<1x16xf32> to vector<16xf32>
        %add3A_334 = arith.addf %add3A_325, %get3A_333 : vector<16xf32>
        %mul3A_335 = arith.constant 32 : i32
        %mul3A_336 = arith.muli %scan3A_185, %mul3A_335 : i32
        %add3A_337 = arith.constant 17 : i32
        %add3A_338 = arith.addi %mul3A_336, %add3A_337 : i32
        %get3A_339 = arith.index_cast %add3A_338 : i32 to index
        %get3A_340 = arith.constant 0 : index
        %get3A_341 = tpu.vector_load %arg8[%get3A_339, %get3A_340] {strides = array<i32>} : memref<128x128xf32, #tpu.memory_space<vmem>>, vector<1x16xf32>,
        %get3A_342 = vector.shape_cast %get3A_341 : vector<1x16xf32> to vector<16xf32>
        %add3A_343 = arith.addf %add3A_334, %get3A_342 : vector<16xf32>
        %mul3A_344 = arith.constant 32 : i32
        %mul3A_345 = arith.muli %scan3A_185, %mul3A_344 : i32
        %add3A_346 = arith.constant 18 : i32
        %add3A_347 = arith.addi %mul3A_345, %add3A_346 : i32
        %get3A_348 = arith.index_cast %add3A_347 : i32 to index
        %get3A_349 = arith.constant 0 : index
        %get3A_350 = tpu.vector_load %arg8[%get3A_348, %get3A_349] {strides = array<i32>} : memref<128x128xf32, #tpu.memory_space<vmem>>, vector<1x16xf32>,
        %get3A_351 = vector.shape_cast %get3A_350 : vector<1x16xf32> to vector<16xf32>
        %add3A_352 = arith.addf %add3A_343, %get3A_351 : vector<16xf32>
        %mul3A_353 = arith.constant 32 : i32
        %mul3A_354 = arith.muli %scan3A_185, %mul3A_353 : i32
        %add3A_355 = arith.constant 19 : i32
        %add3A_356 = arith.addi %mul3A_354, %add3A_355 : i32
        %get3A_357 = arith.index_cast %add3A_356 : i32 to index
        %get3A_358 = arith.constant 0 : index
        %get3A_359 = tpu.vector_load %arg8[%get3A_357, %get3A_358] {strides = array<i32>} : memref<128x128xf32, #tpu.memory_space<vmem>>, vector<1x16xf32>,
        %get3A_360 = vector.shape_cast %get3A_359 : vector<1x16xf32> to vector<16xf32>
        %add3A_361 = arith.addf %add3A_352, %get3A_360 : vector<16xf32>
        %mul3A_362 = arith.constant 32 : i32
        %mul3A_363 = arith.muli %scan3A_185, %mul3A_362 : i32
        %add3A_364 = arith.constant 20 : i32
        %add3A_365 = arith.addi %mul3A_363, %add3A_364 : i32
        %get3A_366 = arith.index_cast %add3A_365 : i32 to index
        %get3A_367 = arith.constant 0 : index
        %get3A_368 = tpu.vector_load %arg8[%get3A_366, %get3A_367] {strides = array<i32>} : memref<128x128xf32, #tpu.memory_space<vmem>>, vector<1x16xf32>,
        %get3A_369 = vector.shape_cast %get3A_368 : vector<1x16xf32> to vector<16xf32>
        %add3A_370 = arith.addf %add3A_361, %get3A_369 : vector<16xf32>
        %mul3A_371 = arith.constant 32 : i32
        %mul3A_372 = arith.muli %scan3A_185, %mul3A_371 : i32
        %add3A_373 = arith.constant 21 : i32
        %add3A_374 = arith.addi %mul3A_372, %add3A_373 : i32
        %get3A_375 = arith.index_cast %add3A_374 : i32 to index
        %get3A_376 = arith.constant 0 : index
        %get3A_377 = tpu.vector_load %arg8[%get3A_375, %get3A_376] {strides = array<i32>} : memref<128x128xf32, #tpu.memory_space<vmem>>, vector<1x16xf32>,
        %get3A_378 = vector.shape_cast %get3A_377 : vector<1x16xf32> to vector<16xf32>
        %add3A_379 = arith.addf %add3A_370, %get3A_378 : vector<16xf32>
        %mul3A_380 = arith.constant 32 : i32
        %mul3A_381 = arith.muli %scan3A_185, %mul3A_380 : i32
        %add3A_382 = arith.constant 22 : i32
        %add3A_383 = arith.addi %mul3A_381, %add3A_382 : i32
        %get3A_384 = arith.index_cast %add3A_383 : i32 to index
        %get3A_385 = arith.constant 0 : index
        %get3A_386 = tpu.vector_load %arg8[%get3A_384, %get3A_385] {strides = array<i32>} : memref<128x128xf32, #tpu.memory_space<vmem>>, vector<1x16xf32>,
        %get3A_387 = vector.shape_cast %get3A_386 : vector<1x16xf32> to vector<16xf32>
        %add3A_388 = arith.addf %add3A_379, %get3A_387 : vector<16xf32>
        %mul3A_389 = arith.constant 32 : i32
        %mul3A_390 = arith.muli %scan3A_185, %mul3A_389 : i32
        %add3A_391 = arith.constant 23 : i32
        %add3A_392 = arith.addi %mul3A_390, %add3A_391 : i32
        %get3A_393 = arith.index_cast %add3A_392 : i32 to index
        %get3A_394 = arith.constant 0 : index
        %get3A_395 = tpu.vector_load %arg8[%get3A_393, %get3A_394] {strides = array<i32>} : memref<128x128xf32, #tpu.memory_space<vmem>>, vector<1x16xf32>,
        %get3A_396 = vector.shape_cast %get3A_395 : vector<1x16xf32> to vector<16xf32>
        %add3A_397 = arith.addf %add3A_388, %get3A_396 : vector<16xf32>
        %mul3A_398 = arith.constant 32 : i32
        %mul3A_399 = arith.muli %scan3A_185, %mul3A_398 : i32
        %add3A_400 = arith.constant 24 : i32
        %add3A_401 = arith.addi %mul3A_399, %add3A_400 : i32
        %get3A_402 = arith.index_cast %add3A_401 : i32 to index
        %get3A_403 = arith.constant 0 : index
        %get3A_404 = tpu.vector_load %arg8[%get3A_402, %get3A_403] {strides = array<i32>} : memref<128x128xf32, #tpu.memory_space<vmem>>, vector<1x16xf32>,
        %get3A_405 = vector.shape_cast %get3A_404 : vector<1x16xf32> to vector<16xf32>
        %add3A_406 = arith.addf %add3A_397, %get3A_405 : vector<16xf32>
        %mul3A_407 = arith.constant 32 : i32
        %mul3A_408 = arith.muli %scan3A_185, %mul3A_407 : i32
        %add3A_409 = arith.constant 25 : i32
        %add3A_410 = arith.addi %mul3A_408, %add3A_409 : i32
        %get3A_411 = arith.index_cast %add3A_410 : i32 to index
        %get3A_412 = arith.constant 0 : index
        %get3A_413 = tpu.vector_load %arg8[%get3A_411, %get3A_412] {strides = array<i32>} : memref<128x128xf32, #tpu.memory_space<vmem>>, vector<1x16xf32>,
        %get3A_414 = vector.shape_cast %get3A_413 : vector<1x16xf32> to vector<16xf32>
        %add3A_415 = arith.addf %add3A_406, %get3A_414 : vector<16xf32>
        %mul3A_416 = arith.constant 32 : i32
        %mul3A_417 = arith.muli %scan3A_185, %mul3A_416 : i32
        %add3A_418 = arith.constant 26 : i32
        %add3A_419 = arith.addi %mul3A_417, %add3A_418 : i32
        %get3A_420 = arith.index_cast %add3A_419 : i32 to index
        %get3A_421 = arith.constant 0 : index
        %get3A_422 = tpu.vector_load %arg8[%get3A_420, %get3A_421] {strides = array<i32>} : memref<128x128xf32, #tpu.memory_space<vmem>>, vector<1x16xf32>,
        %get3A_423 = vector.shape_cast %get3A_422 : vector<1x16xf32> to vector<16xf32>
        %add3A_424 = arith.addf %add3A_415, %get3A_423 : vector<16xf32>
        %mul3A_425 = arith.constant 32 : i32
        %mul3A_426 = arith.muli %scan3A_185, %mul3A_425 : i32
        %add3A_427 = arith.constant 27 : i32
        %add3A_428 = arith.addi %mul3A_426, %add3A_427 : i32
        %get3A_429 = arith.index_cast %add3A_428 : i32 to index
        %get3A_430 = arith.constant 0 : index
        %get3A_431 = tpu.vector_load %arg8[%get3A_429, %get3A_430] {strides = array<i32>} : memref<128x128xf32, #tpu.memory_space<vmem>>, vector<1x16xf32>,
        %get3A_432 = vector.shape_cast %get3A_431 : vector<1x16xf32> to vector<16xf32>
        %add3A_433 = arith.addf %add3A_424, %get3A_432 : vector<16xf32>
        %mul3A_434 = arith.constant 32 : i32
        %mul3A_435 = arith.muli %scan3A_185, %mul3A_434 : i32
        %add3A_436 = arith.constant 28 : i32
        %add3A_437 = arith.addi %mul3A_435, %add3A_436 : i32
        %get3A_438 = arith.index_cast %add3A_437 : i32 to index
        %get3A_439 = arith.constant 0 : index
        %get3A_440 = tpu.vector_load %arg8[%get3A_438, %get3A_439] {strides = array<i32>} : memref<128x128xf32, #tpu.memory_space<vmem>>, vector<1x16xf32>,
        %get3A_441 = vector.shape_cast %get3A_440 : vector<1x16xf32> to vector<16xf32>
        %add3A_442 = arith.addf %add3A_433, %get3A_441 : vector<16xf32>
        %mul3A_443 = arith.constant 32 : i32
        %mul3A_444 = arith.muli %scan3A_185, %mul3A_443 : i32
        %add3A_445 = arith.constant 29 : i32
        %add3A_446 = arith.addi %mul3A_444, %add3A_445 : i32
        %get3A_447 = arith.index_cast %add3A_446 : i32 to index
        %get3A_448 = arith.constant 0 : index
        %get3A_449 = tpu.vector_load %arg8[%get3A_447, %get3A_448] {strides = array<i32>} : memref<128x128xf32, #tpu.memory_space<vmem>>, vector<1x16xf32>,
        %get3A_450 = vector.shape_cast %get3A_449 : vector<1x16xf32> to vector<16xf32>
        %add3A_451 = arith.addf %add3A_442, %get3A_450 : vector<16xf32>
        %mul3A_452 = arith.constant 32 : i32
        %mul3A_453 = arith.muli %scan3A_185, %mul3A_452 : i32
        %add3A_454 = arith.constant 30 : i32
        %add3A_455 = arith.addi %mul3A_453, %add3A_454 : i32
        %get3A_456 = arith.index_cast %add3A_455 : i32 to index
        %get3A_457 = arith.constant 0 : index
        %get3A_458 = tpu.vector_load %arg8[%get3A_456, %get3A_457] {strides = array<i32>} : memref<128x128xf32, #tpu.memory_space<vmem>>, vector<1x16xf32>,
        %get3A_459 = vector.shape_cast %get3A_458 : vector<1x16xf32> to vector<16xf32>
        %add3A_460 = arith.addf %add3A_451, %get3A_459 : vector<16xf32>
        %mul3A_461 = arith.constant 32 : i32
        %mul3A_462 = arith.muli %scan3A_185, %mul3A_461 : i32
        %add3A_463 = arith.constant 31 : i32
        %add3A_464 = arith.addi %mul3A_462, %add3A_463 : i32
        %get3A_465 = arith.index_cast %add3A_464 : i32 to index
        %get3A_466 = arith.constant 0 : index
        %get3A_467 = tpu.vector_load %arg8[%get3A_465, %get3A_466] {strides = array<i32>} : memref<128x128xf32, #tpu.memory_space<vmem>>, vector<1x16xf32>,
        %get3A_468 = vector.shape_cast %get3A_467 : vector<1x16xf32> to vector<16xf32>
        %add3A_469 = arith.addf %add3A_460, %get3A_468 : vector<16xf32>
        %swap3A = arith.index_cast %scan3A_185 : i32 to index
        %swap3A_470 = arith.constant 0 : index
        %swap3A_471 = tpu.vector_load %arg10[%swap3A, %swap3A_470] {strides = array<i32>} : memref<4x128xf32, #tpu.memory_space<vmem>>, vector<1x16xf32>,
        %swap3A_472 = vector.shape_cast %swap3A_471 : vector<1x16xf32> to vector<16xf32>
        %swap3A_473 = vector.shape_cast %add3A_469 : vector<16xf32> to vector<1x16xf32>
        tpu.vector_store %arg10[%swap3A, %swap3A_470], %swap3A_473 {strides = array<i32>} : memref<4x128xf32, #tpu.memory_space<vmem>>, vector<1x16xf32>,
        %mul3A_474 = arith.constant 32 : i32
        %mul3A_475 = arith.muli %scan3A_185, %mul3A_474 : i32
        %get3A_476 = arith.index_cast %mul3A_475 : i32 to index
        %get3A_477 = arith.constant 16 : index
        %get3A_478 = tpu.vector_load %arg8[%get3A_476, %get3A_477] {strides = array<i32>} : memref<128x128xf32, #tpu.memory_space<vmem>>, vector<1x16xf32>,
        %get3A_479 = vector.shape_cast %get3A_478 : vector<1x16xf32> to vector<16xf32>
        %mul3A_480 = arith.constant 32 : i32
        %mul3A_481 = arith.muli %scan3A_185, %mul3A_480 : i32
        %add3A_482 = arith.constant 1 : i32
        %add3A_483 = arith.addi %mul3A_481, %add3A_482 : i32
        %get3A_484 = arith.index_cast %add3A_483 : i32 to index
        %get3A_485 = arith.constant 16 : index
        %get3A_486 = tpu.vector_load %arg8[%get3A_484, %get3A_485] {strides = array<i32>} : memref<128x128xf32, #tpu.memory_space<vmem>>, vector<1x16xf32>,
        %get3A_487 = vector.shape_cast %get3A_486 : vector<1x16xf32> to vector<16xf32>
        %add3A_488 = arith.addf %get3A_479, %get3A_487 : vector<16xf32>
        %mul3A_489 = arith.constant 32 : i32
        %mul3A_490 = arith.muli %scan3A_185, %mul3A_489 : i32
        %add3A_491 = arith.constant 2 : i32
        %add3A_492 = arith.addi %mul3A_490, %add3A_491 : i32
        %get3A_493 = arith.index_cast %add3A_492 : i32 to index
        %get3A_494 = arith.constant 16 : index
        %get3A_495 = tpu.vector_load %arg8[%get3A_493, %get3A_494] {strides = array<i32>} : memref<128x128xf32, #tpu.memory_space<vmem>>, vector<1x16xf32>,
        %get3A_496 = vector.shape_cast %get3A_495 : vector<1x16xf32> to vector<16xf32>
        %add3A_497 = arith.addf %add3A_488, %get3A_496 : vector<16xf32>
        %mul3A_498 = arith.constant 32 : i32
        %mul3A_499 = arith.muli %scan3A_185, %mul3A_498 : i32
        %add3A_500 = arith.constant 3 : i32
        %add3A_501 = arith.addi %mul3A_499, %add3A_500 : i32
        %get3A_502 = arith.index_cast %add3A_501 : i32 to index
        %get3A_503 = arith.constant 16 : index
        %get3A_504 = tpu.vector_load %arg8[%get3A_502, %get3A_503] {strides = array<i32>} : memref<128x128xf32, #tpu.memory_space<vmem>>, vector<1x16xf32>,
        %get3A_505 = vector.shape_cast %get3A_504 : vector<1x16xf32> to vector<16xf32>
        %add3A_506 = arith.addf %add3A_497, %get3A_505 : vector<16xf32>
        %mul3A_507 = arith.constant 32 : i32
        %mul3A_508 = arith.muli %scan3A_185, %mul3A_507 : i32
        %add3A_509 = arith.constant 4 : i32
        %add3A_510 = arith.addi %mul3A_508, %add3A_509 : i32
        %get3A_511 = arith.index_cast %add3A_510 : i32 to index
        %get3A_512 = arith.constant 16 : index
        %get3A_513 = tpu.vector_load %arg8[%get3A_511, %get3A_512] {strides = array<i32>} : memref<128x128xf32, #tpu.memory_space<vmem>>, vector<1x16xf32>,
        %get3A_514 = vector.shape_cast %get3A_513 : vector<1x16xf32> to vector<16xf32>
        %add3A_515 = arith.addf %add3A_506, %get3A_514 : vector<16xf32>
        %mul3A_516 = arith.constant 32 : i32
        %mul3A_517 = arith.muli %scan3A_185, %mul3A_516 : i32
        %add3A_518 = arith.constant 5 : i32
        %add3A_519 = arith.addi %mul3A_517, %add3A_518 : i32
        %get3A_520 = arith.index_cast %add3A_519 : i32 to index
        %get3A_521 = arith.constant 16 : index
        %get3A_522 = tpu.vector_load %arg8[%get3A_520, %get3A_521] {strides = array<i32>} : memref<128x128xf32, #tpu.memory_space<vmem>>, vector<1x16xf32>,
        %get3A_523 = vector.shape_cast %get3A_522 : vector<1x16xf32> to vector<16xf32>
        %add3A_524 = arith.addf %add3A_515, %get3A_523 : vector<16xf32>
        %mul3A_525 = arith.constant 32 : i32
        %mul3A_526 = arith.muli %scan3A_185, %mul3A_525 : i32
        %add3A_527 = arith.constant 6 : i32
        %add3A_528 = arith.addi %mul3A_526, %add3A_527 : i32
        %get3A_529 = arith.index_cast %add3A_528 : i32 to index
        %get3A_530 = arith.constant 16 : index
        %get3A_531 = tpu.vector_load %arg8[%get3A_529, %get3A_530] {strides = array<i32>} : memref<128x128xf32, #tpu.memory_space<vmem>>, vector<1x16xf32>,
        %get3A_532 = vector.shape_cast %get3A_531 : vector<1x16xf32> to vector<16xf32>
        %add3A_533 = arith.addf %add3A_524, %get3A_532 : vector<16xf32>
        %mul3A_534 = arith.constant 32 : i32
        %mul3A_535 = arith.muli %scan3A_185, %mul3A_534 : i32
        %add3A_536 = arith.constant 7 : i32
        %add3A_537 = arith.addi %mul3A_535, %add3A_536 : i32
        %get3A_538 = arith.index_cast %add3A_537 : i32 to index
        %get3A_539 = arith.constant 16 : index
        %get3A_540 = tpu.vector_load %arg8[%get3A_538, %get3A_539] {strides = array<i32>} : memref<128x128xf32, #tpu.memory_space<vmem>>, vector<1x16xf32>,
        %get3A_541 = vector.shape_cast %get3A_540 : vector<1x16xf32> to vector<16xf32>
        %add3A_542 = arith.addf %add3A_533, %get3A_541 : vector<16xf32>
        %mul3A_543 = arith.constant 32 : i32
        %mul3A_544 = arith.muli %scan3A_185, %mul3A_543 : i32
        %add3A_545 = arith.constant 8 : i32
        %add3A_546 = arith.addi %mul3A_544, %add3A_545 : i32
        %get3A_547 = arith.index_cast %add3A_546 : i32 to index
        %get3A_548 = arith.constant 16 : index
        %get3A_549 = tpu.vector_load %arg8[%get3A_547, %get3A_548] {strides = array<i32>} : memref<128x128xf32, #tpu.memory_space<vmem>>, vector<1x16xf32>,
        %get3A_550 = vector.shape_cast %get3A_549 : vector<1x16xf32> to vector<16xf32>
        %add3A_551 = arith.addf %add3A_542, %get3A_550 : vector<16xf32>
        %mul3A_552 = arith.constant 32 : i32
        %mul3A_553 = arith.muli %scan3A_185, %mul3A_552 : i32
        %add3A_554 = arith.constant 9 : i32
        %add3A_555 = arith.addi %mul3A_553, %add3A_554 : i32
        %get3A_556 = arith.index_cast %add3A_555 : i32 to index
        %get3A_557 = arith.constant 16 : index
        %get3A_558 = tpu.vector_load %arg8[%get3A_556, %get3A_557] {strides = array<i32>} : memref<128x128xf32, #tpu.memory_space<vmem>>, vector<1x16xf32>,
        %get3A_559 = vector.shape_cast %get3A_558 : vector<1x16xf32> to vector<16xf32>
        %add3A_560 = arith.addf %add3A_551, %get3A_559 : vector<16xf32>
        %mul3A_561 = arith.constant 32 : i32
        %mul3A_562 = arith.muli %scan3A_185, %mul3A_561 : i32
        %add3A_563 = arith.constant 10 : i32
        %add3A_564 = arith.addi %mul3A_562, %add3A_563 : i32
        %get3A_565 = arith.index_cast %add3A_564 : i32 to index
        %get3A_566 = arith.constant 16 : index
        %get3A_567 = tpu.vector_load %arg8[%get3A_565, %get3A_566] {strides = array<i32>} : memref<128x128xf32, #tpu.memory_space<vmem>>, vector<1x16xf32>,
        %get3A_568 = vector.shape_cast %get3A_567 : vector<1x16xf32> to vector<16xf32>
        %add3A_569 = arith.addf %add3A_560, %get3A_568 : vector<16xf32>
        %mul3A_570 = arith.constant 32 : i32
        %mul3A_571 = arith.muli %scan3A_185, %mul3A_570 : i32
        %add3A_572 = arith.constant 11 : i32
        %add3A_573 = arith.addi %mul3A_571, %add3A_572 : i32
        %get3A_574 = arith.index_cast %add3A_573 : i32 to index
        %get3A_575 = arith.constant 16 : index
        %get3A_576 = tpu.vector_load %arg8[%get3A_574, %get3A_575] {strides = array<i32>} : memref<128x128xf32, #tpu.memory_space<vmem>>, vector<1x16xf32>,
        %get3A_577 = vector.shape_cast %get3A_576 : vector<1x16xf32> to vector<16xf32>
        %add3A_578 = arith.addf %add3A_569, %get3A_577 : vector<16xf32>
        %mul3A_579 = arith.constant 32 : i32
        %mul3A_580 = arith.muli %scan3A_185, %mul3A_579 : i32
        %add3A_581 = arith.constant 12 : i32
        %add3A_582 = arith.addi %mul3A_580, %add3A_581 : i32
        %get3A_583 = arith.index_cast %add3A_582 : i32 to index
        %get3A_584 = arith.constant 16 : index
        %get3A_585 = tpu.vector_load %arg8[%get3A_583, %get3A_584] {strides = array<i32>} : memref<128x128xf32, #tpu.memory_space<vmem>>, vector<1x16xf32>,
        %get3A_586 = vector.shape_cast %get3A_585 : vector<1x16xf32> to vector<16xf32>
        %add3A_587 = arith.addf %add3A_578, %get3A_586 : vector<16xf32>
        %mul3A_588 = arith.constant 32 : i32
        %mul3A_589 = arith.muli %scan3A_185, %mul3A_588 : i32
        %add3A_590 = arith.constant 13 : i32
        %add3A_591 = arith.addi %mul3A_589, %add3A_590 : i32
        %get3A_592 = arith.index_cast %add3A_591 : i32 to index
        %get3A_593 = arith.constant 16 : index
        %get3A_594 = tpu.vector_load %arg8[%get3A_592, %get3A_593] {strides = array<i32>} : memref<128x128xf32, #tpu.memory_space<vmem>>, vector<1x16xf32>,
        %get3A_595 = vector.shape_cast %get3A_594 : vector<1x16xf32> to vector<16xf32>
        %add3A_596 = arith.addf %add3A_587, %get3A_595 : vector<16xf32>
        %mul3A_597 = arith.constant 32 : i32
        %mul3A_598 = arith.muli %scan3A_185, %mul3A_597 : i32
        %add3A_599 = arith.constant 14 : i32
        %add3A_600 = arith.addi %mul3A_598, %add3A_599 : i32
        %get3A_601 = arith.index_cast %add3A_600 : i32 to index
        %get3A_602 = arith.constant 16 : index
        %get3A_603 = tpu.vector_load %arg8[%get3A_601, %get3A_602] {strides = array<i32>} : memref<128x128xf32, #tpu.memory_space<vmem>>, vector<1x16xf32>,
        %get3A_604 = vector.shape_cast %get3A_603 : vector<1x16xf32> to vector<16xf32>
        %add3A_605 = arith.addf %add3A_596, %get3A_604 : vector<16xf32>
        %mul3A_606 = arith.constant 32 : i32
        %mul3A_607 = arith.muli %scan3A_185, %mul3A_606 : i32
        %add3A_608 = arith.constant 15 : i32
        %add3A_609 = arith.addi %mul3A_607, %add3A_608 : i32
        %get3A_610 = arith.index_cast %add3A_609 : i32 to index
        %get3A_611 = arith.constant 16 : index
        %get3A_612 = tpu.vector_load %arg8[%get3A_610, %get3A_611] {strides = array<i32>} : memref<128x128xf32, #tpu.memory_space<vmem>>, vector<1x16xf32>,
        %get3A_613 = vector.shape_cast %get3A_612 : vector<1x16xf32> to vector<16xf32>
        %add3A_614 = arith.addf %add3A_605, %get3A_613 : vector<16xf32>
        %mul3A_615 = arith.constant 32 : i32
        %mul3A_616 = arith.muli %scan3A_185, %mul3A_615 : i32
        %add3A_617 = arith.constant 16 : i32
        %add3A_618 = arith.addi %mul3A_616, %add3A_617 : i32
        %get3A_619 = arith.index_cast %add3A_618 : i32 to index
        %get3A_620 = arith.constant 16 : index
        %get3A_621 = tpu.vector_load %arg8[%get3A_619, %get3A_620] {strides = array<i32>} : memref<128x128xf32, #tpu.memory_space<vmem>>, vector<1x16xf32>,
        %get3A_622 = vector.shape_cast %get3A_621 : vector<1x16xf32> to vector<16xf32>
        %add3A_623 = arith.addf %add3A_614, %get3A_622 : vector<16xf32>
        %mul3A_624 = arith.constant 32 : i32
        %mul3A_625 = arith.muli %scan3A_185, %mul3A_624 : i32
        %add3A_626 = arith.constant 17 : i32
        %add3A_627 = arith.addi %mul3A_625, %add3A_626 : i32
        %get3A_628 = arith.index_cast %add3A_627 : i32 to index
        %get3A_629 = arith.constant 16 : index
        %get3A_630 = tpu.vector_load %arg8[%get3A_628, %get3A_629] {strides = array<i32>} : memref<128x128xf32, #tpu.memory_space<vmem>>, vector<1x16xf32>,
        %get3A_631 = vector.shape_cast %get3A_630 : vector<1x16xf32> to vector<16xf32>
        %add3A_632 = arith.addf %add3A_623, %get3A_631 : vector<16xf32>
        %mul3A_633 = arith.constant 32 : i32
        %mul3A_634 = arith.muli %scan3A_185, %mul3A_633 : i32
        %add3A_635 = arith.constant 18 : i32
        %add3A_636 = arith.addi %mul3A_634, %add3A_635 : i32
        %get3A_637 = arith.index_cast %add3A_636 : i32 to index
        %get3A_638 = arith.constant 16 : index
        %get3A_639 = tpu.vector_load %arg8[%get3A_637, %get3A_638] {strides = array<i32>} : memref<128x128xf32, #tpu.memory_space<vmem>>, vector<1x16xf32>,
        %get3A_640 = vector.shape_cast %get3A_639 : vector<1x16xf32> to vector<16xf32>
        %add3A_641 = arith.addf %add3A_632, %get3A_640 : vector<16xf32>
        %mul3A_642 = arith.constant 32 : i32
        %mul3A_643 = arith.muli %scan3A_185, %mul3A_642 : i32
        %add3A_644 = arith.constant 19 : i32
        %add3A_645 = arith.addi %mul3A_643, %add3A_644 : i32
        %get3A_646 = arith.index_cast %add3A_645 : i32 to index
        %get3A_647 = arith.constant 16 : index
        %get3A_648 = tpu.vector_load %arg8[%get3A_646, %get3A_647] {strides = array<i32>} : memref<128x128xf32, #tpu.memory_space<vmem>>, vector<1x16xf32>,
        %get3A_649 = vector.shape_cast %get3A_648 : vector<1x16xf32> to vector<16xf32>
        %add3A_650 = arith.addf %add3A_641, %get3A_649 : vector<16xf32>
        %mul3A_651 = arith.constant 32 : i32
        %mul3A_652 = arith.muli %scan3A_185, %mul3A_651 : i32
        %add3A_653 = arith.constant 20 : i32
        %add3A_654 = arith.addi %mul3A_652, %add3A_653 : i32
        %get3A_655 = arith.index_cast %add3A_654 : i32 to index
        %get3A_656 = arith.constant 16 : index
        %get3A_657 = tpu.vector_load %arg8[%get3A_655, %get3A_656] {strides = array<i32>} : memref<128x128xf32, #tpu.memory_space<vmem>>, vector<1x16xf32>,
        %get3A_658 = vector.shape_cast %get3A_657 : vector<1x16xf32> to vector<16xf32>
        %add3A_659 = arith.addf %add3A_650, %get3A_658 : vector<16xf32>
        %mul3A_660 = arith.constant 32 : i32
        %mul3A_661 = arith.muli %scan3A_185, %mul3A_660 : i32
        %add3A_662 = arith.constant 21 : i32
        %add3A_663 = arith.addi %mul3A_661, %add3A_662 : i32
        %get3A_664 = arith.index_cast %add3A_663 : i32 to index
        %get3A_665 = arith.constant 16 : index
        %get3A_666 = tpu.vector_load %arg8[%get3A_664, %get3A_665] {strides = array<i32>} : memref<128x128xf32, #tpu.memory_space<vmem>>, vector<1x16xf32>,
        %get3A_667 = vector.shape_cast %get3A_666 : vector<1x16xf32> to vector<16xf32>
        %add3A_668 = arith.addf %add3A_659, %get3A_667 : vector<16xf32>
        %mul3A_669 = arith.constant 32 : i32
        %mul3A_670 = arith.muli %scan3A_185, %mul3A_669 : i32
        %add3A_671 = arith.constant 22 : i32
        %add3A_672 = arith.addi %mul3A_670, %add3A_671 : i32
        %get3A_673 = arith.index_cast %add3A_672 : i32 to index
        %get3A_674 = arith.constant 16 : index
        %get3A_675 = tpu.vector_load %arg8[%get3A_673, %get3A_674] {strides = array<i32>} : memref<128x128xf32, #tpu.memory_space<vmem>>, vector<1x16xf32>,
        %get3A_676 = vector.shape_cast %get3A_675 : vector<1x16xf32> to vector<16xf32>
        %add3A_677 = arith.addf %add3A_668, %get3A_676 : vector<16xf32>
        %mul3A_678 = arith.constant 32 : i32
        %mul3A_679 = arith.muli %scan3A_185, %mul3A_678 : i32
        %add3A_680 = arith.constant 23 : i32
        %add3A_681 = arith.addi %mul3A_679, %add3A_680 : i32
        %get3A_682 = arith.index_cast %add3A_681 : i32 to index
        %get3A_683 = arith.constant 16 : index
        %get3A_684 = tpu.vector_load %arg8[%get3A_682, %get3A_683] {strides = array<i32>} : memref<128x128xf32, #tpu.memory_space<vmem>>, vector<1x16xf32>,
        %get3A_685 = vector.shape_cast %get3A_684 : vector<1x16xf32> to vector<16xf32>
        %add3A_686 = arith.addf %add3A_677, %get3A_685 : vector<16xf32>
        %mul3A_687 = arith.constant 32 : i32
        %mul3A_688 = arith.muli %scan3A_185, %mul3A_687 : i32
        %add3A_689 = arith.constant 24 : i32
        %add3A_690 = arith.addi %mul3A_688, %add3A_689 : i32
        %get3A_691 = arith.index_cast %add3A_690 : i32 to index
        %get3A_692 = arith.constant 16 : index
        %get3A_693 = tpu.vector_load %arg8[%get3A_691, %get3A_692] {strides = array<i32>} : memref<128x128xf32, #tpu.memory_space<vmem>>, vector<1x16xf32>,
        %get3A_694 = vector.shape_cast %get3A_693 : vector<1x16xf32> to vector<16xf32>
        %add3A_695 = arith.addf %add3A_686, %get3A_694 : vector<16xf32>
        %mul3A_696 = arith.constant 32 : i32
        %mul3A_697 = arith.muli %scan3A_185, %mul3A_696 : i32
        %add3A_698 = arith.constant 25 : i32
        %add3A_699 = arith.addi %mul3A_697, %add3A_698 : i32
        %get3A_700 = arith.index_cast %add3A_699 : i32 to index
        %get3A_701 = arith.constant 16 : index
        %get3A_702 = tpu.vector_load %arg8[%get3A_700, %get3A_701] {strides = array<i32>} : memref<128x128xf32, #tpu.memory_space<vmem>>, vector<1x16xf32>,
        %get3A_703 = vector.shape_cast %get3A_702 : vector<1x16xf32> to vector<16xf32>
        %add3A_704 = arith.addf %add3A_695, %get3A_703 : vector<16xf32>
        %mul3A_705 = arith.constant 32 : i32
        %mul3A_706 = arith.muli %scan3A_185, %mul3A_705 : i32
        %add3A_707 = arith.constant 26 : i32
        %add3A_708 = arith.addi %mul3A_706, %add3A_707 : i32
        %get3A_709 = arith.index_cast %add3A_708 : i32 to index
        %get3A_710 = arith.constant 16 : index
        %get3A_711 = tpu.vector_load %arg8[%get3A_709, %get3A_710] {strides = array<i32>} : memref<128x128xf32, #tpu.memory_space<vmem>>, vector<1x16xf32>,
        %get3A_712 = vector.shape_cast %get3A_711 : vector<1x16xf32> to vector<16xf32>
        %add3A_713 = arith.addf %add3A_704, %get3A_712 : vector<16xf32>
        %mul3A_714 = arith.constant 32 : i32
        %mul3A_715 = arith.muli %scan3A_185, %mul3A_714 : i32
        %add3A_716 = arith.constant 27 : i32
        %add3A_717 = arith.addi %mul3A_715, %add3A_716 : i32
        %get3A_718 = arith.index_cast %add3A_717 : i32 to index
        %get3A_719 = arith.constant 16 : index
        %get3A_720 = tpu.vector_load %arg8[%get3A_718, %get3A_719] {strides = array<i32>} : memref<128x128xf32, #tpu.memory_space<vmem>>, vector<1x16xf32>,
        %get3A_721 = vector.shape_cast %get3A_720 : vector<1x16xf32> to vector<16xf32>
        %add3A_722 = arith.addf %add3A_713, %get3A_721 : vector<16xf32>
        %mul3A_723 = arith.constant 32 : i32
        %mul3A_724 = arith.muli %scan3A_185, %mul3A_723 : i32
        %add3A_725 = arith.constant 28 : i32
        %add3A_726 = arith.addi %mul3A_724, %add3A_725 : i32
        %get3A_727 = arith.index_cast %add3A_726 : i32 to index
        %get3A_728 = arith.constant 16 : index
        %get3A_729 = tpu.vector_load %arg8[%get3A_727, %get3A_728] {strides = array<i32>} : memref<128x128xf32, #tpu.memory_space<vmem>>, vector<1x16xf32>,
        %get3A_730 = vector.shape_cast %get3A_729 : vector<1x16xf32> to vector<16xf32>
        %add3A_731 = arith.addf %add3A_722, %get3A_730 : vector<16xf32>
        %mul3A_732 = arith.constant 32 : i32
        %mul3A_733 = arith.muli %scan3A_185, %mul3A_732 : i32
        %add3A_734 = arith.constant 29 : i32
        %add3A_735 = arith.addi %mul3A_733, %add3A_734 : i32
        %get3A_736 = arith.index_cast %add3A_735 : i32 to index
        %get3A_737 = arith.constant 16 : index
        %get3A_738 = tpu.vector_load %arg8[%get3A_736, %get3A_737] {strides = array<i32>} : memref<128x128xf32, #tpu.memory_space<vmem>>, vector<1x16xf32>,
        %get3A_739 = vector.shape_cast %get3A_738 : vector<1x16xf32> to vector<16xf32>
        %add3A_740 = arith.addf %add3A_731, %get3A_739 : vector<16xf32>
        %mul3A_741 = arith.constant 32 : i32
        %mul3A_742 = arith.muli %scan3A_185, %mul3A_741 : i32
        %add3A_743 = arith.constant 30 : i32
        %add3A_744 = arith.addi %mul3A_742, %add3A_743 : i32
        %get3A_745 = arith.index_cast %add3A_744 : i32 to index
        %get3A_746 = arith.constant 16 : index
        %get3A_747 = tpu.vector_load %arg8[%get3A_745, %get3A_746] {strides = array<i32>} : memref<128x128xf32, #tpu.memory_space<vmem>>, vector<1x16xf32>,
        %get3A_748 = vector.shape_cast %get3A_747 : vector<1x16xf32> to vector<16xf32>
        %add3A_749 = arith.addf %add3A_740, %get3A_748 : vector<16xf32>
        %mul3A_750 = arith.constant 32 : i32
        %mul3A_751 = arith.muli %scan3A_185, %mul3A_750 : i32
        %add3A_752 = arith.constant 31 : i32
        %add3A_753 = arith.addi %mul3A_751, %add3A_752 : i32
        %get3A_754 = arith.index_cast %add3A_753 : i32 to index
        %get3A_755 = arith.constant 16 : index
        %get3A_756 = tpu.vector_load %arg8[%get3A_754, %get3A_755] {strides = array<i32>} : memref<128x128xf32, #tpu.memory_space<vmem>>, vector<1x16xf32>,
        %get3A_757 = vector.shape_cast %get3A_756 : vector<1x16xf32> to vector<16xf32>
        %add3A_758 = arith.addf %add3A_749, %get3A_757 : vector<16xf32>
        %swap3A_759 = arith.index_cast %scan3A_185 : i32 to index
        %swap3A_760 = arith.constant 16 : index
        %swap3A_761 = tpu.vector_load %arg10[%swap3A_759, %swap3A_760] {strides = array<i32>} : memref<4x128xf32, #tpu.memory_space<vmem>>, vector<1x16xf32>,
        %swap3A_762 = vector.shape_cast %swap3A_761 : vector<1x16xf32> to vector<16xf32>
        %swap3A_763 = vector.shape_cast %add3A_758 : vector<16xf32> to vector<1x16xf32>
        tpu.vector_store %arg10[%swap3A_759, %swap3A_760], %swap3A_763 {strides = array<i32>} : memref<4x128xf32, #tpu.memory_space<vmem>>, vector<1x16xf32>,
        %mul3A_764 = arith.constant 32 : i32
        %mul3A_765 = arith.muli %scan3A_185, %mul3A_764 : i32
        %get3A_766 = arith.index_cast %mul3A_765 : i32 to index
        %get3A_767 = arith.constant 32 : index
        %get3A_768 = tpu.vector_load %arg8[%get3A_766, %get3A_767] {strides = array<i32>} : memref<128x128xf32, #tpu.memory_space<vmem>>, vector<1x16xf32>,
        %get3A_769 = vector.shape_cast %get3A_768 : vector<1x16xf32> to vector<16xf32>
        %mul3A_770 = arith.constant 32 : i32
        %mul3A_771 = arith.muli %scan3A_185, %mul3A_770 : i32
        %add3A_772 = arith.constant 1 : i32
        %add3A_773 = arith.addi %mul3A_771, %add3A_772 : i32
        %get3A_774 = arith.index_cast %add3A_773 : i32 to index
        %get3A_775 = arith.constant 32 : index
        %get3A_776 = tpu.vector_load %arg8[%get3A_774, %get3A_775] {strides = array<i32>} : memref<128x128xf32, #tpu.memory_space<vmem>>, vector<1x16xf32>,
        %get3A_777 = vector.shape_cast %get3A_776 : vector<1x16xf32> to vector<16xf32>
        %add3A_778 = arith.addf %get3A_769, %get3A_777 : vector<16xf32>
        %mul3A_779 = arith.constant 32 : i32
        %mul3A_780 = arith.muli %scan3A_185, %mul3A_779 : i32
        %add3A_781 = arith.constant 2 : i32
        %add3A_782 = arith.addi %mul3A_780, %add3A_781 : i32
        %get3A_783 = arith.index_cast %add3A_782 : i32 to index
        %get3A_784 = arith.constant 32 : index
        %get3A_785 = tpu.vector_load %arg8[%get3A_783, %get3A_784] {strides = array<i32>} : memref<128x128xf32, #tpu.memory_space<vmem>>, vector<1x16xf32>,
        %get3A_786 = vector.shape_cast %get3A_785 : vector<1x16xf32> to vector<16xf32>
        %add3A_787 = arith.addf %add3A_778, %get3A_786 : vector<16xf32>
        %mul3A_788 = arith.constant 32 : i32
        %mul3A_789 = arith.muli %scan3A_185, %mul3A_788 : i32
        %add3A_790 = arith.constant 3 : i32
        %add3A_791 = arith.addi %mul3A_789, %add3A_790 : i32
        %get3A_792 = arith.index_cast %add3A_791 : i32 to index
        %get3A_793 = arith.constant 32 : index
        %get3A_794 = tpu.vector_load %arg8[%get3A_792, %get3A_793] {strides = array<i32>} : memref<128x128xf32, #tpu.memory_space<vmem>>, vector<1x16xf32>,
        %get3A_795 = vector.shape_cast %get3A_794 : vector<1x16xf32> to vector<16xf32>
        %add3A_796 = arith.addf %add3A_787, %get3A_795 : vector<16xf32>
        %mul3A_797 = arith.constant 32 : i32
        %mul3A_798 = arith.muli %scan3A_185, %mul3A_797 : i32
        %add3A_799 = arith.constant 4 : i32
        %add3A_800 = arith.addi %mul3A_798, %add3A_799 : i32
        %get3A_801 = arith.index_cast %add3A_800 : i32 to index
        %get3A_802 = arith.constant 32 : index
        %get3A_803 = tpu.vector_load %arg8[%get3A_801, %get3A_802] {strides = array<i32>} : memref<128x128xf32, #tpu.memory_space<vmem>>, vector<1x16xf32>,
        %get3A_804 = vector.shape_cast %get3A_803 : vector<1x16xf32> to vector<16xf32>
        %add3A_805 = arith.addf %add3A_796, %get3A_804 : vector<16xf32>
        %mul3A_806 = arith.constant 32 : i32
        %mul3A_807 = arith.muli %scan3A_185, %mul3A_806 : i32
        %add3A_808 = arith.constant 5 : i32
        %add3A_809 = arith.addi %mul3A_807, %add3A_808 : i32
        %get3A_810 = arith.index_cast %add3A_809 : i32 to index
        %get3A_811 = arith.constant 32 : index
        %get3A_812 = tpu.vector_load %arg8[%get3A_810, %get3A_811] {strides = array<i32>} : memref<128x128xf32, #tpu.memory_space<vmem>>, vector<1x16xf32>,
        %get3A_813 = vector.shape_cast %get3A_812 : vector<1x16xf32> to vector<16xf32>
        %add3A_814 = arith.addf %add3A_805, %get3A_813 : vector<16xf32>
        %mul3A_815 = arith.constant 32 : i32
        %mul3A_816 = arith.muli %scan3A_185, %mul3A_815 : i32
        %add3A_817 = arith.constant 6 : i32
        %add3A_818 = arith.addi %mul3A_816, %add3A_817 : i32
        %get3A_819 = arith.index_cast %add3A_818 : i32 to index
        %get3A_820 = arith.constant 32 : index
        %get3A_821 = tpu.vector_load %arg8[%get3A_819, %get3A_820] {strides = array<i32>} : memref<128x128xf32, #tpu.memory_space<vmem>>, vector<1x16xf32>,
        %get3A_822 = vector.shape_cast %get3A_821 : vector<1x16xf32> to vector<16xf32>
        %add3A_823 = arith.addf %add3A_814, %get3A_822 : vector<16xf32>
        %mul3A_824 = arith.constant 32 : i32
        %mul3A_825 = arith.muli %scan3A_185, %mul3A_824 : i32
        %add3A_826 = arith.constant 7 : i32
        %add3A_827 = arith.addi %mul3A_825, %add3A_826 : i32
        %get3A_828 = arith.index_cast %add3A_827 : i32 to index
        %get3A_829 = arith.constant 32 : index
        %get3A_830 = tpu.vector_load %arg8[%get3A_828, %get3A_829] {strides = array<i32>} : memref<128x128xf32, #tpu.memory_space<vmem>>, vector<1x16xf32>,
        %get3A_831 = vector.shape_cast %get3A_830 : vector<1x16xf32> to vector<16xf32>
        %add3A_832 = arith.addf %add3A_823, %get3A_831 : vector<16xf32>
        %mul3A_833 = arith.constant 32 : i32
        %mul3A_834 = arith.muli %scan3A_185, %mul3A_833 : i32
        %add3A_835 = arith.constant 8 : i32
        %add3A_836 = arith.addi %mul3A_834, %add3A_835 : i32
        %get3A_837 = arith.index_cast %add3A_836 : i32 to index
        %get3A_838 = arith.constant 32 : index
        %get3A_839 = tpu.vector_load %arg8[%get3A_837, %get3A_838] {strides = array<i32>} : memref<128x128xf32, #tpu.memory_space<vmem>>, vector<1x16xf32>,
        %get3A_840 = vector.shape_cast %get3A_839 : vector<1x16xf32> to vector<16xf32>
        %add3A_841 = arith.addf %add3A_832, %get3A_840 : vector<16xf32>
        %mul3A_842 = arith.constant 32 : i32
        %mul3A_843 = arith.muli %scan3A_185, %mul3A_842 : i32
        %add3A_844 = arith.constant 9 : i32
        %add3A_845 = arith.addi %mul3A_843, %add3A_844 : i32
        %get3A_846 = arith.index_cast %add3A_845 : i32 to index
        %get3A_847 = arith.constant 32 : index
        %get3A_848 = tpu.vector_load %arg8[%get3A_846, %get3A_847] {strides = array<i32>} : memref<128x128xf32, #tpu.memory_space<vmem>>, vector<1x16xf32>,
        %get3A_849 = vector.shape_cast %get3A_848 : vector<1x16xf32> to vector<16xf32>
        %add3A_850 = arith.addf %add3A_841, %get3A_849 : vector<16xf32>
        %mul3A_851 = arith.constant 32 : i32
        %mul3A_852 = arith.muli %scan3A_185, %mul3A_851 : i32
        %add3A_853 = arith.constant 10 : i32
        %add3A_854 = arith.addi %mul3A_852, %add3A_853 : i32
        %get3A_855 = arith.index_cast %add3A_854 : i32 to index
        %get3A_856 = arith.constant 32 : index
        %get3A_857 = tpu.vector_load %arg8[%get3A_855, %get3A_856] {strides = array<i32>} : memref<128x128xf32, #tpu.memory_space<vmem>>, vector<1x16xf32>,
        %get3A_858 = vector.shape_cast %get3A_857 : vector<1x16xf32> to vector<16xf32>
        %add3A_859 = arith.addf %add3A_850, %get3A_858 : vector<16xf32>
        %mul3A_860 = arith.constant 32 : i32
        %mul3A_861 = arith.muli %scan3A_185, %mul3A_860 : i32
        %add3A_862 = arith.constant 11 : i32
        %add3A_863 = arith.addi %mul3A_861, %add3A_862 : i32
        %get3A_864 = arith.index_cast %add3A_863 : i32 to index
        %get3A_865 = arith.constant 32 : index
        %get3A_866 = tpu.vector_load %arg8[%get3A_864, %get3A_865] {strides = array<i32>} : memref<128x128xf32, #tpu.memory_space<vmem>>, vector<1x16xf32>,
        %get3A_867 = vector.shape_cast %get3A_866 : vector<1x16xf32> to vector<16xf32>
        %add3A_868 = arith.addf %add3A_859, %get3A_867 : vector<16xf32>
        %mul3A_869 = arith.constant 32 : i32
        %mul3A_870 = arith.muli %scan3A_185, %mul3A_869 : i32
        %add3A_871 = arith.constant 12 : i32
        %add3A_872 = arith.addi %mul3A_870, %add3A_871 : i32
        %get3A_873 = arith.index_cast %add3A_872 : i32 to index
        %get3A_874 = arith.constant 32 : index
        %get3A_875 = tpu.vector_load %arg8[%get3A_873, %get3A_874] {strides = array<i32>} : memref<128x128xf32, #tpu.memory_space<vmem>>, vector<1x16xf32>,
        %get3A_876 = vector.shape_cast %get3A_875 : vector<1x16xf32> to vector<16xf32>
        %add3A_877 = arith.addf %add3A_868, %get3A_876 : vector<16xf32>
        %mul3A_878 = arith.constant 32 : i32
        %mul3A_879 = arith.muli %scan3A_185, %mul3A_878 : i32
        %add3A_880 = arith.constant 13 : i32
        %add3A_881 = arith.addi %mul3A_879, %add3A_880 : i32
        %get3A_882 = arith.index_cast %add3A_881 : i32 to index
        %get3A_883 = arith.constant 32 : index
        %get3A_884 = tpu.vector_load %arg8[%get3A_882, %get3A_883] {strides = array<i32>} : memref<128x128xf32, #tpu.memory_space<vmem>>, vector<1x16xf32>,
        %get3A_885 = vector.shape_cast %get3A_884 : vector<1x16xf32> to vector<16xf32>
        %add3A_886 = arith.addf %add3A_877, %get3A_885 : vector<16xf32>
        %mul3A_887 = arith.constant 32 : i32
        %mul3A_888 = arith.muli %scan3A_185, %mul3A_887 : i32
        %add3A_889 = arith.constant 14 : i32
        %add3A_890 = arith.addi %mul3A_888, %add3A_889 : i32
        %get3A_891 = arith.index_cast %add3A_890 : i32 to index
        %get3A_892 = arith.constant 32 : index
        %get3A_893 = tpu.vector_load %arg8[%get3A_891, %get3A_892] {strides = array<i32>} : memref<128x128xf32, #tpu.memory_space<vmem>>, vector<1x16xf32>,
        %get3A_894 = vector.shape_cast %get3A_893 : vector<1x16xf32> to vector<16xf32>
        %add3A_895 = arith.addf %add3A_886, %get3A_894 : vector<16xf32>
        %mul3A_896 = arith.constant 32 : i32
        %mul3A_897 = arith.muli %scan3A_185, %mul3A_896 : i32
        %add3A_898 = arith.constant 15 : i32
        %add3A_899 = arith.addi %mul3A_897, %add3A_898 : i32
        %get3A_900 = arith.index_cast %add3A_899 : i32 to index
        %get3A_901 = arith.constant 32 : index
        %get3A_902 = tpu.vector_load %arg8[%get3A_900, %get3A_901] {strides = array<i32>} : memref<128x128xf32, #tpu.memory_space<vmem>>, vector<1x16xf32>,
        %get3A_903 = vector.shape_cast %get3A_902 : vector<1x16xf32> to vector<16xf32>
        %add3A_904 = arith.addf %add3A_895, %get3A_903 : vector<16xf32>
        %mul3A_905 = arith.constant 32 : i32
        %mul3A_906 = arith.muli %scan3A_185, %mul3A_905 : i32
        %add3A_907 = arith.constant 16 : i32
        %add3A_908 = arith.addi %mul3A_906, %add3A_907 : i32
        %get3A_909 = arith.index_cast %add3A_908 : i32 to index
        %get3A_910 = arith.constant 32 : index
        %get3A_911 = tpu.vector_load %arg8[%get3A_909, %get3A_910] {strides = array<i32>} : memref<128x128xf32, #tpu.memory_space<vmem>>, vector<1x16xf32>,
        %get3A_912 = vector.shape_cast %get3A_911 : vector<1x16xf32> to vector<16xf32>
        %add3A_913 = arith.addf %add3A_904, %get3A_912 : vector<16xf32>
        %mul3A_914 = arith.constant 32 : i32
        %mul3A_915 = arith.muli %scan3A_185, %mul3A_914 : i32
        %add3A_916 = arith.constant 17 : i32
        %add3A_917 = arith.addi %mul3A_915, %add3A_916 : i32
        %get3A_918 = arith.index_cast %add3A_917 : i32 to index
        %get3A_919 = arith.constant 32 : index
        %get3A_920 = tpu.vector_load %arg8[%get3A_918, %get3A_919] {strides = array<i32>} : memref<128x128xf32, #tpu.memory_space<vmem>>, vector<1x16xf32>,
        %get3A_921 = vector.shape_cast %get3A_920 : vector<1x16xf32> to vector<16xf32>
        %add3A_922 = arith.addf %add3A_913, %get3A_921 : vector<16xf32>
        %mul3A_923 = arith.constant 32 : i32
        %mul3A_924 = arith.muli %scan3A_185, %mul3A_923 : i32
        %add3A_925 = arith.constant 18 : i32
        %add3A_926 = arith.addi %mul3A_924, %add3A_925 : i32
        %get3A_927 = arith.index_cast %add3A_926 : i32 to index
        %get3A_928 = arith.constant 32 : index
        %get3A_929 = tpu.vector_load %arg8[%get3A_927, %get3A_928] {strides = array<i32>} : memref<128x128xf32, #tpu.memory_space<vmem>>, vector<1x16xf32>,
        %get3A_930 = vector.shape_cast %get3A_929 : vector<1x16xf32> to vector<16xf32>
        %add3A_931 = arith.addf %add3A_922, %get3A_930 : vector<16xf32>
        %mul3A_932 = arith.constant 32 : i32
        %mul3A_933 = arith.muli %scan3A_185, %mul3A_932 : i32
        %add3A_934 = arith.constant 19 : i32
        %add3A_935 = arith.addi %mul3A_933, %add3A_934 : i32
        %get3A_936 = arith.index_cast %add3A_935 : i32 to index
        %get3A_937 = arith.constant 32 : index
        %get3A_938 = tpu.vector_load %arg8[%get3A_936, %get3A_937] {strides = array<i32>} : memref<128x128xf32, #tpu.memory_space<vmem>>, vector<1x16xf32>,
        %get3A_939 = vector.shape_cast %get3A_938 : vector<1x16xf32> to vector<16xf32>
        %add3A_940 = arith.addf %add3A_931, %get3A_939 : vector<16xf32>
        %mul3A_941 = arith.constant 32 : i32
        %mul3A_942 = arith.muli %scan3A_185, %mul3A_941 : i32
        %add3A_943 = arith.constant 20 : i32
        %add3A_944 = arith.addi %mul3A_942, %add3A_943 : i32
        %get3A_945 = arith.index_cast %add3A_944 : i32 to index
        %get3A_946 = arith.constant 32 : index
        %get3A_947 = tpu.vector_load %arg8[%get3A_945, %get3A_946] {strides = array<i32>} : memref<128x128xf32, #tpu.memory_space<vmem>>, vector<1x16xf32>,
        %get3A_948 = vector.shape_cast %get3A_947 : vector<1x16xf32> to vector<16xf32>
        %add3A_949 = arith.addf %add3A_940, %get3A_948 : vector<16xf32>
        %mul3A_950 = arith.constant 32 : i32
        %mul3A_951 = arith.muli %scan3A_185, %mul3A_950 : i32
        %add3A_952 = arith.constant 21 : i32
        %add3A_953 = arith.addi %mul3A_951, %add3A_952 : i32
        %get3A_954 = arith.index_cast %add3A_953 : i32 to index
        %get3A_955 = arith.constant 32 : index
        %get3A_956 = tpu.vector_load %arg8[%get3A_954, %get3A_955] {strides = array<i32>} : memref<128x128xf32, #tpu.memory_space<vmem>>, vector<1x16xf32>,
        %get3A_957 = vector.shape_cast %get3A_956 : vector<1x16xf32> to vector<16xf32>
        %add3A_958 = arith.addf %add3A_949, %get3A_957 : vector<16xf32>
        %mul3A_959 = arith.constant 32 : i32
        %mul3A_960 = arith.muli %scan3A_185, %mul3A_959 : i32
        %add3A_961 = arith.constant 22 : i32
        %add3A_962 = arith.addi %mul3A_960, %add3A_961 : i32
        %get3A_963 = arith.index_cast %add3A_962 : i32 to index
        %get3A_964 = arith.constant 32 : index
        %get3A_965 = tpu.vector_load %arg8[%get3A_963, %get3A_964] {strides = array<i32>} : memref<128x128xf32, #tpu.memory_space<vmem>>, vector<1x16xf32>,
        %get3A_966 = vector.shape_cast %get3A_965 : vector<1x16xf32> to vector<16xf32>
        %add3A_967 = arith.addf %add3A_958, %get3A_966 : vector<16xf32>
        %mul3A_968 = arith.constant 32 : i32
        %mul3A_969 = arith.muli %scan3A_185, %mul3A_968 : i32
        %add3A_970 = arith.constant 23 : i32
        %add3A_971 = arith.addi %mul3A_969, %add3A_970 : i32
        %get3A_972 = arith.index_cast %add3A_971 : i32 to index
        %get3A_973 = arith.constant 32 : index
        %get3A_974 = tpu.vector_load %arg8[%get3A_972, %get3A_973] {strides = array<i32>} : memref<128x128xf32, #tpu.memory_space<vmem>>, vector<1x16xf32>,
        %get3A_975 = vector.shape_cast %get3A_974 : vector<1x16xf32> to vector<16xf32>
        %add3A_976 = arith.addf %add3A_967, %get3A_975 : vector<16xf32>
        %mul3A_977 = arith.constant 32 : i32
        %mul3A_978 = arith.muli %scan3A_185, %mul3A_977 : i32
        %add3A_979 = arith.constant 24 : i32
        %add3A_980 = arith.addi %mul3A_978, %add3A_979 : i32
        %get3A_981 = arith.index_cast %add3A_980 : i32 to index
        %get3A_982 = arith.constant 32 : index
        %get3A_983 = tpu.vector_load %arg8[%get3A_981, %get3A_982] {strides = array<i32>} : memref<128x128xf32, #tpu.memory_space<vmem>>, vector<1x16xf32>,
        %get3A_984 = vector.shape_cast %get3A_983 : vector<1x16xf32> to vector<16xf32>
        %add3A_985 = arith.addf %add3A_976, %get3A_984 : vector<16xf32>
        %mul3A_986 = arith.constant 32 : i32
        %mul3A_987 = arith.muli %scan3A_185, %mul3A_986 : i32
        %add3A_988 = arith.constant 25 : i32
        %add3A_989 = arith.addi %mul3A_987, %add3A_988 : i32
        %get3A_990 = arith.index_cast %add3A_989 : i32 to index
        %get3A_991 = arith.constant 32 : index
        %get3A_992 = tpu.vector_load %arg8[%get3A_990, %get3A_991] {strides = array<i32>} : memref<128x128xf32, #tpu.memory_space<vmem>>, vector<1x16xf32>,
        %get3A_993 = vector.shape_cast %get3A_992 : vector<1x16xf32> to vector<16xf32>
        %add3A_994 = arith.addf %add3A_985, %get3A_993 : vector<16xf32>
        %mul3A_995 = arith.constant 32 : i32
        %mul3A_996 = arith.muli %scan3A_185, %mul3A_995 : i32
        %add3A_997 = arith.constant 26 : i32
        %add3A_998 = arith.addi %mul3A_996, %add3A_997 : i32
        %get3A_999 = arith.index_cast %add3A_998 : i32 to index
        %get3A_1000 = arith.constant 32 : index
        %get3A_1001 = tpu.vector_load %arg8[%get3A_999, %get3A_1000] {strides = array<i32>} : memref<128x128xf32, #tpu.memory_space<vmem>>, vector<1x16xf32>,
        %get3A_1002 = vector.shape_cast %get3A_1001 : vector<1x16xf32> to vector<16xf32>
        %add3A_1003 = arith.addf %add3A_994, %get3A_1002 : vector<16xf32>
        %mul3A_1004 = arith.constant 32 : i32
        %mul3A_1005 = arith.muli %scan3A_185, %mul3A_1004 : i32
        %add3A_1006 = arith.constant 27 : i32
        %add3A_1007 = arith.addi %mul3A_1005, %add3A_1006 : i32
        %get3A_1008 = arith.index_cast %add3A_1007 : i32 to index
        %get3A_1009 = arith.constant 32 : index
        %get3A_1010 = tpu.vector_load %arg8[%get3A_1008, %get3A_1009] {strides = array<i32>} : memref<128x128xf32, #tpu.memory_space<vmem>>, vector<1x16xf32>,
        %get3A_1011 = vector.shape_cast %get3A_1010 : vector<1x16xf32> to vector<16xf32>
        %add3A_1012 = arith.addf %add3A_1003, %get3A_1011 : vector<16xf32>
        %mul3A_1013 = arith.constant 32 : i32
        %mul3A_1014 = arith.muli %scan3A_185, %mul3A_1013 : i32
        %add3A_1015 = arith.constant 28 : i32
        %add3A_1016 = arith.addi %mul3A_1014, %add3A_1015 : i32
        %get3A_1017 = arith.index_cast %add3A_1016 : i32 to index
        %get3A_1018 = arith.constant 32 : index
        %get3A_1019 = tpu.vector_load %arg8[%get3A_1017, %get3A_1018] {strides = array<i32>} : memref<128x128xf32, #tpu.memory_space<vmem>>, vector<1x16xf32>,
        %get3A_1020 = vector.shape_cast %get3A_1019 : vector<1x16xf32> to vector<16xf32>
        %add3A_1021 = arith.addf %add3A_1012, %get3A_1020 : vector<16xf32>
        %mul3A_1022 = arith.constant 32 : i32
        %mul3A_1023 = arith.muli %scan3A_185, %mul3A_1022 : i32
        %add3A_1024 = arith.constant 29 : i32
        %add3A_1025 = arith.addi %mul3A_1023, %add3A_1024 : i32
        %get3A_1026 = arith.index_cast %add3A_1025 : i32 to index
        %get3A_1027 = arith.constant 32 : index
        %get3A_1028 = tpu.vector_load %arg8[%get3A_1026, %get3A_1027] {strides = array<i32>} : memref<128x128xf32, #tpu.memory_space<vmem>>, vector<1x16xf32>,
        %get3A_1029 = vector.shape_cast %get3A_1028 : vector<1x16xf32> to vector<16xf32>
        %add3A_1030 = arith.addf %add3A_1021, %get3A_1029 : vector<16xf32>
        %mul3A_1031 = arith.constant 32 : i32
        %mul3A_1032 = arith.muli %scan3A_185, %mul3A_1031 : i32
        %add3A_1033 = arith.constant 30 : i32
        %add3A_1034 = arith.addi %mul3A_1032, %add3A_1033 : i32
        %get3A_1035 = arith.index_cast %add3A_1034 : i32 to index
        %get3A_1036 = arith.constant 32 : index
        %get3A_1037 = tpu.vector_load %arg8[%get3A_1035, %get3A_1036] {strides = array<i32>} : memref<128x128xf32, #tpu.memory_space<vmem>>, vector<1x16xf32>,
        %get3A_1038 = vector.shape_cast %get3A_1037 : vector<1x16xf32> to vector<16xf32>
        %add3A_1039 = arith.addf %add3A_1030, %get3A_1038 : vector<16xf32>
        %mul3A_1040 = arith.constant 32 : i32
        %mul3A_1041 = arith.muli %scan3A_185, %mul3A_1040 : i32
        %add3A_1042 = arith.constant 31 : i32
        %add3A_1043 = arith.addi %mul3A_1041, %add3A_1042 : i32
        %get3A_1044 = arith.index_cast %add3A_1043 : i32 to index
        %get3A_1045 = arith.constant 32 : index
        %get3A_1046 = tpu.vector_load %arg8[%get3A_1044, %get3A_1045] {strides = array<i32>} : memref<128x128xf32, #tpu.memory_space<vmem>>, vector<1x16xf32>,
        %get3A_1047 = vector.shape_cast %get3A_1046 : vector<1x16xf32> to vector<16xf32>
        %add3A_1048 = arith.addf %add3A_1039, %get3A_1047 : vector<16xf32>
        %swap3A_1049 = arith.index_cast %scan3A_185 : i32 to index
        %swap3A_1050 = arith.constant 32 : index
        %swap3A_1051 = tpu.vector_load %arg10[%swap3A_1049, %swap3A_1050] {strides = array<i32>} : memref<4x128xf32, #tpu.memory_space<vmem>>, vector<1x16xf32>,
        %swap3A_1052 = vector.shape_cast %swap3A_1051 : vector<1x16xf32> to vector<16xf32>
        %swap3A_1053 = vector.shape_cast %add3A_1048 : vector<16xf32> to vector<1x16xf32>
        tpu.vector_store %arg10[%swap3A_1049, %swap3A_1050], %swap3A_1053 {strides = array<i32>} : memref<4x128xf32, #tpu.memory_space<vmem>>, vector<1x16xf32>,
        %mul3A_1054 = arith.constant 32 : i32
        %mul3A_1055 = arith.muli %scan3A_185, %mul3A_1054 : i32
        %get3A_1056 = arith.index_cast %mul3A_1055 : i32 to index
        %get3A_1057 = arith.constant 48 : index
        %get3A_1058 = tpu.vector_load %arg8[%get3A_1056, %get3A_1057] {strides = array<i32>} : memref<128x128xf32, #tpu.memory_space<vmem>>, vector<1x16xf32>,
        %get3A_1059 = vector.shape_cast %get3A_1058 : vector<1x16xf32> to vector<16xf32>
        %mul3A_1060 = arith.constant 32 : i32
        %mul3A_1061 = arith.muli %scan3A_185, %mul3A_1060 : i32
        %add3A_1062 = arith.constant 1 : i32
        %add3A_1063 = arith.addi %mul3A_1061, %add3A_1062 : i32
        %get3A_1064 = arith.index_cast %add3A_1063 : i32 to index
        %get3A_1065 = arith.constant 48 : index
        %get3A_1066 = tpu.vector_load %arg8[%get3A_1064, %get3A_1065] {strides = array<i32>} : memref<128x128xf32, #tpu.memory_space<vmem>>, vector<1x16xf32>,
        %get3A_1067 = vector.shape_cast %get3A_1066 : vector<1x16xf32> to vector<16xf32>
        %add3A_1068 = arith.addf %get3A_1059, %get3A_1067 : vector<16xf32>
        %mul3A_1069 = arith.constant 32 : i32
        %mul3A_1070 = arith.muli %scan3A_185, %mul3A_1069 : i32
        %add3A_1071 = arith.constant 2 : i32
        %add3A_1072 = arith.addi %mul3A_1070, %add3A_1071 : i32
        %get3A_1073 = arith.index_cast %add3A_1072 : i32 to index
        %get3A_1074 = arith.constant 48 : index
        %get3A_1075 = tpu.vector_load %arg8[%get3A_1073, %get3A_1074] {strides = array<i32>} : memref<128x128xf32, #tpu.memory_space<vmem>>, vector<1x16xf32>,
        %get3A_1076 = vector.shape_cast %get3A_1075 : vector<1x16xf32> to vector<16xf32>
        %add3A_1077 = arith.addf %add3A_1068, %get3A_1076 : vector<16xf32>
        %mul3A_1078 = arith.constant 32 : i32
        %mul3A_1079 = arith.muli %scan3A_185, %mul3A_1078 : i32
        %add3A_1080 = arith.constant 3 : i32
        %add3A_1081 = arith.addi %mul3A_1079, %add3A_1080 : i32
        %get3A_1082 = arith.index_cast %add3A_1081 : i32 to index
        %get3A_1083 = arith.constant 48 : index
        %get3A_1084 = tpu.vector_load %arg8[%get3A_1082, %get3A_1083] {strides = array<i32>} : memref<128x128xf32, #tpu.memory_space<vmem>>, vector<1x16xf32>,
        %get3A_1085 = vector.shape_cast %get3A_1084 : vector<1x16xf32> to vector<16xf32>
        %add3A_1086 = arith.addf %add3A_1077, %get3A_1085 : vector<16xf32>
        %mul3A_1087 = arith.constant 32 : i32
        %mul3A_1088 = arith.muli %scan3A_185, %mul3A_1087 : i32
        %add3A_1089 = arith.constant 4 : i32
        %add3A_1090 = arith.addi %mul3A_1088, %add3A_1089 : i32
        %get3A_1091 = arith.index_cast %add3A_1090 : i32 to index
        %get3A_1092 = arith.constant 48 : index
        %get3A_1093 = tpu.vector_load %arg8[%get3A_1091, %get3A_1092] {strides = array<i32>} : memref<128x128xf32, #tpu.memory_space<vmem>>, vector<1x16xf32>,
        %get3A_1094 = vector.shape_cast %get3A_1093 : vector<1x16xf32> to vector<16xf32>
        %add3A_1095 = arith.addf %add3A_1086, %get3A_1094 : vector<16xf32>
        %mul3A_1096 = arith.constant 32 : i32
        %mul3A_1097 = arith.muli %scan3A_185, %mul3A_1096 : i32
        %add3A_1098 = arith.constant 5 : i32
        %add3A_1099 = arith.addi %mul3A_1097, %add3A_1098 : i32
        %get3A_1100 = arith.index_cast %add3A_1099 : i32 to index
        %get3A_1101 = arith.constant 48 : index
        %get3A_1102 = tpu.vector_load %arg8[%get3A_1100, %get3A_1101] {strides = array<i32>} : memref<128x128xf32, #tpu.memory_space<vmem>>, vector<1x16xf32>,
        %get3A_1103 = vector.shape_cast %get3A_1102 : vector<1x16xf32> to vector<16xf32>
        %add3A_1104 = arith.addf %add3A_1095, %get3A_1103 : vector<16xf32>
        %mul3A_1105 = arith.constant 32 : i32
        %mul3A_1106 = arith.muli %scan3A_185, %mul3A_1105 : i32
        %add3A_1107 = arith.constant 6 : i32
        %add3A_1108 = arith.addi %mul3A_1106, %add3A_1107 : i32
        %get3A_1109 = arith.index_cast %add3A_1108 : i32 to index
        %get3A_1110 = arith.constant 48 : index
        %get3A_1111 = tpu.vector_load %arg8[%get3A_1109, %get3A_1110] {strides = array<i32>} : memref<128x128xf32, #tpu.memory_space<vmem>>, vector<1x16xf32>,
        %get3A_1112 = vector.shape_cast %get3A_1111 : vector<1x16xf32> to vector<16xf32>
        %add3A_1113 = arith.addf %add3A_1104, %get3A_1112 : vector<16xf32>
        %mul3A_1114 = arith.constant 32 : i32
        %mul3A_1115 = arith.muli %scan3A_185, %mul3A_1114 : i32
        %add3A_1116 = arith.constant 7 : i32
        %add3A_1117 = arith.addi %mul3A_1115, %add3A_1116 : i32
        %get3A_1118 = arith.index_cast %add3A_1117 : i32 to index
        %get3A_1119 = arith.constant 48 : index
        %get3A_1120 = tpu.vector_load %arg8[%get3A_1118, %get3A_1119] {strides = array<i32>} : memref<128x128xf32, #tpu.memory_space<vmem>>, vector<1x16xf32>,
        %get3A_1121 = vector.shape_cast %get3A_1120 : vector<1x16xf32> to vector<16xf32>
        %add3A_1122 = arith.addf %add3A_1113, %get3A_1121 : vector<16xf32>
        %mul3A_1123 = arith.constant 32 : i32
        %mul3A_1124 = arith.muli %scan3A_185, %mul3A_1123 : i32
        %add3A_1125 = arith.constant 8 : i32
        %add3A_1126 = arith.addi %mul3A_1124, %add3A_1125 : i32
        %get3A_1127 = arith.index_cast %add3A_1126 : i32 to index
        %get3A_1128 = arith.constant 48 : index
        %get3A_1129 = tpu.vector_load %arg8[%get3A_1127, %get3A_1128] {strides = array<i32>} : memref<128x128xf32, #tpu.memory_space<vmem>>, vector<1x16xf32>,
        %get3A_1130 = vector.shape_cast %get3A_1129 : vector<1x16xf32> to vector<16xf32>
        %add3A_1131 = arith.addf %add3A_1122, %get3A_1130 : vector<16xf32>
        %mul3A_1132 = arith.constant 32 : i32
        %mul3A_1133 = arith.muli %scan3A_185, %mul3A_1132 : i32
        %add3A_1134 = arith.constant 9 : i32
        %add3A_1135 = arith.addi %mul3A_1133, %add3A_1134 : i32
        %get3A_1136 = arith.index_cast %add3A_1135 : i32 to index
        %get3A_1137 = arith.constant 48 : index
        %get3A_1138 = tpu.vector_load %arg8[%get3A_1136, %get3A_1137] {strides = array<i32>} : memref<128x128xf32, #tpu.memory_space<vmem>>, vector<1x16xf32>,
        %get3A_1139 = vector.shape_cast %get3A_1138 : vector<1x16xf32> to vector<16xf32>
        %add3A_1140 = arith.addf %add3A_1131, %get3A_1139 : vector<16xf32>
        %mul3A_1141 = arith.constant 32 : i32
        %mul3A_1142 = arith.muli %scan3A_185, %mul3A_1141 : i32
        %add3A_1143 = arith.constant 10 : i32
        %add3A_1144 = arith.addi %mul3A_1142, %add3A_1143 : i32
        %get3A_1145 = arith.index_cast %add3A_1144 : i32 to index
        %get3A_1146 = arith.constant 48 : index
        %get3A_1147 = tpu.vector_load %arg8[%get3A_1145, %get3A_1146] {strides = array<i32>} : memref<128x128xf32, #tpu.memory_space<vmem>>, vector<1x16xf32>,
        %get3A_1148 = vector.shape_cast %get3A_1147 : vector<1x16xf32> to vector<16xf32>
        %add3A_1149 = arith.addf %add3A_1140, %get3A_1148 : vector<16xf32>
        %mul3A_1150 = arith.constant 32 : i32
        %mul3A_1151 = arith.muli %scan3A_185, %mul3A_1150 : i32
        %add3A_1152 = arith.constant 11 : i32
        %add3A_1153 = arith.addi %mul3A_1151, %add3A_1152 : i32
        %get3A_1154 = arith.index_cast %add3A_1153 : i32 to index
        %get3A_1155 = arith.constant 48 : index
        %get3A_1156 = tpu.vector_load %arg8[%get3A_1154, %get3A_1155] {strides = array<i32>} : memref<128x128xf32, #tpu.memory_space<vmem>>, vector<1x16xf32>,
        %get3A_1157 = vector.shape_cast %get3A_1156 : vector<1x16xf32> to vector<16xf32>
        %add3A_1158 = arith.addf %add3A_1149, %get3A_1157 : vector<16xf32>
        %mul3A_1159 = arith.constant 32 : i32
        %mul3A_1160 = arith.muli %scan3A_185, %mul3A_1159 : i32
        %add3A_1161 = arith.constant 12 : i32
        %add3A_1162 = arith.addi %mul3A_1160, %add3A_1161 : i32
        %get3A_1163 = arith.index_cast %add3A_1162 : i32 to index
        %get3A_1164 = arith.constant 48 : index
        %get3A_1165 = tpu.vector_load %arg8[%get3A_1163, %get3A_1164] {strides = array<i32>} : memref<128x128xf32, #tpu.memory_space<vmem>>, vector<1x16xf32>,
        %get3A_1166 = vector.shape_cast %get3A_1165 : vector<1x16xf32> to vector<16xf32>
        %add3A_1167 = arith.addf %add3A_1158, %get3A_1166 : vector<16xf32>
        %mul3A_1168 = arith.constant 32 : i32
        %mul3A_1169 = arith.muli %scan3A_185, %mul3A_1168 : i32
        %add3A_1170 = arith.constant 13 : i32
        %add3A_1171 = arith.addi %mul3A_1169, %add3A_1170 : i32
        %get3A_1172 = arith.index_cast %add3A_1171 : i32 to index
        %get3A_1173 = arith.constant 48 : index
        %get3A_1174 = tpu.vector_load %arg8[%get3A_1172, %get3A_1173] {strides = array<i32>} : memref<128x128xf32, #tpu.memory_space<vmem>>, vector<1x16xf32>,
        %get3A_1175 = vector.shape_cast %get3A_1174 : vector<1x16xf32> to vector<16xf32>
        %add3A_1176 = arith.addf %add3A_1167, %get3A_1175 : vector<16xf32>
        %mul3A_1177 = arith.constant 32 : i32
        %mul3A_1178 = arith.muli %scan3A_185, %mul3A_1177 : i32
        %add3A_1179 = arith.constant 14 : i32
        %add3A_1180 = arith.addi %mul3A_1178, %add3A_1179 : i32
        %get3A_1181 = arith.index_cast %add3A_1180 : i32 to index
        %get3A_1182 = arith.constant 48 : index
        %get3A_1183 = tpu.vector_load %arg8[%get3A_1181, %get3A_1182] {strides = array<i32>} : memref<128x128xf32, #tpu.memory_space<vmem>>, vector<1x16xf32>,
        %get3A_1184 = vector.shape_cast %get3A_1183 : vector<1x16xf32> to vector<16xf32>
        %add3A_1185 = arith.addf %add3A_1176, %get3A_1184 : vector<16xf32>
        %mul3A_1186 = arith.constant 32 : i32
        %mul3A_1187 = arith.muli %scan3A_185, %mul3A_1186 : i32
        %add3A_1188 = arith.constant 15 : i32
        %add3A_1189 = arith.addi %mul3A_1187, %add3A_1188 : i32
        %get3A_1190 = arith.index_cast %add3A_1189 : i32 to index
        %get3A_1191 = arith.constant 48 : index
        %get3A_1192 = tpu.vector_load %arg8[%get3A_1190, %get3A_1191] {strides = array<i32>} : memref<128x128xf32, #tpu.memory_space<vmem>>, vector<1x16xf32>,
        %get3A_1193 = vector.shape_cast %get3A_1192 : vector<1x16xf32> to vector<16xf32>
        %add3A_1194 = arith.addf %add3A_1185, %get3A_1193 : vector<16xf32>
        %mul3A_1195 = arith.constant 32 : i32
        %mul3A_1196 = arith.muli %scan3A_185, %mul3A_1195 : i32
        %add3A_1197 = arith.constant 16 : i32
        %add3A_1198 = arith.addi %mul3A_1196, %add3A_1197 : i32
        %get3A_1199 = arith.index_cast %add3A_1198 : i32 to index
        %get3A_1200 = arith.constant 48 : index
        %get3A_1201 = tpu.vector_load %arg8[%get3A_1199, %get3A_1200] {strides = array<i32>} : memref<128x128xf32, #tpu.memory_space<vmem>>, vector<1x16xf32>,
        %get3A_1202 = vector.shape_cast %get3A_1201 : vector<1x16xf32> to vector<16xf32>
        %add3A_1203 = arith.addf %add3A_1194, %get3A_1202 : vector<16xf32>
        %mul3A_1204 = arith.constant 32 : i32
        %mul3A_1205 = arith.muli %scan3A_185, %mul3A_1204 : i32
        %add3A_1206 = arith.constant 17 : i32
        %add3A_1207 = arith.addi %mul3A_1205, %add3A_1206 : i32
        %get3A_1208 = arith.index_cast %add3A_1207 : i32 to index
        %get3A_1209 = arith.constant 48 : index
        %get3A_1210 = tpu.vector_load %arg8[%get3A_1208, %get3A_1209] {strides = array<i32>} : memref<128x128xf32, #tpu.memory_space<vmem>>, vector<1x16xf32>,
        %get3A_1211 = vector.shape_cast %get3A_1210 : vector<1x16xf32> to vector<16xf32>
        %add3A_1212 = arith.addf %add3A_1203, %get3A_1211 : vector<16xf32>
        %mul3A_1213 = arith.constant 32 : i32
        %mul3A_1214 = arith.muli %scan3A_185, %mul3A_1213 : i32
        %add3A_1215 = arith.constant 18 : i32
        %add3A_1216 = arith.addi %mul3A_1214, %add3A_1215 : i32
        %get3A_1217 = arith.index_cast %add3A_1216 : i32 to index
        %get3A_1218 = arith.constant 48 : index
        %get3A_1219 = tpu.vector_load %arg8[%get3A_1217, %get3A_1218] {strides = array<i32>} : memref<128x128xf32, #tpu.memory_space<vmem>>, vector<1x16xf32>,
        %get3A_1220 = vector.shape_cast %get3A_1219 : vector<1x16xf32> to vector<16xf32>
        %add3A_1221 = arith.addf %add3A_1212, %get3A_1220 : vector<16xf32>
        %mul3A_1222 = arith.constant 32 : i32
        %mul3A_1223 = arith.muli %scan3A_185, %mul3A_1222 : i32
        %add3A_1224 = arith.constant 19 : i32
        %add3A_1225 = arith.addi %mul3A_1223, %add3A_1224 : i32
        %get3A_1226 = arith.index_cast %add3A_1225 : i32 to index
        %get3A_1227 = arith.constant 48 : index
        %get3A_1228 = tpu.vector_load %arg8[%get3A_1226, %get3A_1227] {strides = array<i32>} : memref<128x128xf32, #tpu.memory_space<vmem>>, vector<1x16xf32>,
        %get3A_1229 = vector.shape_cast %get3A_1228 : vector<1x16xf32> to vector<16xf32>
        %add3A_1230 = arith.addf %add3A_1221, %get3A_1229 : vector<16xf32>
        %mul3A_1231 = arith.constant 32 : i32
        %mul3A_1232 = arith.muli %scan3A_185, %mul3A_1231 : i32
        %add3A_1233 = arith.constant 20 : i32
        %add3A_1234 = arith.addi %mul3A_1232, %add3A_1233 : i32
        %get3A_1235 = arith.index_cast %add3A_1234 : i32 to index
        %get3A_1236 = arith.constant 48 : index
        %get3A_1237 = tpu.vector_load %arg8[%get3A_1235, %get3A_1236] {strides = array<i32>} : memref<128x128xf32, #tpu.memory_space<vmem>>, vector<1x16xf32>,
        %get3A_1238 = vector.shape_cast %get3A_1237 : vector<1x16xf32> to vector<16xf32>
        %add3A_1239 = arith.addf %add3A_1230, %get3A_1238 : vector<16xf32>
        %mul3A_1240 = arith.constant 32 : i32
        %mul3A_1241 = arith.muli %scan3A_185, %mul3A_1240 : i32
        %add3A_1242 = arith.constant 21 : i32
        %add3A_1243 = arith.addi %mul3A_1241, %add3A_1242 : i32
        %get3A_1244 = arith.index_cast %add3A_1243 : i32 to index
        %get3A_1245 = arith.constant 48 : index
        %get3A_1246 = tpu.vector_load %arg8[%get3A_1244, %get3A_1245] {strides = array<i32>} : memref<128x128xf32, #tpu.memory_space<vmem>>, vector<1x16xf32>,
        %get3A_1247 = vector.shape_cast %get3A_1246 : vector<1x16xf32> to vector<16xf32>
        %add3A_1248 = arith.addf %add3A_1239, %get3A_1247 : vector<16xf32>
        %mul3A_1249 = arith.constant 32 : i32
        %mul3A_1250 = arith.muli %scan3A_185, %mul3A_1249 : i32
        %add3A_1251 = arith.constant 22 : i32
        %add3A_1252 = arith.addi %mul3A_1250, %add3A_1251 : i32
        %get3A_1253 = arith.index_cast %add3A_1252 : i32 to index
        %get3A_1254 = arith.constant 48 : index
        %get3A_1255 = tpu.vector_load %arg8[%get3A_1253, %get3A_1254] {strides = array<i32>} : memref<128x128xf32, #tpu.memory_space<vmem>>, vector<1x16xf32>,
        %get3A_1256 = vector.shape_cast %get3A_1255 : vector<1x16xf32> to vector<16xf32>
        %add3A_1257 = arith.addf %add3A_1248, %get3A_1256 : vector<16xf32>
        %mul3A_1258 = arith.constant 32 : i32
        %mul3A_1259 = arith.muli %scan3A_185, %mul3A_1258 : i32
        %add3A_1260 = arith.constant 23 : i32
        %add3A_1261 = arith.addi %mul3A_1259, %add3A_1260 : i32
        %get3A_1262 = arith.index_cast %add3A_1261 : i32 to index
        %get3A_1263 = arith.constant 48 : index
        %get3A_1264 = tpu.vector_load %arg8[%get3A_1262, %get3A_1263] {strides = array<i32>} : memref<128x128xf32, #tpu.memory_space<vmem>>, vector<1x16xf32>,
        %get3A_1265 = vector.shape_cast %get3A_1264 : vector<1x16xf32> to vector<16xf32>
        %add3A_1266 = arith.addf %add3A_1257, %get3A_1265 : vector<16xf32>
        %mul3A_1267 = arith.constant 32 : i32
        %mul3A_1268 = arith.muli %scan3A_185, %mul3A_1267 : i32
        %add3A_1269 = arith.constant 24 : i32
        %add3A_1270 = arith.addi %mul3A_1268, %add3A_1269 : i32
        %get3A_1271 = arith.index_cast %add3A_1270 : i32 to index
        %get3A_1272 = arith.constant 48 : index
        %get3A_1273 = tpu.vector_load %arg8[%get3A_1271, %get3A_1272] {strides = array<i32>} : memref<128x128xf32, #tpu.memory_space<vmem>>, vector<1x16xf32>,
        %get3A_1274 = vector.shape_cast %get3A_1273 : vector<1x16xf32> to vector<16xf32>
        %add3A_1275 = arith.addf %add3A_1266, %get3A_1274 : vector<16xf32>
        %mul3A_1276 = arith.constant 32 : i32
        %mul3A_1277 = arith.muli %scan3A_185, %mul3A_1276 : i32
        %add3A_1278 = arith.constant 25 : i32
        %add3A_1279 = arith.addi %mul3A_1277, %add3A_1278 : i32
        %get3A_1280 = arith.index_cast %add3A_1279 : i32 to index
        %get3A_1281 = arith.constant 48 : index
        %get3A_1282 = tpu.vector_load %arg8[%get3A_1280, %get3A_1281] {strides = array<i32>} : memref<128x128xf32, #tpu.memory_space<vmem>>, vector<1x16xf32>,
        %get3A_1283 = vector.shape_cast %get3A_1282 : vector<1x16xf32> to vector<16xf32>
        %add3A_1284 = arith.addf %add3A_1275, %get3A_1283 : vector<16xf32>
        %mul3A_1285 = arith.constant 32 : i32
        %mul3A_1286 = arith.muli %scan3A_185, %mul3A_1285 : i32
        %add3A_1287 = arith.constant 26 : i32
        %add3A_1288 = arith.addi %mul3A_1286, %add3A_1287 : i32
        %get3A_1289 = arith.index_cast %add3A_1288 : i32 to index
        %get3A_1290 = arith.constant 48 : index
        %get3A_1291 = tpu.vector_load %arg8[%get3A_1289, %get3A_1290] {strides = array<i32>} : memref<128x128xf32, #tpu.memory_space<vmem>>, vector<1x16xf32>,
        %get3A_1292 = vector.shape_cast %get3A_1291 : vector<1x16xf32> to vector<16xf32>
        %add3A_1293 = arith.addf %add3A_1284, %get3A_1292 : vector<16xf32>
        %mul3A_1294 = arith.constant 32 : i32
        %mul3A_1295 = arith.muli %scan3A_185, %mul3A_1294 : i32
        %add3A_1296 = arith.constant 27 : i32
        %add3A_1297 = arith.addi %mul3A_1295, %add3A_1296 : i32
        %get3A_1298 = arith.index_cast %add3A_1297 : i32 to index
        %get3A_1299 = arith.constant 48 : index
        %get3A_1300 = tpu.vector_load %arg8[%get3A_1298, %get3A_1299] {strides = array<i32>} : memref<128x128xf32, #tpu.memory_space<vmem>>, vector<1x16xf32>,
        %get3A_1301 = vector.shape_cast %get3A_1300 : vector<1x16xf32> to vector<16xf32>
        %add3A_1302 = arith.addf %add3A_1293, %get3A_1301 : vector<16xf32>
        %mul3A_1303 = arith.constant 32 : i32
        %mul3A_1304 = arith.muli %scan3A_185, %mul3A_1303 : i32
        %add3A_1305 = arith.constant 28 : i32
        %add3A_1306 = arith.addi %mul3A_1304, %add3A_1305 : i32
        %get3A_1307 = arith.index_cast %add3A_1306 : i32 to index
        %get3A_1308 = arith.constant 48 : index
        %get3A_1309 = tpu.vector_load %arg8[%get3A_1307, %get3A_1308] {strides = array<i32>} : memref<128x128xf32, #tpu.memory_space<vmem>>, vector<1x16xf32>,
        %get3A_1310 = vector.shape_cast %get3A_1309 : vector<1x16xf32> to vector<16xf32>
        %add3A_1311 = arith.addf %add3A_1302, %get3A_1310 : vector<16xf32>
        %mul3A_1312 = arith.constant 32 : i32
        %mul3A_1313 = arith.muli %scan3A_185, %mul3A_1312 : i32
        %add3A_1314 = arith.constant 29 : i32
        %add3A_1315 = arith.addi %mul3A_1313, %add3A_1314 : i32
        %get3A_1316 = arith.index_cast %add3A_1315 : i32 to index
        %get3A_1317 = arith.constant 48 : index
        %get3A_1318 = tpu.vector_load %arg8[%get3A_1316, %get3A_1317] {strides = array<i32>} : memref<128x128xf32, #tpu.memory_space<vmem>>, vector<1x16xf32>,
        %get3A_1319 = vector.shape_cast %get3A_1318 : vector<1x16xf32> to vector<16xf32>
        %add3A_1320 = arith.addf %add3A_1311, %get3A_1319 : vector<16xf32>
        %mul3A_1321 = arith.constant 32 : i32
        %mul3A_1322 = arith.muli %scan3A_185, %mul3A_1321 : i32
        %add3A_1323 = arith.constant 30 : i32
        %add3A_1324 = arith.addi %mul3A_1322, %add3A_1323 : i32
        %get3A_1325 = arith.index_cast %add3A_1324 : i32 to index
        %get3A_1326 = arith.constant 48 : index
        %get3A_1327 = tpu.vector_load %arg8[%get3A_1325, %get3A_1326] {strides = array<i32>} : memref<128x128xf32, #tpu.memory_space<vmem>>, vector<1x16xf32>,
        %get3A_1328 = vector.shape_cast %get3A_1327 : vector<1x16xf32> to vector<16xf32>
        %add3A_1329 = arith.addf %add3A_1320, %get3A_1328 : vector<16xf32>
        %mul3A_1330 = arith.constant 32 : i32
        %mul3A_1331 = arith.muli %scan3A_185, %mul3A_1330 : i32
        %add3A_1332 = arith.constant 31 : i32
        %add3A_1333 = arith.addi %mul3A_1331, %add3A_1332 : i32
        %get3A_1334 = arith.index_cast %add3A_1333 : i32 to index
        %get3A_1335 = arith.constant 48 : index
        %get3A_1336 = tpu.vector_load %arg8[%get3A_1334, %get3A_1335] {strides = array<i32>} : memref<128x128xf32, #tpu.memory_space<vmem>>, vector<1x16xf32>,
        %get3A_1337 = vector.shape_cast %get3A_1336 : vector<1x16xf32> to vector<16xf32>
        %add3A_1338 = arith.addf %add3A_1329, %get3A_1337 : vector<16xf32>
        %swap3A_1339 = arith.index_cast %scan3A_185 : i32 to index
        %swap3A_1340 = arith.constant 48 : index
        %swap3A_1341 = tpu.vector_load %arg10[%swap3A_1339, %swap3A_1340] {strides = array<i32>} : memref<4x128xf32, #tpu.memory_space<vmem>>, vector<1x16xf32>,
        %swap3A_1342 = vector.shape_cast %swap3A_1341 : vector<1x16xf32> to vector<16xf32>
        %swap3A_1343 = vector.shape_cast %add3A_1338 : vector<16xf32> to vector<1x16xf32>
        tpu.vector_store %arg10[%swap3A_1339, %swap3A_1340], %swap3A_1343 {strides = array<i32>} : memref<4x128xf32, #tpu.memory_space<vmem>>, vector<1x16xf32>,
        %mul3A_1344 = arith.constant 32 : i32
        %mul3A_1345 = arith.muli %scan3A_185, %mul3A_1344 : i32
        %get3A_1346 = arith.index_cast %mul3A_1345 : i32 to index
        %get3A_1347 = arith.constant 64 : index
        %get3A_1348 = tpu.vector_load %arg8[%get3A_1346, %get3A_1347] {strides = array<i32>} : memref<128x128xf32, #tpu.memory_space<vmem>>, vector<1x16xf32>,
        %get3A_1349 = vector.shape_cast %get3A_1348 : vector<1x16xf32> to vector<16xf32>
        %mul3A_1350 = arith.constant 32 : i32
        %mul3A_1351 = arith.muli %scan3A_185, %mul3A_1350 : i32
        %add3A_1352 = arith.constant 1 : i32
        %add3A_1353 = arith.addi %mul3A_1351, %add3A_1352 : i32
        %get3A_1354 = arith.index_cast %add3A_1353 : i32 to index
        %get3A_1355 = arith.constant 64 : index
        %get3A_1356 = tpu.vector_load %arg8[%get3A_1354, %get3A_1355] {strides = array<i32>} : memref<128x128xf32, #tpu.memory_space<vmem>>, vector<1x16xf32>,
        %get3A_1357 = vector.shape_cast %get3A_1356 : vector<1x16xf32> to vector<16xf32>
        %add3A_1358 = arith.addf %get3A_1349, %get3A_1357 : vector<16xf32>
        %mul3A_1359 = arith.constant 32 : i32
        %mul3A_1360 = arith.muli %scan3A_185, %mul3A_1359 : i32
        %add3A_1361 = arith.constant 2 : i32
        %add3A_1362 = arith.addi %mul3A_1360, %add3A_1361 : i32
        %get3A_1363 = arith.index_cast %add3A_1362 : i32 to index
        %get3A_1364 = arith.constant 64 : index
        %get3A_1365 = tpu.vector_load %arg8[%get3A_1363, %get3A_1364] {strides = array<i32>} : memref<128x128xf32, #tpu.memory_space<vmem>>, vector<1x16xf32>,
        %get3A_1366 = vector.shape_cast %get3A_1365 : vector<1x16xf32> to vector<16xf32>
        %add3A_1367 = arith.addf %add3A_1358, %get3A_1366 : vector<16xf32>
        %mul3A_1368 = arith.constant 32 : i32
        %mul3A_1369 = arith.muli %scan3A_185, %mul3A_1368 : i32
        %add3A_1370 = arith.constant 3 : i32
        %add3A_1371 = arith.addi %mul3A_1369, %add3A_1370 : i32
        %get3A_1372 = arith.index_cast %add3A_1371 : i32 to index
        %get3A_1373 = arith.constant 64 : index
        %get3A_1374 = tpu.vector_load %arg8[%get3A_1372, %get3A_1373] {strides = array<i32>} : memref<128x128xf32, #tpu.memory_space<vmem>>, vector<1x16xf32>,
        %get3A_1375 = vector.shape_cast %get3A_1374 : vector<1x16xf32> to vector<16xf32>
        %add3A_1376 = arith.addf %add3A_1367, %get3A_1375 : vector<16xf32>
        %mul3A_1377 = arith.constant 32 : i32
        %mul3A_1378 = arith.muli %scan3A_185, %mul3A_1377 : i32
        %add3A_1379 = arith.constant 4 : i32
        %add3A_1380 = arith.addi %mul3A_1378, %add3A_1379 : i32
        %get3A_1381 = arith.index_cast %add3A_1380 : i32 to index
        %get3A_1382 = arith.constant 64 : index
        %get3A_1383 = tpu.vector_load %arg8[%get3A_1381, %get3A_1382] {strides = array<i32>} : memref<128x128xf32, #tpu.memory_space<vmem>>, vector<1x16xf32>,
        %get3A_1384 = vector.shape_cast %get3A_1383 : vector<1x16xf32> to vector<16xf32>
        %add3A_1385 = arith.addf %add3A_1376, %get3A_1384 : vector<16xf32>
        %mul3A_1386 = arith.constant 32 : i32
        %mul3A_1387 = arith.muli %scan3A_185, %mul3A_1386 : i32
        %add3A_1388 = arith.constant 5 : i32
        %add3A_1389 = arith.addi %mul3A_1387, %add3A_1388 : i32
        %get3A_1390 = arith.index_cast %add3A_1389 : i32 to index
        %get3A_1391 = arith.constant 64 : index
        %get3A_1392 = tpu.vector_load %arg8[%get3A_1390, %get3A_1391] {strides = array<i32>} : memref<128x128xf32, #tpu.memory_space<vmem>>, vector<1x16xf32>,
        %get3A_1393 = vector.shape_cast %get3A_1392 : vector<1x16xf32> to vector<16xf32>
        %add3A_1394 = arith.addf %add3A_1385, %get3A_1393 : vector<16xf32>
        %mul3A_1395 = arith.constant 32 : i32
        %mul3A_1396 = arith.muli %scan3A_185, %mul3A_1395 : i32
        %add3A_1397 = arith.constant 6 : i32
        %add3A_1398 = arith.addi %mul3A_1396, %add3A_1397 : i32
        %get3A_1399 = arith.index_cast %add3A_1398 : i32 to index
        %get3A_1400 = arith.constant 64 : index
        %get3A_1401 = tpu.vector_load %arg8[%get3A_1399, %get3A_1400] {strides = array<i32>} : memref<128x128xf32, #tpu.memory_space<vmem>>, vector<1x16xf32>,
        %get3A_1402 = vector.shape_cast %get3A_1401 : vector<1x16xf32> to vector<16xf32>
        %add3A_1403 = arith.addf %add3A_1394, %get3A_1402 : vector<16xf32>
        %mul3A_1404 = arith.constant 32 : i32
        %mul3A_1405 = arith.muli %scan3A_185, %mul3A_1404 : i32
        %add3A_1406 = arith.constant 7 : i32
        %add3A_1407 = arith.addi %mul3A_1405, %add3A_1406 : i32
        %get3A_1408 = arith.index_cast %add3A_1407 : i32 to index
        %get3A_1409 = arith.constant 64 : index
        %get3A_1410 = tpu.vector_load %arg8[%get3A_1408, %get3A_1409] {strides = array<i32>} : memref<128x128xf32, #tpu.memory_space<vmem>>, vector<1x16xf32>,
        %get3A_1411 = vector.shape_cast %get3A_1410 : vector<1x16xf32> to vector<16xf32>
        %add3A_1412 = arith.addf %add3A_1403, %get3A_1411 : vector<16xf32>
        %mul3A_1413 = arith.constant 32 : i32
        %mul3A_1414 = arith.muli %scan3A_185, %mul3A_1413 : i32
        %add3A_1415 = arith.constant 8 : i32
        %add3A_1416 = arith.addi %mul3A_1414, %add3A_1415 : i32
        %get3A_1417 = arith.index_cast %add3A_1416 : i32 to index
        %get3A_1418 = arith.constant 64 : index
        %get3A_1419 = tpu.vector_load %arg8[%get3A_1417, %get3A_1418] {strides = array<i32>} : memref<128x128xf32, #tpu.memory_space<vmem>>, vector<1x16xf32>,
        %get3A_1420 = vector.shape_cast %get3A_1419 : vector<1x16xf32> to vector<16xf32>
        %add3A_1421 = arith.addf %add3A_1412, %get3A_1420 : vector<16xf32>
        %mul3A_1422 = arith.constant 32 : i32
        %mul3A_1423 = arith.muli %scan3A_185, %mul3A_1422 : i32
        %add3A_1424 = arith.constant 9 : i32
        %add3A_1425 = arith.addi %mul3A_1423, %add3A_1424 : i32
        %get3A_1426 = arith.index_cast %add3A_1425 : i32 to index
        %get3A_1427 = arith.constant 64 : index
        %get3A_1428 = tpu.vector_load %arg8[%get3A_1426, %get3A_1427] {strides = array<i32>} : memref<128x128xf32, #tpu.memory_space<vmem>>, vector<1x16xf32>,
        %get3A_1429 = vector.shape_cast %get3A_1428 : vector<1x16xf32> to vector<16xf32>
        %add3A_1430 = arith.addf %add3A_1421, %get3A_1429 : vector<16xf32>
        %mul3A_1431 = arith.constant 32 : i32
        %mul3A_1432 = arith.muli %scan3A_185, %mul3A_1431 : i32
        %add3A_1433 = arith.constant 10 : i32
        %add3A_1434 = arith.addi %mul3A_1432, %add3A_1433 : i32
        %get3A_1435 = arith.index_cast %add3A_1434 : i32 to index
        %get3A_1436 = arith.constant 64 : index
        %get3A_1437 = tpu.vector_load %arg8[%get3A_1435, %get3A_1436] {strides = array<i32>} : memref<128x128xf32, #tpu.memory_space<vmem>>, vector<1x16xf32>,
        %get3A_1438 = vector.shape_cast %get3A_1437 : vector<1x16xf32> to vector<16xf32>
        %add3A_1439 = arith.addf %add3A_1430, %get3A_1438 : vector<16xf32>
        %mul3A_1440 = arith.constant 32 : i32
        %mul3A_1441 = arith.muli %scan3A_185, %mul3A_1440 : i32
        %add3A_1442 = arith.constant 11 : i32
        %add3A_1443 = arith.addi %mul3A_1441, %add3A_1442 : i32
        %get3A_1444 = arith.index_cast %add3A_1443 : i32 to index
        %get3A_1445 = arith.constant 64 : index
        %get3A_1446 = tpu.vector_load %arg8[%get3A_1444, %get3A_1445] {strides = array<i32>} : memref<128x128xf32, #tpu.memory_space<vmem>>, vector<1x16xf32>,
        %get3A_1447 = vector.shape_cast %get3A_1446 : vector<1x16xf32> to vector<16xf32>
        %add3A_1448 = arith.addf %add3A_1439, %get3A_1447 : vector<16xf32>
        %mul3A_1449 = arith.constant 32 : i32
        %mul3A_1450 = arith.muli %scan3A_185, %mul3A_1449 : i32
        %add3A_1451 = arith.constant 12 : i32
        %add3A_1452 = arith.addi %mul3A_1450, %add3A_1451 : i32
        %get3A_1453 = arith.index_cast %add3A_1452 : i32 to index
        %get3A_1454 = arith.constant 64 : index
        %get3A_1455 = tpu.vector_load %arg8[%get3A_1453, %get3A_1454] {strides = array<i32>} : memref<128x128xf32, #tpu.memory_space<vmem>>, vector<1x16xf32>,
        %get3A_1456 = vector.shape_cast %get3A_1455 : vector<1x16xf32> to vector<16xf32>
        %add3A_1457 = arith.addf %add3A_1448, %get3A_1456 : vector<16xf32>
        %mul3A_1458 = arith.constant 32 : i32
        %mul3A_1459 = arith.muli %scan3A_185, %mul3A_1458 : i32
        %add3A_1460 = arith.constant 13 : i32
        %add3A_1461 = arith.addi %mul3A_1459, %add3A_1460 : i32
        %get3A_1462 = arith.index_cast %add3A_1461 : i32 to index
        %get3A_1463 = arith.constant 64 : index
        %get3A_1464 = tpu.vector_load %arg8[%get3A_1462, %get3A_1463] {strides = array<i32>} : memref<128x128xf32, #tpu.memory_space<vmem>>, vector<1x16xf32>,
        %get3A_1465 = vector.shape_cast %get3A_1464 : vector<1x16xf32> to vector<16xf32>
        %add3A_1466 = arith.addf %add3A_1457, %get3A_1465 : vector<16xf32>
        %mul3A_1467 = arith.constant 32 : i32
        %mul3A_1468 = arith.muli %scan3A_185, %mul3A_1467 : i32
        %add3A_1469 = arith.constant 14 : i32
        %add3A_1470 = arith.addi %mul3A_1468, %add3A_1469 : i32
        %get3A_1471 = arith.index_cast %add3A_1470 : i32 to index
        %get3A_1472 = arith.constant 64 : index
        %get3A_1473 = tpu.vector_load %arg8[%get3A_1471, %get3A_1472] {strides = array<i32>} : memref<128x128xf32, #tpu.memory_space<vmem>>, vector<1x16xf32>,
        %get3A_1474 = vector.shape_cast %get3A_1473 : vector<1x16xf32> to vector<16xf32>
        %add3A_1475 = arith.addf %add3A_1466, %get3A_1474 : vector<16xf32>
        %mul3A_1476 = arith.constant 32 : i32
        %mul3A_1477 = arith.muli %scan3A_185, %mul3A_1476 : i32
        %add3A_1478 = arith.constant 15 : i32
        %add3A_1479 = arith.addi %mul3A_1477, %add3A_1478 : i32
        %get3A_1480 = arith.index_cast %add3A_1479 : i32 to index
        %get3A_1481 = arith.constant 64 : index
        %get3A_1482 = tpu.vector_load %arg8[%get3A_1480, %get3A_1481] {strides = array<i32>} : memref<128x128xf32, #tpu.memory_space<vmem>>, vector<1x16xf32>,
        %get3A_1483 = vector.shape_cast %get3A_1482 : vector<1x16xf32> to vector<16xf32>
        %add3A_1484 = arith.addf %add3A_1475, %get3A_1483 : vector<16xf32>
        %mul3A_1485 = arith.constant 32 : i32
        %mul3A_1486 = arith.muli %scan3A_185, %mul3A_1485 : i32
        %add3A_1487 = arith.constant 16 : i32
        %add3A_1488 = arith.addi %mul3A_1486, %add3A_1487 : i32
        %get3A_1489 = arith.index_cast %add3A_1488 : i32 to index
        %get3A_1490 = arith.constant 64 : index
        %get3A_1491 = tpu.vector_load %arg8[%get3A_1489, %get3A_1490] {strides = array<i32>} : memref<128x128xf32, #tpu.memory_space<vmem>>, vector<1x16xf32>,
        %get3A_1492 = vector.shape_cast %get3A_1491 : vector<1x16xf32> to vector<16xf32>
        %add3A_1493 = arith.addf %add3A_1484, %get3A_1492 : vector<16xf32>
        %mul3A_1494 = arith.constant 32 : i32
        %mul3A_1495 = arith.muli %scan3A_185, %mul3A_1494 : i32
        %add3A_1496 = arith.constant 17 : i32
        %add3A_1497 = arith.addi %mul3A_1495, %add3A_1496 : i32
        %get3A_1498 = arith.index_cast %add3A_1497 : i32 to index
        %get3A_1499 = arith.constant 64 : index
        %get3A_1500 = tpu.vector_load %arg8[%get3A_1498, %get3A_1499] {strides = array<i32>} : memref<128x128xf32, #tpu.memory_space<vmem>>, vector<1x16xf32>,
        %get3A_1501 = vector.shape_cast %get3A_1500 : vector<1x16xf32> to vector<16xf32>
        %add3A_1502 = arith.addf %add3A_1493, %get3A_1501 : vector<16xf32>
        %mul3A_1503 = arith.constant 32 : i32
        %mul3A_1504 = arith.muli %scan3A_185, %mul3A_1503 : i32
        %add3A_1505 = arith.constant 18 : i32
        %add3A_1506 = arith.addi %mul3A_1504, %add3A_1505 : i32
        %get3A_1507 = arith.index_cast %add3A_1506 : i32 to index
        %get3A_1508 = arith.constant 64 : index
        %get3A_1509 = tpu.vector_load %arg8[%get3A_1507, %get3A_1508] {strides = array<i32>} : memref<128x128xf32, #tpu.memory_space<vmem>>, vector<1x16xf32>,
        %get3A_1510 = vector.shape_cast %get3A_1509 : vector<1x16xf32> to vector<16xf32>
        %add3A_1511 = arith.addf %add3A_1502, %get3A_1510 : vector<16xf32>
        %mul3A_1512 = arith.constant 32 : i32
        %mul3A_1513 = arith.muli %scan3A_185, %mul3A_1512 : i32
        %add3A_1514 = arith.constant 19 : i32
        %add3A_1515 = arith.addi %mul3A_1513, %add3A_1514 : i32
        %get3A_1516 = arith.index_cast %add3A_1515 : i32 to index
        %get3A_1517 = arith.constant 64 : index
        %get3A_1518 = tpu.vector_load %arg8[%get3A_1516, %get3A_1517] {strides = array<i32>} : memref<128x128xf32, #tpu.memory_space<vmem>>, vector<1x16xf32>,
        %get3A_1519 = vector.shape_cast %get3A_1518 : vector<1x16xf32> to vector<16xf32>
        %add3A_1520 = arith.addf %add3A_1511, %get3A_1519 : vector<16xf32>
        %mul3A_1521 = arith.constant 32 : i32
        %mul3A_1522 = arith.muli %scan3A_185, %mul3A_1521 : i32
        %add3A_1523 = arith.constant 20 : i32
        %add3A_1524 = arith.addi %mul3A_1522, %add3A_1523 : i32
        %get3A_1525 = arith.index_cast %add3A_1524 : i32 to index
        %get3A_1526 = arith.constant 64 : index
        %get3A_1527 = tpu.vector_load %arg8[%get3A_1525, %get3A_1526] {strides = array<i32>} : memref<128x128xf32, #tpu.memory_space<vmem>>, vector<1x16xf32>,
        %get3A_1528 = vector.shape_cast %get3A_1527 : vector<1x16xf32> to vector<16xf32>
        %add3A_1529 = arith.addf %add3A_1520, %get3A_1528 : vector<16xf32>
        %mul3A_1530 = arith.constant 32 : i32
        %mul3A_1531 = arith.muli %scan3A_185, %mul3A_1530 : i32
        %add3A_1532 = arith.constant 21 : i32
        %add3A_1533 = arith.addi %mul3A_1531, %add3A_1532 : i32
        %get3A_1534 = arith.index_cast %add3A_1533 : i32 to index
        %get3A_1535 = arith.constant 64 : index
        %get3A_1536 = tpu.vector_load %arg8[%get3A_1534, %get3A_1535] {strides = array<i32>} : memref<128x128xf32, #tpu.memory_space<vmem>>, vector<1x16xf32>,
        %get3A_1537 = vector.shape_cast %get3A_1536 : vector<1x16xf32> to vector<16xf32>
        %add3A_1538 = arith.addf %add3A_1529, %get3A_1537 : vector<16xf32>
        %mul3A_1539 = arith.constant 32 : i32
        %mul3A_1540 = arith.muli %scan3A_185, %mul3A_1539 : i32
        %add3A_1541 = arith.constant 22 : i32
        %add3A_1542 = arith.addi %mul3A_1540, %add3A_1541 : i32
        %get3A_1543 = arith.index_cast %add3A_1542 : i32 to index
        %get3A_1544 = arith.constant 64 : index
        %get3A_1545 = tpu.vector_load %arg8[%get3A_1543, %get3A_1544] {strides = array<i32>} : memref<128x128xf32, #tpu.memory_space<vmem>>, vector<1x16xf32>,
        %get3A_1546 = vector.shape_cast %get3A_1545 : vector<1x16xf32> to vector<16xf32>
        %add3A_1547 = arith.addf %add3A_1538, %get3A_1546 : vector<16xf32>
        %mul3A_1548 = arith.constant 32 : i32
        %mul3A_1549 = arith.muli %scan3A_185, %mul3A_1548 : i32
        %add3A_1550 = arith.constant 23 : i32
        %add3A_1551 = arith.addi %mul3A_1549, %add3A_1550 : i32
        %get3A_1552 = arith.index_cast %add3A_1551 : i32 to index
        %get3A_1553 = arith.constant 64 : index
        %get3A_1554 = tpu.vector_load %arg8[%get3A_1552, %get3A_1553] {strides = array<i32>} : memref<128x128xf32, #tpu.memory_space<vmem>>, vector<1x16xf32>,
        %get3A_1555 = vector.shape_cast %get3A_1554 : vector<1x16xf32> to vector<16xf32>
        %add3A_1556 = arith.addf %add3A_1547, %get3A_1555 : vector<16xf32>
        %mul3A_1557 = arith.constant 32 : i32
        %mul3A_1558 = arith.muli %scan3A_185, %mul3A_1557 : i32
        %add3A_1559 = arith.constant 24 : i32
        %add3A_1560 = arith.addi %mul3A_1558, %add3A_1559 : i32
        %get3A_1561 = arith.index_cast %add3A_1560 : i32 to index
        %get3A_1562 = arith.constant 64 : index
        %get3A_1563 = tpu.vector_load %arg8[%get3A_1561, %get3A_1562] {strides = array<i32>} : memref<128x128xf32, #tpu.memory_space<vmem>>, vector<1x16xf32>,
        %get3A_1564 = vector.shape_cast %get3A_1563 : vector<1x16xf32> to vector<16xf32>
        %add3A_1565 = arith.addf %add3A_1556, %get3A_1564 : vector<16xf32>
        %mul3A_1566 = arith.constant 32 : i32
        %mul3A_1567 = arith.muli %scan3A_185, %mul3A_1566 : i32
        %add3A_1568 = arith.constant 25 : i32
        %add3A_1569 = arith.addi %mul3A_1567, %add3A_1568 : i32
        %get3A_1570 = arith.index_cast %add3A_1569 : i32 to index
        %get3A_1571 = arith.constant 64 : index
        %get3A_1572 = tpu.vector_load %arg8[%get3A_1570, %get3A_1571] {strides = array<i32>} : memref<128x128xf32, #tpu.memory_space<vmem>>, vector<1x16xf32>,
        %get3A_1573 = vector.shape_cast %get3A_1572 : vector<1x16xf32> to vector<16xf32>
        %add3A_1574 = arith.addf %add3A_1565, %get3A_1573 : vector<16xf32>
        %mul3A_1575 = arith.constant 32 : i32
        %mul3A_1576 = arith.muli %scan3A_185, %mul3A_1575 : i32
        %add3A_1577 = arith.constant 26 : i32
        %add3A_1578 = arith.addi %mul3A_1576, %add3A_1577 : i32
        %get3A_1579 = arith.index_cast %add3A_1578 : i32 to index
        %get3A_1580 = arith.constant 64 : index
        %get3A_1581 = tpu.vector_load %arg8[%get3A_1579, %get3A_1580] {strides = array<i32>} : memref<128x128xf32, #tpu.memory_space<vmem>>, vector<1x16xf32>,
        %get3A_1582 = vector.shape_cast %get3A_1581 : vector<1x16xf32> to vector<16xf32>
        %add3A_1583 = arith.addf %add3A_1574, %get3A_1582 : vector<16xf32>
        %mul3A_1584 = arith.constant 32 : i32
        %mul3A_1585 = arith.muli %scan3A_185, %mul3A_1584 : i32
        %add3A_1586 = arith.constant 27 : i32
        %add3A_1587 = arith.addi %mul3A_1585, %add3A_1586 : i32
        %get3A_1588 = arith.index_cast %add3A_1587 : i32 to index
        %get3A_1589 = arith.constant 64 : index
        %get3A_1590 = tpu.vector_load %arg8[%get3A_1588, %get3A_1589] {strides = array<i32>} : memref<128x128xf32, #tpu.memory_space<vmem>>, vector<1x16xf32>,
        %get3A_1591 = vector.shape_cast %get3A_1590 : vector<1x16xf32> to vector<16xf32>
        %add3A_1592 = arith.addf %add3A_1583, %get3A_1591 : vector<16xf32>
        %mul3A_1593 = arith.constant 32 : i32
        %mul3A_1594 = arith.muli %scan3A_185, %mul3A_1593 : i32
        %add3A_1595 = arith.constant 28 : i32
        %add3A_1596 = arith.addi %mul3A_1594, %add3A_1595 : i32
        %get3A_1597 = arith.index_cast %add3A_1596 : i32 to index
        %get3A_1598 = arith.constant 64 : index
        %get3A_1599 = tpu.vector_load %arg8[%get3A_1597, %get3A_1598] {strides = array<i32>} : memref<128x128xf32, #tpu.memory_space<vmem>>, vector<1x16xf32>,
        %get3A_1600 = vector.shape_cast %get3A_1599 : vector<1x16xf32> to vector<16xf32>
        %add3A_1601 = arith.addf %add3A_1592, %get3A_1600 : vector<16xf32>
        %mul3A_1602 = arith.constant 32 : i32
        %mul3A_1603 = arith.muli %scan3A_185, %mul3A_1602 : i32
        %add3A_1604 = arith.constant 29 : i32
        %add3A_1605 = arith.addi %mul3A_1603, %add3A_1604 : i32
        %get3A_1606 = arith.index_cast %add3A_1605 : i32 to index
        %get3A_1607 = arith.constant 64 : index
        %get3A_1608 = tpu.vector_load %arg8[%get3A_1606, %get3A_1607] {strides = array<i32>} : memref<128x128xf32, #tpu.memory_space<vmem>>, vector<1x16xf32>,
        %get3A_1609 = vector.shape_cast %get3A_1608 : vector<1x16xf32> to vector<16xf32>
        %add3A_1610 = arith.addf %add3A_1601, %get3A_1609 : vector<16xf32>
        %mul3A_1611 = arith.constant 32 : i32
        %mul3A_1612 = arith.muli %scan3A_185, %mul3A_1611 : i32
        %add3A_1613 = arith.constant 30 : i32
        %add3A_1614 = arith.addi %mul3A_1612, %add3A_1613 : i32
        %get3A_1615 = arith.index_cast %add3A_1614 : i32 to index
        %get3A_1616 = arith.constant 64 : index
        %get3A_1617 = tpu.vector_load %arg8[%get3A_1615, %get3A_1616] {strides = array<i32>} : memref<128x128xf32, #tpu.memory_space<vmem>>, vector<1x16xf32>,
        %get3A_1618 = vector.shape_cast %get3A_1617 : vector<1x16xf32> to vector<16xf32>
        %add3A_1619 = arith.addf %add3A_1610, %get3A_1618 : vector<16xf32>
        %mul3A_1620 = arith.constant 32 : i32
        %mul3A_1621 = arith.muli %scan3A_185, %mul3A_1620 : i32
        %add3A_1622 = arith.constant 31 : i32
        %add3A_1623 = arith.addi %mul3A_1621, %add3A_1622 : i32
        %get3A_1624 = arith.index_cast %add3A_1623 : i32 to index
        %get3A_1625 = arith.constant 64 : index
        %get3A_1626 = tpu.vector_load %arg8[%get3A_1624, %get3A_1625] {strides = array<i32>} : memref<128x128xf32, #tpu.memory_space<vmem>>, vector<1x16xf32>,
        %get3A_1627 = vector.shape_cast %get3A_1626 : vector<1x16xf32> to vector<16xf32>
        %add3A_1628 = arith.addf %add3A_1619, %get3A_1627 : vector<16xf32>
        %swap3A_1629 = arith.index_cast %scan3A_185 : i32 to index
        %swap3A_1630 = arith.constant 64 : index
        %swap3A_1631 = tpu.vector_load %arg10[%swap3A_1629, %swap3A_1630] {strides = array<i32>} : memref<4x128xf32, #tpu.memory_space<vmem>>, vector<1x16xf32>,
        %swap3A_1632 = vector.shape_cast %swap3A_1631 : vector<1x16xf32> to vector<16xf32>
        %swap3A_1633 = vector.shape_cast %add3A_1628 : vector<16xf32> to vector<1x16xf32>
        tpu.vector_store %arg10[%swap3A_1629, %swap3A_1630], %swap3A_1633 {strides = array<i32>} : memref<4x128xf32, #tpu.memory_space<vmem>>, vector<1x16xf32>,
        %mul3A_1634 = arith.constant 32 : i32
        %mul3A_1635 = arith.muli %scan3A_185, %mul3A_1634 : i32
        %get3A_1636 = arith.index_cast %mul3A_1635 : i32 to index
        %get3A_1637 = arith.constant 80 : index
        %get3A_1638 = tpu.vector_load %arg8[%get3A_1636, %get3A_1637] {strides = array<i32>} : memref<128x128xf32, #tpu.memory_space<vmem>>, vector<1x16xf32>,
        %get3A_1639 = vector.shape_cast %get3A_1638 : vector<1x16xf32> to vector<16xf32>
        %mul3A_1640 = arith.constant 32 : i32
        %mul3A_1641 = arith.muli %scan3A_185, %mul3A_1640 : i32
        %add3A_1642 = arith.constant 1 : i32
        %add3A_1643 = arith.addi %mul3A_1641, %add3A_1642 : i32
        %get3A_1644 = arith.index_cast %add3A_1643 : i32 to index
        %get3A_1645 = arith.constant 80 : index
        %get3A_1646 = tpu.vector_load %arg8[%get3A_1644, %get3A_1645] {strides = array<i32>} : memref<128x128xf32, #tpu.memory_space<vmem>>, vector<1x16xf32>,
        %get3A_1647 = vector.shape_cast %get3A_1646 : vector<1x16xf32> to vector<16xf32>
        %add3A_1648 = arith.addf %get3A_1639, %get3A_1647 : vector<16xf32>
        %mul3A_1649 = arith.constant 32 : i32
        %mul3A_1650 = arith.muli %scan3A_185, %mul3A_1649 : i32
        %add3A_1651 = arith.constant 2 : i32
        %add3A_1652 = arith.addi %mul3A_1650, %add3A_1651 : i32
        %get3A_1653 = arith.index_cast %add3A_1652 : i32 to index
        %get3A_1654 = arith.constant 80 : index
        %get3A_1655 = tpu.vector_load %arg8[%get3A_1653, %get3A_1654] {strides = array<i32>} : memref<128x128xf32, #tpu.memory_space<vmem>>, vector<1x16xf32>,
        %get3A_1656 = vector.shape_cast %get3A_1655 : vector<1x16xf32> to vector<16xf32>
        %add3A_1657 = arith.addf %add3A_1648, %get3A_1656 : vector<16xf32>
        %mul3A_1658 = arith.constant 32 : i32
        %mul3A_1659 = arith.muli %scan3A_185, %mul3A_1658 : i32
        %add3A_1660 = arith.constant 3 : i32
        %add3A_1661 = arith.addi %mul3A_1659, %add3A_1660 : i32
        %get3A_1662 = arith.index_cast %add3A_1661 : i32 to index
        %get3A_1663 = arith.constant 80 : index
        %get3A_1664 = tpu.vector_load %arg8[%get3A_1662, %get3A_1663] {strides = array<i32>} : memref<128x128xf32, #tpu.memory_space<vmem>>, vector<1x16xf32>,
        %get3A_1665 = vector.shape_cast %get3A_1664 : vector<1x16xf32> to vector<16xf32>
        %add3A_1666 = arith.addf %add3A_1657, %get3A_1665 : vector<16xf32>
        %mul3A_1667 = arith.constant 32 : i32
        %mul3A_1668 = arith.muli %scan3A_185, %mul3A_1667 : i32
        %add3A_1669 = arith.constant 4 : i32
        %add3A_1670 = arith.addi %mul3A_1668, %add3A_1669 : i32
        %get3A_1671 = arith.index_cast %add3A_1670 : i32 to index
        %get3A_1672 = arith.constant 80 : index
        %get3A_1673 = tpu.vector_load %arg8[%get3A_1671, %get3A_1672] {strides = array<i32>} : memref<128x128xf32, #tpu.memory_space<vmem>>, vector<1x16xf32>,
        %get3A_1674 = vector.shape_cast %get3A_1673 : vector<1x16xf32> to vector<16xf32>
        %add3A_1675 = arith.addf %add3A_1666, %get3A_1674 : vector<16xf32>
        %mul3A_1676 = arith.constant 32 : i32
        %mul3A_1677 = arith.muli %scan3A_185, %mul3A_1676 : i32
        %add3A_1678 = arith.constant 5 : i32
        %add3A_1679 = arith.addi %mul3A_1677, %add3A_1678 : i32
        %get3A_1680 = arith.index_cast %add3A_1679 : i32 to index
        %get3A_1681 = arith.constant 80 : index
        %get3A_1682 = tpu.vector_load %arg8[%get3A_1680, %get3A_1681] {strides = array<i32>} : memref<128x128xf32, #tpu.memory_space<vmem>>, vector<1x16xf32>,
        %get3A_1683 = vector.shape_cast %get3A_1682 : vector<1x16xf32> to vector<16xf32>
        %add3A_1684 = arith.addf %add3A_1675, %get3A_1683 : vector<16xf32>
        %mul3A_1685 = arith.constant 32 : i32
        %mul3A_1686 = arith.muli %scan3A_185, %mul3A_1685 : i32
        %add3A_1687 = arith.constant 6 : i32
        %add3A_1688 = arith.addi %mul3A_1686, %add3A_1687 : i32
        %get3A_1689 = arith.index_cast %add3A_1688 : i32 to index
        %get3A_1690 = arith.constant 80 : index
        %get3A_1691 = tpu.vector_load %arg8[%get3A_1689, %get3A_1690] {strides = array<i32>} : memref<128x128xf32, #tpu.memory_space<vmem>>, vector<1x16xf32>,
        %get3A_1692 = vector.shape_cast %get3A_1691 : vector<1x16xf32> to vector<16xf32>
        %add3A_1693 = arith.addf %add3A_1684, %get3A_1692 : vector<16xf32>
        %mul3A_1694 = arith.constant 32 : i32
        %mul3A_1695 = arith.muli %scan3A_185, %mul3A_1694 : i32
        %add3A_1696 = arith.constant 7 : i32
        %add3A_1697 = arith.addi %mul3A_1695, %add3A_1696 : i32
        %get3A_1698 = arith.index_cast %add3A_1697 : i32 to index
        %get3A_1699 = arith.constant 80 : index
        %get3A_1700 = tpu.vector_load %arg8[%get3A_1698, %get3A_1699] {strides = array<i32>} : memref<128x128xf32, #tpu.memory_space<vmem>>, vector<1x16xf32>,
        %get3A_1701 = vector.shape_cast %get3A_1700 : vector<1x16xf32> to vector<16xf32>
        %add3A_1702 = arith.addf %add3A_1693, %get3A_1701 : vector<16xf32>
        %mul3A_1703 = arith.constant 32 : i32
        %mul3A_1704 = arith.muli %scan3A_185, %mul3A_1703 : i32
        %add3A_1705 = arith.constant 8 : i32
        %add3A_1706 = arith.addi %mul3A_1704, %add3A_1705 : i32
        %get3A_1707 = arith.index_cast %add3A_1706 : i32 to index
        %get3A_1708 = arith.constant 80 : index
        %get3A_1709 = tpu.vector_load %arg8[%get3A_1707, %get3A_1708] {strides = array<i32>} : memref<128x128xf32, #tpu.memory_space<vmem>>, vector<1x16xf32>,
        %get3A_1710 = vector.shape_cast %get3A_1709 : vector<1x16xf32> to vector<16xf32>
        %add3A_1711 = arith.addf %add3A_1702, %get3A_1710 : vector<16xf32>
        %mul3A_1712 = arith.constant 32 : i32
        %mul3A_1713 = arith.muli %scan3A_185, %mul3A_1712 : i32
        %add3A_1714 = arith.constant 9 : i32
        %add3A_1715 = arith.addi %mul3A_1713, %add3A_1714 : i32
        %get3A_1716 = arith.index_cast %add3A_1715 : i32 to index
        %get3A_1717 = arith.constant 80 : index
        %get3A_1718 = tpu.vector_load %arg8[%get3A_1716, %get3A_1717] {strides = array<i32>} : memref<128x128xf32, #tpu.memory_space<vmem>>, vector<1x16xf32>,
        %get3A_1719 = vector.shape_cast %get3A_1718 : vector<1x16xf32> to vector<16xf32>
        %add3A_1720 = arith.addf %add3A_1711, %get3A_1719 : vector<16xf32>
        %mul3A_1721 = arith.constant 32 : i32
        %mul3A_1722 = arith.muli %scan3A_185, %mul3A_1721 : i32
        %add3A_1723 = arith.constant 10 : i32
        %add3A_1724 = arith.addi %mul3A_1722, %add3A_1723 : i32
        %get3A_1725 = arith.index_cast %add3A_1724 : i32 to index
        %get3A_1726 = arith.constant 80 : index
        %get3A_1727 = tpu.vector_load %arg8[%get3A_1725, %get3A_1726] {strides = array<i32>} : memref<128x128xf32, #tpu.memory_space<vmem>>, vector<1x16xf32>,
        %get3A_1728 = vector.shape_cast %get3A_1727 : vector<1x16xf32> to vector<16xf32>
        %add3A_1729 = arith.addf %add3A_1720, %get3A_1728 : vector<16xf32>
        %mul3A_1730 = arith.constant 32 : i32
        %mul3A_1731 = arith.muli %scan3A_185, %mul3A_1730 : i32
        %add3A_1732 = arith.constant 11 : i32
        %add3A_1733 = arith.addi %mul3A_1731, %add3A_1732 : i32
        %get3A_1734 = arith.index_cast %add3A_1733 : i32 to index
        %get3A_1735 = arith.constant 80 : index
        %get3A_1736 = tpu.vector_load %arg8[%get3A_1734, %get3A_1735] {strides = array<i32>} : memref<128x128xf32, #tpu.memory_space<vmem>>, vector<1x16xf32>,
        %get3A_1737 = vector.shape_cast %get3A_1736 : vector<1x16xf32> to vector<16xf32>
        %add3A_1738 = arith.addf %add3A_1729, %get3A_1737 : vector<16xf32>
        %mul3A_1739 = arith.constant 32 : i32
        %mul3A_1740 = arith.muli %scan3A_185, %mul3A_1739 : i32
        %add3A_1741 = arith.constant 12 : i32
        %add3A_1742 = arith.addi %mul3A_1740, %add3A_1741 : i32
        %get3A_1743 = arith.index_cast %add3A_1742 : i32 to index
        %get3A_1744 = arith.constant 80 : index
        %get3A_1745 = tpu.vector_load %arg8[%get3A_1743, %get3A_1744] {strides = array<i32>} : memref<128x128xf32, #tpu.memory_space<vmem>>, vector<1x16xf32>,
        %get3A_1746 = vector.shape_cast %get3A_1745 : vector<1x16xf32> to vector<16xf32>
        %add3A_1747 = arith.addf %add3A_1738, %get3A_1746 : vector<16xf32>
        %mul3A_1748 = arith.constant 32 : i32
        %mul3A_1749 = arith.muli %scan3A_185, %mul3A_1748 : i32
        %add3A_1750 = arith.constant 13 : i32
        %add3A_1751 = arith.addi %mul3A_1749, %add3A_1750 : i32
        %get3A_1752 = arith.index_cast %add3A_1751 : i32 to index
        %get3A_1753 = arith.constant 80 : index
        %get3A_1754 = tpu.vector_load %arg8[%get3A_1752, %get3A_1753] {strides = array<i32>} : memref<128x128xf32, #tpu.memory_space<vmem>>, vector<1x16xf32>,
        %get3A_1755 = vector.shape_cast %get3A_1754 : vector<1x16xf32> to vector<16xf32>
        %add3A_1756 = arith.addf %add3A_1747, %get3A_1755 : vector<16xf32>
        %mul3A_1757 = arith.constant 32 : i32
        %mul3A_1758 = arith.muli %scan3A_185, %mul3A_1757 : i32
        %add3A_1759 = arith.constant 14 : i32
        %add3A_1760 = arith.addi %mul3A_1758, %add3A_1759 : i32
        %get3A_1761 = arith.index_cast %add3A_1760 : i32 to index
        %get3A_1762 = arith.constant 80 : index
        %get3A_1763 = tpu.vector_load %arg8[%get3A_1761, %get3A_1762] {strides = array<i32>} : memref<128x128xf32, #tpu.memory_space<vmem>>, vector<1x16xf32>,
        %get3A_1764 = vector.shape_cast %get3A_1763 : vector<1x16xf32> to vector<16xf32>
        %add3A_1765 = arith.addf %add3A_1756, %get3A_1764 : vector<16xf32>
        %mul3A_1766 = arith.constant 32 : i32
        %mul3A_1767 = arith.muli %scan3A_185, %mul3A_1766 : i32
        %add3A_1768 = arith.constant 15 : i32
        %add3A_1769 = arith.addi %mul3A_1767, %add3A_1768 : i32
        %get3A_1770 = arith.index_cast %add3A_1769 : i32 to index
        %get3A_1771 = arith.constant 80 : index
        %get3A_1772 = tpu.vector_load %arg8[%get3A_1770, %get3A_1771] {strides = array<i32>} : memref<128x128xf32, #tpu.memory_space<vmem>>, vector<1x16xf32>,
        %get3A_1773 = vector.shape_cast %get3A_1772 : vector<1x16xf32> to vector<16xf32>
        %add3A_1774 = arith.addf %add3A_1765, %get3A_1773 : vector<16xf32>
        %mul3A_1775 = arith.constant 32 : i32
        %mul3A_1776 = arith.muli %scan3A_185, %mul3A_1775 : i32
        %add3A_1777 = arith.constant 16 : i32
        %add3A_1778 = arith.addi %mul3A_1776, %add3A_1777 : i32
        %get3A_1779 = arith.index_cast %add3A_1778 : i32 to index
        %get3A_1780 = arith.constant 80 : index
        %get3A_1781 = tpu.vector_load %arg8[%get3A_1779, %get3A_1780] {strides = array<i32>} : memref<128x128xf32, #tpu.memory_space<vmem>>, vector<1x16xf32>,
        %get3A_1782 = vector.shape_cast %get3A_1781 : vector<1x16xf32> to vector<16xf32>
        %add3A_1783 = arith.addf %add3A_1774, %get3A_1782 : vector<16xf32>
        %mul3A_1784 = arith.constant 32 : i32
        %mul3A_1785 = arith.muli %scan3A_185, %mul3A_1784 : i32
        %add3A_1786 = arith.constant 17 : i32
        %add3A_1787 = arith.addi %mul3A_1785, %add3A_1786 : i32
        %get3A_1788 = arith.index_cast %add3A_1787 : i32 to index
        %get3A_1789 = arith.constant 80 : index
        %get3A_1790 = tpu.vector_load %arg8[%get3A_1788, %get3A_1789] {strides = array<i32>} : memref<128x128xf32, #tpu.memory_space<vmem>>, vector<1x16xf32>,
        %get3A_1791 = vector.shape_cast %get3A_1790 : vector<1x16xf32> to vector<16xf32>
        %add3A_1792 = arith.addf %add3A_1783, %get3A_1791 : vector<16xf32>
        %mul3A_1793 = arith.constant 32 : i32
        %mul3A_1794 = arith.muli %scan3A_185, %mul3A_1793 : i32
        %add3A_1795 = arith.constant 18 : i32
        %add3A_1796 = arith.addi %mul3A_1794, %add3A_1795 : i32
        %get3A_1797 = arith.index_cast %add3A_1796 : i32 to index
        %get3A_1798 = arith.constant 80 : index
        %get3A_1799 = tpu.vector_load %arg8[%get3A_1797, %get3A_1798] {strides = array<i32>} : memref<128x128xf32, #tpu.memory_space<vmem>>, vector<1x16xf32>,
        %get3A_1800 = vector.shape_cast %get3A_1799 : vector<1x16xf32> to vector<16xf32>
        %add3A_1801 = arith.addf %add3A_1792, %get3A_1800 : vector<16xf32>
        %mul3A_1802 = arith.constant 32 : i32
        %mul3A_1803 = arith.muli %scan3A_185, %mul3A_1802 : i32
        %add3A_1804 = arith.constant 19 : i32
        %add3A_1805 = arith.addi %mul3A_1803, %add3A_1804 : i32
        %get3A_1806 = arith.index_cast %add3A_1805 : i32 to index
        %get3A_1807 = arith.constant 80 : index
        %get3A_1808 = tpu.vector_load %arg8[%get3A_1806, %get3A_1807] {strides = array<i32>} : memref<128x128xf32, #tpu.memory_space<vmem>>, vector<1x16xf32>,
        %get3A_1809 = vector.shape_cast %get3A_1808 : vector<1x16xf32> to vector<16xf32>
        %add3A_1810 = arith.addf %add3A_1801, %get3A_1809 : vector<16xf32>
        %mul3A_1811 = arith.constant 32 : i32
        %mul3A_1812 = arith.muli %scan3A_185, %mul3A_1811 : i32
        %add3A_1813 = arith.constant 20 : i32
        %add3A_1814 = arith.addi %mul3A_1812, %add3A_1813 : i32
        %get3A_1815 = arith.index_cast %add3A_1814 : i32 to index
        %get3A_1816 = arith.constant 80 : index
        %get3A_1817 = tpu.vector_load %arg8[%get3A_1815, %get3A_1816] {strides = array<i32>} : memref<128x128xf32, #tpu.memory_space<vmem>>, vector<1x16xf32>,
        %get3A_1818 = vector.shape_cast %get3A_1817 : vector<1x16xf32> to vector<16xf32>
        %add3A_1819 = arith.addf %add3A_1810, %get3A_1818 : vector<16xf32>
        %mul3A_1820 = arith.constant 32 : i32
        %mul3A_1821 = arith.muli %scan3A_185, %mul3A_1820 : i32
        %add3A_1822 = arith.constant 21 : i32
        %add3A_1823 = arith.addi %mul3A_1821, %add3A_1822 : i32
        %get3A_1824 = arith.index_cast %add3A_1823 : i32 to index
        %get3A_1825 = arith.constant 80 : index
        %get3A_1826 = tpu.vector_load %arg8[%get3A_1824, %get3A_1825] {strides = array<i32>} : memref<128x128xf32, #tpu.memory_space<vmem>>, vector<1x16xf32>,
        %get3A_1827 = vector.shape_cast %get3A_1826 : vector<1x16xf32> to vector<16xf32>
        %add3A_1828 = arith.addf %add3A_1819, %get3A_1827 : vector<16xf32>
        %mul3A_1829 = arith.constant 32 : i32
        %mul3A_1830 = arith.muli %scan3A_185, %mul3A_1829 : i32
        %add3A_1831 = arith.constant 22 : i32
        %add3A_1832 = arith.addi %mul3A_1830, %add3A_1831 : i32
        %get3A_1833 = arith.index_cast %add3A_1832 : i32 to index
        %get3A_1834 = arith.constant 80 : index
        %get3A_1835 = tpu.vector_load %arg8[%get3A_1833, %get3A_1834] {strides = array<i32>} : memref<128x128xf32, #tpu.memory_space<vmem>>, vector<1x16xf32>,
        %get3A_1836 = vector.shape_cast %get3A_1835 : vector<1x16xf32> to vector<16xf32>
        %add3A_1837 = arith.addf %add3A_1828, %get3A_1836 : vector<16xf32>
        %mul3A_1838 = arith.constant 32 : i32
        %mul3A_1839 = arith.muli %scan3A_185, %mul3A_1838 : i32
        %add3A_1840 = arith.constant 23 : i32
        %add3A_1841 = arith.addi %mul3A_1839, %add3A_1840 : i32
        %get3A_1842 = arith.index_cast %add3A_1841 : i32 to index
        %get3A_1843 = arith.constant 80 : index
        %get3A_1844 = tpu.vector_load %arg8[%get3A_1842, %get3A_1843] {strides = array<i32>} : memref<128x128xf32, #tpu.memory_space<vmem>>, vector<1x16xf32>,
        %get3A_1845 = vector.shape_cast %get3A_1844 : vector<1x16xf32> to vector<16xf32>
        %add3A_1846 = arith.addf %add3A_1837, %get3A_1845 : vector<16xf32>
        %mul3A_1847 = arith.constant 32 : i32
        %mul3A_1848 = arith.muli %scan3A_185, %mul3A_1847 : i32
        %add3A_1849 = arith.constant 24 : i32
        %add3A_1850 = arith.addi %mul3A_1848, %add3A_1849 : i32
        %get3A_1851 = arith.index_cast %add3A_1850 : i32 to index
        %get3A_1852 = arith.constant 80 : index
        %get3A_1853 = tpu.vector_load %arg8[%get3A_1851, %get3A_1852] {strides = array<i32>} : memref<128x128xf32, #tpu.memory_space<vmem>>, vector<1x16xf32>,
        %get3A_1854 = vector.shape_cast %get3A_1853 : vector<1x16xf32> to vector<16xf32>
        %add3A_1855 = arith.addf %add3A_1846, %get3A_1854 : vector<16xf32>
        %mul3A_1856 = arith.constant 32 : i32
        %mul3A_1857 = arith.muli %scan3A_185, %mul3A_1856 : i32
        %add3A_1858 = arith.constant 25 : i32
        %add3A_1859 = arith.addi %mul3A_1857, %add3A_1858 : i32
        %get3A_1860 = arith.index_cast %add3A_1859 : i32 to index
        %get3A_1861 = arith.constant 80 : index
        %get3A_1862 = tpu.vector_load %arg8[%get3A_1860, %get3A_1861] {strides = array<i32>} : memref<128x128xf32, #tpu.memory_space<vmem>>, vector<1x16xf32>,
        %get3A_1863 = vector.shape_cast %get3A_1862 : vector<1x16xf32> to vector<16xf32>
        %add3A_1864 = arith.addf %add3A_1855, %get3A_1863 : vector<16xf32>
        %mul3A_1865 = arith.constant 32 : i32
        %mul3A_1866 = arith.muli %scan3A_185, %mul3A_1865 : i32
        %add3A_1867 = arith.constant 26 : i32
        %add3A_1868 = arith.addi %mul3A_1866, %add3A_1867 : i32
        %get3A_1869 = arith.index_cast %add3A_1868 : i32 to index
        %get3A_1870 = arith.constant 80 : index
        %get3A_1871 = tpu.vector_load %arg8[%get3A_1869, %get3A_1870] {strides = array<i32>} : memref<128x128xf32, #tpu.memory_space<vmem>>, vector<1x16xf32>,
        %get3A_1872 = vector.shape_cast %get3A_1871 : vector<1x16xf32> to vector<16xf32>
        %add3A_1873 = arith.addf %add3A_1864, %get3A_1872 : vector<16xf32>
        %mul3A_1874 = arith.constant 32 : i32
        %mul3A_1875 = arith.muli %scan3A_185, %mul3A_1874 : i32
        %add3A_1876 = arith.constant 27 : i32
        %add3A_1877 = arith.addi %mul3A_1875, %add3A_1876 : i32
        %get3A_1878 = arith.index_cast %add3A_1877 : i32 to index
        %get3A_1879 = arith.constant 80 : index
        %get3A_1880 = tpu.vector_load %arg8[%get3A_1878, %get3A_1879] {strides = array<i32>} : memref<128x128xf32, #tpu.memory_space<vmem>>, vector<1x16xf32>,
        %get3A_1881 = vector.shape_cast %get3A_1880 : vector<1x16xf32> to vector<16xf32>
        %add3A_1882 = arith.addf %add3A_1873, %get3A_1881 : vector<16xf32>
        %mul3A_1883 = arith.constant 32 : i32
        %mul3A_1884 = arith.muli %scan3A_185, %mul3A_1883 : i32
        %add3A_1885 = arith.constant 28 : i32
        %add3A_1886 = arith.addi %mul3A_1884, %add3A_1885 : i32
        %get3A_1887 = arith.index_cast %add3A_1886 : i32 to index
        %get3A_1888 = arith.constant 80 : index
        %get3A_1889 = tpu.vector_load %arg8[%get3A_1887, %get3A_1888] {strides = array<i32>} : memref<128x128xf32, #tpu.memory_space<vmem>>, vector<1x16xf32>,
        %get3A_1890 = vector.shape_cast %get3A_1889 : vector<1x16xf32> to vector<16xf32>
        %add3A_1891 = arith.addf %add3A_1882, %get3A_1890 : vector<16xf32>
        %mul3A_1892 = arith.constant 32 : i32
        %mul3A_1893 = arith.muli %scan3A_185, %mul3A_1892 : i32
        %add3A_1894 = arith.constant 29 : i32
        %add3A_1895 = arith.addi %mul3A_1893, %add3A_1894 : i32
        %get3A_1896 = arith.index_cast %add3A_1895 : i32 to index
        %get3A_1897 = arith.constant 80 : index
        %get3A_1898 = tpu.vector_load %arg8[%get3A_1896, %get3A_1897] {strides = array<i32>} : memref<128x128xf32, #tpu.memory_space<vmem>>, vector<1x16xf32>,
        %get3A_1899 = vector.shape_cast %get3A_1898 : vector<1x16xf32> to vector<16xf32>
        %add3A_1900 = arith.addf %add3A_1891, %get3A_1899 : vector<16xf32>
        %mul3A_1901 = arith.constant 32 : i32
        %mul3A_1902 = arith.muli %scan3A_185, %mul3A_1901 : i32
        %add3A_1903 = arith.constant 30 : i32
        %add3A_1904 = arith.addi %mul3A_1902, %add3A_1903 : i32
        %get3A_1905 = arith.index_cast %add3A_1904 : i32 to index
        %get3A_1906 = arith.constant 80 : index
        %get3A_1907 = tpu.vector_load %arg8[%get3A_1905, %get3A_1906] {strides = array<i32>} : memref<128x128xf32, #tpu.memory_space<vmem>>, vector<1x16xf32>,
        %get3A_1908 = vector.shape_cast %get3A_1907 : vector<1x16xf32> to vector<16xf32>
        %add3A_1909 = arith.addf %add3A_1900, %get3A_1908 : vector<16xf32>
        %mul3A_1910 = arith.constant 32 : i32
        %mul3A_1911 = arith.muli %scan3A_185, %mul3A_1910 : i32
        %add3A_1912 = arith.constant 31 : i32
        %add3A_1913 = arith.addi %mul3A_1911, %add3A_1912 : i32
        %get3A_1914 = arith.index_cast %add3A_1913 : i32 to index
        %get3A_1915 = arith.constant 80 : index
        %get3A_1916 = tpu.vector_load %arg8[%get3A_1914, %get3A_1915] {strides = array<i32>} : memref<128x128xf32, #tpu.memory_space<vmem>>, vector<1x16xf32>,
        %get3A_1917 = vector.shape_cast %get3A_1916 : vector<1x16xf32> to vector<16xf32>
        %add3A_1918 = arith.addf %add3A_1909, %get3A_1917 : vector<16xf32>
        %swap3A_1919 = arith.index_cast %scan3A_185 : i32 to index
        %swap3A_1920 = arith.constant 80 : index
        %swap3A_1921 = tpu.vector_load %arg10[%swap3A_1919, %swap3A_1920] {strides = array<i32>} : memref<4x128xf32, #tpu.memory_space<vmem>>, vector<1x16xf32>,
        %swap3A_1922 = vector.shape_cast %swap3A_1921 : vector<1x16xf32> to vector<16xf32>
        %swap3A_1923 = vector.shape_cast %add3A_1918 : vector<16xf32> to vector<1x16xf32>
        tpu.vector_store %arg10[%swap3A_1919, %swap3A_1920], %swap3A_1923 {strides = array<i32>} : memref<4x128xf32, #tpu.memory_space<vmem>>, vector<1x16xf32>,
        %mul3A_1924 = arith.constant 32 : i32
        %mul3A_1925 = arith.muli %scan3A_185, %mul3A_1924 : i32
        %get3A_1926 = arith.index_cast %mul3A_1925 : i32 to index
        %get3A_1927 = arith.constant 96 : index
        %get3A_1928 = tpu.vector_load %arg8[%get3A_1926, %get3A_1927] {strides = array<i32>} : memref<128x128xf32, #tpu.memory_space<vmem>>, vector<1x16xf32>,
        %get3A_1929 = vector.shape_cast %get3A_1928 : vector<1x16xf32> to vector<16xf32>
        %mul3A_1930 = arith.constant 32 : i32
        %mul3A_1931 = arith.muli %scan3A_185, %mul3A_1930 : i32
        %add3A_1932 = arith.constant 1 : i32
        %add3A_1933 = arith.addi %mul3A_1931, %add3A_1932 : i32
        %get3A_1934 = arith.index_cast %add3A_1933 : i32 to index
        %get3A_1935 = arith.constant 96 : index
        %get3A_1936 = tpu.vector_load %arg8[%get3A_1934, %get3A_1935] {strides = array<i32>} : memref<128x128xf32, #tpu.memory_space<vmem>>, vector<1x16xf32>,
        %get3A_1937 = vector.shape_cast %get3A_1936 : vector<1x16xf32> to vector<16xf32>
        %add3A_1938 = arith.addf %get3A_1929, %get3A_1937 : vector<16xf32>
        %mul3A_1939 = arith.constant 32 : i32
        %mul3A_1940 = arith.muli %scan3A_185, %mul3A_1939 : i32
        %add3A_1941 = arith.constant 2 : i32
        %add3A_1942 = arith.addi %mul3A_1940, %add3A_1941 : i32
        %get3A_1943 = arith.index_cast %add3A_1942 : i32 to index
        %get3A_1944 = arith.constant 96 : index
        %get3A_1945 = tpu.vector_load %arg8[%get3A_1943, %get3A_1944] {strides = array<i32>} : memref<128x128xf32, #tpu.memory_space<vmem>>, vector<1x16xf32>,
        %get3A_1946 = vector.shape_cast %get3A_1945 : vector<1x16xf32> to vector<16xf32>
        %add3A_1947 = arith.addf %add3A_1938, %get3A_1946 : vector<16xf32>
        %mul3A_1948 = arith.constant 32 : i32
        %mul3A_1949 = arith.muli %scan3A_185, %mul3A_1948 : i32
        %add3A_1950 = arith.constant 3 : i32
        %add3A_1951 = arith.addi %mul3A_1949, %add3A_1950 : i32
        %get3A_1952 = arith.index_cast %add3A_1951 : i32 to index
        %get3A_1953 = arith.constant 96 : index
        %get3A_1954 = tpu.vector_load %arg8[%get3A_1952, %get3A_1953] {strides = array<i32>} : memref<128x128xf32, #tpu.memory_space<vmem>>, vector<1x16xf32>,
        %get3A_1955 = vector.shape_cast %get3A_1954 : vector<1x16xf32> to vector<16xf32>
        %add3A_1956 = arith.addf %add3A_1947, %get3A_1955 : vector<16xf32>
        %mul3A_1957 = arith.constant 32 : i32
        %mul3A_1958 = arith.muli %scan3A_185, %mul3A_1957 : i32
        %add3A_1959 = arith.constant 4 : i32
        %add3A_1960 = arith.addi %mul3A_1958, %add3A_1959 : i32
        %get3A_1961 = arith.index_cast %add3A_1960 : i32 to index
        %get3A_1962 = arith.constant 96 : index
        %get3A_1963 = tpu.vector_load %arg8[%get3A_1961, %get3A_1962] {strides = array<i32>} : memref<128x128xf32, #tpu.memory_space<vmem>>, vector<1x16xf32>,
        %get3A_1964 = vector.shape_cast %get3A_1963 : vector<1x16xf32> to vector<16xf32>
        %add3A_1965 = arith.addf %add3A_1956, %get3A_1964 : vector<16xf32>
        %mul3A_1966 = arith.constant 32 : i32
        %mul3A_1967 = arith.muli %scan3A_185, %mul3A_1966 : i32
        %add3A_1968 = arith.constant 5 : i32
        %add3A_1969 = arith.addi %mul3A_1967, %add3A_1968 : i32
        %get3A_1970 = arith.index_cast %add3A_1969 : i32 to index
        %get3A_1971 = arith.constant 96 : index
        %get3A_1972 = tpu.vector_load %arg8[%get3A_1970, %get3A_1971] {strides = array<i32>} : memref<128x128xf32, #tpu.memory_space<vmem>>, vector<1x16xf32>,
        %get3A_1973 = vector.shape_cast %get3A_1972 : vector<1x16xf32> to vector<16xf32>
        %add3A_1974 = arith.addf %add3A_1965, %get3A_1973 : vector<16xf32>
        %mul3A_1975 = arith.constant 32 : i32
        %mul3A_1976 = arith.muli %scan3A_185, %mul3A_1975 : i32
        %add3A_1977 = arith.constant 6 : i32
        %add3A_1978 = arith.addi %mul3A_1976, %add3A_1977 : i32
        %get3A_1979 = arith.index_cast %add3A_1978 : i32 to index
        %get3A_1980 = arith.constant 96 : index
        %get3A_1981 = tpu.vector_load %arg8[%get3A_1979, %get3A_1980] {strides = array<i32>} : memref<128x128xf32, #tpu.memory_space<vmem>>, vector<1x16xf32>,
        %get3A_1982 = vector.shape_cast %get3A_1981 : vector<1x16xf32> to vector<16xf32>
        %add3A_1983 = arith.addf %add3A_1974, %get3A_1982 : vector<16xf32>
        %mul3A_1984 = arith.constant 32 : i32
        %mul3A_1985 = arith.muli %scan3A_185, %mul3A_1984 : i32
        %add3A_1986 = arith.constant 7 : i32
        %add3A_1987 = arith.addi %mul3A_1985, %add3A_1986 : i32
        %get3A_1988 = arith.index_cast %add3A_1987 : i32 to index
        %get3A_1989 = arith.constant 96 : index
        %get3A_1990 = tpu.vector_load %arg8[%get3A_1988, %get3A_1989] {strides = array<i32>} : memref<128x128xf32, #tpu.memory_space<vmem>>, vector<1x16xf32>,
        %get3A_1991 = vector.shape_cast %get3A_1990 : vector<1x16xf32> to vector<16xf32>
        %add3A_1992 = arith.addf %add3A_1983, %get3A_1991 : vector<16xf32>
        %mul3A_1993 = arith.constant 32 : i32
        %mul3A_1994 = arith.muli %scan3A_185, %mul3A_1993 : i32
        %add3A_1995 = arith.constant 8 : i32
        %add3A_1996 = arith.addi %mul3A_1994, %add3A_1995 : i32
        %get3A_1997 = arith.index_cast %add3A_1996 : i32 to index
        %get3A_1998 = arith.constant 96 : index
        %get3A_1999 = tpu.vector_load %arg8[%get3A_1997, %get3A_1998] {strides = array<i32>} : memref<128x128xf32, #tpu.memory_space<vmem>>, vector<1x16xf32>,
        %get3A_2000 = vector.shape_cast %get3A_1999 : vector<1x16xf32> to vector<16xf32>
        %add3A_2001 = arith.addf %add3A_1992, %get3A_2000 : vector<16xf32>
        %mul3A_2002 = arith.constant 32 : i32
        %mul3A_2003 = arith.muli %scan3A_185, %mul3A_2002 : i32
        %add3A_2004 = arith.constant 9 : i32
        %add3A_2005 = arith.addi %mul3A_2003, %add3A_2004 : i32
        %get3A_2006 = arith.index_cast %add3A_2005 : i32 to index
        %get3A_2007 = arith.constant 96 : index
        %get3A_2008 = tpu.vector_load %arg8[%get3A_2006, %get3A_2007] {strides = array<i32>} : memref<128x128xf32, #tpu.memory_space<vmem>>, vector<1x16xf32>,
        %get3A_2009 = vector.shape_cast %get3A_2008 : vector<1x16xf32> to vector<16xf32>
        %add3A_2010 = arith.addf %add3A_2001, %get3A_2009 : vector<16xf32>
        %mul3A_2011 = arith.constant 32 : i32
        %mul3A_2012 = arith.muli %scan3A_185, %mul3A_2011 : i32
        %add3A_2013 = arith.constant 10 : i32
        %add3A_2014 = arith.addi %mul3A_2012, %add3A_2013 : i32
        %get3A_2015 = arith.index_cast %add3A_2014 : i32 to index
        %get3A_2016 = arith.constant 96 : index
        %get3A_2017 = tpu.vector_load %arg8[%get3A_2015, %get3A_2016] {strides = array<i32>} : memref<128x128xf32, #tpu.memory_space<vmem>>, vector<1x16xf32>,
        %get3A_2018 = vector.shape_cast %get3A_2017 : vector<1x16xf32> to vector<16xf32>
        %add3A_2019 = arith.addf %add3A_2010, %get3A_2018 : vector<16xf32>
        %mul3A_2020 = arith.constant 32 : i32
        %mul3A_2021 = arith.muli %scan3A_185, %mul3A_2020 : i32
        %add3A_2022 = arith.constant 11 : i32
        %add3A_2023 = arith.addi %mul3A_2021, %add3A_2022 : i32
        %get3A_2024 = arith.index_cast %add3A_2023 : i32 to index
        %get3A_2025 = arith.constant 96 : index
        %get3A_2026 = tpu.vector_load %arg8[%get3A_2024, %get3A_2025] {strides = array<i32>} : memref<128x128xf32, #tpu.memory_space<vmem>>, vector<1x16xf32>,
        %get3A_2027 = vector.shape_cast %get3A_2026 : vector<1x16xf32> to vector<16xf32>
        %add3A_2028 = arith.addf %add3A_2019, %get3A_2027 : vector<16xf32>
        %mul3A_2029 = arith.constant 32 : i32
        %mul3A_2030 = arith.muli %scan3A_185, %mul3A_2029 : i32
        %add3A_2031 = arith.constant 12 : i32
        %add3A_2032 = arith.addi %mul3A_2030, %add3A_2031 : i32
        %get3A_2033 = arith.index_cast %add3A_2032 : i32 to index
        %get3A_2034 = arith.constant 96 : index
        %get3A_2035 = tpu.vector_load %arg8[%get3A_2033, %get3A_2034] {strides = array<i32>} : memref<128x128xf32, #tpu.memory_space<vmem>>, vector<1x16xf32>,
        %get3A_2036 = vector.shape_cast %get3A_2035 : vector<1x16xf32> to vector<16xf32>
        %add3A_2037 = arith.addf %add3A_2028, %get3A_2036 : vector<16xf32>
        %mul3A_2038 = arith.constant 32 : i32
        %mul3A_2039 = arith.muli %scan3A_185, %mul3A_2038 : i32
        %add3A_2040 = arith.constant 13 : i32
        %add3A_2041 = arith.addi %mul3A_2039, %add3A_2040 : i32
        %get3A_2042 = arith.index_cast %add3A_2041 : i32 to index
        %get3A_2043 = arith.constant 96 : index
        %get3A_2044 = tpu.vector_load %arg8[%get3A_2042, %get3A_2043] {strides = array<i32>} : memref<128x128xf32, #tpu.memory_space<vmem>>, vector<1x16xf32>,
        %get3A_2045 = vector.shape_cast %get3A_2044 : vector<1x16xf32> to vector<16xf32>
        %add3A_2046 = arith.addf %add3A_2037, %get3A_2045 : vector<16xf32>
        %mul3A_2047 = arith.constant 32 : i32
        %mul3A_2048 = arith.muli %scan3A_185, %mul3A_2047 : i32
        %add3A_2049 = arith.constant 14 : i32
        %add3A_2050 = arith.addi %mul3A_2048, %add3A_2049 : i32
        %get3A_2051 = arith.index_cast %add3A_2050 : i32 to index
        %get3A_2052 = arith.constant 96 : index
        %get3A_2053 = tpu.vector_load %arg8[%get3A_2051, %get3A_2052] {strides = array<i32>} : memref<128x128xf32, #tpu.memory_space<vmem>>, vector<1x16xf32>,
        %get3A_2054 = vector.shape_cast %get3A_2053 : vector<1x16xf32> to vector<16xf32>
        %add3A_2055 = arith.addf %add3A_2046, %get3A_2054 : vector<16xf32>
        %mul3A_2056 = arith.constant 32 : i32
        %mul3A_2057 = arith.muli %scan3A_185, %mul3A_2056 : i32
        %add3A_2058 = arith.constant 15 : i32
        %add3A_2059 = arith.addi %mul3A_2057, %add3A_2058 : i32
        %get3A_2060 = arith.index_cast %add3A_2059 : i32 to index
        %get3A_2061 = arith.constant 96 : index
        %get3A_2062 = tpu.vector_load %arg8[%get3A_2060, %get3A_2061] {strides = array<i32>} : memref<128x128xf32, #tpu.memory_space<vmem>>, vector<1x16xf32>,
        %get3A_2063 = vector.shape_cast %get3A_2062 : vector<1x16xf32> to vector<16xf32>
        %add3A_2064 = arith.addf %add3A_2055, %get3A_2063 : vector<16xf32>
        %mul3A_2065 = arith.constant 32 : i32
        %mul3A_2066 = arith.muli %scan3A_185, %mul3A_2065 : i32
        %add3A_2067 = arith.constant 16 : i32
        %add3A_2068 = arith.addi %mul3A_2066, %add3A_2067 : i32
        %get3A_2069 = arith.index_cast %add3A_2068 : i32 to index
        %get3A_2070 = arith.constant 96 : index
        %get3A_2071 = tpu.vector_load %arg8[%get3A_2069, %get3A_2070] {strides = array<i32>} : memref<128x128xf32, #tpu.memory_space<vmem>>, vector<1x16xf32>,
        %get3A_2072 = vector.shape_cast %get3A_2071 : vector<1x16xf32> to vector<16xf32>
        %add3A_2073 = arith.addf %add3A_2064, %get3A_2072 : vector<16xf32>
        %mul3A_2074 = arith.constant 32 : i32
        %mul3A_2075 = arith.muli %scan3A_185, %mul3A_2074 : i32
        %add3A_2076 = arith.constant 17 : i32
        %add3A_2077 = arith.addi %mul3A_2075, %add3A_2076 : i32
        %get3A_2078 = arith.index_cast %add3A_2077 : i32 to index
        %get3A_2079 = arith.constant 96 : index
        %get3A_2080 = tpu.vector_load %arg8[%get3A_2078, %get3A_2079] {strides = array<i32>} : memref<128x128xf32, #tpu.memory_space<vmem>>, vector<1x16xf32>,
        %get3A_2081 = vector.shape_cast %get3A_2080 : vector<1x16xf32> to vector<16xf32>
        %add3A_2082 = arith.addf %add3A_2073, %get3A_2081 : vector<16xf32>
        %mul3A_2083 = arith.constant 32 : i32
        %mul3A_2084 = arith.muli %scan3A_185, %mul3A_2083 : i32
        %add3A_2085 = arith.constant 18 : i32
        %add3A_2086 = arith.addi %mul3A_2084, %add3A_2085 : i32
        %get3A_2087 = arith.index_cast %add3A_2086 : i32 to index
        %get3A_2088 = arith.constant 96 : index
        %get3A_2089 = tpu.vector_load %arg8[%get3A_2087, %get3A_2088] {strides = array<i32>} : memref<128x128xf32, #tpu.memory_space<vmem>>, vector<1x16xf32>,
        %get3A_2090 = vector.shape_cast %get3A_2089 : vector<1x16xf32> to vector<16xf32>
        %add3A_2091 = arith.addf %add3A_2082, %get3A_2090 : vector<16xf32>
        %mul3A_2092 = arith.constant 32 : i32
        %mul3A_2093 = arith.muli %scan3A_185, %mul3A_2092 : i32
        %add3A_2094 = arith.constant 19 : i32
        %add3A_2095 = arith.addi %mul3A_2093, %add3A_2094 : i32
        %get3A_2096 = arith.index_cast %add3A_2095 : i32 to index
        %get3A_2097 = arith.constant 96 : index
        %get3A_2098 = tpu.vector_load %arg8[%get3A_2096, %get3A_2097] {strides = array<i32>} : memref<128x128xf32, #tpu.memory_space<vmem>>, vector<1x16xf32>,
        %get3A_2099 = vector.shape_cast %get3A_2098 : vector<1x16xf32> to vector<16xf32>
        %add3A_2100 = arith.addf %add3A_2091, %get3A_2099 : vector<16xf32>
        %mul3A_2101 = arith.constant 32 : i32
        %mul3A_2102 = arith.muli %scan3A_185, %mul3A_2101 : i32
        %add3A_2103 = arith.constant 20 : i32
        %add3A_2104 = arith.addi %mul3A_2102, %add3A_2103 : i32
        %get3A_2105 = arith.index_cast %add3A_2104 : i32 to index
        %get3A_2106 = arith.constant 96 : index
        %get3A_2107 = tpu.vector_load %arg8[%get3A_2105, %get3A_2106] {strides = array<i32>} : memref<128x128xf32, #tpu.memory_space<vmem>>, vector<1x16xf32>,
        %get3A_2108 = vector.shape_cast %get3A_2107 : vector<1x16xf32> to vector<16xf32>
        %add3A_2109 = arith.addf %add3A_2100, %get3A_2108 : vector<16xf32>
        %mul3A_2110 = arith.constant 32 : i32
        %mul3A_2111 = arith.muli %scan3A_185, %mul3A_2110 : i32
        %add3A_2112 = arith.constant 21 : i32
        %add3A_2113 = arith.addi %mul3A_2111, %add3A_2112 : i32
        %get3A_2114 = arith.index_cast %add3A_2113 : i32 to index
        %get3A_2115 = arith.constant 96 : index
        %get3A_2116 = tpu.vector_load %arg8[%get3A_2114, %get3A_2115] {strides = array<i32>} : memref<128x128xf32, #tpu.memory_space<vmem>>, vector<1x16xf32>,
        %get3A_2117 = vector.shape_cast %get3A_2116 : vector<1x16xf32> to vector<16xf32>
        %add3A_2118 = arith.addf %add3A_2109, %get3A_2117 : vector<16xf32>
        %mul3A_2119 = arith.constant 32 : i32
        %mul3A_2120 = arith.muli %scan3A_185, %mul3A_2119 : i32
        %add3A_2121 = arith.constant 22 : i32
        %add3A_2122 = arith.addi %mul3A_2120, %add3A_2121 : i32
        %get3A_2123 = arith.index_cast %add3A_2122 : i32 to index
        %get3A_2124 = arith.constant 96 : index
        %get3A_2125 = tpu.vector_load %arg8[%get3A_2123, %get3A_2124] {strides = array<i32>} : memref<128x128xf32, #tpu.memory_space<vmem>>, vector<1x16xf32>,
        %get3A_2126 = vector.shape_cast %get3A_2125 : vector<1x16xf32> to vector<16xf32>
        %add3A_2127 = arith.addf %add3A_2118, %get3A_2126 : vector<16xf32>
        %mul3A_2128 = arith.constant 32 : i32
        %mul3A_2129 = arith.muli %scan3A_185, %mul3A_2128 : i32
        %add3A_2130 = arith.constant 23 : i32
        %add3A_2131 = arith.addi %mul3A_2129, %add3A_2130 : i32
        %get3A_2132 = arith.index_cast %add3A_2131 : i32 to index
        %get3A_2133 = arith.constant 96 : index
        %get3A_2134 = tpu.vector_load %arg8[%get3A_2132, %get3A_2133] {strides = array<i32>} : memref<128x128xf32, #tpu.memory_space<vmem>>, vector<1x16xf32>,
        %get3A_2135 = vector.shape_cast %get3A_2134 : vector<1x16xf32> to vector<16xf32>
        %add3A_2136 = arith.addf %add3A_2127, %get3A_2135 : vector<16xf32>
        %mul3A_2137 = arith.constant 32 : i32
        %mul3A_2138 = arith.muli %scan3A_185, %mul3A_2137 : i32
        %add3A_2139 = arith.constant 24 : i32
        %add3A_2140 = arith.addi %mul3A_2138, %add3A_2139 : i32
        %get3A_2141 = arith.index_cast %add3A_2140 : i32 to index
        %get3A_2142 = arith.constant 96 : index
        %get3A_2143 = tpu.vector_load %arg8[%get3A_2141, %get3A_2142] {strides = array<i32>} : memref<128x128xf32, #tpu.memory_space<vmem>>, vector<1x16xf32>,
        %get3A_2144 = vector.shape_cast %get3A_2143 : vector<1x16xf32> to vector<16xf32>
        %add3A_2145 = arith.addf %add3A_2136, %get3A_2144 : vector<16xf32>
        %mul3A_2146 = arith.constant 32 : i32
        %mul3A_2147 = arith.muli %scan3A_185, %mul3A_2146 : i32
        %add3A_2148 = arith.constant 25 : i32
        %add3A_2149 = arith.addi %mul3A_2147, %add3A_2148 : i32
        %get3A_2150 = arith.index_cast %add3A_2149 : i32 to index
        %get3A_2151 = arith.constant 96 : index
        %get3A_2152 = tpu.vector_load %arg8[%get3A_2150, %get3A_2151] {strides = array<i32>} : memref<128x128xf32, #tpu.memory_space<vmem>>, vector<1x16xf32>,
        %get3A_2153 = vector.shape_cast %get3A_2152 : vector<1x16xf32> to vector<16xf32>
        %add3A_2154 = arith.addf %add3A_2145, %get3A_2153 : vector<16xf32>
        %mul3A_2155 = arith.constant 32 : i32
        %mul3A_2156 = arith.muli %scan3A_185, %mul3A_2155 : i32
        %add3A_2157 = arith.constant 26 : i32
        %add3A_2158 = arith.addi %mul3A_2156, %add3A_2157 : i32
        %get3A_2159 = arith.index_cast %add3A_2158 : i32 to index
        %get3A_2160 = arith.constant 96 : index
        %get3A_2161 = tpu.vector_load %arg8[%get3A_2159, %get3A_2160] {strides = array<i32>} : memref<128x128xf32, #tpu.memory_space<vmem>>, vector<1x16xf32>,
        %get3A_2162 = vector.shape_cast %get3A_2161 : vector<1x16xf32> to vector<16xf32>
        %add3A_2163 = arith.addf %add3A_2154, %get3A_2162 : vector<16xf32>
        %mul3A_2164 = arith.constant 32 : i32
        %mul3A_2165 = arith.muli %scan3A_185, %mul3A_2164 : i32
        %add3A_2166 = arith.constant 27 : i32
        %add3A_2167 = arith.addi %mul3A_2165, %add3A_2166 : i32
        %get3A_2168 = arith.index_cast %add3A_2167 : i32 to index
        %get3A_2169 = arith.constant 96 : index
        %get3A_2170 = tpu.vector_load %arg8[%get3A_2168, %get3A_2169] {strides = array<i32>} : memref<128x128xf32, #tpu.memory_space<vmem>>, vector<1x16xf32>,
        %get3A_2171 = vector.shape_cast %get3A_2170 : vector<1x16xf32> to vector<16xf32>
        %add3A_2172 = arith.addf %add3A_2163, %get3A_2171 : vector<16xf32>
        %mul3A_2173 = arith.constant 32 : i32
        %mul3A_2174 = arith.muli %scan3A_185, %mul3A_2173 : i32
        %add3A_2175 = arith.constant 28 : i32
        %add3A_2176 = arith.addi %mul3A_2174, %add3A_2175 : i32
        %get3A_2177 = arith.index_cast %add3A_2176 : i32 to index
        %get3A_2178 = arith.constant 96 : index
        %get3A_2179 = tpu.vector_load %arg8[%get3A_2177, %get3A_2178] {strides = array<i32>} : memref<128x128xf32, #tpu.memory_space<vmem>>, vector<1x16xf32>,
        %get3A_2180 = vector.shape_cast %get3A_2179 : vector<1x16xf32> to vector<16xf32>
        %add3A_2181 = arith.addf %add3A_2172, %get3A_2180 : vector<16xf32>
        %mul3A_2182 = arith.constant 32 : i32
        %mul3A_2183 = arith.muli %scan3A_185, %mul3A_2182 : i32
        %add3A_2184 = arith.constant 29 : i32
        %add3A_2185 = arith.addi %mul3A_2183, %add3A_2184 : i32
        %get3A_2186 = arith.index_cast %add3A_2185 : i32 to index
        %get3A_2187 = arith.constant 96 : index
        %get3A_2188 = tpu.vector_load %arg8[%get3A_2186, %get3A_2187] {strides = array<i32>} : memref<128x128xf32, #tpu.memory_space<vmem>>, vector<1x16xf32>,
        %get3A_2189 = vector.shape_cast %get3A_2188 : vector<1x16xf32> to vector<16xf32>
        %add3A_2190 = arith.addf %add3A_2181, %get3A_2189 : vector<16xf32>
        %mul3A_2191 = arith.constant 32 : i32
        %mul3A_2192 = arith.muli %scan3A_185, %mul3A_2191 : i32
        %add3A_2193 = arith.constant 30 : i32
        %add3A_2194 = arith.addi %mul3A_2192, %add3A_2193 : i32
        %get3A_2195 = arith.index_cast %add3A_2194 : i32 to index
        %get3A_2196 = arith.constant 96 : index
        %get3A_2197 = tpu.vector_load %arg8[%get3A_2195, %get3A_2196] {strides = array<i32>} : memref<128x128xf32, #tpu.memory_space<vmem>>, vector<1x16xf32>,
        %get3A_2198 = vector.shape_cast %get3A_2197 : vector<1x16xf32> to vector<16xf32>
        %add3A_2199 = arith.addf %add3A_2190, %get3A_2198 : vector<16xf32>
        %mul3A_2200 = arith.constant 32 : i32
        %mul3A_2201 = arith.muli %scan3A_185, %mul3A_2200 : i32
        %add3A_2202 = arith.constant 31 : i32
        %add3A_2203 = arith.addi %mul3A_2201, %add3A_2202 : i32
        %get3A_2204 = arith.index_cast %add3A_2203 : i32 to index
        %get3A_2205 = arith.constant 96 : index
        %get3A_2206 = tpu.vector_load %arg8[%get3A_2204, %get3A_2205] {strides = array<i32>} : memref<128x128xf32, #tpu.memory_space<vmem>>, vector<1x16xf32>,
        %get3A_2207 = vector.shape_cast %get3A_2206 : vector<1x16xf32> to vector<16xf32>
        %add3A_2208 = arith.addf %add3A_2199, %get3A_2207 : vector<16xf32>
        %swap3A_2209 = arith.index_cast %scan3A_185 : i32 to index
        %swap3A_2210 = arith.constant 96 : index
        %swap3A_2211 = tpu.vector_load %arg10[%swap3A_2209, %swap3A_2210] {strides = array<i32>} : memref<4x128xf32, #tpu.memory_space<vmem>>, vector<1x16xf32>,
        %swap3A_2212 = vector.shape_cast %swap3A_2211 : vector<1x16xf32> to vector<16xf32>
        %swap3A_2213 = vector.shape_cast %add3A_2208 : vector<16xf32> to vector<1x16xf32>
        tpu.vector_store %arg10[%swap3A_2209, %swap3A_2210], %swap3A_2213 {strides = array<i32>} : memref<4x128xf32, #tpu.memory_space<vmem>>, vector<1x16xf32>,
        %mul3A_2214 = arith.constant 32 : i32
        %mul3A_2215 = arith.muli %scan3A_185, %mul3A_2214 : i32
        %get3A_2216 = arith.index_cast %mul3A_2215 : i32 to index
        %get3A_2217 = arith.constant 112 : index
        %get3A_2218 = tpu.vector_load %arg8[%get3A_2216, %get3A_2217] {strides = array<i32>} : memref<128x128xf32, #tpu.memory_space<vmem>>, vector<1x16xf32>,
        %get3A_2219 = vector.shape_cast %get3A_2218 : vector<1x16xf32> to vector<16xf32>
        %mul3A_2220 = arith.constant 32 : i32
        %mul3A_2221 = arith.muli %scan3A_185, %mul3A_2220 : i32
        %add3A_2222 = arith.constant 1 : i32
        %add3A_2223 = arith.addi %mul3A_2221, %add3A_2222 : i32
        %get3A_2224 = arith.index_cast %add3A_2223 : i32 to index
        %get3A_2225 = arith.constant 112 : index
        %get3A_2226 = tpu.vector_load %arg8[%get3A_2224, %get3A_2225] {strides = array<i32>} : memref<128x128xf32, #tpu.memory_space<vmem>>, vector<1x16xf32>,
        %get3A_2227 = vector.shape_cast %get3A_2226 : vector<1x16xf32> to vector<16xf32>
        %add3A_2228 = arith.addf %get3A_2219, %get3A_2227 : vector<16xf32>
        %mul3A_2229 = arith.constant 32 : i32
        %mul3A_2230 = arith.muli %scan3A_185, %mul3A_2229 : i32
        %add3A_2231 = arith.constant 2 : i32
        %add3A_2232 = arith.addi %mul3A_2230, %add3A_2231 : i32
        %get3A_2233 = arith.index_cast %add3A_2232 : i32 to index
        %get3A_2234 = arith.constant 112 : index
        %get3A_2235 = tpu.vector_load %arg8[%get3A_2233, %get3A_2234] {strides = array<i32>} : memref<128x128xf32, #tpu.memory_space<vmem>>, vector<1x16xf32>,
        %get3A_2236 = vector.shape_cast %get3A_2235 : vector<1x16xf32> to vector<16xf32>
        %add3A_2237 = arith.addf %add3A_2228, %get3A_2236 : vector<16xf32>
        %mul3A_2238 = arith.constant 32 : i32
        %mul3A_2239 = arith.muli %scan3A_185, %mul3A_2238 : i32
        %add3A_2240 = arith.constant 3 : i32
        %add3A_2241 = arith.addi %mul3A_2239, %add3A_2240 : i32
        %get3A_2242 = arith.index_cast %add3A_2241 : i32 to index
        %get3A_2243 = arith.constant 112 : index
        %get3A_2244 = tpu.vector_load %arg8[%get3A_2242, %get3A_2243] {strides = array<i32>} : memref<128x128xf32, #tpu.memory_space<vmem>>, vector<1x16xf32>,
        %get3A_2245 = vector.shape_cast %get3A_2244 : vector<1x16xf32> to vector<16xf32>
        %add3A_2246 = arith.addf %add3A_2237, %get3A_2245 : vector<16xf32>
        %mul3A_2247 = arith.constant 32 : i32
        %mul3A_2248 = arith.muli %scan3A_185, %mul3A_2247 : i32
        %add3A_2249 = arith.constant 4 : i32
        %add3A_2250 = arith.addi %mul3A_2248, %add3A_2249 : i32
        %get3A_2251 = arith.index_cast %add3A_2250 : i32 to index
        %get3A_2252 = arith.constant 112 : index
        %get3A_2253 = tpu.vector_load %arg8[%get3A_2251, %get3A_2252] {strides = array<i32>} : memref<128x128xf32, #tpu.memory_space<vmem>>, vector<1x16xf32>,
        %get3A_2254 = vector.shape_cast %get3A_2253 : vector<1x16xf32> to vector<16xf32>
        %add3A_2255 = arith.addf %add3A_2246, %get3A_2254 : vector<16xf32>
        %mul3A_2256 = arith.constant 32 : i32
        %mul3A_2257 = arith.muli %scan3A_185, %mul3A_2256 : i32
        %add3A_2258 = arith.constant 5 : i32
        %add3A_2259 = arith.addi %mul3A_2257, %add3A_2258 : i32
        %get3A_2260 = arith.index_cast %add3A_2259 : i32 to index
        %get3A_2261 = arith.constant 112 : index
        %get3A_2262 = tpu.vector_load %arg8[%get3A_2260, %get3A_2261] {strides = array<i32>} : memref<128x128xf32, #tpu.memory_space<vmem>>, vector<1x16xf32>,
        %get3A_2263 = vector.shape_cast %get3A_2262 : vector<1x16xf32> to vector<16xf32>
        %add3A_2264 = arith.addf %add3A_2255, %get3A_2263 : vector<16xf32>
        %mul3A_2265 = arith.constant 32 : i32
        %mul3A_2266 = arith.muli %scan3A_185, %mul3A_2265 : i32
        %add3A_2267 = arith.constant 6 : i32
        %add3A_2268 = arith.addi %mul3A_2266, %add3A_2267 : i32
        %get3A_2269 = arith.index_cast %add3A_2268 : i32 to index
        %get3A_2270 = arith.constant 112 : index
        %get3A_2271 = tpu.vector_load %arg8[%get3A_2269, %get3A_2270] {strides = array<i32>} : memref<128x128xf32, #tpu.memory_space<vmem>>, vector<1x16xf32>,
        %get3A_2272 = vector.shape_cast %get3A_2271 : vector<1x16xf32> to vector<16xf32>
        %add3A_2273 = arith.addf %add3A_2264, %get3A_2272 : vector<16xf32>
        %mul3A_2274 = arith.constant 32 : i32
        %mul3A_2275 = arith.muli %scan3A_185, %mul3A_2274 : i32
        %add3A_2276 = arith.constant 7 : i32
        %add3A_2277 = arith.addi %mul3A_2275, %add3A_2276 : i32
        %get3A_2278 = arith.index_cast %add3A_2277 : i32 to index
        %get3A_2279 = arith.constant 112 : index
        %get3A_2280 = tpu.vector_load %arg8[%get3A_2278, %get3A_2279] {strides = array<i32>} : memref<128x128xf32, #tpu.memory_space<vmem>>, vector<1x16xf32>,
        %get3A_2281 = vector.shape_cast %get3A_2280 : vector<1x16xf32> to vector<16xf32>
        %add3A_2282 = arith.addf %add3A_2273, %get3A_2281 : vector<16xf32>
        %mul3A_2283 = arith.constant 32 : i32
        %mul3A_2284 = arith.muli %scan3A_185, %mul3A_2283 : i32
        %add3A_2285 = arith.constant 8 : i32
        %add3A_2286 = arith.addi %mul3A_2284, %add3A_2285 : i32
        %get3A_2287 = arith.index_cast %add3A_2286 : i32 to index
        %get3A_2288 = arith.constant 112 : index
        %get3A_2289 = tpu.vector_load %arg8[%get3A_2287, %get3A_2288] {strides = array<i32>} : memref<128x128xf32, #tpu.memory_space<vmem>>, vector<1x16xf32>,
        %get3A_2290 = vector.shape_cast %get3A_2289 : vector<1x16xf32> to vector<16xf32>
        %add3A_2291 = arith.addf %add3A_2282, %get3A_2290 : vector<16xf32>
        %mul3A_2292 = arith.constant 32 : i32
        %mul3A_2293 = arith.muli %scan3A_185, %mul3A_2292 : i32
        %add3A_2294 = arith.constant 9 : i32
        %add3A_2295 = arith.addi %mul3A_2293, %add3A_2294 : i32
        %get3A_2296 = arith.index_cast %add3A_2295 : i32 to index
        %get3A_2297 = arith.constant 112 : index
        %get3A_2298 = tpu.vector_load %arg8[%get3A_2296, %get3A_2297] {strides = array<i32>} : memref<128x128xf32, #tpu.memory_space<vmem>>, vector<1x16xf32>,
        %get3A_2299 = vector.shape_cast %get3A_2298 : vector<1x16xf32> to vector<16xf32>
        %add3A_2300 = arith.addf %add3A_2291, %get3A_2299 : vector<16xf32>
        %mul3A_2301 = arith.constant 32 : i32
        %mul3A_2302 = arith.muli %scan3A_185, %mul3A_2301 : i32
        %add3A_2303 = arith.constant 10 : i32
        %add3A_2304 = arith.addi %mul3A_2302, %add3A_2303 : i32
        %get3A_2305 = arith.index_cast %add3A_2304 : i32 to index
        %get3A_2306 = arith.constant 112 : index
        %get3A_2307 = tpu.vector_load %arg8[%get3A_2305, %get3A_2306] {strides = array<i32>} : memref<128x128xf32, #tpu.memory_space<vmem>>, vector<1x16xf32>,
        %get3A_2308 = vector.shape_cast %get3A_2307 : vector<1x16xf32> to vector<16xf32>
        %add3A_2309 = arith.addf %add3A_2300, %get3A_2308 : vector<16xf32>
        %mul3A_2310 = arith.constant 32 : i32
        %mul3A_2311 = arith.muli %scan3A_185, %mul3A_2310 : i32
        %add3A_2312 = arith.constant 11 : i32
        %add3A_2313 = arith.addi %mul3A_2311, %add3A_2312 : i32
        %get3A_2314 = arith.index_cast %add3A_2313 : i32 to index
        %get3A_2315 = arith.constant 112 : index
        %get3A_2316 = tpu.vector_load %arg8[%get3A_2314, %get3A_2315] {strides = array<i32>} : memref<128x128xf32, #tpu.memory_space<vmem>>, vector<1x16xf32>,
        %get3A_2317 = vector.shape_cast %get3A_2316 : vector<1x16xf32> to vector<16xf32>
        %add3A_2318 = arith.addf %add3A_2309, %get3A_2317 : vector<16xf32>
        %mul3A_2319 = arith.constant 32 : i32
        %mul3A_2320 = arith.muli %scan3A_185, %mul3A_2319 : i32
        %add3A_2321 = arith.constant 12 : i32
        %add3A_2322 = arith.addi %mul3A_2320, %add3A_2321 : i32
        %get3A_2323 = arith.index_cast %add3A_2322 : i32 to index
        %get3A_2324 = arith.constant 112 : index
        %get3A_2325 = tpu.vector_load %arg8[%get3A_2323, %get3A_2324] {strides = array<i32>} : memref<128x128xf32, #tpu.memory_space<vmem>>, vector<1x16xf32>,
        %get3A_2326 = vector.shape_cast %get3A_2325 : vector<1x16xf32> to vector<16xf32>
        %add3A_2327 = arith.addf %add3A_2318, %get3A_2326 : vector<16xf32>
        %mul3A_2328 = arith.constant 32 : i32
        %mul3A_2329 = arith.muli %scan3A_185, %mul3A_2328 : i32
        %add3A_2330 = arith.constant 13 : i32
        %add3A_2331 = arith.addi %mul3A_2329, %add3A_2330 : i32
        %get3A_2332 = arith.index_cast %add3A_2331 : i32 to index
        %get3A_2333 = arith.constant 112 : index
        %get3A_2334 = tpu.vector_load %arg8[%get3A_2332, %get3A_2333] {strides = array<i32>} : memref<128x128xf32, #tpu.memory_space<vmem>>, vector<1x16xf32>,
        %get3A_2335 = vector.shape_cast %get3A_2334 : vector<1x16xf32> to vector<16xf32>
        %add3A_2336 = arith.addf %add3A_2327, %get3A_2335 : vector<16xf32>
        %mul3A_2337 = arith.constant 32 : i32
        %mul3A_2338 = arith.muli %scan3A_185, %mul3A_2337 : i32
        %add3A_2339 = arith.constant 14 : i32
        %add3A_2340 = arith.addi %mul3A_2338, %add3A_2339 : i32
        %get3A_2341 = arith.index_cast %add3A_2340 : i32 to index
        %get3A_2342 = arith.constant 112 : index
        %get3A_2343 = tpu.vector_load %arg8[%get3A_2341, %get3A_2342] {strides = array<i32>} : memref<128x128xf32, #tpu.memory_space<vmem>>, vector<1x16xf32>,
        %get3A_2344 = vector.shape_cast %get3A_2343 : vector<1x16xf32> to vector<16xf32>
        %add3A_2345 = arith.addf %add3A_2336, %get3A_2344 : vector<16xf32>
        %mul3A_2346 = arith.constant 32 : i32
        %mul3A_2347 = arith.muli %scan3A_185, %mul3A_2346 : i32
        %add3A_2348 = arith.constant 15 : i32
        %add3A_2349 = arith.addi %mul3A_2347, %add3A_2348 : i32
        %get3A_2350 = arith.index_cast %add3A_2349 : i32 to index
        %get3A_2351 = arith.constant 112 : index
        %get3A_2352 = tpu.vector_load %arg8[%get3A_2350, %get3A_2351] {strides = array<i32>} : memref<128x128xf32, #tpu.memory_space<vmem>>, vector<1x16xf32>,
        %get3A_2353 = vector.shape_cast %get3A_2352 : vector<1x16xf32> to vector<16xf32>
        %add3A_2354 = arith.addf %add3A_2345, %get3A_2353 : vector<16xf32>
        %mul3A_2355 = arith.constant 32 : i32
        %mul3A_2356 = arith.muli %scan3A_185, %mul3A_2355 : i32
        %add3A_2357 = arith.constant 16 : i32
        %add3A_2358 = arith.addi %mul3A_2356, %add3A_2357 : i32
        %get3A_2359 = arith.index_cast %add3A_2358 : i32 to index
        %get3A_2360 = arith.constant 112 : index
        %get3A_2361 = tpu.vector_load %arg8[%get3A_2359, %get3A_2360] {strides = array<i32>} : memref<128x128xf32, #tpu.memory_space<vmem>>, vector<1x16xf32>,
        %get3A_2362 = vector.shape_cast %get3A_2361 : vector<1x16xf32> to vector<16xf32>
        %add3A_2363 = arith.addf %add3A_2354, %get3A_2362 : vector<16xf32>
        %mul3A_2364 = arith.constant 32 : i32
        %mul3A_2365 = arith.muli %scan3A_185, %mul3A_2364 : i32
        %add3A_2366 = arith.constant 17 : i32
        %add3A_2367 = arith.addi %mul3A_2365, %add3A_2366 : i32
        %get3A_2368 = arith.index_cast %add3A_2367 : i32 to index
        %get3A_2369 = arith.constant 112 : index
        %get3A_2370 = tpu.vector_load %arg8[%get3A_2368, %get3A_2369] {strides = array<i32>} : memref<128x128xf32, #tpu.memory_space<vmem>>, vector<1x16xf32>,
        %get3A_2371 = vector.shape_cast %get3A_2370 : vector<1x16xf32> to vector<16xf32>
        %add3A_2372 = arith.addf %add3A_2363, %get3A_2371 : vector<16xf32>
        %mul3A_2373 = arith.constant 32 : i32
        %mul3A_2374 = arith.muli %scan3A_185, %mul3A_2373 : i32
        %add3A_2375 = arith.constant 18 : i32
        %add3A_2376 = arith.addi %mul3A_2374, %add3A_2375 : i32
        %get3A_2377 = arith.index_cast %add3A_2376 : i32 to index
        %get3A_2378 = arith.constant 112 : index
        %get3A_2379 = tpu.vector_load %arg8[%get3A_2377, %get3A_2378] {strides = array<i32>} : memref<128x128xf32, #tpu.memory_space<vmem>>, vector<1x16xf32>,
        %get3A_2380 = vector.shape_cast %get3A_2379 : vector<1x16xf32> to vector<16xf32>
        %add3A_2381 = arith.addf %add3A_2372, %get3A_2380 : vector<16xf32>
        %mul3A_2382 = arith.constant 32 : i32
        %mul3A_2383 = arith.muli %scan3A_185, %mul3A_2382 : i32
        %add3A_2384 = arith.constant 19 : i32
        %add3A_2385 = arith.addi %mul3A_2383, %add3A_2384 : i32
        %get3A_2386 = arith.index_cast %add3A_2385 : i32 to index
        %get3A_2387 = arith.constant 112 : index
        %get3A_2388 = tpu.vector_load %arg8[%get3A_2386, %get3A_2387] {strides = array<i32>} : memref<128x128xf32, #tpu.memory_space<vmem>>, vector<1x16xf32>,
        %get3A_2389 = vector.shape_cast %get3A_2388 : vector<1x16xf32> to vector<16xf32>
        %add3A_2390 = arith.addf %add3A_2381, %get3A_2389 : vector<16xf32>
        %mul3A_2391 = arith.constant 32 : i32
        %mul3A_2392 = arith.muli %scan3A_185, %mul3A_2391 : i32
        %add3A_2393 = arith.constant 20 : i32
        %add3A_2394 = arith.addi %mul3A_2392, %add3A_2393 : i32
        %get3A_2395 = arith.index_cast %add3A_2394 : i32 to index
        %get3A_2396 = arith.constant 112 : index
        %get3A_2397 = tpu.vector_load %arg8[%get3A_2395, %get3A_2396] {strides = array<i32>} : memref<128x128xf32, #tpu.memory_space<vmem>>, vector<1x16xf32>,
        %get3A_2398 = vector.shape_cast %get3A_2397 : vector<1x16xf32> to vector<16xf32>
        %add3A_2399 = arith.addf %add3A_2390, %get3A_2398 : vector<16xf32>
        %mul3A_2400 = arith.constant 32 : i32
        %mul3A_2401 = arith.muli %scan3A_185, %mul3A_2400 : i32
        %add3A_2402 = arith.constant 21 : i32
        %add3A_2403 = arith.addi %mul3A_2401, %add3A_2402 : i32
        %get3A_2404 = arith.index_cast %add3A_2403 : i32 to index
        %get3A_2405 = arith.constant 112 : index
        %get3A_2406 = tpu.vector_load %arg8[%get3A_2404, %get3A_2405] {strides = array<i32>} : memref<128x128xf32, #tpu.memory_space<vmem>>, vector<1x16xf32>,
        %get3A_2407 = vector.shape_cast %get3A_2406 : vector<1x16xf32> to vector<16xf32>
        %add3A_2408 = arith.addf %add3A_2399, %get3A_2407 : vector<16xf32>
        %mul3A_2409 = arith.constant 32 : i32
        %mul3A_2410 = arith.muli %scan3A_185, %mul3A_2409 : i32
        %add3A_2411 = arith.constant 22 : i32
        %add3A_2412 = arith.addi %mul3A_2410, %add3A_2411 : i32
        %get3A_2413 = arith.index_cast %add3A_2412 : i32 to index
        %get3A_2414 = arith.constant 112 : index
        %get3A_2415 = tpu.vector_load %arg8[%get3A_2413, %get3A_2414] {strides = array<i32>} : memref<128x128xf32, #tpu.memory_space<vmem>>, vector<1x16xf32>,
        %get3A_2416 = vector.shape_cast %get3A_2415 : vector<1x16xf32> to vector<16xf32>
        %add3A_2417 = arith.addf %add3A_2408, %get3A_2416 : vector<16xf32>
        %mul3A_2418 = arith.constant 32 : i32
        %mul3A_2419 = arith.muli %scan3A_185, %mul3A_2418 : i32
        %add3A_2420 = arith.constant 23 : i32
        %add3A_2421 = arith.addi %mul3A_2419, %add3A_2420 : i32
        %get3A_2422 = arith.index_cast %add3A_2421 : i32 to index
        %get3A_2423 = arith.constant 112 : index
        %get3A_2424 = tpu.vector_load %arg8[%get3A_2422, %get3A_2423] {strides = array<i32>} : memref<128x128xf32, #tpu.memory_space<vmem>>, vector<1x16xf32>,
        %get3A_2425 = vector.shape_cast %get3A_2424 : vector<1x16xf32> to vector<16xf32>
        %add3A_2426 = arith.addf %add3A_2417, %get3A_2425 : vector<16xf32>
        %mul3A_2427 = arith.constant 32 : i32
        %mul3A_2428 = arith.muli %scan3A_185, %mul3A_2427 : i32
        %add3A_2429 = arith.constant 24 : i32
        %add3A_2430 = arith.addi %mul3A_2428, %add3A_2429 : i32
        %get3A_2431 = arith.index_cast %add3A_2430 : i32 to index
        %get3A_2432 = arith.constant 112 : index
        %get3A_2433 = tpu.vector_load %arg8[%get3A_2431, %get3A_2432] {strides = array<i32>} : memref<128x128xf32, #tpu.memory_space<vmem>>, vector<1x16xf32>,
        %get3A_2434 = vector.shape_cast %get3A_2433 : vector<1x16xf32> to vector<16xf32>
        %add3A_2435 = arith.addf %add3A_2426, %get3A_2434 : vector<16xf32>
        %mul3A_2436 = arith.constant 32 : i32
        %mul3A_2437 = arith.muli %scan3A_185, %mul3A_2436 : i32
        %add3A_2438 = arith.constant 25 : i32
        %add3A_2439 = arith.addi %mul3A_2437, %add3A_2438 : i32
        %get3A_2440 = arith.index_cast %add3A_2439 : i32 to index
        %get3A_2441 = arith.constant 112 : index
        %get3A_2442 = tpu.vector_load %arg8[%get3A_2440, %get3A_2441] {strides = array<i32>} : memref<128x128xf32, #tpu.memory_space<vmem>>, vector<1x16xf32>,
        %get3A_2443 = vector.shape_cast %get3A_2442 : vector<1x16xf32> to vector<16xf32>
        %add3A_2444 = arith.addf %add3A_2435, %get3A_2443 : vector<16xf32>
        %mul3A_2445 = arith.constant 32 : i32
        %mul3A_2446 = arith.muli %scan3A_185, %mul3A_2445 : i32
        %add3A_2447 = arith.constant 26 : i32
        %add3A_2448 = arith.addi %mul3A_2446, %add3A_2447 : i32
        %get3A_2449 = arith.index_cast %add3A_2448 : i32 to index
        %get3A_2450 = arith.constant 112 : index
        %get3A_2451 = tpu.vector_load %arg8[%get3A_2449, %get3A_2450] {strides = array<i32>} : memref<128x128xf32, #tpu.memory_space<vmem>>, vector<1x16xf32>,
        %get3A_2452 = vector.shape_cast %get3A_2451 : vector<1x16xf32> to vector<16xf32>
        %add3A_2453 = arith.addf %add3A_2444, %get3A_2452 : vector<16xf32>
        %mul3A_2454 = arith.constant 32 : i32
        %mul3A_2455 = arith.muli %scan3A_185, %mul3A_2454 : i32
        %add3A_2456 = arith.constant 27 : i32
        %add3A_2457 = arith.addi %mul3A_2455, %add3A_2456 : i32
        %get3A_2458 = arith.index_cast %add3A_2457 : i32 to index
        %get3A_2459 = arith.constant 112 : index
        %get3A_2460 = tpu.vector_load %arg8[%get3A_2458, %get3A_2459] {strides = array<i32>} : memref<128x128xf32, #tpu.memory_space<vmem>>, vector<1x16xf32>,
        %get3A_2461 = vector.shape_cast %get3A_2460 : vector<1x16xf32> to vector<16xf32>
        %add3A_2462 = arith.addf %add3A_2453, %get3A_2461 : vector<16xf32>
        %mul3A_2463 = arith.constant 32 : i32
        %mul3A_2464 = arith.muli %scan3A_185, %mul3A_2463 : i32
        %add3A_2465 = arith.constant 28 : i32
        %add3A_2466 = arith.addi %mul3A_2464, %add3A_2465 : i32
        %get3A_2467 = arith.index_cast %add3A_2466 : i32 to index
        %get3A_2468 = arith.constant 112 : index
        %get3A_2469 = tpu.vector_load %arg8[%get3A_2467, %get3A_2468] {strides = array<i32>} : memref<128x128xf32, #tpu.memory_space<vmem>>, vector<1x16xf32>,
        %get3A_2470 = vector.shape_cast %get3A_2469 : vector<1x16xf32> to vector<16xf32>
        %add3A_2471 = arith.addf %add3A_2462, %get3A_2470 : vector<16xf32>
        %mul3A_2472 = arith.constant 32 : i32
        %mul3A_2473 = arith.muli %scan3A_185, %mul3A_2472 : i32
        %add3A_2474 = arith.constant 29 : i32
        %add3A_2475 = arith.addi %mul3A_2473, %add3A_2474 : i32
        %get3A_2476 = arith.index_cast %add3A_2475 : i32 to index
        %get3A_2477 = arith.constant 112 : index
        %get3A_2478 = tpu.vector_load %arg8[%get3A_2476, %get3A_2477] {strides = array<i32>} : memref<128x128xf32, #tpu.memory_space<vmem>>, vector<1x16xf32>,
        %get3A_2479 = vector.shape_cast %get3A_2478 : vector<1x16xf32> to vector<16xf32>
        %add3A_2480 = arith.addf %add3A_2471, %get3A_2479 : vector<16xf32>
        %mul3A_2481 = arith.constant 32 : i32
        %mul3A_2482 = arith.muli %scan3A_185, %mul3A_2481 : i32
        %add3A_2483 = arith.constant 30 : i32
        %add3A_2484 = arith.addi %mul3A_2482, %add3A_2483 : i32
        %get3A_2485 = arith.index_cast %add3A_2484 : i32 to index
        %get3A_2486 = arith.constant 112 : index
        %get3A_2487 = tpu.vector_load %arg8[%get3A_2485, %get3A_2486] {strides = array<i32>} : memref<128x128xf32, #tpu.memory_space<vmem>>, vector<1x16xf32>,
        %get3A_2488 = vector.shape_cast %get3A_2487 : vector<1x16xf32> to vector<16xf32>
        %add3A_2489 = arith.addf %add3A_2480, %get3A_2488 : vector<16xf32>
        %mul3A_2490 = arith.constant 32 : i32
        %mul3A_2491 = arith.muli %scan3A_185, %mul3A_2490 : i32
        %add3A_2492 = arith.constant 31 : i32
        %add3A_2493 = arith.addi %mul3A_2491, %add3A_2492 : i32
        %get3A_2494 = arith.index_cast %add3A_2493 : i32 to index
        %get3A_2495 = arith.constant 112 : index
        %get3A_2496 = tpu.vector_load %arg8[%get3A_2494, %get3A_2495] {strides = array<i32>} : memref<128x128xf32, #tpu.memory_space<vmem>>, vector<1x16xf32>,
        %get3A_2497 = vector.shape_cast %get3A_2496 : vector<1x16xf32> to vector<16xf32>
        %add3A_2498 = arith.addf %add3A_2489, %get3A_2497 : vector<16xf32>
        %swap3A_2499 = arith.index_cast %scan3A_185 : i32 to index
        %swap3A_2500 = arith.constant 112 : index
        %swap3A_2501 = tpu.vector_load %arg10[%swap3A_2499, %swap3A_2500] {strides = array<i32>} : memref<4x128xf32, #tpu.memory_space<vmem>>, vector<1x16xf32>,
        %swap3A_2502 = vector.shape_cast %swap3A_2501 : vector<1x16xf32> to vector<16xf32>
        %swap3A_2503 = vector.shape_cast %add3A_2498 : vector<16xf32> to vector<1x16xf32>
        tpu.vector_store %arg10[%swap3A_2499, %swap3A_2500], %swap3A_2503 {strides = array<i32>} : memref<4x128xf32, #tpu.memory_space<vmem>>, vector<1x16xf32>,
      }
      %scan3A_173 = arith.constant 4 : i32
      %dma_start3A_174 = arith.constant 0 : i32
      %dma_start3A_175 = tpu.memref_slice %arg4[%add3A_156, %dma_start3A_174] : memref<10240x128xf32, #tpu.memory_space<hbm>> -> memref<4x128xf32, #tpu.memory_space<hbm>>
      %dma_start3A_176 = arith.constant 0 : i32
      %dma_start3A_177 = tpu.memref_slice %arg4[%add3A_156, %dma_start3A_176] : memref<10240x128xf32, #tpu.memory_space<hbm>> -> memref<4x128xf32, #tpu.memory_space<hbm>>
      tpu.enqueue_dma source(%arg10 : memref<4x128xf32, #tpu.memory_space<vmem>>) target(%dma_start3A_177 : memref<4x128xf32, #tpu.memory_space<hbm>>) target_semaphore(%arg14 : memref<!tpu.dma_semaphore, #tpu.memory_space<semaphore_mem>>)
      %add3A_178 = arith.constant 2 : i32
      %add3A_179 = arith.addi %add3A_153, %add3A_178 : i32
      %lt3A_180 = arith.constant 80 : i32
      %lt3A_181 = arith.cmpi slt, %add3A_179, %lt3A_180 : i32
      %convert_element_type3A_182 = arith.extui %lt3A_181 : i1 to i32
      %cond3A_183 = arith.constant 0 : i32
      %cond3A_184 = arith.cmpi ne, %convert_element_type3A_182, %cond3A_183 : i32
      scf.if %cond3A_184 {
        %add3A_185 = arith.constant 2 : i32
        %add3A_186 = arith.addi %add3A_153, %add3A_185 : i32
        %dma_start3A_187 = arith.constant 0 : i32
        %dma_start3A_188 = tpu.memref_slice %arg6[%add3A_186, %dma_start3A_187] : memref<80x128xi32, #tpu.memory_space<vmem>> -> memref<1x128xi32, #tpu.memory_space<vmem>>
        %dma_start3A_189 = tpu.memref_squeeze %dma_start3A_188 : memref<1x128xi32, #tpu.memory_space<vmem>> -> memref<128xi32, #tpu.memory_space<vmem>>
        %dma_start3A_190 = arith.constant 0 : i32
        %dma_start3A_191 = arith.constant 0 : i32
        %dma_start3A_192 = tpu.memref_slice %arg5[%dma_start3A_190, %dma_start3A_191] : memref<10240x128xf32, #tpu.memory_space<vmem_shared>> -> memref<10240x128xf32, #tpu.memory_space<vmem_shared>>
        tpu.enqueue_indirect_dma source(%dma_start3A_192 : memref<10240x128xf32, #tpu.memory_space<vmem_shared>>) target(%arg8 : memref<128x128xf32, #tpu.memory_space<vmem>>) offsets(%dma_start3A_189 : memref<128xi32, #tpu.memory_space<vmem>>) semaphore(%arg12 : memref<!tpu.dma_semaphore, #tpu.memory_space<semaphore_mem>>)
      } else {
      }
    }
    %scan3A_109 = arith.constant 40 : i32
    %dma_wait3A_110 = arith.constant 0 : i32
    %dma_wait3A_111 = tpu.memref_slice %arg4[%mul3A_2, %dma_wait3A_110] : memref<10240x128xf32, #tpu.memory_space<hbm>> -> memref<4x128xf32, #tpu.memory_space<hbm>>
    %dma_wait3A_112 = arith.constant 0 : i32
    %dma_wait3A_113 = tpu.memref_slice %arg4[%mul3A_2, %dma_wait3A_112] : memref<10240x128xf32, #tpu.memory_space<hbm>> -> memref<4x128xf32, #tpu.memory_space<hbm>>
    tpu.wait_dma2 semaphore(%arg13 : memref<!tpu.dma_semaphore, #tpu.memory_space<semaphore_mem>>) src(%arg9 : memref<4x128xf32, #tpu.memory_space<vmem>>) dst(%dma_wait3A_113 : memref<4x128xf32, #tpu.memory_space<hbm>>)
    %dma_wait3A_114 = arith.constant 0 : i32
    %dma_wait3A_115 = tpu.memref_slice %arg4[%mul3A_2, %dma_wait3A_114] : memref<10240x128xf32, #tpu.memory_space<hbm>> -> memref<4x128xf32, #tpu.memory_space<hbm>>
    %dma_wait3A_116 = arith.constant 0 : i32
    %dma_wait3A_117 = tpu.memref_slice %arg4[%mul3A_2, %dma_wait3A_116] : memref<10240x128xf32, #tpu.memory_space<hbm>> -> memref<4x128xf32, #tpu.memory_space<hbm>>
    tpu.wait_dma2 semaphore(%arg14 : memref<!tpu.dma_semaphore, #tpu.memory_space<semaphore_mem>>) src(%arg10 : memref<4x128xf32, #tpu.memory_space<vmem>>) dst(%dma_wait3A_117 : memref<4x128xf32, #tpu.memory_space<hbm>>)
    return
  }
}

module attributes {stable_mosaic.version = 14 : i64} {
  func.func @_mm_body(%arg0: i32, %arg1: memref<1024x128xf32, #tpu.memory_space<vmem>>, %arg2: memref<128x128xf32, #tpu.memory_space<vmem>>, %arg3: memref<1024x128xf32, #tpu.memory_space<vmem>>) attributes {dimension_semantics = [#tpu.dimension_semantics<arbitrary>], iteration_bounds = array<i64: 10>, scalar_prefetch = 0 : i64, scratch_operands = 0 : i64, tpu.core_type = #tpu.core_type<tc>, window_params = [{transform_indices = @transform_0, window_bounds = array<i64: 1024, 128>}, {pipeline_mode = #tpu.pipeline_mode<synchronous>, transform_indices = @transform_1, window_bounds = array<i64: 128, 128>}, {transform_indices = @transform_2, window_bounds = array<i64: 1024, 128>}]} {
    %get3A = arith.constant 0 : index
    %get3A_0 = arith.constant 0 : index
    %get3A_1 = vector.load %arg1[%get3A, %get3A_0] : memref<1024x128xf32, #tpu.memory_space<vmem>>, vector<1024x128xf32>
    %get3A_2 = arith.constant 0 : index
    %get3A_3 = arith.constant 0 : index
    %get3A_4 = vector.load %arg2[%get3A_2, %get3A_3] : memref<128x128xf32, #tpu.memory_space<vmem>>, vector<128x128xf32>
    %dot_general3A = arith.constant dense<0.000000e+00> : vector<1024x128xf32>
    %dot_general3A_5 = tpu.matmul %get3A_1, %get3A_4, %dot_general3A {dimension_numbers = #tpu.dot_dimension_numbers<[1], [0], [0], [1], [0, 0, 1, 1], [], []>, transpose_lhs_hint = false} : vector<1024x128xf32>, vector<128x128xf32>, vector<1024x128xf32> -> vector<1024x128xf32>
    %swap3A = arith.constant 0 : index
    %swap3A_6 = arith.constant 0 : index
    %swap3A_7 = vector.load %arg3[%swap3A, %swap3A_6] : memref<1024x128xf32, #tpu.memory_space<vmem>>, vector<1024x128xf32>
    tpu.vector_store %arg3[%swap3A, %swap3A_6], %dot_general3A_5 {strides = array<i32>} : memref<1024x128xf32, #tpu.memory_space<vmem>>, vector<1024x128xf32>,
    return
  }
  func.func @transform_0(%arg0: i32) -> (i32, i32) {
    %c0_i32 = arith.constant 0 : i32
    %c0_i32_0 = arith.constant 0 : i32
    return %arg0, %c0_i32 : i32, i32
  }
  func.func @transform_1(%arg0: i32) -> (i32, i32) {
    %c0_i32 = arith.constant 0 : i32
    %c0_i32_0 = arith.constant 0 : i32
    %c0_i32_1 = arith.constant 0 : i32
    return %c0_i32, %c0_i32_0 : i32, i32
  }
  func.func @transform_2(%arg0: i32) -> (i32, i32) {
    %c0_i32 = arith.constant 0 : i32
    %c0_i32_0 = arith.constant 0 : i32
    return %arg0, %c0_i32 : i32, i32
  }
}

</mosaic_0001>

<sc_bundles>
// kernel: kernel.4.cloned.1.call-start
scs
__scs_entry_jumppad:
0x0: {  	(pc) =	sbr.rel $0x88, $3  }
0x1: {  	(tag) =	ssettag $0x0;
	lr =	simm.s32 $0x1  }
0x2: {  	[smem:$0x3F9E] =	sst lr;
	_ =	strace $0xD0000000  }
0x3: {  	_ = 	snop  }
0x4: {  	_ = 	snop  }
0x5: {  	_ = 	snop  }
0x6: {  	_ = 	snop  }
0x7: {  	_ = 	snop  }
__scs_overlays_trampoline_lowered:
0x8: {  	[smem:$0x3FAD] =	sst s0  }
0x9: {  	[smem:$0x3FAE] =	sst s1  }
0xa: {  	[smem:$0x3FAF] =	sst s2  }
0xb: {  	[smem:$0x3FB0] =	sst s3  }
0xc: {  	[smem:$0x3FB1] =	sst s4  }
0xd: {  	[smem:$0x3FB2] =	sst s5  }
0xe: {  	[smem:$0x3FB3] =	sst s6  }
0xf: {  	[smem:$0x3FB4] =	sst s7  }
0x10: {  	[smem:$0x3FB5] =	sst s8  }
0x11: {  	[smem:$0x3FB6] =	sst s9;
	s0 =	simm.s32 @!p0 $0x0  }
0x12: {  	s1 =	sld [smem:$0x3F9C];
	s0 =	simm.s32 @p0 $0x1  }
0x13: {  	[smem:$0x3FB7] =	sst s0;
	s0 =	simm.s32 @!p1 $0x0  }
0x14: {  	s2 =	sld [smem:$0x3F9B];
	s0 =	simm.s32 @p1 $0x1  }
0x15: {  	[smem:$0x3FB8] =	sst s0;
	s0 =	simm.s32 @!p2 $0x0  }
0x16: {  	s3 =	sld [smem:$0x3FDB];
	s0 =	simm.s32 @p2 $0x1  }
0x17: {  	s4 =	simm.s32 $0x1BF5;
	[smem:$0x3FBA] =	sst s0  }
0x18: {  	s0 =	sld [smem:$0x3F9D];
	_ =	swait.ge [sflag:s4], $0x0  }
0x19: {  	s7 =	sld [smem:$0x3F9E]  }
0x1a: {  	s8 =	sadd.s32 $0xFFFFE003, lr  }
0x1b: {  	s9 =	sadd.s32 $0xFFFFFEF7, lr;
	s5 =	simm.s32 $0xFFFFFFFF;
	p2 =	slt.u32 s8, $0xFFFFF086  }
0x1c: {  	p1 =	slt.u32 s9, $0xF7A;
	s5 =	simm.s32 @!p2 $0x0  }
0x1d: {  	s5 =	simm.s32 @p1 $0x1;
	p0 =	seq.s32 s7, s2  }
0x1e: {  	s7 =	smul.u32 @!p0 $0xF7A, s2;
	p2 =	seq.s32 @!p0 s5, $0x0  }
0x1f: {  	s9 =	smul.u32 $0xF7A, s1;
	s8 =	simm.s32 @!p0 $0x1BF5;
	p2 =	por !p2, p0  }
0x20: {  	[sflag:s8] =	ssyncset.s32 @!p0 $0xFFFFF086;
	s6 =	sadd.s32 @!p0 s3, s7;
	s7 =	simm.s32 @!p0 $0x108  }
0x21: {  	s3 =	sadd.s32 s3, s9;
	s6 =	sadd.s32 @!p0 $0x88, s6;
	s7 =	simm.s32 @p2 $0x1082  }
0x22: {  	[simem:s7], [sflag:s8] =	dma.local @!p0 [hbm:s6], $0xF7A  }
0x23: {  	s9 =	sor.u32 $0xD0000000, s2;
	s6 =	simm.s32 $0x108;
	_ =	swait.ge @!p0 [sflag:s8], $0x0  }
0x24: {  	s3 =	sadd.s32 $0x88, s3;
	s6 =	simm.s32 @!p1 $0x1082;
	[sflag:s4] =	ssyncset.s32 $0xFFFFF086  }
0x25: {  	[simem:s6], [sflag:s4] =	dma.local [hbm:s3], $0xF7A  }
0x26: {  	[smem:$0x3F9E] =	sst s1;
	(tag) =	ssettag s2;
	_ =	strace s9  }
0x27: {  	s1 =	sld [smem:$0x3FAE]  }
0x28: {  	s2 =	sld [smem:$0x3FAF]  }
0x29: {  	s4 =	sld [smem:$0x3FB1]  }
0x2a: {  	p0 =	seq.s32 s5, $0x0;
	s5 =	sld [smem:$0x3FB2]  }
0x2b: {  	s6 =	sld [smem:$0x3FB3]  }
0x2c: {  	s7 =	sld [smem:$0x3FB4]  }
0x2d: {  	s3 =	simm.s32 $0x108;
	s8 =	sld [smem:$0x3FB5]  }
0x2e: {  	s3 =	simm.s32 @!p0 $0x1082;
	s9 =	sld [smem:$0x3FB6]  }
0x2f: {  	lr =	sadd.s32 s0, s3;
	s0 =	sld [smem:$0x3FAD]  }
0x30: {  	s3 =	sld [smem:$0x3FB0]  }
0x31: {  	[smem:$0x3FB9] =	sst s10  }
0x32: {  	s10 =	sld [smem:$0x3FB7];
	_ =	sdelay $0x3  }
0x33: {  	p0 =	seq.s32 s10, $0x1;
	s10 =	sld [smem:$0x3FB9];
	_ =	sdelay $0x3  }
0x34: {  	[smem:$0x3FB9] =	sst s10  }
0x35: {  	s10 =	sld [smem:$0x3FB8];
	_ =	sdelay $0x3  }
0x36: {  	p1 =	seq.s32 s10, $0x1;
	s10 =	sld [smem:$0x3FB9];
	_ =	sdelay $0x3  }
0x37: {  	[smem:$0x3FB9] =	sst s10  }
0x38: {  	s10 =	sld [smem:$0x3FBA]  }
0x39: {  	_ = 	snop;
	(pc) =	sbr.ind lr, $3  }
0x3a: {  	_ = 	snop  }
0x3b: {  	_ = 	snop  }
0x3c: {  	p2 =	seq.s32 s10, $0x1;
	s10 =	sld [smem:$0x3FB9]  }
0x3d: {  	_ =	shalt  }
0x3e: {  	_ =	shalt  }
0x3f: {  	_ =	shalt  }
0x40: {  	_ =	shalt  }
0x41: {  	_ =	shalt  }
0x42: {  	_ =	shalt  }
0x43: {  	_ =	shalt  }
0x44: {  	_ =	shalt  }
0x45: {  	_ =	shalt  }
0x46: {  	_ =	shalt  }
0x47: {  	_ =	shalt  }
0x48: {  	_ =	shalt  }
0x49: {  	_ =	shalt  }
0x4a: {  	_ =	shalt  }
0x4b: {  	_ =	shalt  }
0x4c: {  	_ =	shalt  }
0x4d: {  	_ =	shalt  }
0x4e: {  	_ =	shalt  }
0x4f: {  	_ =	shalt  }
0x50: {  	_ =	shalt  }
0x51: {  	_ =	shalt  }
0x52: {  	_ =	shalt  }
0x53: {  	_ =	shalt  }
0x54: {  	_ =	shalt  }
0x55: {  	_ =	shalt  }
0x56: {  	_ =	shalt  }
0x57: {  	_ =	shalt  }
0x58: {  	_ =	shalt  }
0x59: {  	_ =	shalt  }
0x5a: {  	_ =	shalt  }
0x5b: {  	_ =	shalt  }
0x5c: {  	_ =	shalt  }
0x5d: {  	_ =	shalt  }
0x5e: {  	_ =	shalt  }
0x5f: {  	_ =	shalt  }
0x60: {  	_ =	shalt  }
0x61: {  	_ =	shalt  }
0x62: {  	_ =	shalt  }
0x63: {  	_ =	shalt  }
0x64: {  	_ =	shalt  }
0x65: {  	_ =	shalt  }
0x66: {  	_ =	shalt  }
0x67: {  	_ =	shalt  }
0x68: {  	_ =	shalt  }
0x69: {  	_ =	shalt  }
0x6a: {  	_ =	shalt  }
0x6b: {  	_ =	shalt  }
0x6c: {  	_ =	shalt  }
0x6d: {  	_ =	shalt  }
0x6e: {  	_ =	shalt  }
0x6f: {  	_ =	shalt  }
0x70: {  	_ =	shalt  }
0x71: {  	_ =	shalt  }
0x72: {  	_ =	shalt  }
0x73: {  	_ =	shalt  }
0x74: {  	_ =	shalt  }
0x75: {  	_ =	shalt  }
0x76: {  	_ =	shalt  }
0x77: {  	_ =	shalt  }
0x78: {  	_ =	shalt  }
0x79: {  	_ =	shalt  }
0x7a: {  	_ =	shalt  }
0x7b: {  	_ =	shalt  }
0x7c: {  	_ =	shalt  }
0x7d: {  	_ =	shalt  }
0x7e: {  	_ =	shalt  }
0x7f: {  	_ =	shalt  }
0x80: {  	_ =	shalt  }
0x81: {  	_ =	shalt  }
0x82: {  	_ =	shalt  }
0x83: {  	_ =	shalt  }
0x84: {  	_ =	shalt  }
0x85: {  	_ =	shalt  }
0x86: {  	_ =	shalt  }
0x87: {  	_ =	shalt  }
.Lfunc_end0:
.L_simem_size_0:
called_computation_lowered:
.L_overlay_start_0:
0x88: {  	s2 =	sld [smem:$0x3FD9]  }
0x89: {  	s3 =	sld [smem:$0x3FFE];
	_ =	sdelay $0x1  }
0x8a: {  	s1 =	srdreg.scid  }
0x8b: {  	s0 =	sand.u32 $0x1, s1  }
0x8c: {  	s17 =	sshll.u32 s0, $0xA;
	s2 =	sadd.s32 s3, s2  }
0x8d: {  	s2 =	sadd.s32 s2, s17  }
0x8e: {  	[smem:$0x3FC5] =	sst s2  }
0x8f: {  	_ = 	snop  }
0x90: {  	s2 =	sld [smem:$0x3FD0];
	(tm) =	ssettm $0x1  }
0x91: {  	s18 =	sld [smem:$0x3FFB];
	_ =	sdelay $0x3  }
0x92: {  	_ =	strace s18  }
0x93: {  	s3 =	sld [smem:$0x3FFC];
	_ =	sdelay $0x3  }
0x94: {  	_ =	strace s3  }
0x95: {  	s3 =	sld [smem:$0x3FFD];
	_ =	sdelay $0x3  }
0x96: {  	_ =	strace s3  }
0x97: {  	_ =	strace $0x8FFFFFFF  }
0x98: {  	s19 =	sld [smem:$0x3FDB];
	_ =	sdelay $0x1  }
0x99: {  	s4 =	simm.s32 $_scs_section_size  }
0x9a: {  	s5 =	simm.s32 $_size__tile_overlayer_lowered;
	s6 =	simm.s32 $_tile_overlayer_lowered  }
0x9b: {  	s22 =	simm.s32 $0x1BFF;
	s21 =	sshll.u32 s6, $0x1;
	s3 =	sadd.s32 s4, s19  }
0x9c: {  	s7 =	simm.s32 $0x0;
	s20 =	sshll.u32 s5, $0x1;
	s5 =	sadd.s32 s21, s3  }
0x9d: {  	[timem:s7], [sflag:s22] =	dma.local [hbm:s5], s20  }
0x9e: {  	_ =	swait.ge [sflag:s22], s20  }
0x9f: {  	s4 =	ssub.s32 $0x0, s20;
	[sflag:s22] =	ssyncset.done $0x0  }
0xa0: {  	[sflag:s22] =	ssyncadd.s32 s4;
	_ =	sdelay $0x1  }
0xa1: {  	s23 =	simm.s32 $0x1B8B  }
0xa2: {  	_ =	swait.ge [sflag:s23], $0x1  }
0xa3: {  	[sflag:s23] =	ssyncset.done $0x0  }
0xa4: {  	s25 =	simm.s32 $0x1B8E;
	s24 =	sld [smem:$0x3FFE];
	[sflag:s23] =	ssyncadd.s32 $0xFFFFFFFF  }
0xa5: {  	s26 =	simm.s32 $execute0_lowered;
	[smem:$0x3FD2] =	sst s25  }
0xa6: {  	s5 =	sshll.u32 s26, $0x1;
	_ =	strace $0x80000046;
	[dreg:$0x1] =	wrdreg $0xFFFFFFFF  }
0xa7: {  	s28 =	simm.s32 $_size_execute0_lowered;
	s3 =	sadd.s32 s3, s5;
	[dreg:$0x0] =	wrdreg $0x0  }
0xa8: {  	s5 =	sshll.u32 s28, $0x1;
	[dreg:$0x2] =	wrdreg s3  }
0xa9: {  	[dreg:$0x3] =	wrdreg s5  }
0xaa: {  	[dreg:$0x4] =	wrdreg $0xC0  }
0xab: {  	_ =	task [dreg:s7], $0x5FFFF  }
0xac: {  	[dreg:$0x1] =	wrdreg $0xFFFFFFFF  }
0xad: {  	[dreg:$0x0] =	wrdreg $0x60  }
0xae: {  	[dreg:$0x2] =	wrdreg s24  }
0xaf: {  	[dreg:$0x3] =	wrdreg s2  }
0xb0: {  	[dreg:$0x4] =	wrdreg $0x0  }
0xb1: {  	[dreg:$0x5] =	wrdreg $0x9  }
0xb2: {  	_ =	task.clear_ibuf [dreg:s7], $0x6FFFF;
	_ =	strace $0x90000046  }
0xb3: {  	s29 =	simm.s32 $0x9;
	_ =	strace $0x80000048  }
0xb4: {  	_ =	swait.ge [sflag:s29], $0x1  }
0xb5: {  	[sflag:s29] =	ssyncadd.s32 $0xFFFFFFFF  }
0xb6: {  	_ =	strace $0x90000048  }
0xb7: {  	_ =	sfence  }
0xb8: {  	s30 =	sld [smem:$0x0];
	_ =	sdelay $0x2  }
0xb9: {  	s31 =	sshll.u32 s1, $0xD;
	s1 =	sshrl.u32 s1, $0x2  }
0xba: {  	s3 =	sand.u32 $0x4000, s31;
	s1 =	sadd.s32 s1, s30  }
0xbb: {  	s0 =	sor.u32 s3, s0;
	s1 =	sshll.u32 s1, $0x11  }
0xbc: {  	s0 =	sor.u32 s1, s0  }
0xbd: {  	s0 =	sadd.s32 $0x8F2B, s0  }
0xbe: {  	[sflag:s0] =	ssyncadd.remote.s32 $0x1  }
0xbf: {  	_ =	sfence.sel $0xFFFF  }
0xc0: {  	[dreg:$0x0] =	wrdreg $0xFFFFFFFF;
	(pc) =	sbr.abs _section_cstart, $3  }
0xc1: {  	[dreg:$0x1] =	wrdreg $0xFFFFFFFF  }
0xc2: {  	_ =	task.clear_ibuf [dreg:s7], $0x2FFFF;
	_ =	strace $0x9FFFFFFF  }
0xc3: {  	(tm) =	ssettm $0x7FFFFFFF  }
tec
execute0_lowered:
.L_overlay_start_1:
0x0: {  	(tag) =	ssettag $0x1  }
0x1: {  	s0 =	rddreg [dreg:$0x0]  }
0x2: {  	s2 =	rddreg [dreg:$0x1]  }
0x3: {  	s1 =	rddreg [dreg:$0x2];
	s3 =	simm.s32 $0x0;
	s4 =	srdreg.scid  }
0x4: {  	s10 =	stileid.u32;
	s28 =	simm.s32 $0x1E800;
	s29 =	simm.s32 $0x4  }
0x5: {  	s30 =	simm.s32 $0x1EA00;
	s31 =	simm.s32 $0x3;
	[smem:$0x7FF] =	sst s3  }
0x6: {  	s5 =	sadd.s32 $0x800, s0;
	s6 =	sand.u32 $0x1, s4;
	s7 =	smul.u32 $0x2800, s10  }
0x7: {  	s4 =	sadd.s32 $0x28800, s0;
	s11 =	smul.u32 $0x280, s10;
	s9 =	sshll.u32 s10, $0x1  }
0x8: {  	s10 =	smul.u32 $0x50000, s10;
	_ =	strace $0x80000047;
	s16 =	ssub.s32 $0x2, s6  }
0x9: {  	s6 =	sor.u32 s6, s9;
	s8 =	sshrl.u32 s16, $0x1;
	s17 =	sadd.s32 $0x80, s11  }
0xa: {  	s7 =	sadd.s32 s5, s7;
	s19 =	sshrl.u32 s10, $0x2;
	s21 =	sadd.s32 $0x100, s11  }
0xb: {  	s12 =	sadd.s32 $0x180, s11;
	s13 =	sadd.s32 $0x200, s11;
	s15 =	smul.u32 $0x500, s6  }
0xc: {  	s0 =	ssub.s32 s16, s8;
	[dreg:$0x4] =	wrdreg s7;
	s18 =	sshll.u32 s17, $0x4  }
0xd: {  	s20 =	sadd.s32 s19, s1;
	s22 =	sshll.u32 s21, $0x4;
	s23 =	sshll.u32 s17, $0x7  }
0xe: {  	s24 =	sshll.u32 s12, $0x4;
	s25 =	sshll.u32 s13, $0x4;
	s14 =	sshll.u32 s12, $0x7  }
0xf: {  	s16 =	sshll.u32 s13, $0x7;
	s17 =	smul.u32 $0x1400, s6;
	s19 =	simm.s32 $0x16800  }
0x10: {  	s7 =	sadd.s32 s5, s18;
	[dreg:$0x6] =	wrdreg s20;
	s8 =	sadd.s32 s5, s22  }
0x11: {  	s9 =	sadd.s32 s23, s1;
	s10 =	sadd.s32 s5, s24;
	s12 =	sadd.s32 s5, s25  }
0x12: {  	s13 =	sadd.s32 s14, s1;
	s14 =	sadd.s32 s16, s1;
	s16 =	smul.u32 $0x28, s6  }
.Ltmp0:
0x13: {  	s15 =	sadd.s32 s2, s15;
	s20 =	simm.s32 $0x1A800;
	(pc) =	sbr.rel .LBB2_1-.Ltmp0, $4  }
0x14: {  	s22 =	simm.s32 $0x5;
	s23 =	simm.s32 $0x2;
	s24 =	simm.s32 $0x14000  }
0x15: {  	s25 =	simm.s32 $0x80;
	[dreg:$0x5] =	wrdreg s7;
	s7 =	sshll.u32 s21, $0x7  }
0x16: {  	s26 =	sadd.s32 s17, s4;
	s17 =	smax.u32 s0, $0x1;
	s21 =	simm.s32 $0x1  }
0x17: {  	s0 =	simm.s32 $0x0;
	s11 =	sadd.s32 s7, s1;
	s18 =	sadd.s32 $0x40, s26  }
.LBB2_12:
0x18: {  	s0 =	sadd.s32 $0x1, s0  }
0x19: {  	_ =	swait.ge [sflag:s31], $0x200;
	p0 =	sne.s32 s0, s17  }
.Ltmp1:
0x1a: {  	[sflag:s31] =	ssyncset.done $0x0;
	(pc) =	sbr.rel @!p0 .LBB2_13-.Ltmp1, $4  }
0x1b: {  	[sflag:s31] =	ssyncadd.s32 $0xFFFFFE00  }
0x1c: {  	_ =	swait.ge [sflag:s29], $0x200  }
0x1d: {  	[sflag:s29] =	ssyncset.done $0x0  }
0x1e: {  	[sflag:s29] =	ssyncadd.s32 $0xFFFFFE00  }
.LBB2_1:
0x1f: {  	s2 =	rddreg [dreg:$0x4]  }
0x20: {  	[tilespmem:s19], [sflag:$0x1] =	stream.linear.gather [hbm4b:s2+s3], $0x4000, $0x38;
	[tilespmem:$0x1EC00] =	vst v63  }
0x21: {  	s6 =	rddreg [dreg:$0x5]  }
0x22: {  	[tilespmem:s20], [sflag:$0x2] =	stream.linear.gather [hbm4b:s6+s3], $0x4000, $0x38;
	[tilespmem:$0x1EC00] =	vst v63  }
0x23: {  	_ =	swait.ge [sflag:s21], $0x4000  }
0x24: {  	[sflag:s21] =	ssyncset.done $0x0  }
0x25: {  	s7 =	rddreg [dreg:$0x6];
	[sflag:s21] =	ssyncadd.s32 $0xFFFFC000  }
0x26: {  	[spmem:s7] =	stream.linear.scatter [tilespmem:s19], [sflag:$0x5], $0x4000, $0x38;
	[tilespmem:$0x1EC00] =	vst v63  }
0x27: {  	_ =	swait.ge [sflag:s22], $0x4000  }
0x28: {  	[sflag:s22] =	ssyncset.done $0x0  }
0x29: {  	[sflag:s22] =	ssyncadd.s32 $0xFFFFC000  }
0x2a: {  	[tilespmem:s19], [sflag:$0x1] =	stream.linear.gather [hbm4b:s8+s3], $0x4000, $0x38;
	[tilespmem:$0x1EC00] =	vst v63  }
0x2b: {  	_ =	swait.ge [sflag:s23], $0x4000  }
0x2c: {  	[sflag:s23] =	ssyncset.done $0x0  }
0x2d: {  	[sflag:s23] =	ssyncadd.s32 $0xFFFFC000  }
0x2e: {  	[spmem:s9] =	stream.linear.scatter [tilespmem:s20], [sflag:$0x5], $0x4000, $0x38;
	[tilespmem:$0x1EC00] =	vst v63  }
0x2f: {  	_ =	swait.ge [sflag:s22], $0x4000  }
0x30: {  	[sflag:s22] =	ssyncset.done $0x0  }
0x31: {  	[sflag:s22] =	ssyncadd.s32 $0xFFFFC000  }
0x32: {  	[tilespmem:s20], [sflag:$0x2] =	stream.linear.gather [hbm4b:s10+s3], $0x4000, $0x38;
	[tilespmem:$0x1EC00] =	vst v63  }
0x33: {  	_ =	swait.ge [sflag:s21], $0x4000  }
0x34: {  	[sflag:s21] =	ssyncset.done $0x0  }
0x35: {  	[sflag:s21] =	ssyncadd.s32 $0xFFFFC000  }
0x36: {  	[spmem:s11] =	stream.linear.scatter [tilespmem:s19], [sflag:$0x5], $0x4000, $0x38;
	[tilespmem:$0x1EC00] =	vst v63  }
0x37: {  	_ =	swait.ge [sflag:s22], $0x4000  }
0x38: {  	[sflag:s22] =	ssyncset.done $0x0  }
0x39: {  	[sflag:s22] =	ssyncadd.s32 $0xFFFFC000  }
0x3a: {  	[tilespmem:s19], [sflag:$0x1] =	stream.linear.gather [hbm4b:s12+s3], $0x4000, $0x38;
	[tilespmem:$0x1EC00] =	vst v63  }
0x3b: {  	_ =	swait.ge [sflag:s23], $0x4000  }
0x3c: {  	[sflag:s23] =	ssyncset.done $0x0  }
0x3d: {  	[sflag:s23] =	ssyncadd.s32 $0xFFFFC000  }
0x3e: {  	[spmem:s13] =	stream.linear.scatter [tilespmem:s20], [sflag:$0x5], $0x4000, $0x38;
	[tilespmem:$0x1EC00] =	vst v63  }
0x3f: {  	_ =	swait.ge [sflag:s22], $0x4000  }
0x40: {  	[sflag:s22] =	ssyncset.done $0x0  }
0x41: {  	[sflag:s22] =	ssyncadd.s32 $0xFFFFC000  }
0x42: {  	_ =	swait.ge [sflag:s21], $0x4000  }
0x43: {  	[sflag:s21] =	ssyncset.done $0x0  }
0x44: {  	[sflag:s21] =	ssyncadd.s32 $0xFFFFC000  }
0x45: {  	[spmem:s14] =	stream.linear.scatter [tilespmem:s19], [sflag:$0x5], $0x4000, $0x38;
	[tilespmem:$0x1EC00] =	vst v63  }
0x46: {  	_ =	swait.ge [sflag:s22], $0x4000  }
0x47: {  	[sflag:s22] =	ssyncset.done $0x0  }
0x48: {  	[sflag:s22] =	ssyncadd.s32 $0xFFFFC000  }
0x49: {  	[tilespmem:s24], [sflag:$0x5] =	stream.linear.gather [hbm4b:s15+s3], $0x2800, $0x38;
	[tilespmem:$0x1EC00] =	vst v63  }
0x4a: {  	_ =	swait.ge [sflag:s22], $0x2800  }
0x4b: {  	[sflag:s22] =	ssyncset.done $0x0  }
0x4c: {  	[sflag:s22] =	ssyncadd.s32 $0xFFFFD800  }
0x4d: {  	[bflag:$0x0] =	sbarrier.arrive $0xFFFF  }
0x4e: {  	[tilespmem:s19], [sflag:$0x1] =	stream.indirect.gather [spmem:s1], $0x80, s24, s25, $0xb8;
	[tilespmem:$0x1EC00] =	vst v63  }
0x4f: {  	s26 =	simm.s32 $0x14080;
	s2 =	simm.s32 $0x0  }
0x50: {  	[tilespmem:s20], [sflag:$0x2] =	stream.indirect.gather [spmem:s1], $0x80, s26, s25, $0xb8;
	[tilespmem:$0x1EC00] =	vst v63  }
.LBB2_2:
0x51: {  	_ =	swait.ge [sflag:s21], $0x4000  }
0x52: {  	p0 =	seq.s32 s2, $0x0;
	[sflag:s21] =	ssyncset.done $0x0  }
0x53: {  	s5 =	simm.s32 @!p0 $0x3;
	[sflag:s21] =	ssyncadd.s32 $0xFFFFC000  }
0x54: {  	_ =	swait.ge @!p0 [sflag:s5], $0x200  }
0x55: {  	[sflag:s5] =	ssyncset.done @!p0 $0x0  }
0x56: {  	s26 =	sshll.u32 s2, $0xA;
	[sflag:s5] =	ssyncadd.s32 @!p0 $0xFFFFFE00;
	s5 =	simm.s32 $0x0  }
.LBB2_3:
0x57: {  	s6 =	sshll.u32 s5, $0xC  }
0x58: {  	s6 =	sand.u32 $0x3FFFF000, s6  }
0x59: {  	v0 =	vld [tilespmem:s6+$0x16800]  }
0x5a: {  	v1 =	vld [tilespmem:s6+$0x16880];
	_ =	sdelay $0x1  }
0x5b: {  	v2 =	vld [tilespmem:s6+$0x16900];
	_ =	sdelay $0x1  }
0x5c: {  	v3 =	vld [tilespmem:s6+$0x16980]  }
0x5d: {  	v0 =	vadd.f32 v1, v0  }
0x5e: {  	v51 =	vld [tilespmem:s6+$0x16A00]  }
0x5f: {  	v0 =	vadd.f32 v2, v0  }
0x60: {  	v52 =	vld [tilespmem:s6+$0x16A80]  }
0x61: {  	v0 =	vadd.f32 v3, v0  }
0x62: {  	v53 =	vld [tilespmem:s6+$0x16B00]  }
0x63: {  	v0 =	vadd.f32 v51, v0  }
0x64: {  	v54 =	vld [tilespmem:s6+$0x16B80]  }
0x65: {  	v0 =	vadd.f32 v52, v0  }
0x66: {  	v55 =	vld [tilespmem:s6+$0x16C00]  }
0x67: {  	v0 =	vadd.f32 v53, v0  }
0x68: {  	v56 =	vld [tilespmem:s6+$0x16C80]  }
0x69: {  	v0 =	vadd.f32 v54, v0  }
0x6a: {  	v57 =	vld [tilespmem:s6+$0x16D00]  }
0x6b: {  	v0 =	vadd.f32 v55, v0  }
0x6c: {  	v58 =	vld [tilespmem:s6+$0x16D80]  }
0x6d: {  	v0 =	vadd.f32 v56, v0  }
0x6e: {  	v59 =	vld [tilespmem:s6+$0x16E00]  }
0x6f: {  	v0 =	vadd.f32 v57, v0  }
0x70: {  	v60 =	vld [tilespmem:s6+$0x16E80]  }
0x71: {  	v0 =	vadd.f32 v58, v0  }
0x72: {  	v61 =	vld [tilespmem:s6+$0x16F00]  }
0x73: {  	v0 =	vadd.f32 v59, v0  }
0x74: {  	v62 =	vld [tilespmem:s6+$0x16F80]  }
0x75: {  	v0 =	vadd.f32 v60, v0  }
0x76: {  	v63 =	vld [tilespmem:s6+$0x17000]  }
0x77: {  	v0 =	vadd.f32 v61, v0  }
0x78: {  	v6 =	vld [tilespmem:s6+$0x17080]  }
0x79: {  	v0 =	vadd.f32 v62, v0  }
0x7a: {  	v7 =	vld [tilespmem:s6+$0x17100]  }
0x7b: {  	v0 =	vadd.f32 v63, v0  }
0x7c: {  	v8 =	vld [tilespmem:s6+$0x17180]  }
0x7d: {  	v0 =	vadd.f32 v6, v0  }
0x7e: {  	v9 =	vld [tilespmem:s6+$0x17200]  }
0x7f: {  	v0 =	vadd.f32 v7, v0  }
0x80: {  	v10 =	vld [tilespmem:s6+$0x17280]  }
0x81: {  	v0 =	vadd.f32 v8, v0  }
0x82: {  	v11 =	vld [tilespmem:s6+$0x17300]  }
0x83: {  	v0 =	vadd.f32 v9, v0  }
0x84: {  	v12 =	vld [tilespmem:s6+$0x17380]  }
0x85: {  	v0 =	vadd.f32 v10, v0  }
0x86: {  	v13 =	vld [tilespmem:s6+$0x17400]  }
0x87: {  	v0 =	vadd.f32 v11, v0  }
0x88: {  	v14 =	vld [tilespmem:s6+$0x17480]  }
0x89: {  	v0 =	vadd.f32 v12, v0  }
0x8a: {  	v15 =	vld [tilespmem:s6+$0x17500]  }
0x8b: {  	v0 =	vadd.f32 v13, v0  }
0x8c: {  	v16 =	vld [tilespmem:s6+$0x17580]  }
0x8d: {  	v0 =	vadd.f32 v14, v0  }
0x8e: {  	v17 =	vld [tilespmem:s6+$0x17600]  }
0x8f: {  	v0 =	vadd.f32 v15, v0  }
0x90: {  	v18 =	vld [tilespmem:s6+$0x17680]  }
0x91: {  	v0 =	vadd.f32 v16, v0  }
0x92: {  	v19 =	vld [tilespmem:s6+$0x17700]  }
0x93: {  	v0 =	vadd.f32 v17, v0  }
0x94: {  	v20 =	vld [tilespmem:s6+$0x17780]  }
0x95: {  	v0 =	vadd.f32 v18, v0;
	_ =	sdelay $0x1  }
0x96: {  	v0 =	vadd.f32 v19, v0;
	_ =	sdelay $0x1  }
0x97: {  	s7 =	sshll.u32 s5, $0x7;
	v0 =	vadd.f32 v20, v0  }
0x98: {  	s7 =	sand.u32 $0x3FFFFF80, s7  }
0x99: {  	[tilespmem:s7+$0x1E800] =	vst v0  }
0x9a: {  	v0 =	vld [tilespmem:s6+$0x16810]  }
0x9b: {  	v21 =	vld [tilespmem:s6+$0x16890];
	_ =	sdelay $0x1  }
0x9c: {  	v22 =	vld [tilespmem:s6+$0x16910];
	_ =	sdelay $0x1  }
0x9d: {  	v23 =	vld [tilespmem:s6+$0x16990]  }
0x9e: {  	v0 =	vadd.f32 v21, v0  }
0x9f: {  	v24 =	vld [tilespmem:s6+$0x16A10]  }
0xa0: {  	v0 =	vadd.f32 v22, v0  }
0xa1: {  	v25 =	vld [tilespmem:s6+$0x16A90]  }
0xa2: {  	v0 =	vadd.f32 v23, v0  }
0xa3: {  	v26 =	vld [tilespmem:s6+$0x16B10]  }
0xa4: {  	v0 =	vadd.f32 v24, v0  }
0xa5: {  	v27 =	vld [tilespmem:s6+$0x16B90]  }
0xa6: {  	v0 =	vadd.f32 v25, v0  }
0xa7: {  	v28 =	vld [tilespmem:s6+$0x16C10]  }
0xa8: {  	v0 =	vadd.f32 v26, v0  }
0xa9: {  	v29 =	vld [tilespmem:s6+$0x16C90]  }
0xaa: {  	v0 =	vadd.f32 v27, v0  }
0xab: {  	v30 =	vld [tilespmem:s6+$0x16D10]  }
0xac: {  	v0 =	vadd.f32 v28, v0  }
0xad: {  	v31 =	vld [tilespmem:s6+$0x16D90]  }
0xae: {  	v0 =	vadd.f32 v29, v0  }
0xaf: {  	v32 =	vld [tilespmem:s6+$0x16E10]  }
0xb0: {  	v0 =	vadd.f32 v30, v0  }
0xb1: {  	v33 =	vld [tilespmem:s6+$0x16E90]  }
0xb2: {  	v0 =	vadd.f32 v31, v0  }
0xb3: {  	v34 =	vld [tilespmem:s6+$0x16F10]  }
0xb4: {  	v0 =	vadd.f32 v32, v0  }
0xb5: {  	v35 =	vld [tilespmem:s6+$0x16F90]  }
0xb6: {  	v0 =	vadd.f32 v33, v0  }
0xb7: {  	v36 =	vld [tilespmem:s6+$0x17010]  }
0xb8: {  	v0 =	vadd.f32 v34, v0  }
0xb9: {  	v37 =	vld [tilespmem:s6+$0x17090]  }
0xba: {  	v0 =	vadd.f32 v35, v0  }
0xbb: {  	v38 =	vld [tilespmem:s6+$0x17110]  }
0xbc: {  	v0 =	vadd.f32 v36, v0  }
0xbd: {  	v39 =	vld [tilespmem:s6+$0x17190]  }
0xbe: {  	v0 =	vadd.f32 v37, v0  }
0xbf: {  	v40 =	vld [tilespmem:s6+$0x17210]  }
0xc0: {  	v0 =	vadd.f32 v38, v0  }
0xc1: {  	v41 =	vld [tilespmem:s6+$0x17290]  }
0xc2: {  	v0 =	vadd.f32 v39, v0  }
0xc3: {  	v42 =	vld [tilespmem:s6+$0x17310]  }
0xc4: {  	v0 =	vadd.f32 v40, v0  }
0xc5: {  	v43 =	vld [tilespmem:s6+$0x17390]  }
0xc6: {  	v0 =	vadd.f32 v41, v0  }
0xc7: {  	v44 =	vld [tilespmem:s6+$0x17410]  }
0xc8: {  	v0 =	vadd.f32 v42, v0  }
0xc9: {  	v45 =	vld [tilespmem:s6+$0x17490]  }
0xca: {  	v0 =	vadd.f32 v43, v0  }
0xcb: {  	v46 =	vld [tilespmem:s6+$0x17510]  }
0xcc: {  	v0 =	vadd.f32 v44, v0  }
0xcd: {  	v47 =	vld [tilespmem:s6+$0x17590]  }
0xce: {  	v0 =	vadd.f32 v45, v0  }
0xcf: {  	v48 =	vld [tilespmem:s6+$0x17610]  }
0xd0: {  	v0 =	vadd.f32 v46, v0  }
0xd1: {  	v49 =	vld [tilespmem:s6+$0x17690]  }
0xd2: {  	v0 =	vadd.f32 v47, v0  }
0xd3: {  	v50 =	vld [tilespmem:s6+$0x17710]  }
0xd4: {  	v0 =	vadd.f32 v48, v0  }
0xd5: {  	v51 =	vld [tilespmem:s6+$0x17790]  }
0xd6: {  	v0 =	vadd.f32 v49, v0;
	_ =	sdelay $0x1  }
0xd7: {  	v0 =	vadd.f32 v50, v0;
	_ =	sdelay $0x1  }
0xd8: {  	v0 =	vadd.f32 v51, v0;
	_ =	sdelay $0x1  }
0xd9: {  	[tilespmem:s7+$0x1E810] =	vst v0  }
0xda: {  	v0 =	vld [tilespmem:s6+$0x16820]  }
0xdb: {  	v52 =	vld [tilespmem:s6+$0x168A0];
	_ =	sdelay $0x1  }
0xdc: {  	v53 =	vld [tilespmem:s6+$0x16920];
	_ =	sdelay $0x1  }
0xdd: {  	v54 =	vld [tilespmem:s6+$0x169A0]  }
0xde: {  	v0 =	vadd.f32 v52, v0  }
0xdf: {  	v55 =	vld [tilespmem:s6+$0x16A20]  }
0xe0: {  	v0 =	vadd.f32 v53, v0  }
0xe1: {  	v56 =	vld [tilespmem:s6+$0x16AA0]  }
0xe2: {  	v0 =	vadd.f32 v54, v0  }
0xe3: {  	v57 =	vld [tilespmem:s6+$0x16B20]  }
0xe4: {  	v0 =	vadd.f32 v55, v0  }
0xe5: {  	v58 =	vld [tilespmem:s6+$0x16BA0]  }
0xe6: {  	v0 =	vadd.f32 v56, v0  }
0xe7: {  	v59 =	vld [tilespmem:s6+$0x16C20]  }
0xe8: {  	v0 =	vadd.f32 v57, v0  }
0xe9: {  	v60 =	vld [tilespmem:s6+$0x16CA0]  }
0xea: {  	v0 =	vadd.f32 v58, v0  }
0xeb: {  	v61 =	vld [tilespmem:s6+$0x16D20]  }
0xec: {  	v0 =	vadd.f32 v59, v0  }
0xed: {  	v62 =	vld [tilespmem:s6+$0x16DA0]  }
0xee: {  	v0 =	vadd.f32 v60, v0  }
0xef: {  	v63 =	vld [tilespmem:s6+$0x16E20]  }
0xf0: {  	v0 =	vadd.f32 v61, v0  }
0xf1: {  	v6 =	vld [tilespmem:s6+$0x16EA0]  }
0xf2: {  	v0 =	vadd.f32 v62, v0  }
0xf3: {  	v7 =	vld [tilespmem:s6+$0x16F20]  }
0xf4: {  	v0 =	vadd.f32 v63, v0  }
0xf5: {  	v8 =	vld [tilespmem:s6+$0x16FA0]  }
0xf6: {  	v0 =	vadd.f32 v6, v0  }
0xf7: {  	v9 =	vld [tilespmem:s6+$0x17020]  }
0xf8: {  	v0 =	vadd.f32 v7, v0  }
0xf9: {  	v10 =	vld [tilespmem:s6+$0x170A0]  }
0xfa: {  	v0 =	vadd.f32 v8, v0  }
0xfb: {  	v11 =	vld [tilespmem:s6+$0x17120]  }
0xfc: {  	v0 =	vadd.f32 v9, v0  }
0xfd: {  	v12 =	vld [tilespmem:s6+$0x171A0]  }
0xfe: {  	v0 =	vadd.f32 v10, v0  }
0xff: {  	v13 =	vld [tilespmem:s6+$0x17220]  }
0x100: {  	v0 =	vadd.f32 v11, v0  }
0x101: {  	v14 =	vld [tilespmem:s6+$0x172A0]  }
0x102: {  	v0 =	vadd.f32 v12, v0  }
0x103: {  	v15 =	vld [tilespmem:s6+$0x17320]  }
0x104: {  	v0 =	vadd.f32 v13, v0  }
0x105: {  	v16 =	vld [tilespmem:s6+$0x173A0]  }
0x106: {  	v0 =	vadd.f32 v14, v0  }
0x107: {  	v17 =	vld [tilespmem:s6+$0x17420]  }
0x108: {  	v0 =	vadd.f32 v15, v0  }
0x109: {  	v18 =	vld [tilespmem:s6+$0x174A0]  }
0x10a: {  	v0 =	vadd.f32 v16, v0  }
0x10b: {  	v19 =	vld [tilespmem:s6+$0x17520]  }
0x10c: {  	v0 =	vadd.f32 v17, v0  }
0x10d: {  	v20 =	vld [tilespmem:s6+$0x175A0]  }
0x10e: {  	v0 =	vadd.f32 v18, v0  }
0x10f: {  	v21 =	vld [tilespmem:s6+$0x17620]  }
0x110: {  	v0 =	vadd.f32 v19, v0  }
0x111: {  	v22 =	vld [tilespmem:s6+$0x176A0]  }
0x112: {  	v0 =	vadd.f32 v20, v0  }
0x113: {  	v23 =	vld [tilespmem:s6+$0x17720]  }
0x114: {  	v0 =	vadd.f32 v21, v0  }
0x115: {  	v24 =	vld [tilespmem:s6+$0x177A0]  }
0x116: {  	v0 =	vadd.f32 v22, v0;
	_ =	sdelay $0x1  }
0x117: {  	v0 =	vadd.f32 v23, v0;
	_ =	sdelay $0x1  }
0x118: {  	v0 =	vadd.f32 v24, v0;
	_ =	sdelay $0x1  }
0x119: {  	[tilespmem:s7+$0x1E820] =	vst v0  }
0x11a: {  	v0 =	vld [tilespmem:s6+$0x16830]  }
0x11b: {  	v25 =	vld [tilespmem:s6+$0x168B0];
	_ =	sdelay $0x1  }
0x11c: {  	v26 =	vld [tilespmem:s6+$0x16930];
	_ =	sdelay $0x1  }
0x11d: {  	v27 =	vld [tilespmem:s6+$0x169B0]  }
0x11e: {  	v0 =	vadd.f32 v25, v0  }
0x11f: {  	v28 =	vld [tilespmem:s6+$0x16A30]  }
0x120: {  	v0 =	vadd.f32 v26, v0  }
0x121: {  	v29 =	vld [tilespmem:s6+$0x16AB0]  }
0x122: {  	v0 =	vadd.f32 v27, v0  }
0x123: {  	v30 =	vld [tilespmem:s6+$0x16B30]  }
0x124: {  	v0 =	vadd.f32 v28, v0  }
0x125: {  	v31 =	vld [tilespmem:s6+$0x16BB0]  }
0x126: {  	v0 =	vadd.f32 v29, v0  }
0x127: {  	v32 =	vld [tilespmem:s6+$0x16C30]  }
0x128: {  	v0 =	vadd.f32 v30, v0  }
0x129: {  	v33 =	vld [tilespmem:s6+$0x16CB0]  }
0x12a: {  	v0 =	vadd.f32 v31, v0  }
0x12b: {  	v34 =	vld [tilespmem:s6+$0x16D30]  }
0x12c: {  	v0 =	vadd.f32 v32, v0  }
0x12d: {  	v35 =	vld [tilespmem:s6+$0x16DB0]  }
0x12e: {  	v0 =	vadd.f32 v33, v0  }
0x12f: {  	v36 =	vld [tilespmem:s6+$0x16E30]  }
0x130: {  	v0 =	vadd.f32 v34, v0  }
0x131: {  	v37 =	vld [tilespmem:s6+$0x16EB0]  }
0x132: {  	v0 =	vadd.f32 v35, v0  }
0x133: {  	v38 =	vld [tilespmem:s6+$0x16F30]  }
0x134: {  	v0 =	vadd.f32 v36, v0  }
0x135: {  	v39 =	vld [tilespmem:s6+$0x16FB0]  }
0x136: {  	v0 =	vadd.f32 v37, v0  }
0x137: {  	v40 =	vld [tilespmem:s6+$0x17030]  }
0x138: {  	v0 =	vadd.f32 v38, v0  }
0x139: {  	v41 =	vld [tilespmem:s6+$0x170B0]  }
0x13a: {  	v0 =	vadd.f32 v39, v0  }
0x13b: {  	v42 =	vld [tilespmem:s6+$0x17130]  }
0x13c: {  	v0 =	vadd.f32 v40, v0  }
0x13d: {  	v43 =	vld [tilespmem:s6+$0x171B0]  }
0x13e: {  	v0 =	vadd.f32 v41, v0  }
0x13f: {  	v44 =	vld [tilespmem:s6+$0x17230]  }
0x140: {  	v0 =	vadd.f32 v42, v0  }
0x141: {  	v45 =	vld [tilespmem:s6+$0x172B0]  }
0x142: {  	v0 =	vadd.f32 v43, v0  }
0x143: {  	v46 =	vld [tilespmem:s6+$0x17330]  }
0x144: {  	v0 =	vadd.f32 v44, v0  }
0x145: {  	v47 =	vld [tilespmem:s6+$0x173B0]  }
0x146: {  	v0 =	vadd.f32 v45, v0  }
0x147: {  	v48 =	vld [tilespmem:s6+$0x17430]  }
0x148: {  	v0 =	vadd.f32 v46, v0  }
0x149: {  	v49 =	vld [tilespmem:s6+$0x174B0]  }
0x14a: {  	v0 =	vadd.f32 v47, v0  }
0x14b: {  	v50 =	vld [tilespmem:s6+$0x17530]  }
0x14c: {  	v0 =	vadd.f32 v48, v0  }
0x14d: {  	v51 =	vld [tilespmem:s6+$0x175B0]  }
0x14e: {  	v0 =	vadd.f32 v49, v0  }
0x14f: {  	v52 =	vld [tilespmem:s6+$0x17630]  }
0x150: {  	v0 =	vadd.f32 v50, v0  }
0x151: {  	v53 =	vld [tilespmem:s6+$0x176B0]  }
0x152: {  	v0 =	vadd.f32 v51, v0  }
0x153: {  	v54 =	vld [tilespmem:s6+$0x17730]  }
0x154: {  	v0 =	vadd.f32 v52, v0  }
0x155: {  	v55 =	vld [tilespmem:s6+$0x177B0]  }
0x156: {  	v0 =	vadd.f32 v53, v0;
	_ =	sdelay $0x1  }
0x157: {  	v0 =	vadd.f32 v54, v0;
	_ =	sdelay $0x1  }
0x158: {  	v0 =	vadd.f32 v55, v0;
	_ =	sdelay $0x1  }
0x159: {  	[tilespmem:s7+$0x1E830] =	vst v0  }
0x15a: {  	v0 =	vld [tilespmem:s6+$0x16840]  }
0x15b: {  	v56 =	vld [tilespmem:s6+$0x168C0];
	_ =	sdelay $0x1  }
0x15c: {  	v57 =	vld [tilespmem:s6+$0x16940];
	_ =	sdelay $0x1  }
0x15d: {  	v58 =	vld [tilespmem:s6+$0x169C0]  }
0x15e: {  	v0 =	vadd.f32 v56, v0  }
0x15f: {  	v59 =	vld [tilespmem:s6+$0x16A40]  }
0x160: {  	v0 =	vadd.f32 v57, v0  }
0x161: {  	v60 =	vld [tilespmem:s6+$0x16AC0]  }
0x162: {  	v0 =	vadd.f32 v58, v0  }
0x163: {  	v61 =	vld [tilespmem:s6+$0x16B40]  }
0x164: {  	v0 =	vadd.f32 v59, v0  }
0x165: {  	v62 =	vld [tilespmem:s6+$0x16BC0]  }
0x166: {  	v0 =	vadd.f32 v60, v0  }
0x167: {  	v63 =	vld [tilespmem:s6+$0x16C40]  }
0x168: {  	v0 =	vadd.f32 v61, v0  }
0x169: {  	v6 =	vld [tilespmem:s6+$0x16CC0]  }
0x16a: {  	v0 =	vadd.f32 v62, v0  }
0x16b: {  	v7 =	vld [tilespmem:s6+$0x16D40]  }
0x16c: {  	v0 =	vadd.f32 v63, v0  }
0x16d: {  	v8 =	vld [tilespmem:s6+$0x16DC0]  }
0x16e: {  	v0 =	vadd.f32 v6, v0  }
0x16f: {  	v9 =	vld [tilespmem:s6+$0x16E40]  }
0x170: {  	v0 =	vadd.f32 v7, v0  }
0x171: {  	v10 =	vld [tilespmem:s6+$0x16EC0]  }
0x172: {  	v0 =	vadd.f32 v8, v0  }
0x173: {  	v11 =	vld [tilespmem:s6+$0x16F40]  }
0x174: {  	v0 =	vadd.f32 v9, v0  }
0x175: {  	v12 =	vld [tilespmem:s6+$0x16FC0]  }
0x176: {  	v0 =	vadd.f32 v10, v0  }
0x177: {  	v13 =	vld [tilespmem:s6+$0x17040]  }
0x178: {  	v0 =	vadd.f32 v11, v0  }
0x179: {  	v14 =	vld [tilespmem:s6+$0x170C0]  }
0x17a: {  	v0 =	vadd.f32 v12, v0  }
0x17b: {  	v15 =	vld [tilespmem:s6+$0x17140]  }
0x17c: {  	v0 =	vadd.f32 v13, v0  }
0x17d: {  	v16 =	vld [tilespmem:s6+$0x171C0]  }
0x17e: {  	v0 =	vadd.f32 v14, v0  }
0x17f: {  	v17 =	vld [tilespmem:s6+$0x17240]  }
0x180: {  	v0 =	vadd.f32 v15, v0  }
0x181: {  	v18 =	vld [tilespmem:s6+$0x172C0]  }
0x182: {  	v0 =	vadd.f32 v16, v0  }
0x183: {  	v19 =	vld [tilespmem:s6+$0x17340]  }
0x184: {  	v0 =	vadd.f32 v17, v0  }
0x185: {  	v20 =	vld [tilespmem:s6+$0x173C0]  }
0x186: {  	v0 =	vadd.f32 v18, v0  }
0x187: {  	v21 =	vld [tilespmem:s6+$0x17440]  }
0x188: {  	v0 =	vadd.f32 v19, v0  }
0x189: {  	v22 =	vld [tilespmem:s6+$0x174C0]  }
0x18a: {  	v0 =	vadd.f32 v20, v0  }
0x18b: {  	v23 =	vld [tilespmem:s6+$0x17540]  }
0x18c: {  	v0 =	vadd.f32 v21, v0  }
0x18d: {  	v24 =	vld [tilespmem:s6+$0x175C0]  }
0x18e: {  	v0 =	vadd.f32 v22, v0  }
0x18f: {  	v25 =	vld [tilespmem:s6+$0x17640]  }
0x190: {  	v0 =	vadd.f32 v23, v0  }
0x191: {  	v26 =	vld [tilespmem:s6+$0x176C0]  }
0x192: {  	v0 =	vadd.f32 v24, v0  }
0x193: {  	v27 =	vld [tilespmem:s6+$0x17740]  }
0x194: {  	v0 =	vadd.f32 v25, v0  }
0x195: {  	v28 =	vld [tilespmem:s6+$0x177C0]  }
0x196: {  	v0 =	vadd.f32 v26, v0;
	_ =	sdelay $0x1  }
0x197: {  	v0 =	vadd.f32 v27, v0;
	_ =	sdelay $0x1  }
0x198: {  	v0 =	vadd.f32 v28, v0;
	_ =	sdelay $0x1  }
0x199: {  	[tilespmem:s7+$0x1E840] =	vst v0  }
0x19a: {  	v0 =	vld [tilespmem:s6+$0x16850]  }
0x19b: {  	v29 =	vld [tilespmem:s6+$0x168D0];
	_ =	sdelay $0x1  }
0x19c: {  	v30 =	vld [tilespmem:s6+$0x16950];
	_ =	sdelay $0x1  }
0x19d: {  	v31 =	vld [tilespmem:s6+$0x169D0]  }
0x19e: {  	v0 =	vadd.f32 v29, v0  }
0x19f: {  	v32 =	vld [tilespmem:s6+$0x16A50]  }
0x1a0: {  	v0 =	vadd.f32 v30, v0  }
0x1a1: {  	v33 =	vld [tilespmem:s6+$0x16AD0]  }
0x1a2: {  	v0 =	vadd.f32 v31, v0  }
0x1a3: {  	v34 =	vld [tilespmem:s6+$0x16B50]  }
0x1a4: {  	v0 =	vadd.f32 v32, v0  }
0x1a5: {  	v35 =	vld [tilespmem:s6+$0x16BD0]  }
0x1a6: {  	v0 =	vadd.f32 v33, v0  }
0x1a7: {  	v36 =	vld [tilespmem:s6+$0x16C50]  }
0x1a8: {  	v0 =	vadd.f32 v34, v0  }
0x1a9: {  	v37 =	vld [tilespmem:s6+$0x16CD0]  }
0x1aa: {  	v0 =	vadd.f32 v35, v0  }
0x1ab: {  	v38 =	vld [tilespmem:s6+$0x16D50]  }
0x1ac: {  	v0 =	vadd.f32 v36, v0  }
0x1ad: {  	v39 =	vld [tilespmem:s6+$0x16DD0]  }
0x1ae: {  	v0 =	vadd.f32 v37, v0  }
0x1af: {  	v40 =	vld [tilespmem:s6+$0x16E50]  }
0x1b0: {  	v0 =	vadd.f32 v38, v0  }
0x1b1: {  	v41 =	vld [tilespmem:s6+$0x16ED0]  }
0x1b2: {  	v0 =	vadd.f32 v39, v0  }
0x1b3: {  	v42 =	vld [tilespmem:s6+$0x16F50]  }
0x1b4: {  	v0 =	vadd.f32 v40, v0  }
0x1b5: {  	v43 =	vld [tilespmem:s6+$0x16FD0]  }
0x1b6: {  	v0 =	vadd.f32 v41, v0  }
0x1b7: {  	v44 =	vld [tilespmem:s6+$0x17050]  }
0x1b8: {  	v0 =	vadd.f32 v42, v0  }
0x1b9: {  	v45 =	vld [tilespmem:s6+$0x170D0]  }
0x1ba: {  	v0 =	vadd.f32 v43, v0  }
0x1bb: {  	v46 =	vld [tilespmem:s6+$0x17150]  }
0x1bc: {  	v0 =	vadd.f32 v44, v0  }
0x1bd: {  	v47 =	vld [tilespmem:s6+$0x171D0]  }
0x1be: {  	v0 =	vadd.f32 v45, v0  }
0x1bf: {  	v48 =	vld [tilespmem:s6+$0x17250]  }
0x1c0: {  	v0 =	vadd.f32 v46, v0  }
0x1c1: {  	v49 =	vld [tilespmem:s6+$0x172D0]  }
0x1c2: {  	v0 =	vadd.f32 v47, v0  }
0x1c3: {  	v50 =	vld [tilespmem:s6+$0x17350]  }
0x1c4: {  	v0 =	vadd.f32 v48, v0  }
0x1c5: {  	v51 =	vld [tilespmem:s6+$0x173D0]  }
0x1c6: {  	v0 =	vadd.f32 v49, v0  }
0x1c7: {  	v52 =	vld [tilespmem:s6+$0x17450]  }
0x1c8: {  	v0 =	vadd.f32 v50, v0  }
0x1c9: {  	v53 =	vld [tilespmem:s6+$0x174D0]  }
0x1ca: {  	v0 =	vadd.f32 v51, v0  }
0x1cb: {  	v54 =	vld [tilespmem:s6+$0x17550]  }
0x1cc: {  	v0 =	vadd.f32 v52, v0  }
0x1cd: {  	v55 =	vld [tilespmem:s6+$0x175D0]  }
0x1ce: {  	v0 =	vadd.f32 v53, v0  }
0x1cf: {  	v56 =	vld [tilespmem:s6+$0x17650]  }
0x1d0: {  	v0 =	vadd.f32 v54, v0  }
0x1d1: {  	v57 =	vld [tilespmem:s6+$0x176D0]  }
0x1d2: {  	v0 =	vadd.f32 v55, v0  }
0x1d3: {  	v58 =	vld [tilespmem:s6+$0x17750]  }
0x1d4: {  	v0 =	vadd.f32 v56, v0  }
0x1d5: {  	v59 =	vld [tilespmem:s6+$0x177D0]  }
0x1d6: {  	v0 =	vadd.f32 v57, v0;
	_ =	sdelay $0x1  }
0x1d7: {  	v0 =	vadd.f32 v58, v0;
	_ =	sdelay $0x1  }
0x1d8: {  	v0 =	vadd.f32 v59, v0;
	_ =	sdelay $0x1  }
0x1d9: {  	[tilespmem:s7+$0x1E850] =	vst v0  }
0x1da: {  	v0 =	vld [tilespmem:s6+$0x16860]  }
0x1db: {  	v60 =	vld [tilespmem:s6+$0x168E0];
	_ =	sdelay $0x1  }
0x1dc: {  	v61 =	vld [tilespmem:s6+$0x16960];
	_ =	sdelay $0x1  }
0x1dd: {  	v62 =	vld [tilespmem:s6+$0x169E0]  }
0x1de: {  	v0 =	vadd.f32 v60, v0  }
0x1df: {  	v63 =	vld [tilespmem:s6+$0x16A60]  }
0x1e0: {  	v0 =	vadd.f32 v61, v0  }
0x1e1: {  	v6 =	vld [tilespmem:s6+$0x16AE0]  }
0x1e2: {  	v0 =	vadd.f32 v62, v0  }
0x1e3: {  	v7 =	vld [tilespmem:s6+$0x16B60]  }
0x1e4: {  	v0 =	vadd.f32 v63, v0  }
0x1e5: {  	v8 =	vld [tilespmem:s6+$0x16BE0]  }
0x1e6: {  	v0 =	vadd.f32 v6, v0  }
0x1e7: {  	v9 =	vld [tilespmem:s6+$0x16C60]  }
0x1e8: {  	v0 =	vadd.f32 v7, v0  }
0x1e9: {  	v10 =	vld [tilespmem:s6+$0x16CE0]  }
0x1ea: {  	v0 =	vadd.f32 v8, v0  }
0x1eb: {  	v11 =	vld [tilespmem:s6+$0x16D60]  }
0x1ec: {  	v0 =	vadd.f32 v9, v0  }
0x1ed: {  	v12 =	vld [tilespmem:s6+$0x16DE0]  }
0x1ee: {  	v0 =	vadd.f32 v10, v0  }
0x1ef: {  	v13 =	vld [tilespmem:s6+$0x16E60]  }
0x1f0: {  	v0 =	vadd.f32 v11, v0  }
0x1f1: {  	v14 =	vld [tilespmem:s6+$0x16EE0]  }
0x1f2: {  	v0 =	vadd.f32 v12, v0  }
0x1f3: {  	v15 =	vld [tilespmem:s6+$0x16F60]  }
0x1f4: {  	v0 =	vadd.f32 v13, v0  }
0x1f5: {  	v16 =	vld [tilespmem:s6+$0x16FE0]  }
0x1f6: {  	v0 =	vadd.f32 v14, v0  }
0x1f7: {  	v17 =	vld [tilespmem:s6+$0x17060]  }
0x1f8: {  	v0 =	vadd.f32 v15, v0  }
0x1f9: {  	v18 =	vld [tilespmem:s6+$0x170E0]  }
0x1fa: {  	v0 =	vadd.f32 v16, v0  }
0x1fb: {  	v19 =	vld [tilespmem:s6+$0x17160]  }
0x1fc: {  	v0 =	vadd.f32 v17, v0  }
0x1fd: {  	v20 =	vld [tilespmem:s6+$0x171E0]  }
0x1fe: {  	v0 =	vadd.f32 v18, v0  }
0x1ff: {  	v21 =	vld [tilespmem:s6+$0x17260]  }
0x200: {  	v0 =	vadd.f32 v19, v0  }
0x201: {  	v22 =	vld [tilespmem:s6+$0x172E0]  }
0x202: {  	v0 =	vadd.f32 v20, v0  }
0x203: {  	v23 =	vld [tilespmem:s6+$0x17360]  }
0x204: {  	v0 =	vadd.f32 v21, v0  }
0x205: {  	v24 =	vld [tilespmem:s6+$0x173E0]  }
0x206: {  	v0 =	vadd.f32 v22, v0  }
0x207: {  	v25 =	vld [tilespmem:s6+$0x17460]  }
0x208: {  	v0 =	vadd.f32 v23, v0  }
0x209: {  	v26 =	vld [tilespmem:s6+$0x174E0]  }
0x20a: {  	v0 =	vadd.f32 v24, v0  }
0x20b: {  	v27 =	vld [tilespmem:s6+$0x17560]  }
0x20c: {  	v0 =	vadd.f32 v25, v0  }
0x20d: {  	v28 =	vld [tilespmem:s6+$0x175E0]  }
0x20e: {  	v0 =	vadd.f32 v26, v0  }
0x20f: {  	v29 =	vld [tilespmem:s6+$0x17660]  }
0x210: {  	v0 =	vadd.f32 v27, v0  }
0x211: {  	v30 =	vld [tilespmem:s6+$0x176E0]  }
0x212: {  	v0 =	vadd.f32 v28, v0  }
0x213: {  	v31 =	vld [tilespmem:s6+$0x17760]  }
0x214: {  	v0 =	vadd.f32 v29, v0  }
0x215: {  	v32 =	vld [tilespmem:s6+$0x177E0]  }
0x216: {  	v0 =	vadd.f32 v30, v0;
	_ =	sdelay $0x1  }
0x217: {  	v0 =	vadd.f32 v31, v0;
	_ =	sdelay $0x1  }
0x218: {  	v0 =	vadd.f32 v32, v0;
	_ =	sdelay $0x1  }
0x219: {  	[tilespmem:s7+$0x1E860] =	vst v0  }
0x21a: {  	v0 =	vld [tilespmem:s6+$0x16870]  }
0x21b: {  	v33 =	vld [tilespmem:s6+$0x168F0];
	_ =	sdelay $0x1  }
0x21c: {  	v34 =	vld [tilespmem:s6+$0x16970];
	_ =	sdelay $0x1  }
0x21d: {  	v35 =	vld [tilespmem:s6+$0x169F0]  }
0x21e: {  	v0 =	vadd.f32 v33, v0  }
0x21f: {  	v36 =	vld [tilespmem:s6+$0x16A70]  }
0x220: {  	v0 =	vadd.f32 v34, v0  }
0x221: {  	v37 =	vld [tilespmem:s6+$0x16AF0]  }
0x222: {  	v0 =	vadd.f32 v35, v0  }
0x223: {  	v38 =	vld [tilespmem:s6+$0x16B70]  }
0x224: {  	v0 =	vadd.f32 v36, v0  }
0x225: {  	v39 =	vld [tilespmem:s6+$0x16BF0]  }
0x226: {  	v0 =	vadd.f32 v37, v0  }
0x227: {  	v40 =	vld [tilespmem:s6+$0x16C70]  }
0x228: {  	v0 =	vadd.f32 v38, v0  }
0x229: {  	v41 =	vld [tilespmem:s6+$0x16CF0]  }
0x22a: {  	v0 =	vadd.f32 v39, v0  }
0x22b: {  	v42 =	vld [tilespmem:s6+$0x16D70]  }
0x22c: {  	v0 =	vadd.f32 v40, v0  }
0x22d: {  	v43 =	vld [tilespmem:s6+$0x16DF0]  }
0x22e: {  	v0 =	vadd.f32 v41, v0  }
0x22f: {  	v44 =	vld [tilespmem:s6+$0x16E70]  }
0x230: {  	v0 =	vadd.f32 v42, v0  }
0x231: {  	v45 =	vld [tilespmem:s6+$0x16EF0]  }
0x232: {  	v0 =	vadd.f32 v43, v0  }
0x233: {  	v46 =	vld [tilespmem:s6+$0x16F70]  }
0x234: {  	v0 =	vadd.f32 v44, v0  }
0x235: {  	v47 =	vld [tilespmem:s6+$0x16FF0]  }
0x236: {  	v0 =	vadd.f32 v45, v0  }
0x237: {  	v48 =	vld [tilespmem:s6+$0x17070]  }
0x238: {  	v0 =	vadd.f32 v46, v0  }
0x239: {  	v49 =	vld [tilespmem:s6+$0x170F0]  }
0x23a: {  	v0 =	vadd.f32 v47, v0  }
0x23b: {  	v50 =	vld [tilespmem:s6+$0x17170]  }
0x23c: {  	v0 =	vadd.f32 v48, v0  }
0x23d: {  	v51 =	vld [tilespmem:s6+$0x171F0]  }
0x23e: {  	v0 =	vadd.f32 v49, v0  }
0x23f: {  	v52 =	vld [tilespmem:s6+$0x17270]  }
0x240: {  	v0 =	vadd.f32 v50, v0  }
0x241: {  	v53 =	vld [tilespmem:s6+$0x172F0]  }
0x242: {  	v0 =	vadd.f32 v51, v0  }
0x243: {  	v54 =	vld [tilespmem:s6+$0x17370]  }
0x244: {  	v0 =	vadd.f32 v52, v0  }
0x245: {  	v55 =	vld [tilespmem:s6+$0x173F0]  }
0x246: {  	v0 =	vadd.f32 v53, v0  }
0x247: {  	v56 =	vld [tilespmem:s6+$0x17470]  }
0x248: {  	v0 =	vadd.f32 v54, v0  }
0x249: {  	v57 =	vld [tilespmem:s6+$0x174F0]  }
0x24a: {  	v0 =	vadd.f32 v55, v0  }
0x24b: {  	v58 =	vld [tilespmem:s6+$0x17570]  }
0x24c: {  	v0 =	vadd.f32 v56, v0  }
0x24d: {  	v59 =	vld [tilespmem:s6+$0x175F0]  }
0x24e: {  	v0 =	vadd.f32 v57, v0  }
0x24f: {  	v60 =	vld [tilespmem:s6+$0x17670]  }
0x250: {  	v0 =	vadd.f32 v58, v0  }
0x251: {  	v61 =	vld [tilespmem:s6+$0x176F0]  }
0x252: {  	v0 =	vadd.f32 v59, v0  }
0x253: {  	v62 =	vld [tilespmem:s6+$0x17770]  }
0x254: {  	v0 =	vadd.f32 v60, v0  }
0x255: {  	v63 =	vld [tilespmem:s6+$0x177F0]  }
0x256: {  	v0 =	vadd.f32 v61, v0  }
0x257: {  	p1 =	sne.s32 s5, $0x3  }
.Ltmp2:
0x258: {  	v0 =	vadd.f32 v62, v0;
	(pc) =	sbr.rel @p1 .LBB2_3-.Ltmp2, $3  }
0x259: {  	_ = 	snop  }
0x25a: {  	v0 =	vadd.f32 v63, v0;
	_ =	sdelay $0x1  }
0x25b: {  	s5 =	sadd.s32 $0x1, s5;
	[tilespmem:s7+$0x1E870] =	vst v0  }
0x25c: {  	p1 =	sne.s32 s2, $0x27  }
.Ltmp3:
0x25d: {  	_ = 	snop;
	(pc) =	sbr.rel @p1 .LBB2_6-.Ltmp3, $4  }
0x25e: {  	s5 =	sadd.s32 s16, s2  }
0x25f: {  	s5 =	sshll.u32 s5, $0x7  }
0x260: {  	s5 =	sadd.s32 s4, s5  }
0x261: {  	[hbm4b:s5+s3] =	stream.linear.scatter [tilespmem:s28], [sflag:$0x3], $0x200, $0x38;
	[tilespmem:$0x1EC00] =	vst v63  }
.Ltmp4:
0x262: {  	(pc) =	sbr.rel .LBB2_7-.Ltmp4, $4  }
0x263: {  	_ = 	snop  }
0x264: {  	_ =	swait.ge [sflag:s23], $0x4000  }
0x265: {  	[sflag:s23] =	ssyncset.done $0x0  }
0x266: {  	[sflag:s23] =	ssyncadd.s32 $0xFFFFC000  }
.LBB2_6:
0x267: {  	s5 =	sshrl.u32 s26, $0x2  }
.Ltmp5:
0x268: {  	s5 =	sadd.s32 $0x14100, s5;
	(pc) =	sbr.rel @p0 .LBB2_8-.Ltmp5, $4  }
0x269: {  	[tilespmem:s19], [sflag:$0x1] =	stream.indirect.gather [spmem:s1], $0x80, s5, s25, $0xb8;
	[tilespmem:$0x1EC00] =	vst v63  }
0x26a: {  	_ =	swait.ge [sflag:s23], $0x4000  }
0x26b: {  	[sflag:s23] =	ssyncset.done $0x0  }
0x26c: {  	[sflag:s23] =	ssyncadd.s32 $0xFFFFC000  }
.LBB2_7:
0x26d: {  	_ =	swait.ge [sflag:s29], $0x200  }
0x26e: {  	[sflag:s29] =	ssyncset.done $0x0  }
0x26f: {  	[sflag:s29] =	ssyncadd.s32 $0xFFFFFE00  }
.LBB2_8:
0x270: {  	s5 =	simm.s32 $0x0  }
.LBB2_9:
0x271: {  	s6 =	sshll.u32 s5, $0xC  }
0x272: {  	s6 =	sand.u32 $0x3FFFF000, s6  }
0x273: {  	v0 =	vld [tilespmem:s6+$0x1A800]  }
0x274: {  	v1 =	vld [tilespmem:s6+$0x1A880];
	_ =	sdelay $0x1  }
0x275: {  	v2 =	vld [tilespmem:s6+$0x1A900];
	_ =	sdelay $0x1  }
0x276: {  	v3 =	vld [tilespmem:s6+$0x1A980]  }
0x277: {  	v0 =	vadd.f32 v1, v0  }
0x278: {  	v51 =	vld [tilespmem:s6+$0x1AA00]  }
0x279: {  	v0 =	vadd.f32 v2, v0  }
0x27a: {  	v52 =	vld [tilespmem:s6+$0x1AA80]  }
0x27b: {  	v0 =	vadd.f32 v3, v0  }
0x27c: {  	v53 =	vld [tilespmem:s6+$0x1AB00]  }
0x27d: {  	v0 =	vadd.f32 v51, v0  }
0x27e: {  	v54 =	vld [tilespmem:s6+$0x1AB80]  }
0x27f: {  	v0 =	vadd.f32 v52, v0  }
0x280: {  	v55 =	vld [tilespmem:s6+$0x1AC00]  }
0x281: {  	v0 =	vadd.f32 v53, v0  }
0x282: {  	v56 =	vld [tilespmem:s6+$0x1AC80]  }
0x283: {  	v0 =	vadd.f32 v54, v0  }
0x284: {  	v57 =	vld [tilespmem:s6+$0x1AD00]  }
0x285: {  	v0 =	vadd.f32 v55, v0  }
0x286: {  	v58 =	vld [tilespmem:s6+$0x1AD80]  }
0x287: {  	v0 =	vadd.f32 v56, v0  }
0x288: {  	v59 =	vld [tilespmem:s6+$0x1AE00]  }
0x289: {  	v0 =	vadd.f32 v57, v0  }
0x28a: {  	v60 =	vld [tilespmem:s6+$0x1AE80]  }
0x28b: {  	v0 =	vadd.f32 v58, v0  }
0x28c: {  	v61 =	vld [tilespmem:s6+$0x1AF00]  }
0x28d: {  	v0 =	vadd.f32 v59, v0  }
0x28e: {  	v62 =	vld [tilespmem:s6+$0x1AF80]  }
0x28f: {  	v0 =	vadd.f32 v60, v0  }
0x290: {  	v63 =	vld [tilespmem:s6+$0x1B000]  }
0x291: {  	v0 =	vadd.f32 v61, v0  }
0x292: {  	v6 =	vld [tilespmem:s6+$0x1B080]  }
0x293: {  	v0 =	vadd.f32 v62, v0  }
0x294: {  	v7 =	vld [tilespmem:s6+$0x1B100]  }
0x295: {  	v0 =	vadd.f32 v63, v0  }
0x296: {  	v8 =	vld [tilespmem:s6+$0x1B180]  }
0x297: {  	v0 =	vadd.f32 v6, v0  }
0x298: {  	v9 =	vld [tilespmem:s6+$0x1B200]  }
0x299: {  	v0 =	vadd.f32 v7, v0  }
0x29a: {  	v10 =	vld [tilespmem:s6+$0x1B280]  }
0x29b: {  	v0 =	vadd.f32 v8, v0  }
0x29c: {  	v11 =	vld [tilespmem:s6+$0x1B300]  }
0x29d: {  	v0 =	vadd.f32 v9, v0  }
0x29e: {  	v12 =	vld [tilespmem:s6+$0x1B380]  }
0x29f: {  	v0 =	vadd.f32 v10, v0  }
0x2a0: {  	v13 =	vld [tilespmem:s6+$0x1B400]  }
0x2a1: {  	v0 =	vadd.f32 v11, v0  }
0x2a2: {  	v14 =	vld [tilespmem:s6+$0x1B480]  }
0x2a3: {  	v0 =	vadd.f32 v12, v0  }
0x2a4: {  	v15 =	vld [tilespmem:s6+$0x1B500]  }
0x2a5: {  	v0 =	vadd.f32 v13, v0  }
0x2a6: {  	v16 =	vld [tilespmem:s6+$0x1B580]  }
0x2a7: {  	v0 =	vadd.f32 v14, v0  }
0x2a8: {  	v17 =	vld [tilespmem:s6+$0x1B600]  }
0x2a9: {  	v0 =	vadd.f32 v15, v0  }
0x2aa: {  	v18 =	vld [tilespmem:s6+$0x1B680]  }
0x2ab: {  	v0 =	vadd.f32 v16, v0  }
0x2ac: {  	v19 =	vld [tilespmem:s6+$0x1B700]  }
0x2ad: {  	v0 =	vadd.f32 v17, v0  }
0x2ae: {  	v20 =	vld [tilespmem:s6+$0x1B780]  }
0x2af: {  	v0 =	vadd.f32 v18, v0;
	_ =	sdelay $0x1  }
0x2b0: {  	v0 =	vadd.f32 v19, v0;
	_ =	sdelay $0x1  }
0x2b1: {  	s7 =	sshll.u32 s5, $0x7;
	v0 =	vadd.f32 v20, v0  }
0x2b2: {  	s7 =	sand.u32 $0x3FFFFF80, s7  }
0x2b3: {  	[tilespmem:s7+$0x1EA00] =	vst v0  }
0x2b4: {  	v0 =	vld [tilespmem:s6+$0x1A810]  }
0x2b5: {  	v21 =	vld [tilespmem:s6+$0x1A890];
	_ =	sdelay $0x1  }
0x2b6: {  	v22 =	vld [tilespmem:s6+$0x1A910];
	_ =	sdelay $0x1  }
0x2b7: {  	v23 =	vld [tilespmem:s6+$0x1A990]  }
0x2b8: {  	v0 =	vadd.f32 v21, v0  }
0x2b9: {  	v24 =	vld [tilespmem:s6+$0x1AA10]  }
0x2ba: {  	v0 =	vadd.f32 v22, v0  }
0x2bb: {  	v25 =	vld [tilespmem:s6+$0x1AA90]  }
0x2bc: {  	v0 =	vadd.f32 v23, v0  }
0x2bd: {  	v26 =	vld [tilespmem:s6+$0x1AB10]  }
0x2be: {  	v0 =	vadd.f32 v24, v0  }
0x2bf: {  	v27 =	vld [tilespmem:s6+$0x1AB90]  }
0x2c0: {  	v0 =	vadd.f32 v25, v0  }
0x2c1: {  	v28 =	vld [tilespmem:s6+$0x1AC10]  }
0x2c2: {  	v0 =	vadd.f32 v26, v0  }
0x2c3: {  	v29 =	vld [tilespmem:s6+$0x1AC90]  }
0x2c4: {  	v0 =	vadd.f32 v27, v0  }
0x2c5: {  	v30 =	vld [tilespmem:s6+$0x1AD10]  }
0x2c6: {  	v0 =	vadd.f32 v28, v0  }
0x2c7: {  	v31 =	vld [tilespmem:s6+$0x1AD90]  }
0x2c8: {  	v0 =	vadd.f32 v29, v0  }
0x2c9: {  	v32 =	vld [tilespmem:s6+$0x1AE10]  }
0x2ca: {  	v0 =	vadd.f32 v30, v0  }
0x2cb: {  	v33 =	vld [tilespmem:s6+$0x1AE90]  }
0x2cc: {  	v0 =	vadd.f32 v31, v0  }
0x2cd: {  	v34 =	vld [tilespmem:s6+$0x1AF10]  }
0x2ce: {  	v0 =	vadd.f32 v32, v0  }
0x2cf: {  	v35 =	vld [tilespmem:s6+$0x1AF90]  }
0x2d0: {  	v0 =	vadd.f32 v33, v0  }
0x2d1: {  	v36 =	vld [tilespmem:s6+$0x1B010]  }
0x2d2: {  	v0 =	vadd.f32 v34, v0  }
0x2d3: {  	v37 =	vld [tilespmem:s6+$0x1B090]  }
0x2d4: {  	v0 =	vadd.f32 v35, v0  }
0x2d5: {  	v38 =	vld [tilespmem:s6+$0x1B110]  }
0x2d6: {  	v0 =	vadd.f32 v36, v0  }
0x2d7: {  	v39 =	vld [tilespmem:s6+$0x1B190]  }
0x2d8: {  	v0 =	vadd.f32 v37, v0  }
0x2d9: {  	v40 =	vld [tilespmem:s6+$0x1B210]  }
0x2da: {  	v0 =	vadd.f32 v38, v0  }
0x2db: {  	v41 =	vld [tilespmem:s6+$0x1B290]  }
0x2dc: {  	v0 =	vadd.f32 v39, v0  }
0x2dd: {  	v42 =	vld [tilespmem:s6+$0x1B310]  }
0x2de: {  	v0 =	vadd.f32 v40, v0  }
0x2df: {  	v43 =	vld [tilespmem:s6+$0x1B390]  }
0x2e0: {  	v0 =	vadd.f32 v41, v0  }
0x2e1: {  	v44 =	vld [tilespmem:s6+$0x1B410]  }
0x2e2: {  	v0 =	vadd.f32 v42, v0  }
0x2e3: {  	v45 =	vld [tilespmem:s6+$0x1B490]  }
0x2e4: {  	v0 =	vadd.f32 v43, v0  }
0x2e5: {  	v46 =	vld [tilespmem:s6+$0x1B510]  }
0x2e6: {  	v0 =	vadd.f32 v44, v0  }
0x2e7: {  	v47 =	vld [tilespmem:s6+$0x1B590]  }
0x2e8: {  	v0 =	vadd.f32 v45, v0  }
0x2e9: {  	v48 =	vld [tilespmem:s6+$0x1B610]  }
0x2ea: {  	v0 =	vadd.f32 v46, v0  }
0x2eb: {  	v49 =	vld [tilespmem:s6+$0x1B690]  }
0x2ec: {  	v0 =	vadd.f32 v47, v0  }
0x2ed: {  	v50 =	vld [tilespmem:s6+$0x1B710]  }
0x2ee: {  	v0 =	vadd.f32 v48, v0  }
0x2ef: {  	v51 =	vld [tilespmem:s6+$0x1B790]  }
0x2f0: {  	v0 =	vadd.f32 v49, v0;
	_ =	sdelay $0x1  }
0x2f1: {  	v0 =	vadd.f32 v50, v0;
	_ =	sdelay $0x1  }
0x2f2: {  	v0 =	vadd.f32 v51, v0;
	_ =	sdelay $0x1  }
0x2f3: {  	[tilespmem:s7+$0x1EA10] =	vst v0  }
0x2f4: {  	v0 =	vld [tilespmem:s6+$0x1A820]  }
0x2f5: {  	v52 =	vld [tilespmem:s6+$0x1A8A0];
	_ =	sdelay $0x1  }
0x2f6: {  	v53 =	vld [tilespmem:s6+$0x1A920];
	_ =	sdelay $0x1  }
0x2f7: {  	v54 =	vld [tilespmem:s6+$0x1A9A0]  }
0x2f8: {  	v0 =	vadd.f32 v52, v0  }
0x2f9: {  	v55 =	vld [tilespmem:s6+$0x1AA20]  }
0x2fa: {  	v0 =	vadd.f32 v53, v0  }
0x2fb: {  	v56 =	vld [tilespmem:s6+$0x1AAA0]  }
0x2fc: {  	v0 =	vadd.f32 v54, v0  }
0x2fd: {  	v57 =	vld [tilespmem:s6+$0x1AB20]  }
0x2fe: {  	v0 =	vadd.f32 v55, v0  }
0x2ff: {  	v58 =	vld [tilespmem:s6+$0x1ABA0]  }
0x300: {  	v0 =	vadd.f32 v56, v0  }
0x301: {  	v59 =	vld [tilespmem:s6+$0x1AC20]  }
0x302: {  	v0 =	vadd.f32 v57, v0  }
0x303: {  	v60 =	vld [tilespmem:s6+$0x1ACA0]  }
0x304: {  	v0 =	vadd.f32 v58, v0  }
0x305: {  	v61 =	vld [tilespmem:s6+$0x1AD20]  }
0x306: {  	v0 =	vadd.f32 v59, v0  }
0x307: {  	v62 =	vld [tilespmem:s6+$0x1ADA0]  }
0x308: {  	v0 =	vadd.f32 v60, v0  }
0x309: {  	v63 =	vld [tilespmem:s6+$0x1AE20]  }
0x30a: {  	v0 =	vadd.f32 v61, v0  }
0x30b: {  	v6 =	vld [tilespmem:s6+$0x1AEA0]  }
0x30c: {  	v0 =	vadd.f32 v62, v0  }
0x30d: {  	v7 =	vld [tilespmem:s6+$0x1AF20]  }
0x30e: {  	v0 =	vadd.f32 v63, v0  }
0x30f: {  	v8 =	vld [tilespmem:s6+$0x1AFA0]  }
0x310: {  	v0 =	vadd.f32 v6, v0  }
0x311: {  	v9 =	vld [tilespmem:s6+$0x1B020]  }
0x312: {  	v0 =	vadd.f32 v7, v0  }
0x313: {  	v10 =	vld [tilespmem:s6+$0x1B0A0]  }
0x314: {  	v0 =	vadd.f32 v8, v0  }
0x315: {  	v11 =	vld [tilespmem:s6+$0x1B120]  }
0x316: {  	v0 =	vadd.f32 v9, v0  }
0x317: {  	v12 =	vld [tilespmem:s6+$0x1B1A0]  }
0x318: {  	v0 =	vadd.f32 v10, v0  }
0x319: {  	v13 =	vld [tilespmem:s6+$0x1B220]  }
0x31a: {  	v0 =	vadd.f32 v11, v0  }
0x31b: {  	v14 =	vld [tilespmem:s6+$0x1B2A0]  }
0x31c: {  	v0 =	vadd.f32 v12, v0  }
0x31d: {  	v15 =	vld [tilespmem:s6+$0x1B320]  }
0x31e: {  	v0 =	vadd.f32 v13, v0  }
0x31f: {  	v16 =	vld [tilespmem:s6+$0x1B3A0]  }
0x320: {  	v0 =	vadd.f32 v14, v0  }
0x321: {  	v17 =	vld [tilespmem:s6+$0x1B420]  }
0x322: {  	v0 =	vadd.f32 v15, v0  }
0x323: {  	v18 =	vld [tilespmem:s6+$0x1B4A0]  }
0x324: {  	v0 =	vadd.f32 v16, v0  }
0x325: {  	v19 =	vld [tilespmem:s6+$0x1B520]  }
0x326: {  	v0 =	vadd.f32 v17, v0  }
0x327: {  	v20 =	vld [tilespmem:s6+$0x1B5A0]  }
0x328: {  	v0 =	vadd.f32 v18, v0  }
0x329: {  	v21 =	vld [tilespmem:s6+$0x1B620]  }
0x32a: {  	v0 =	vadd.f32 v19, v0  }
0x32b: {  	v22 =	vld [tilespmem:s6+$0x1B6A0]  }
0x32c: {  	v0 =	vadd.f32 v20, v0  }
0x32d: {  	v23 =	vld [tilespmem:s6+$0x1B720]  }
0x32e: {  	v0 =	vadd.f32 v21, v0  }
0x32f: {  	v24 =	vld [tilespmem:s6+$0x1B7A0]  }
0x330: {  	v0 =	vadd.f32 v22, v0;
	_ =	sdelay $0x1  }
0x331: {  	v0 =	vadd.f32 v23, v0;
	_ =	sdelay $0x1  }
0x332: {  	v0 =	vadd.f32 v24, v0;
	_ =	sdelay $0x1  }
0x333: {  	[tilespmem:s7+$0x1EA20] =	vst v0  }
0x334: {  	v0 =	vld [tilespmem:s6+$0x1A830]  }
0x335: {  	v25 =	vld [tilespmem:s6+$0x1A8B0];
	_ =	sdelay $0x1  }
0x336: {  	v26 =	vld [tilespmem:s6+$0x1A930];
	_ =	sdelay $0x1  }
0x337: {  	v27 =	vld [tilespmem:s6+$0x1A9B0]  }
0x338: {  	v0 =	vadd.f32 v25, v0  }
0x339: {  	v28 =	vld [tilespmem:s6+$0x1AA30]  }
0x33a: {  	v0 =	vadd.f32 v26, v0  }
0x33b: {  	v29 =	vld [tilespmem:s6+$0x1AAB0]  }
0x33c: {  	v0 =	vadd.f32 v27, v0  }
0x33d: {  	v30 =	vld [tilespmem:s6+$0x1AB30]  }
0x33e: {  	v0 =	vadd.f32 v28, v0  }
0x33f: {  	v31 =	vld [tilespmem:s6+$0x1ABB0]  }
0x340: {  	v0 =	vadd.f32 v29, v0  }
0x341: {  	v32 =	vld [tilespmem:s6+$0x1AC30]  }
0x342: {  	v0 =	vadd.f32 v30, v0  }
0x343: {  	v33 =	vld [tilespmem:s6+$0x1ACB0]  }
0x344: {  	v0 =	vadd.f32 v31, v0  }
0x345: {  	v34 =	vld [tilespmem:s6+$0x1AD30]  }
0x346: {  	v0 =	vadd.f32 v32, v0  }
0x347: {  	v35 =	vld [tilespmem:s6+$0x1ADB0]  }
0x348: {  	v0 =	vadd.f32 v33, v0  }
0x349: {  	v36 =	vld [tilespmem:s6+$0x1AE30]  }
0x34a: {  	v0 =	vadd.f32 v34, v0  }
0x34b: {  	v37 =	vld [tilespmem:s6+$0x1AEB0]  }
0x34c: {  	v0 =	vadd.f32 v35, v0  }
0x34d: {  	v38 =	vld [tilespmem:s6+$0x1AF30]  }
0x34e: {  	v0 =	vadd.f32 v36, v0  }
0x34f: {  	v39 =	vld [tilespmem:s6+$0x1AFB0]  }
0x350: {  	v0 =	vadd.f32 v37, v0  }
0x351: {  	v40 =	vld [tilespmem:s6+$0x1B030]  }
0x352: {  	v0 =	vadd.f32 v38, v0  }
0x353: {  	v41 =	vld [tilespmem:s6+$0x1B0B0]  }
0x354: {  	v0 =	vadd.f32 v39, v0  }
0x355: {  	v42 =	vld [tilespmem:s6+$0x1B130]  }
0x356: {  	v0 =	vadd.f32 v40, v0  }
0x357: {  	v43 =	vld [tilespmem:s6+$0x1B1B0]  }
0x358: {  	v0 =	vadd.f32 v41, v0  }
0x359: {  	v44 =	vld [tilespmem:s6+$0x1B230]  }
0x35a: {  	v0 =	vadd.f32 v42, v0  }
0x35b: {  	v45 =	vld [tilespmem:s6+$0x1B2B0]  }
0x35c: {  	v0 =	vadd.f32 v43, v0  }
0x35d: {  	v46 =	vld [tilespmem:s6+$0x1B330]  }
0x35e: {  	v0 =	vadd.f32 v44, v0  }
0x35f: {  	v47 =	vld [tilespmem:s6+$0x1B3B0]  }
0x360: {  	v0 =	vadd.f32 v45, v0  }
0x361: {  	v48 =	vld [tilespmem:s6+$0x1B430]  }
0x362: {  	v0 =	vadd.f32 v46, v0  }
0x363: {  	v49 =	vld [tilespmem:s6+$0x1B4B0]  }
0x364: {  	v0 =	vadd.f32 v47, v0  }
0x365: {  	v50 =	vld [tilespmem:s6+$0x1B530]  }
0x366: {  	v0 =	vadd.f32 v48, v0  }
0x367: {  	v51 =	vld [tilespmem:s6+$0x1B5B0]  }
0x368: {  	v0 =	vadd.f32 v49, v0  }
0x369: {  	v52 =	vld [tilespmem:s6+$0x1B630]  }
0x36a: {  	v0 =	vadd.f32 v50, v0  }
0x36b: {  	v53 =	vld [tilespmem:s6+$0x1B6B0]  }
0x36c: {  	v0 =	vadd.f32 v51, v0  }
0x36d: {  	v54 =	vld [tilespmem:s6+$0x1B730]  }
0x36e: {  	v0 =	vadd.f32 v52, v0  }
0x36f: {  	v55 =	vld [tilespmem:s6+$0x1B7B0]  }
0x370: {  	v0 =	vadd.f32 v53, v0;
	_ =	sdelay $0x1  }
0x371: {  	v0 =	vadd.f32 v54, v0;
	_ =	sdelay $0x1  }
0x372: {  	v0 =	vadd.f32 v55, v0;
	_ =	sdelay $0x1  }
0x373: {  	[tilespmem:s7+$0x1EA30] =	vst v0  }
0x374: {  	v0 =	vld [tilespmem:s6+$0x1A840]  }
0x375: {  	v56 =	vld [tilespmem:s6+$0x1A8C0];
	_ =	sdelay $0x1  }
0x376: {  	v57 =	vld [tilespmem:s6+$0x1A940];
	_ =	sdelay $0x1  }
0x377: {  	v58 =	vld [tilespmem:s6+$0x1A9C0]  }
0x378: {  	v0 =	vadd.f32 v56, v0  }
0x379: {  	v59 =	vld [tilespmem:s6+$0x1AA40]  }
0x37a: {  	v0 =	vadd.f32 v57, v0  }
0x37b: {  	v60 =	vld [tilespmem:s6+$0x1AAC0]  }
0x37c: {  	v0 =	vadd.f32 v58, v0  }
0x37d: {  	v61 =	vld [tilespmem:s6+$0x1AB40]  }
0x37e: {  	v0 =	vadd.f32 v59, v0  }
0x37f: {  	v62 =	vld [tilespmem:s6+$0x1ABC0]  }
0x380: {  	v0 =	vadd.f32 v60, v0  }
0x381: {  	v63 =	vld [tilespmem:s6+$0x1AC40]  }
0x382: {  	v0 =	vadd.f32 v61, v0  }
0x383: {  	v6 =	vld [tilespmem:s6+$0x1ACC0]  }
0x384: {  	v0 =	vadd.f32 v62, v0  }
0x385: {  	v7 =	vld [tilespmem:s6+$0x1AD40]  }
0x386: {  	v0 =	vadd.f32 v63, v0  }
0x387: {  	v8 =	vld [tilespmem:s6+$0x1ADC0]  }
0x388: {  	v0 =	vadd.f32 v6, v0  }
0x389: {  	v9 =	vld [tilespmem:s6+$0x1AE40]  }
0x38a: {  	v0 =	vadd.f32 v7, v0  }
0x38b: {  	v10 =	vld [tilespmem:s6+$0x1AEC0]  }
0x38c: {  	v0 =	vadd.f32 v8, v0  }
0x38d: {  	v11 =	vld [tilespmem:s6+$0x1AF40]  }
0x38e: {  	v0 =	vadd.f32 v9, v0  }
0x38f: {  	v12 =	vld [tilespmem:s6+$0x1AFC0]  }
0x390: {  	v0 =	vadd.f32 v10, v0  }
0x391: {  	v13 =	vld [tilespmem:s6+$0x1B040]  }
0x392: {  	v0 =	vadd.f32 v11, v0  }
0x393: {  	v14 =	vld [tilespmem:s6+$0x1B0C0]  }
0x394: {  	v0 =	vadd.f32 v12, v0  }
0x395: {  	v15 =	vld [tilespmem:s6+$0x1B140]  }
0x396: {  	v0 =	vadd.f32 v13, v0  }
0x397: {  	v16 =	vld [tilespmem:s6+$0x1B1C0]  }
0x398: {  	v0 =	vadd.f32 v14, v0  }
0x399: {  	v17 =	vld [tilespmem:s6+$0x1B240]  }
0x39a: {  	v0 =	vadd.f32 v15, v0  }
0x39b: {  	v18 =	vld [tilespmem:s6+$0x1B2C0]  }
0x39c: {  	v0 =	vadd.f32 v16, v0  }
0x39d: {  	v19 =	vld [tilespmem:s6+$0x1B340]  }
0x39e: {  	v0 =	vadd.f32 v17, v0  }
0x39f: {  	v20 =	vld [tilespmem:s6+$0x1B3C0]  }
0x3a0: {  	v0 =	vadd.f32 v18, v0  }
0x3a1: {  	v21 =	vld [tilespmem:s6+$0x1B440]  }
0x3a2: {  	v0 =	vadd.f32 v19, v0  }
0x3a3: {  	v22 =	vld [tilespmem:s6+$0x1B4C0]  }
0x3a4: {  	v0 =	vadd.f32 v20, v0  }
0x3a5: {  	v23 =	vld [tilespmem:s6+$0x1B540]  }
0x3a6: {  	v0 =	vadd.f32 v21, v0  }
0x3a7: {  	v24 =	vld [tilespmem:s6+$0x1B5C0]  }
0x3a8: {  	v0 =	vadd.f32 v22, v0  }
0x3a9: {  	v25 =	vld [tilespmem:s6+$0x1B640]  }
0x3aa: {  	v0 =	vadd.f32 v23, v0  }
0x3ab: {  	v26 =	vld [tilespmem:s6+$0x1B6C0]  }
0x3ac: {  	v0 =	vadd.f32 v24, v0  }
0x3ad: {  	v27 =	vld [tilespmem:s6+$0x1B740]  }
0x3ae: {  	v0 =	vadd.f32 v25, v0  }
0x3af: {  	v28 =	vld [tilespmem:s6+$0x1B7C0]  }
0x3b0: {  	v0 =	vadd.f32 v26, v0;
	_ =	sdelay $0x1  }
0x3b1: {  	v0 =	vadd.f32 v27, v0;
	_ =	sdelay $0x1  }
0x3b2: {  	v0 =	vadd.f32 v28, v0;
	_ =	sdelay $0x1  }
0x3b3: {  	[tilespmem:s7+$0x1EA40] =	vst v0  }
0x3b4: {  	v0 =	vld [tilespmem:s6+$0x1A850]  }
0x3b5: {  	v29 =	vld [tilespmem:s6+$0x1A8D0];
	_ =	sdelay $0x1  }
0x3b6: {  	v30 =	vld [tilespmem:s6+$0x1A950];
	_ =	sdelay $0x1  }
0x3b7: {  	v31 =	vld [tilespmem:s6+$0x1A9D0]  }
0x3b8: {  	v0 =	vadd.f32 v29, v0  }
0x3b9: {  	v32 =	vld [tilespmem:s6+$0x1AA50]  }
0x3ba: {  	v0 =	vadd.f32 v30, v0  }
0x3bb: {  	v33 =	vld [tilespmem:s6+$0x1AAD0]  }
0x3bc: {  	v0 =	vadd.f32 v31, v0  }
0x3bd: {  	v34 =	vld [tilespmem:s6+$0x1AB50]  }
0x3be: {  	v0 =	vadd.f32 v32, v0  }
0x3bf: {  	v35 =	vld [tilespmem:s6+$0x1ABD0]  }
0x3c0: {  	v0 =	vadd.f32 v33, v0  }
0x3c1: {  	v36 =	vld [tilespmem:s6+$0x1AC50]  }
0x3c2: {  	v0 =	vadd.f32 v34, v0  }
0x3c3: {  	v37 =	vld [tilespmem:s6+$0x1ACD0]  }
0x3c4: {  	v0 =	vadd.f32 v35, v0  }
0x3c5: {  	v38 =	vld [tilespmem:s6+$0x1AD50]  }
0x3c6: {  	v0 =	vadd.f32 v36, v0  }
0x3c7: {  	v39 =	vld [tilespmem:s6+$0x1ADD0]  }
0x3c8: {  	v0 =	vadd.f32 v37, v0  }
0x3c9: {  	v40 =	vld [tilespmem:s6+$0x1AE50]  }
0x3ca: {  	v0 =	vadd.f32 v38, v0  }
0x3cb: {  	v41 =	vld [tilespmem:s6+$0x1AED0]  }
0x3cc: {  	v0 =	vadd.f32 v39, v0  }
0x3cd: {  	v42 =	vld [tilespmem:s6+$0x1AF50]  }
0x3ce: {  	v0 =	vadd.f32 v40, v0  }
0x3cf: {  	v43 =	vld [tilespmem:s6+$0x1AFD0]  }
0x3d0: {  	v0 =	vadd.f32 v41, v0  }
0x3d1: {  	v44 =	vld [tilespmem:s6+$0x1B050]  }
0x3d2: {  	v0 =	vadd.f32 v42, v0  }
0x3d3: {  	v45 =	vld [tilespmem:s6+$0x1B0D0]  }
0x3d4: {  	v0 =	vadd.f32 v43, v0  }
0x3d5: {  	v46 =	vld [tilespmem:s6+$0x1B150]  }
0x3d6: {  	v0 =	vadd.f32 v44, v0  }
0x3d7: {  	v47 =	vld [tilespmem:s6+$0x1B1D0]  }
0x3d8: {  	v0 =	vadd.f32 v45, v0  }
0x3d9: {  	v48 =	vld [tilespmem:s6+$0x1B250]  }
0x3da: {  	v0 =	vadd.f32 v46, v0  }
0x3db: {  	v49 =	vld [tilespmem:s6+$0x1B2D0]  }
0x3dc: {  	v0 =	vadd.f32 v47, v0  }
0x3dd: {  	v50 =	vld [tilespmem:s6+$0x1B350]  }
0x3de: {  	v0 =	vadd.f32 v48, v0  }
0x3df: {  	v51 =	vld [tilespmem:s6+$0x1B3D0]  }
0x3e0: {  	v0 =	vadd.f32 v49, v0  }
0x3e1: {  	v52 =	vld [tilespmem:s6+$0x1B450]  }
0x3e2: {  	v0 =	vadd.f32 v50, v0  }
0x3e3: {  	v53 =	vld [tilespmem:s6+$0x1B4D0]  }
0x3e4: {  	v0 =	vadd.f32 v51, v0  }
0x3e5: {  	v54 =	vld [tilespmem:s6+$0x1B550]  }
0x3e6: {  	v0 =	vadd.f32 v52, v0  }
0x3e7: {  	v55 =	vld [tilespmem:s6+$0x1B5D0]  }
0x3e8: {  	v0 =	vadd.f32 v53, v0  }
0x3e9: {  	v56 =	vld [tilespmem:s6+$0x1B650]  }
0x3ea: {  	v0 =	vadd.f32 v54, v0  }
0x3eb: {  	v57 =	vld [tilespmem:s6+$0x1B6D0]  }
0x3ec: {  	v0 =	vadd.f32 v55, v0  }
0x3ed: {  	v58 =	vld [tilespmem:s6+$0x1B750]  }
0x3ee: {  	v0 =	vadd.f32 v56, v0  }
0x3ef: {  	v59 =	vld [tilespmem:s6+$0x1B7D0]  }
0x3f0: {  	v0 =	vadd.f32 v57, v0;
	_ =	sdelay $0x1  }
0x3f1: {  	v0 =	vadd.f32 v58, v0;
	_ =	sdelay $0x1  }
0x3f2: {  	v0 =	vadd.f32 v59, v0;
	_ =	sdelay $0x1  }
0x3f3: {  	[tilespmem:s7+$0x1EA50] =	vst v0  }
0x3f4: {  	v0 =	vld [tilespmem:s6+$0x1A860]  }
0x3f5: {  	v60 =	vld [tilespmem:s6+$0x1A8E0];
	_ =	sdelay $0x1  }
0x3f6: {  	v61 =	vld [tilespmem:s6+$0x1A960];
	_ =	sdelay $0x1  }
0x3f7: {  	v62 =	vld [tilespmem:s6+$0x1A9E0]  }
0x3f8: {  	v0 =	vadd.f32 v60, v0  }
0x3f9: {  	v63 =	vld [tilespmem:s6+$0x1AA60]  }
0x3fa: {  	v0 =	vadd.f32 v61, v0  }
0x3fb: {  	v6 =	vld [tilespmem:s6+$0x1AAE0]  }
0x3fc: {  	v0 =	vadd.f32 v62, v0  }
0x3fd: {  	v7 =	vld [tilespmem:s6+$0x1AB60]  }
0x3fe: {  	v0 =	vadd.f32 v63, v0  }
0x3ff: {  	v8 =	vld [tilespmem:s6+$0x1ABE0]  }
0x400: {  	v0 =	vadd.f32 v6, v0  }
0x401: {  	v9 =	vld [tilespmem:s6+$0x1AC60]  }
0x402: {  	v0 =	vadd.f32 v7, v0  }
0x403: {  	v10 =	vld [tilespmem:s6+$0x1ACE0]  }
0x404: {  	v0 =	vadd.f32 v8, v0  }
0x405: {  	v11 =	vld [tilespmem:s6+$0x1AD60]  }
0x406: {  	v0 =	vadd.f32 v9, v0  }
0x407: {  	v12 =	vld [tilespmem:s6+$0x1ADE0]  }
0x408: {  	v0 =	vadd.f32 v10, v0  }
0x409: {  	v13 =	vld [tilespmem:s6+$0x1AE60]  }
0x40a: {  	v0 =	vadd.f32 v11, v0  }
0x40b: {  	v14 =	vld [tilespmem:s6+$0x1AEE0]  }
0x40c: {  	v0 =	vadd.f32 v12, v0  }
0x40d: {  	v15 =	vld [tilespmem:s6+$0x1AF60]  }
0x40e: {  	v0 =	vadd.f32 v13, v0  }
0x40f: {  	v16 =	vld [tilespmem:s6+$0x1AFE0]  }
0x410: {  	v0 =	vadd.f32 v14, v0  }
0x411: {  	v17 =	vld [tilespmem:s6+$0x1B060]  }
0x412: {  	v0 =	vadd.f32 v15, v0  }
0x413: {  	v18 =	vld [tilespmem:s6+$0x1B0E0]  }
0x414: {  	v0 =	vadd.f32 v16, v0  }
0x415: {  	v19 =	vld [tilespmem:s6+$0x1B160]  }
0x416: {  	v0 =	vadd.f32 v17, v0  }
0x417: {  	v20 =	vld [tilespmem:s6+$0x1B1E0]  }
0x418: {  	v0 =	vadd.f32 v18, v0  }
0x419: {  	v21 =	vld [tilespmem:s6+$0x1B260]  }
0x41a: {  	v0 =	vadd.f32 v19, v0  }
0x41b: {  	v22 =	vld [tilespmem:s6+$0x1B2E0]  }
0x41c: {  	v0 =	vadd.f32 v20, v0  }
0x41d: {  	v23 =	vld [tilespmem:s6+$0x1B360]  }
0x41e: {  	v0 =	vadd.f32 v21, v0  }
0x41f: {  	v24 =	vld [tilespmem:s6+$0x1B3E0]  }
0x420: {  	v0 =	vadd.f32 v22, v0  }
0x421: {  	v25 =	vld [tilespmem:s6+$0x1B460]  }
0x422: {  	v0 =	vadd.f32 v23, v0  }
0x423: {  	v26 =	vld [tilespmem:s6+$0x1B4E0]  }
0x424: {  	v0 =	vadd.f32 v24, v0  }
0x425: {  	v27 =	vld [tilespmem:s6+$0x1B560]  }
0x426: {  	v0 =	vadd.f32 v25, v0  }
0x427: {  	v28 =	vld [tilespmem:s6+$0x1B5E0]  }
0x428: {  	v0 =	vadd.f32 v26, v0  }
0x429: {  	v29 =	vld [tilespmem:s6+$0x1B660]  }
0x42a: {  	v0 =	vadd.f32 v27, v0  }
0x42b: {  	v30 =	vld [tilespmem:s6+$0x1B6E0]  }
0x42c: {  	v0 =	vadd.f32 v28, v0  }
0x42d: {  	v31 =	vld [tilespmem:s6+$0x1B760]  }
0x42e: {  	v0 =	vadd.f32 v29, v0  }
0x42f: {  	v32 =	vld [tilespmem:s6+$0x1B7E0]  }
0x430: {  	v0 =	vadd.f32 v30, v0;
	_ =	sdelay $0x1  }
0x431: {  	v0 =	vadd.f32 v31, v0;
	_ =	sdelay $0x1  }
0x432: {  	v0 =	vadd.f32 v32, v0;
	_ =	sdelay $0x1  }
0x433: {  	[tilespmem:s7+$0x1EA60] =	vst v0  }
0x434: {  	v0 =	vld [tilespmem:s6+$0x1A870]  }
0x435: {  	v33 =	vld [tilespmem:s6+$0x1A8F0];
	_ =	sdelay $0x1  }
0x436: {  	v34 =	vld [tilespmem:s6+$0x1A970];
	_ =	sdelay $0x1  }
0x437: {  	v35 =	vld [tilespmem:s6+$0x1A9F0]  }
0x438: {  	v0 =	vadd.f32 v33, v0  }
0x439: {  	v36 =	vld [tilespmem:s6+$0x1AA70]  }
0x43a: {  	v0 =	vadd.f32 v34, v0  }
0x43b: {  	v37 =	vld [tilespmem:s6+$0x1AAF0]  }
0x43c: {  	v0 =	vadd.f32 v35, v0  }
0x43d: {  	v38 =	vld [tilespmem:s6+$0x1AB70]  }
0x43e: {  	v0 =	vadd.f32 v36, v0  }
0x43f: {  	v39 =	vld [tilespmem:s6+$0x1ABF0]  }
0x440: {  	v0 =	vadd.f32 v37, v0  }
0x441: {  	v40 =	vld [tilespmem:s6+$0x1AC70]  }
0x442: {  	v0 =	vadd.f32 v38, v0  }
0x443: {  	v41 =	vld [tilespmem:s6+$0x1ACF0]  }
0x444: {  	v0 =	vadd.f32 v39, v0  }
0x445: {  	v42 =	vld [tilespmem:s6+$0x1AD70]  }
0x446: {  	v0 =	vadd.f32 v40, v0  }
0x447: {  	v43 =	vld [tilespmem:s6+$0x1ADF0]  }
0x448: {  	v0 =	vadd.f32 v41, v0  }
0x449: {  	v44 =	vld [tilespmem:s6+$0x1AE70]  }
0x44a: {  	v0 =	vadd.f32 v42, v0  }
0x44b: {  	v45 =	vld [tilespmem:s6+$0x1AEF0]  }
0x44c: {  	v0 =	vadd.f32 v43, v0  }
0x44d: {  	v46 =	vld [tilespmem:s6+$0x1AF70]  }
0x44e: {  	v0 =	vadd.f32 v44, v0  }
0x44f: {  	v47 =	vld [tilespmem:s6+$0x1AFF0]  }
0x450: {  	v0 =	vadd.f32 v45, v0  }
0x451: {  	v48 =	vld [tilespmem:s6+$0x1B070]  }
0x452: {  	v0 =	vadd.f32 v46, v0  }
0x453: {  	v49 =	vld [tilespmem:s6+$0x1B0F0]  }
0x454: {  	v0 =	vadd.f32 v47, v0  }
0x455: {  	v50 =	vld [tilespmem:s6+$0x1B170]  }
0x456: {  	v0 =	vadd.f32 v48, v0  }
0x457: {  	v51 =	vld [tilespmem:s6+$0x1B1F0]  }
0x458: {  	v0 =	vadd.f32 v49, v0  }
0x459: {  	v52 =	vld [tilespmem:s6+$0x1B270]  }
0x45a: {  	v0 =	vadd.f32 v50, v0  }
0x45b: {  	v53 =	vld [tilespmem:s6+$0x1B2F0]  }
0x45c: {  	v0 =	vadd.f32 v51, v0  }
0x45d: {  	v54 =	vld [tilespmem:s6+$0x1B370]  }
0x45e: {  	v0 =	vadd.f32 v52, v0  }
0x45f: {  	v55 =	vld [tilespmem:s6+$0x1B3F0]  }
0x460: {  	v0 =	vadd.f32 v53, v0  }
0x461: {  	v56 =	vld [tilespmem:s6+$0x1B470]  }
0x462: {  	v0 =	vadd.f32 v54, v0  }
0x463: {  	v57 =	vld [tilespmem:s6+$0x1B4F0]  }
0x464: {  	v0 =	vadd.f32 v55, v0  }
0x465: {  	v58 =	vld [tilespmem:s6+$0x1B570]  }
0x466: {  	v0 =	vadd.f32 v56, v0  }
0x467: {  	v59 =	vld [tilespmem:s6+$0x1B5F0]  }
0x468: {  	v0 =	vadd.f32 v57, v0  }
0x469: {  	v60 =	vld [tilespmem:s6+$0x1B670]  }
0x46a: {  	v0 =	vadd.f32 v58, v0  }
0x46b: {  	v61 =	vld [tilespmem:s6+$0x1B6F0]  }
0x46c: {  	v0 =	vadd.f32 v59, v0  }
0x46d: {  	v62 =	vld [tilespmem:s6+$0x1B770]  }
0x46e: {  	v0 =	vadd.f32 v60, v0  }
0x46f: {  	v63 =	vld [tilespmem:s6+$0x1B7F0]  }
0x470: {  	v0 =	vadd.f32 v61, v0  }
0x471: {  	p0 =	sne.s32 s5, $0x3  }
.Ltmp6:
0x472: {  	v0 =	vadd.f32 v62, v0;
	(pc) =	sbr.rel @p0 .LBB2_9-.Ltmp6, $3  }
0x473: {  	_ = 	snop  }
0x474: {  	v0 =	vadd.f32 v63, v0;
	_ =	sdelay $0x1  }
0x475: {  	s5 =	sadd.s32 $0x1, s5;
	[tilespmem:s7+$0x1EA70] =	vst v0  }
0x476: {  	p0 =	seq.s32 s2, $0x27  }
.Ltmp7:
0x477: {  	_ = 	snop;
	(pc) =	sbr.rel @p0 .LBB2_12-.Ltmp7, $4  }
0x478: {  	_ = 	snop  }
0x479: {  	s5 =	sshll.u32 s2, $0x7  }
0x47a: {  	s5 =	sadd.s32 s18, s5  }
0x47b: {  	[hbm4b:s5+s3] =	stream.linear.scatter [tilespmem:s30], [sflag:$0x4], $0x200, $0x38;
	[tilespmem:$0x1EC00] =	vst v63  }
.Ltmp8:
0x47c: {  	(pc) =	sbr.rel .LBB2_2-.Ltmp8, $4  }
0x47d: {  	_ = 	snop  }
0x47e: {  	s5 =	sshrl.u32 s26, $0x2  }
0x47f: {  	s2 =	sadd.s32 $0x1, s2;
	s5 =	sadd.s32 $0x14180, s5  }
0x480: {  	[tilespmem:s20], [sflag:$0x2] =	stream.indirect.gather [spmem:s1], $0x80, s5, s25, $0xb8;
	[tilespmem:$0x1EC00] =	vst v63  }
.LBB2_13:
0x481: {  	_ =	sfence.sel $0x180000  }
0x482: {  	[bflag:$0x0] =	sbarrier.arrive $0xFFFF  }
0x483: {  	_ =	strace $0x90000047  }
0x484: {  	s0 =	stileid.u32;
	[bflag:$0x2] =	sbarrier.arrive $0xFFFF  }
0x485: {  	p0 =	sne.s32 s0, $0x0;
	s0 =	rddreg [dreg:$0x3]  }
0x486: {  	s0 =	sadd.s32 @!p0 $0x100000, s0  }
0x487: {  	[sflag:s0] =	ssyncadd.tile.s32 @!p0 $0x1;
	_ =	shalt  }
.Lfunc_end2:
_tile_overlayer_lowered:
.L_overlay_start_2:
0x488: {  	(tag) =	ssettag $0x2  }
0x489: {  	s0 =	rddreg [dreg:$0x0];
	s2 =	stileid.u32  }
0x48a: {  	s1 =	rddreg [dreg:$0x1];
	p0 =	sne.s32 s2, $0x0  }
0x48b: {  	s3 =	rddreg [dreg:$0x2];
	[bflag:$0x3] =	sbarrier.arrive $0xFFFF;
	s2 =	simm.s32 @!p0 $0x1C05  }
0x48c: {  	[timem:s3], [sflag:s2] =	dma.local @!p0 [hbm:s0], s1  }
0x48d: {  	s0 =	simm.s32 @!p0 $0x5  }
0x48e: {  	_ =	swait.ge @!p0 [sflag:s0], s1  }
0x48f: {  	s1 =	ssub.s32 @!p0 $0x0, s1;
	[sflag:s0] =	ssyncset.done @!p0 $0x0  }
0x490: {  	[sflag:s0] =	ssyncadd.s32 @!p0 s1  }
0x491: {  	[bflag:$0x3] =	sbarrier.arrive $0xFFFF  }
0x492: {  	_ =	shalt  }

</sc_bundles>
